<compile_context>
chip_gen: v7x
topology: tpu7x:2x2x1
jax: 0.10.2.dev20260603
libtpu: 0.0.44.dev20260713+nightly
codegen_flags: <defaults>
</compile_context>

<pallas_src>
import functools
import jax
import jax.numpy as jnp
from jax import lax
from jax.experimental import pallas as pl
from jax.experimental.pallas import tpu as pltpu, tpu_sc as plsc

_VOCAB = 1000000
_EMB = 32
_B = 16384
_L = 50

_NC = 2
_NS = 16
_NW = _NC * _NS
_BPW = _B // _NW
_NB = 32
_NBATCH = _BPW // _NB
_JOFF = (0, 16, 32, 34)


def _sc_kernel(v_hbm, ctx_hbm, out_emb_hbm, pred_hbm,
               idxu, vv, uu, oo, semu):
    wid = lax.axis_index("s") * _NC + lax.axis_index("c")
    n_idx = _NB * _L

    def start_fetch(t, p):
        base = wid * _BPW + t * _NB
        pltpu.sync_copy(ctx_hbm.at[pl.ds(base * _L, n_idx)], idxu[p])
        pltpu.sync_copy(v_hbm.at[pl.ds(base, _NB)], vv[p])
        pltpu.async_copy(out_emb_hbm.at[idxu[p]], uu[p], semu[p])

    def wait_fetch(p):
        pltpu.make_async_copy(out_emb_hbm.at[idxu[p]], uu[p], semu[p]).wait()

    def compute(t, p):
        u_v, v_v, o_v = uu[p], vv[p], oo[p]

        def b_body(b, carry2):
            fbase = b * (_L * _EMB) + lax.broadcasted_iota(
                jnp.int32, (16,), 0)
            bvec = jnp.full((16,), b, jnp.int32)
            accs = [jnp.zeros((16,), jnp.float32) for _ in range(4)]
            for e in range(_EMB):
                w = plsc.load_gather(
                    v_v, [bvec, jnp.full((16,), e, jnp.int32)])
                for j, joff in enumerate(_JOFF):
                    f = fbase + (e * _L + joff)
                    x = plsc.load_gather(
                        u_v,
                        [lax.shift_right_logical(f, 5),
                         lax.bitwise_and(f, 31)])
                    accs[j] = accs[j] + w * x
            oo_b = b * _L
            for j, joff in enumerate(_JOFF):
                o_v[pl.ds(oo_b + joff, 16)] = accs[j]
            return carry2

        lax.fori_loop(0, _NB, b_body, 0)
        base = wid * _BPW + t * _NB
        pltpu.sync_copy(o_v, pred_hbm.at[pl.ds(base * _L, _NB * _L)])

    start_fetch(0, 0)

    def pair_body(k, carry):
        t0 = 2 * k
        start_fetch(t0 + 1, 1)
        wait_fetch(0)
        compute(t0, 0)
        @pl.when(k < _NBATCH // 2 - 1)
        def _():
            start_fetch(t0 + 2, 0)
        wait_fetch(1)
        compute(t0 + 1, 1)
        return carry

    lax.fori_loop(0, _NBATCH // 2, pair_body, 0)


@jax.jit
def _run(v_rows, ctx_flat, out_emb):
    mesh = plsc.VectorSubcoreMesh(core_axis_name="c", subcore_axis_name="s")
    f = pl.kernel(
        _sc_kernel,
        out_type=jax.ShapeDtypeStruct((_B * _L,), jnp.float32),
        mesh=mesh,
        scratch_types=[
            [pltpu.VMEM((_NB * _L,), jnp.int32) for _ in range(2)],
            [pltpu.VMEM((_NB, _EMB), jnp.float32) for _ in range(2)],
            [pltpu.VMEM((_NB * _L, _EMB), jnp.float32) for _ in range(2)],
            [pltpu.VMEM((_NB * _L,), jnp.float32) for _ in range(2)],
            [pltpu.SemaphoreType.DMA for _ in range(2)],
        ],
        compiler_params=pltpu.CompilerParams(
            use_tc_tiling_on_sc=False, needs_layout_passes=False),
    )
    return f(v_rows, ctx_flat, out_emb)


def kernel(centers, contexts_negatives, in_emb, out_emb):
    centers_flat = centers.reshape(_B).astype(jnp.int32)
    ctx_flat = contexts_negatives.reshape(_B * _L).astype(jnp.int32)
    v_rows = jnp.take(in_emb, centers_flat, axis=0)
    pred = _run(v_rows, ctx_flat, out_emb)
    return pred.reshape(_B, 1, _L)

# --- scband reference (transcript-rebuilt; emitter-appended) ---
"""Pipeline reference for scband-skip-gram-38147899523328 (READ-ONLY COPY).

The authoritative reference and input builder live on the scoring server;
editing this copy changes nothing except your own understanding.
"""

import jax, jax.numpy as jnp
import numpy as np

VOCAB = 1000000
EMB = 32
B = 16384
L = 50

def setup_inputs(seed: int = 0) -> dict:
    key = jax.random.key(seed)
    k1, k2, k3, k4 = jax.random.split(key, 4)
    centers = jax.random.randint(k1, (B, 1), 0, VOCAB, dtype=jnp.int64) if jax.config.jax_enable_x64 else jax.random.randint(k1, (B, 1), 0, VOCAB).astype(jnp.int32)
    contexts_negatives = jax.random.randint(k2, (B, L), 0, VOCAB).astype(centers.dtype)
    in_emb = jax.random.uniform(k3, (VOCAB, EMB), dtype=jnp.float32, minval=-1.0, maxval=1.0)
    out_emb = jax.random.uniform(k4, (VOCAB, EMB), dtype=jnp.float32, minval=-1.0, maxval=1.0)
    return {"centers": centers, "contexts_negatives": contexts_negatives, "in_emb": in_emb, "out_emb": out_emb}

def reference(centers, contexts_negatives, in_emb, out_emb):
    # v = self.in_emb(centers) -> [B, 1, EMB]
    v = jnp.take(in_emb, centers, axis=0)
    # u = self.out_emb(contexts_negatives) -> [B, L, EMB]
    u = jnp.take(out_emb, contexts_negatives, axis=0)
    bs = u.shape[0]
    # faithful to torch: u.view(bs, emb_size, -1) is a reshape (NOT a transpose)
    u = u.reshape(bs, EMB, -1)
    # pred = torch.bmm(v, u) -> [B, 1, L]
    pred = jnp.matmul(v, u)
    return pred

if __name__ == "__main__":
    import jax
    _d = setup_inputs()
    print(jax.jit(kernel)(*tuple(_d.values())))

</pallas_src>

<mosaic_0001>
#map = affine_map<(d0, d1) -> (0, 0)>
#map1 = affine_map<(d0, d1) -> (0)>
module attributes {stable_mosaic.version = 14 : i64} {
  func.func @_sc_kernel(%arg0: i32, %arg1: i32, %arg2: memref<16384x32xf32, #tpu.memory_space<hbm>>, %arg3: memref<819200xi32, #tpu.memory_space<hbm>>, %arg4: memref<1000000x32xf32, #tpu.memory_space<hbm>>, %arg5: memref<819200xf32, #tpu.memory_space<hbm>>, %arg6: memref<1600xi32, #tpu.memory_space<vmem>>, %arg7: memref<1600xi32, #tpu.memory_space<vmem>>, %arg8: memref<32x32xf32, #tpu.memory_space<vmem>>, %arg9: memref<32x32xf32, #tpu.memory_space<vmem>>, %arg10: memref<1600x32xf32, #tpu.memory_space<vmem>>, %arg11: memref<1600x32xf32, #tpu.memory_space<vmem>>, %arg12: memref<1600xf32, #tpu.memory_space<vmem>>, %arg13: memref<1600xf32, #tpu.memory_space<vmem>>, %arg14: memref<!tpu.dma_semaphore, #tpu.memory_space<semaphore_mem>>, %arg15: memref<!tpu.dma_semaphore, #tpu.memory_space<semaphore_mem>>) attributes {dimension_semantics = [#tpu.dimension_semantics<core_parallel>, #tpu.dimension_semantics<subcore_parallel>], iteration_bounds = array<i64: 2, 16>, scalar_prefetch = 0 : i64, scratch_operands = 10 : i64, tpu.core_type = #tpu.core_type<sc_vector_subcore>, window_params = [{transform_indices = #map}, {transform_indices = #map1}, {transform_indices = #map}, {transform_indices = #map1}]} {
    %mul3A = arith.constant 2 : i32
    %mul3A_0 = arith.muli %arg1, %mul3A : i32
    %add3A = arith.addi %mul3A_0, %arg0 : i32
    %mul3A_1 = arith.constant 512 : i32
    %mul3A_2 = arith.muli %add3A, %mul3A_1 : i32
    %add3A_3 = arith.constant 0 : i32
    %add3A_4 = arith.addi %mul3A_2, %add3A_3 : i32
    %mul3A_5 = arith.constant 50 : i32
    %mul3A_6 = arith.muli %add3A_4, %mul3A_5 : i32
    "tpu.region"() ({
      %run_scoped3A = tpu.sem_alloc : memref<!tpu.dma_semaphore, #tpu.memory_space<semaphore_mem>>
      %dma_start3A_14 = tpu.memref_slice %arg3[%mul3A_6] : memref<819200xi32, #tpu.memory_space<hbm>> -> memref<1600xi32, #tpu.memory_space<hbm>>
      %dma_start3A_15 = tpu.memref_slice %arg3[%mul3A_6] : memref<819200xi32, #tpu.memory_space<hbm>> -> memref<1600xi32, #tpu.memory_space<hbm>>
      tpu.enqueue_dma source(%dma_start3A_15 : memref<1600xi32, #tpu.memory_space<hbm>>) target(%arg6 : memref<1600xi32, #tpu.memory_space<vmem>>) target_semaphore(%run_scoped3A : memref<!tpu.dma_semaphore, #tpu.memory_space<semaphore_mem>>)
      %dma_wait3A = tpu.memref_slice %arg3[%mul3A_6] : memref<819200xi32, #tpu.memory_space<hbm>> -> memref<1600xi32, #tpu.memory_space<hbm>>
      %dma_wait3A_16 = tpu.memref_slice %arg3[%mul3A_6] : memref<819200xi32, #tpu.memory_space<hbm>> -> memref<1600xi32, #tpu.memory_space<hbm>>
      tpu.wait_dma2 semaphore(%run_scoped3A : memref<!tpu.dma_semaphore, #tpu.memory_space<semaphore_mem>>) src(%dma_wait3A_16 : memref<1600xi32, #tpu.memory_space<hbm>>) dst(%arg6 : memref<1600xi32, #tpu.memory_space<vmem>>)
      tpu.yield
    }) : () -> ()
    "tpu.region"() ({
      %run_scoped3A = tpu.sem_alloc : memref<!tpu.dma_semaphore, #tpu.memory_space<semaphore_mem>>
      %dma_start3A_14 = arith.constant 0 : i32
      %dma_start3A_15 = tpu.memref_slice %arg2[%add3A_4, %dma_start3A_14] : memref<16384x32xf32, #tpu.memory_space<hbm>> -> memref<32x32xf32, #tpu.memory_space<hbm>>
      %dma_start3A_16 = arith.constant 0 : i32
      %dma_start3A_17 = tpu.memref_slice %arg2[%add3A_4, %dma_start3A_16] : memref<16384x32xf32, #tpu.memory_space<hbm>> -> memref<32x32xf32, #tpu.memory_space<hbm>>
      tpu.enqueue_dma source(%dma_start3A_17 : memref<32x32xf32, #tpu.memory_space<hbm>>) target(%arg8 : memref<32x32xf32, #tpu.memory_space<vmem>>) target_semaphore(%run_scoped3A : memref<!tpu.dma_semaphore, #tpu.memory_space<semaphore_mem>>)
      %dma_wait3A = arith.constant 0 : i32
      %dma_wait3A_18 = tpu.memref_slice %arg2[%add3A_4, %dma_wait3A] : memref<16384x32xf32, #tpu.memory_space<hbm>> -> memref<32x32xf32, #tpu.memory_space<hbm>>
      %dma_wait3A_19 = arith.constant 0 : i32
      %dma_wait3A_20 = tpu.memref_slice %arg2[%add3A_4, %dma_wait3A_19] : memref<16384x32xf32, #tpu.memory_space<hbm>> -> memref<32x32xf32, #tpu.memory_space<hbm>>
      tpu.wait_dma2 semaphore(%run_scoped3A : memref<!tpu.dma_semaphore, #tpu.memory_space<semaphore_mem>>) src(%dma_wait3A_20 : memref<32x32xf32, #tpu.memory_space<hbm>>) dst(%arg8 : memref<32x32xf32, #tpu.memory_space<vmem>>)
      tpu.yield
    }) : () -> ()
    %dma_start3A = arith.constant 0 : i32
    %dma_start3A_7 = arith.constant 0 : i32
    %dma_start3A_8 = tpu.memref_slice %arg4[%dma_start3A, %dma_start3A_7] : memref<1000000x32xf32, #tpu.memory_space<hbm>> -> memref<1000000x32xf32, #tpu.memory_space<hbm>>
    tpu.enqueue_indirect_dma source(%dma_start3A_8 : memref<1000000x32xf32, #tpu.memory_space<hbm>>) target(%arg10 : memref<1600x32xf32, #tpu.memory_space<vmem>>) offsets(%arg6 : memref<1600xi32, #tpu.memory_space<vmem>>) semaphore(%arg14 : memref<!tpu.dma_semaphore, #tpu.memory_space<semaphore_mem>>)
    %scan3A = arith.constant 0 : i32
    %scan3A_9 = arith.constant 0 : i32
    %scan3A_10 = arith.constant 8 : i32
    %scan3A_11 = arith.addi %scan3A_9, %scan3A_10 : i32
    %scan3A_12 = arith.constant 1 : i32
    scf.for %scan3A_14 = %scan3A_9 to %scan3A_11 step %scan3A_12  : i32 {
      %mul3A_15 = arith.constant 2 : i32
      %mul3A_16 = arith.muli %mul3A_15, %scan3A_14 : i32
      %add3A_17 = arith.constant 1 : i32
      %add3A_18 = arith.addi %mul3A_16, %add3A_17 : i32
      %mul3A_19 = arith.constant 512 : i32
      %mul3A_20 = arith.muli %add3A, %mul3A_19 : i32
      %mul3A_21 = arith.constant 32 : i32
      %mul3A_22 = arith.muli %add3A_18, %mul3A_21 : i32
      %add3A_23 = arith.addi %mul3A_20, %mul3A_22 : i32
      %mul3A_24 = arith.constant 50 : i32
      %mul3A_25 = arith.muli %add3A_23, %mul3A_24 : i32
      "tpu.region"() ({
        %run_scoped3A = tpu.sem_alloc : memref<!tpu.dma_semaphore, #tpu.memory_space<semaphore_mem>>
        %dma_start3A_64 = tpu.memref_slice %arg3[%mul3A_25] : memref<819200xi32, #tpu.memory_space<hbm>> -> memref<1600xi32, #tpu.memory_space<hbm>>
        %dma_start3A_65 = tpu.memref_slice %arg3[%mul3A_25] : memref<819200xi32, #tpu.memory_space<hbm>> -> memref<1600xi32, #tpu.memory_space<hbm>>
        tpu.enqueue_dma source(%dma_start3A_65 : memref<1600xi32, #tpu.memory_space<hbm>>) target(%arg7 : memref<1600xi32, #tpu.memory_space<vmem>>) target_semaphore(%run_scoped3A : memref<!tpu.dma_semaphore, #tpu.memory_space<semaphore_mem>>)
        %dma_wait3A_66 = tpu.memref_slice %arg3[%mul3A_25] : memref<819200xi32, #tpu.memory_space<hbm>> -> memref<1600xi32, #tpu.memory_space<hbm>>
        %dma_wait3A_67 = tpu.memref_slice %arg3[%mul3A_25] : memref<819200xi32, #tpu.memory_space<hbm>> -> memref<1600xi32, #tpu.memory_space<hbm>>
        tpu.wait_dma2 semaphore(%run_scoped3A : memref<!tpu.dma_semaphore, #tpu.memory_space<semaphore_mem>>) src(%dma_wait3A_67 : memref<1600xi32, #tpu.memory_space<hbm>>) dst(%arg7 : memref<1600xi32, #tpu.memory_space<vmem>>)
        tpu.yield
      }) : () -> ()
      "tpu.region"() ({
        %run_scoped3A = tpu.sem_alloc : memref<!tpu.dma_semaphore, #tpu.memory_space<semaphore_mem>>
        %dma_start3A_64 = arith.constant 0 : i32
        %dma_start3A_65 = tpu.memref_slice %arg2[%add3A_23, %dma_start3A_64] : memref<16384x32xf32, #tpu.memory_space<hbm>> -> memref<32x32xf32, #tpu.memory_space<hbm>>
        %dma_start3A_66 = arith.constant 0 : i32
        %dma_start3A_67 = tpu.memref_slice %arg2[%add3A_23, %dma_start3A_66] : memref<16384x32xf32, #tpu.memory_space<hbm>> -> memref<32x32xf32, #tpu.memory_space<hbm>>
        tpu.enqueue_dma source(%dma_start3A_67 : memref<32x32xf32, #tpu.memory_space<hbm>>) target(%arg9 : memref<32x32xf32, #tpu.memory_space<vmem>>) target_semaphore(%run_scoped3A : memref<!tpu.dma_semaphore, #tpu.memory_space<semaphore_mem>>)
        %dma_wait3A_68 = arith.constant 0 : i32
        %dma_wait3A_69 = tpu.memref_slice %arg2[%add3A_23, %dma_wait3A_68] : memref<16384x32xf32, #tpu.memory_space<hbm>> -> memref<32x32xf32, #tpu.memory_space<hbm>>
        %dma_wait3A_70 = arith.constant 0 : i32
        %dma_wait3A_71 = tpu.memref_slice %arg2[%add3A_23, %dma_wait3A_70] : memref<16384x32xf32, #tpu.memory_space<hbm>> -> memref<32x32xf32, #tpu.memory_space<hbm>>
        tpu.wait_dma2 semaphore(%run_scoped3A : memref<!tpu.dma_semaphore, #tpu.memory_space<semaphore_mem>>) src(%dma_wait3A_71 : memref<32x32xf32, #tpu.memory_space<hbm>>) dst(%arg9 : memref<32x32xf32, #tpu.memory_space<vmem>>)
        tpu.yield
      }) : () -> ()
      %dma_start3A_26 = arith.constant 0 : i32
      %dma_start3A_27 = arith.constant 0 : i32
      %dma_start3A_28 = tpu.memref_slice %arg4[%dma_start3A_26, %dma_start3A_27] : memref<1000000x32xf32, #tpu.memory_space<hbm>> -> memref<1000000x32xf32, #tpu.memory_space<hbm>>
      tpu.enqueue_indirect_dma source(%dma_start3A_28 : memref<1000000x32xf32, #tpu.memory_space<hbm>>) target(%arg11 : memref<1600x32xf32, #tpu.memory_space<vmem>>) offsets(%arg7 : memref<1600xi32, #tpu.memory_space<vmem>>) semaphore(%arg15 : memref<!tpu.dma_semaphore, #tpu.memory_space<semaphore_mem>>)
      %dma_wait3A = arith.constant 0 : i32
      %dma_wait3A_29 = arith.constant 0 : i32
      %dma_wait3A_30 = tpu.memref_slice %arg4[%dma_wait3A, %dma_wait3A_29] : memref<1000000x32xf32, #tpu.memory_space<hbm>> -> memref<1000000x32xf32, #tpu.memory_space<hbm>>
      tpu.wait_indirect_dma semaphore(%arg14 : memref<!tpu.dma_semaphore, #tpu.memory_space<semaphore_mem>>) src(%dma_wait3A_30 : memref<1000000x32xf32, #tpu.memory_space<hbm>>) dst(%arg10 : memref<1600x32xf32, #tpu.memory_space<vmem>>)
      %scan3A_31 = arith.constant 0 : i32
      %scan3A_32 = arith.constant 0 : i32
      %scan3A_33 = arith.constant 32 : i32
      %scan3A_34 = arith.addi %scan3A_32, %scan3A_33 : i32
      %scan3A_35 = arith.constant 1 : i32
      scf.for %scan3A_64 = %scan3A_32 to %scan3A_34 step %scan3A_35  : i32 {
        %mul3A_65 = arith.constant 1600 : i32
        %mul3A_66 = arith.muli %scan3A_64, %mul3A_65 : i32
        %iota3A = tpu.iota {dimensions = array<i32: 0>} : vector<16xi32>
        %add3A_67 = vector.broadcast %mul3A_66 : i32 to vector<16xi32>
        %add3A_68 = arith.addi %add3A_67, %iota3A : vector<16xi32>
        %broadcast_in_dim3A = vector.broadcast %scan3A_64 : i32 to vector<16xi32>
        %broadcast_in_dim3A_69 = arith.constant 0.000000e+00 : f32
        %broadcast_in_dim3A_70 = vector.broadcast %broadcast_in_dim3A_69 : f32 to vector<16xf32>
        %broadcast_in_dim3A_71 = arith.constant 0.000000e+00 : f32
        %broadcast_in_dim3A_72 = vector.broadcast %broadcast_in_dim3A_71 : f32 to vector<16xf32>
        %broadcast_in_dim3A_73 = arith.constant 0.000000e+00 : f32
        %broadcast_in_dim3A_74 = vector.broadcast %broadcast_in_dim3A_73 : f32 to vector<16xf32>
        %broadcast_in_dim3A_75 = arith.constant 0.000000e+00 : f32
        %broadcast_in_dim3A_76 = vector.broadcast %broadcast_in_dim3A_75 : f32 to vector<16xf32>
        %broadcast_in_dim3A_77 = arith.constant 0 : i32
        %broadcast_in_dim3A_78 = vector.broadcast %broadcast_in_dim3A_77 : i32 to vector<16xi32>
        %gather3A = tpu.vector_load_idx %arg8[%broadcast_in_dim3A, %broadcast_in_dim3A_78] : memref<32x32xf32, #tpu.memory_space<vmem>>[vector<16xi32>, vector<16xi32>], vector<16xf32>,
        %add3A_79 = arith.constant 0 : i32
        %add3A_80 = vector.broadcast %add3A_79 : i32 to vector<16xi32>
        %add3A_81 = arith.addi %add3A_68, %add3A_80 : vector<16xi32>
        %shift_right_logical3A = arith.constant 5 : i32
        %shift_right_logical3A_82 = vector.broadcast %shift_right_logical3A : i32 to vector<16xi32>
        %shift_right_logical3A_83 = arith.shrui %add3A_81, %shift_right_logical3A_82 : vector<16xi32>
        %and3A = arith.constant 31 : i32
        %and3A_84 = vector.broadcast %and3A : i32 to vector<16xi32>
        %and3A_85 = arith.andi %add3A_81, %and3A_84 : vector<16xi32>
        %gather3A_86 = tpu.vector_load_idx %arg10[%shift_right_logical3A_83, %and3A_85] : memref<1600x32xf32, #tpu.memory_space<vmem>>[vector<16xi32>, vector<16xi32>], vector<16xf32>,
        %mul3A_87 = arith.mulf %gather3A, %gather3A_86 : vector<16xf32>
        %add3A_88 = arith.addf %broadcast_in_dim3A_70, %mul3A_87 : vector<16xf32>
        %add3A_89 = arith.constant 16 : i32
        %add3A_90 = vector.broadcast %add3A_89 : i32 to vector<16xi32>
        %add3A_91 = arith.addi %add3A_68, %add3A_90 : vector<16xi32>
        %shift_right_logical3A_92 = arith.constant 5 : i32
        %shift_right_logical3A_93 = vector.broadcast %shift_right_logical3A_92 : i32 to vector<16xi32>
        %shift_right_logical3A_94 = arith.shrui %add3A_91, %shift_right_logical3A_93 : vector<16xi32>
        %and3A_95 = arith.constant 31 : i32
        %and3A_96 = vector.broadcast %and3A_95 : i32 to vector<16xi32>
        %and3A_97 = arith.andi %add3A_91, %and3A_96 : vector<16xi32>
        %gather3A_98 = tpu.vector_load_idx %arg10[%shift_right_logical3A_94, %and3A_97] : memref<1600x32xf32, #tpu.memory_space<vmem>>[vector<16xi32>, vector<16xi32>], vector<16xf32>,
        %mul3A_99 = arith.mulf %gather3A, %gather3A_98 : vector<16xf32>
        %add3A_100 = arith.addf %broadcast_in_dim3A_72, %mul3A_99 : vector<16xf32>
        %add3A_101 = arith.constant 32 : i32
        %add3A_102 = vector.broadcast %add3A_101 : i32 to vector<16xi32>
        %add3A_103 = arith.addi %add3A_68, %add3A_102 : vector<16xi32>
        %shift_right_logical3A_104 = arith.constant 5 : i32
        %shift_right_logical3A_105 = vector.broadcast %shift_right_logical3A_104 : i32 to vector<16xi32>
        %shift_right_logical3A_106 = arith.shrui %add3A_103, %shift_right_logical3A_105 : vector<16xi32>
        %and3A_107 = arith.constant 31 : i32
        %and3A_108 = vector.broadcast %and3A_107 : i32 to vector<16xi32>
        %and3A_109 = arith.andi %add3A_103, %and3A_108 : vector<16xi32>
        %gather3A_110 = tpu.vector_load_idx %arg10[%shift_right_logical3A_106, %and3A_109] : memref<1600x32xf32, #tpu.memory_space<vmem>>[vector<16xi32>, vector<16xi32>], vector<16xf32>,
        %mul3A_111 = arith.mulf %gather3A, %gather3A_110 : vector<16xf32>
        %add3A_112 = arith.addf %broadcast_in_dim3A_74, %mul3A_111 : vector<16xf32>
        %add3A_113 = arith.constant 34 : i32
        %add3A_114 = vector.broadcast %add3A_113 : i32 to vector<16xi32>
        %add3A_115 = arith.addi %add3A_68, %add3A_114 : vector<16xi32>
        %shift_right_logical3A_116 = arith.constant 5 : i32
        %shift_right_logical3A_117 = vector.broadcast %shift_right_logical3A_116 : i32 to vector<16xi32>
        %shift_right_logical3A_118 = arith.shrui %add3A_115, %shift_right_logical3A_117 : vector<16xi32>
        %and3A_119 = arith.constant 31 : i32
        %and3A_120 = vector.broadcast %and3A_119 : i32 to vector<16xi32>
        %and3A_121 = arith.andi %add3A_115, %and3A_120 : vector<16xi32>
        %gather3A_122 = tpu.vector_load_idx %arg10[%shift_right_logical3A_118, %and3A_121] : memref<1600x32xf32, #tpu.memory_space<vmem>>[vector<16xi32>, vector<16xi32>], vector<16xf32>,
        %mul3A_123 = arith.mulf %gather3A, %gather3A_122 : vector<16xf32>
        %add3A_124 = arith.addf %broadcast_in_dim3A_76, %mul3A_123 : vector<16xf32>
        %broadcast_in_dim3A_125 = arith.constant 1 : i32
        %broadcast_in_dim3A_126 = vector.broadcast %broadcast_in_dim3A_125 : i32 to vector<16xi32>
        %gather3A_127 = tpu.vector_load_idx %arg8[%broadcast_in_dim3A, %broadcast_in_dim3A_126] : memref<32x32xf32, #tpu.memory_space<vmem>>[vector<16xi32>, vector<16xi32>], vector<16xf32>,
        %add3A_128 = arith.constant 50 : i32
        %add3A_129 = vector.broadcast %add3A_128 : i32 to vector<16xi32>
        %add3A_130 = arith.addi %add3A_68, %add3A_129 : vector<16xi32>
        %shift_right_logical3A_131 = arith.constant 5 : i32
        %shift_right_logical3A_132 = vector.broadcast %shift_right_logical3A_131 : i32 to vector<16xi32>
        %shift_right_logical3A_133 = arith.shrui %add3A_130, %shift_right_logical3A_132 : vector<16xi32>
        %and3A_134 = arith.constant 31 : i32
        %and3A_135 = vector.broadcast %and3A_134 : i32 to vector<16xi32>
        %and3A_136 = arith.andi %add3A_130, %and3A_135 : vector<16xi32>
        %gather3A_137 = tpu.vector_load_idx %arg10[%shift_right_logical3A_133, %and3A_136] : memref<1600x32xf32, #tpu.memory_space<vmem>>[vector<16xi32>, vector<16xi32>], vector<16xf32>,
        %mul3A_138 = arith.mulf %gather3A_127, %gather3A_137 : vector<16xf32>
        %add3A_139 = arith.addf %add3A_88, %mul3A_138 : vector<16xf32>
        %add3A_140 = arith.constant 66 : i32
        %add3A_141 = vector.broadcast %add3A_140 : i32 to vector<16xi32>
        %add3A_142 = arith.addi %add3A_68, %add3A_141 : vector<16xi32>
        %shift_right_logical3A_143 = arith.constant 5 : i32
        %shift_right_logical3A_144 = vector.broadcast %shift_right_logical3A_143 : i32 to vector<16xi32>
        %shift_right_logical3A_145 = arith.shrui %add3A_142, %shift_right_logical3A_144 : vector<16xi32>
        %and3A_146 = arith.constant 31 : i32
        %and3A_147 = vector.broadcast %and3A_146 : i32 to vector<16xi32>
        %and3A_148 = arith.andi %add3A_142, %and3A_147 : vector<16xi32>
        %gather3A_149 = tpu.vector_load_idx %arg10[%shift_right_logical3A_145, %and3A_148] : memref<1600x32xf32, #tpu.memory_space<vmem>>[vector<16xi32>, vector<16xi32>], vector<16xf32>,
        %mul3A_150 = arith.mulf %gather3A_127, %gather3A_149 : vector<16xf32>
        %add3A_151 = arith.addf %add3A_100, %mul3A_150 : vector<16xf32>
        %add3A_152 = arith.constant 82 : i32
        %add3A_153 = vector.broadcast %add3A_152 : i32 to vector<16xi32>
        %add3A_154 = arith.addi %add3A_68, %add3A_153 : vector<16xi32>
        %shift_right_logical3A_155 = arith.constant 5 : i32
        %shift_right_logical3A_156 = vector.broadcast %shift_right_logical3A_155 : i32 to vector<16xi32>
        %shift_right_logical3A_157 = arith.shrui %add3A_154, %shift_right_logical3A_156 : vector<16xi32>
        %and3A_158 = arith.constant 31 : i32
        %and3A_159 = vector.broadcast %and3A_158 : i32 to vector<16xi32>
        %and3A_160 = arith.andi %add3A_154, %and3A_159 : vector<16xi32>
        %gather3A_161 = tpu.vector_load_idx %arg10[%shift_right_logical3A_157, %and3A_160] : memref<1600x32xf32, #tpu.memory_space<vmem>>[vector<16xi32>, vector<16xi32>], vector<16xf32>,
        %mul3A_162 = arith.mulf %gather3A_127, %gather3A_161 : vector<16xf32>
        %add3A_163 = arith.addf %add3A_112, %mul3A_162 : vector<16xf32>
        %add3A_164 = arith.constant 84 : i32
        %add3A_165 = vector.broadcast %add3A_164 : i32 to vector<16xi32>
        %add3A_166 = arith.addi %add3A_68, %add3A_165 : vector<16xi32>
        %shift_right_logical3A_167 = arith.constant 5 : i32
        %shift_right_logical3A_168 = vector.broadcast %shift_right_logical3A_167 : i32 to vector<16xi32>
        %shift_right_logical3A_169 = arith.shrui %add3A_166, %shift_right_logical3A_168 : vector<16xi32>
        %and3A_170 = arith.constant 31 : i32
        %and3A_171 = vector.broadcast %and3A_170 : i32 to vector<16xi32>
        %and3A_172 = arith.andi %add3A_166, %and3A_171 : vector<16xi32>
        %gather3A_173 = tpu.vector_load_idx %arg10[%shift_right_logical3A_169, %and3A_172] : memref<1600x32xf32, #tpu.memory_space<vmem>>[vector<16xi32>, vector<16xi32>], vector<16xf32>,
        %mul3A_174 = arith.mulf %gather3A_127, %gather3A_173 : vector<16xf32>
        %add3A_175 = arith.addf %add3A_124, %mul3A_174 : vector<16xf32>
        %broadcast_in_dim3A_176 = arith.constant 2 : i32
        %broadcast_in_dim3A_177 = vector.broadcast %broadcast_in_dim3A_176 : i32 to vector<16xi32>
        %gather3A_178 = tpu.vector_load_idx %arg8[%broadcast_in_dim3A, %broadcast_in_dim3A_177] : memref<32x32xf32, #tpu.memory_space<vmem>>[vector<16xi32>, vector<16xi32>], vector<16xf32>,
        %add3A_179 = arith.constant 100 : i32
        %add3A_180 = vector.broadcast %add3A_179 : i32 to vector<16xi32>
        %add3A_181 = arith.addi %add3A_68, %add3A_180 : vector<16xi32>
        %shift_right_logical3A_182 = arith.constant 5 : i32
        %shift_right_logical3A_183 = vector.broadcast %shift_right_logical3A_182 : i32 to vector<16xi32>
        %shift_right_logical3A_184 = arith.shrui %add3A_181, %shift_right_logical3A_183 : vector<16xi32>
        %and3A_185 = arith.constant 31 : i32
        %and3A_186 = vector.broadcast %and3A_185 : i32 to vector<16xi32>
        %and3A_187 = arith.andi %add3A_181, %and3A_186 : vector<16xi32>
        %gather3A_188 = tpu.vector_load_idx %arg10[%shift_right_logical3A_184, %and3A_187] : memref<1600x32xf32, #tpu.memory_space<vmem>>[vector<16xi32>, vector<16xi32>], vector<16xf32>,
        %mul3A_189 = arith.mulf %gather3A_178, %gather3A_188 : vector<16xf32>
        %add3A_190 = arith.addf %add3A_139, %mul3A_189 : vector<16xf32>
        %add3A_191 = arith.constant 116 : i32
        %add3A_192 = vector.broadcast %add3A_191 : i32 to vector<16xi32>
        %add3A_193 = arith.addi %add3A_68, %add3A_192 : vector<16xi32>
        %shift_right_logical3A_194 = arith.constant 5 : i32
        %shift_right_logical3A_195 = vector.broadcast %shift_right_logical3A_194 : i32 to vector<16xi32>
        %shift_right_logical3A_196 = arith.shrui %add3A_193, %shift_right_logical3A_195 : vector<16xi32>
        %and3A_197 = arith.constant 31 : i32
        %and3A_198 = vector.broadcast %and3A_197 : i32 to vector<16xi32>
        %and3A_199 = arith.andi %add3A_193, %and3A_198 : vector<16xi32>
        %gather3A_200 = tpu.vector_load_idx %arg10[%shift_right_logical3A_196, %and3A_199] : memref<1600x32xf32, #tpu.memory_space<vmem>>[vector<16xi32>, vector<16xi32>], vector<16xf32>,
        %mul3A_201 = arith.mulf %gather3A_178, %gather3A_200 : vector<16xf32>
        %add3A_202 = arith.addf %add3A_151, %mul3A_201 : vector<16xf32>
        %add3A_203 = arith.constant 132 : i32
        %add3A_204 = vector.broadcast %add3A_203 : i32 to vector<16xi32>
        %add3A_205 = arith.addi %add3A_68, %add3A_204 : vector<16xi32>
        %shift_right_logical3A_206 = arith.constant 5 : i32
        %shift_right_logical3A_207 = vector.broadcast %shift_right_logical3A_206 : i32 to vector<16xi32>
        %shift_right_logical3A_208 = arith.shrui %add3A_205, %shift_right_logical3A_207 : vector<16xi32>
        %and3A_209 = arith.constant 31 : i32
        %and3A_210 = vector.broadcast %and3A_209 : i32 to vector<16xi32>
        %and3A_211 = arith.andi %add3A_205, %and3A_210 : vector<16xi32>
        %gather3A_212 = tpu.vector_load_idx %arg10[%shift_right_logical3A_208, %and3A_211] : memref<1600x32xf32, #tpu.memory_space<vmem>>[vector<16xi32>, vector<16xi32>], vector<16xf32>,
        %mul3A_213 = arith.mulf %gather3A_178, %gather3A_212 : vector<16xf32>
        %add3A_214 = arith.addf %add3A_163, %mul3A_213 : vector<16xf32>
        %add3A_215 = arith.constant 134 : i32
        %add3A_216 = vector.broadcast %add3A_215 : i32 to vector<16xi32>
        %add3A_217 = arith.addi %add3A_68, %add3A_216 : vector<16xi32>
        %shift_right_logical3A_218 = arith.constant 5 : i32
        %shift_right_logical3A_219 = vector.broadcast %shift_right_logical3A_218 : i32 to vector<16xi32>
        %shift_right_logical3A_220 = arith.shrui %add3A_217, %shift_right_logical3A_219 : vector<16xi32>
        %and3A_221 = arith.constant 31 : i32
        %and3A_222 = vector.broadcast %and3A_221 : i32 to vector<16xi32>
        %and3A_223 = arith.andi %add3A_217, %and3A_222 : vector<16xi32>
        %gather3A_224 = tpu.vector_load_idx %arg10[%shift_right_logical3A_220, %and3A_223] : memref<1600x32xf32, #tpu.memory_space<vmem>>[vector<16xi32>, vector<16xi32>], vector<16xf32>,
        %mul3A_225 = arith.mulf %gather3A_178, %gather3A_224 : vector<16xf32>
        %add3A_226 = arith.addf %add3A_175, %mul3A_225 : vector<16xf32>
        %broadcast_in_dim3A_227 = arith.constant 3 : i32
        %broadcast_in_dim3A_228 = vector.broadcast %broadcast_in_dim3A_227 : i32 to vector<16xi32>
        %gather3A_229 = tpu.vector_load_idx %arg8[%broadcast_in_dim3A, %broadcast_in_dim3A_228] : memref<32x32xf32, #tpu.memory_space<vmem>>[vector<16xi32>, vector<16xi32>], vector<16xf32>,
        %add3A_230 = arith.constant 150 : i32
        %add3A_231 = vector.broadcast %add3A_230 : i32 to vector<16xi32>
        %add3A_232 = arith.addi %add3A_68, %add3A_231 : vector<16xi32>
        %shift_right_logical3A_233 = arith.constant 5 : i32
        %shift_right_logical3A_234 = vector.broadcast %shift_right_logical3A_233 : i32 to vector<16xi32>
        %shift_right_logical3A_235 = arith.shrui %add3A_232, %shift_right_logical3A_234 : vector<16xi32>
        %and3A_236 = arith.constant 31 : i32
        %and3A_237 = vector.broadcast %and3A_236 : i32 to vector<16xi32>
        %and3A_238 = arith.andi %add3A_232, %and3A_237 : vector<16xi32>
        %gather3A_239 = tpu.vector_load_idx %arg10[%shift_right_logical3A_235, %and3A_238] : memref<1600x32xf32, #tpu.memory_space<vmem>>[vector<16xi32>, vector<16xi32>], vector<16xf32>,
        %mul3A_240 = arith.mulf %gather3A_229, %gather3A_239 : vector<16xf32>
        %add3A_241 = arith.addf %add3A_190, %mul3A_240 : vector<16xf32>
        %add3A_242 = arith.constant 166 : i32
        %add3A_243 = vector.broadcast %add3A_242 : i32 to vector<16xi32>
        %add3A_244 = arith.addi %add3A_68, %add3A_243 : vector<16xi32>
        %shift_right_logical3A_245 = arith.constant 5 : i32
        %shift_right_logical3A_246 = vector.broadcast %shift_right_logical3A_245 : i32 to vector<16xi32>
        %shift_right_logical3A_247 = arith.shrui %add3A_244, %shift_right_logical3A_246 : vector<16xi32>
        %and3A_248 = arith.constant 31 : i32
        %and3A_249 = vector.broadcast %and3A_248 : i32 to vector<16xi32>
        %and3A_250 = arith.andi %add3A_244, %and3A_249 : vector<16xi32>
        %gather3A_251 = tpu.vector_load_idx %arg10[%shift_right_logical3A_247, %and3A_250] : memref<1600x32xf32, #tpu.memory_space<vmem>>[vector<16xi32>, vector<16xi32>], vector<16xf32>,
        %mul3A_252 = arith.mulf %gather3A_229, %gather3A_251 : vector<16xf32>
        %add3A_253 = arith.addf %add3A_202, %mul3A_252 : vector<16xf32>
        %add3A_254 = arith.constant 182 : i32
        %add3A_255 = vector.broadcast %add3A_254 : i32 to vector<16xi32>
        %add3A_256 = arith.addi %add3A_68, %add3A_255 : vector<16xi32>
        %shift_right_logical3A_257 = arith.constant 5 : i32
        %shift_right_logical3A_258 = vector.broadcast %shift_right_logical3A_257 : i32 to vector<16xi32>
        %shift_right_logical3A_259 = arith.shrui %add3A_256, %shift_right_logical3A_258 : vector<16xi32>
        %and3A_260 = arith.constant 31 : i32
        %and3A_261 = vector.broadcast %and3A_260 : i32 to vector<16xi32>
        %and3A_262 = arith.andi %add3A_256, %and3A_261 : vector<16xi32>
        %gather3A_263 = tpu.vector_load_idx %arg10[%shift_right_logical3A_259, %and3A_262] : memref<1600x32xf32, #tpu.memory_space<vmem>>[vector<16xi32>, vector<16xi32>], vector<16xf32>,
        %mul3A_264 = arith.mulf %gather3A_229, %gather3A_263 : vector<16xf32>
        %add3A_265 = arith.addf %add3A_214, %mul3A_264 : vector<16xf32>
        %add3A_266 = arith.constant 184 : i32
        %add3A_267 = vector.broadcast %add3A_266 : i32 to vector<16xi32>
        %add3A_268 = arith.addi %add3A_68, %add3A_267 : vector<16xi32>
        %shift_right_logical3A_269 = arith.constant 5 : i32
        %shift_right_logical3A_270 = vector.broadcast %shift_right_logical3A_269 : i32 to vector<16xi32>
        %shift_right_logical3A_271 = arith.shrui %add3A_268, %shift_right_logical3A_270 : vector<16xi32>
        %and3A_272 = arith.constant 31 : i32
        %and3A_273 = vector.broadcast %and3A_272 : i32 to vector<16xi32>
        %and3A_274 = arith.andi %add3A_268, %and3A_273 : vector<16xi32>
        %gather3A_275 = tpu.vector_load_idx %arg10[%shift_right_logical3A_271, %and3A_274] : memref<1600x32xf32, #tpu.memory_space<vmem>>[vector<16xi32>, vector<16xi32>], vector<16xf32>,
        %mul3A_276 = arith.mulf %gather3A_229, %gather3A_275 : vector<16xf32>
        %add3A_277 = arith.addf %add3A_226, %mul3A_276 : vector<16xf32>
        %broadcast_in_dim3A_278 = arith.constant 4 : i32
        %broadcast_in_dim3A_279 = vector.broadcast %broadcast_in_dim3A_278 : i32 to vector<16xi32>
        %gather3A_280 = tpu.vector_load_idx %arg8[%broadcast_in_dim3A, %broadcast_in_dim3A_279] : memref<32x32xf32, #tpu.memory_space<vmem>>[vector<16xi32>, vector<16xi32>], vector<16xf32>,
        %add3A_281 = arith.constant 200 : i32
        %add3A_282 = vector.broadcast %add3A_281 : i32 to vector<16xi32>
        %add3A_283 = arith.addi %add3A_68, %add3A_282 : vector<16xi32>
        %shift_right_logical3A_284 = arith.constant 5 : i32
        %shift_right_logical3A_285 = vector.broadcast %shift_right_logical3A_284 : i32 to vector<16xi32>
        %shift_right_logical3A_286 = arith.shrui %add3A_283, %shift_right_logical3A_285 : vector<16xi32>
        %and3A_287 = arith.constant 31 : i32
        %and3A_288 = vector.broadcast %and3A_287 : i32 to vector<16xi32>
        %and3A_289 = arith.andi %add3A_283, %and3A_288 : vector<16xi32>
        %gather3A_290 = tpu.vector_load_idx %arg10[%shift_right_logical3A_286, %and3A_289] : memref<1600x32xf32, #tpu.memory_space<vmem>>[vector<16xi32>, vector<16xi32>], vector<16xf32>,
        %mul3A_291 = arith.mulf %gather3A_280, %gather3A_290 : vector<16xf32>
        %add3A_292 = arith.addf %add3A_241, %mul3A_291 : vector<16xf32>
        %add3A_293 = arith.constant 216 : i32
        %add3A_294 = vector.broadcast %add3A_293 : i32 to vector<16xi32>
        %add3A_295 = arith.addi %add3A_68, %add3A_294 : vector<16xi32>
        %shift_right_logical3A_296 = arith.constant 5 : i32
        %shift_right_logical3A_297 = vector.broadcast %shift_right_logical3A_296 : i32 to vector<16xi32>
        %shift_right_logical3A_298 = arith.shrui %add3A_295, %shift_right_logical3A_297 : vector<16xi32>
        %and3A_299 = arith.constant 31 : i32
        %and3A_300 = vector.broadcast %and3A_299 : i32 to vector<16xi32>
        %and3A_301 = arith.andi %add3A_295, %and3A_300 : vector<16xi32>
        %gather3A_302 = tpu.vector_load_idx %arg10[%shift_right_logical3A_298, %and3A_301] : memref<1600x32xf32, #tpu.memory_space<vmem>>[vector<16xi32>, vector<16xi32>], vector<16xf32>,
        %mul3A_303 = arith.mulf %gather3A_280, %gather3A_302 : vector<16xf32>
        %add3A_304 = arith.addf %add3A_253, %mul3A_303 : vector<16xf32>
        %add3A_305 = arith.constant 232 : i32
        %add3A_306 = vector.broadcast %add3A_305 : i32 to vector<16xi32>
        %add3A_307 = arith.addi %add3A_68, %add3A_306 : vector<16xi32>
        %shift_right_logical3A_308 = arith.constant 5 : i32
        %shift_right_logical3A_309 = vector.broadcast %shift_right_logical3A_308 : i32 to vector<16xi32>
        %shift_right_logical3A_310 = arith.shrui %add3A_307, %shift_right_logical3A_309 : vector<16xi32>
        %and3A_311 = arith.constant 31 : i32
        %and3A_312 = vector.broadcast %and3A_311 : i32 to vector<16xi32>
        %and3A_313 = arith.andi %add3A_307, %and3A_312 : vector<16xi32>
        %gather3A_314 = tpu.vector_load_idx %arg10[%shift_right_logical3A_310, %and3A_313] : memref<1600x32xf32, #tpu.memory_space<vmem>>[vector<16xi32>, vector<16xi32>], vector<16xf32>,
        %mul3A_315 = arith.mulf %gather3A_280, %gather3A_314 : vector<16xf32>
        %add3A_316 = arith.addf %add3A_265, %mul3A_315 : vector<16xf32>
        %add3A_317 = arith.constant 234 : i32
        %add3A_318 = vector.broadcast %add3A_317 : i32 to vector<16xi32>
        %add3A_319 = arith.addi %add3A_68, %add3A_318 : vector<16xi32>
        %shift_right_logical3A_320 = arith.constant 5 : i32
        %shift_right_logical3A_321 = vector.broadcast %shift_right_logical3A_320 : i32 to vector<16xi32>
        %shift_right_logical3A_322 = arith.shrui %add3A_319, %shift_right_logical3A_321 : vector<16xi32>
        %and3A_323 = arith.constant 31 : i32
        %and3A_324 = vector.broadcast %and3A_323 : i32 to vector<16xi32>
        %and3A_325 = arith.andi %add3A_319, %and3A_324 : vector<16xi32>
        %gather3A_326 = tpu.vector_load_idx %arg10[%shift_right_logical3A_322, %and3A_325] : memref<1600x32xf32, #tpu.memory_space<vmem>>[vector<16xi32>, vector<16xi32>], vector<16xf32>,
        %mul3A_327 = arith.mulf %gather3A_280, %gather3A_326 : vector<16xf32>
        %add3A_328 = arith.addf %add3A_277, %mul3A_327 : vector<16xf32>
        %broadcast_in_dim3A_329 = arith.constant 5 : i32
        %broadcast_in_dim3A_330 = vector.broadcast %broadcast_in_dim3A_329 : i32 to vector<16xi32>
        %gather3A_331 = tpu.vector_load_idx %arg8[%broadcast_in_dim3A, %broadcast_in_dim3A_330] : memref<32x32xf32, #tpu.memory_space<vmem>>[vector<16xi32>, vector<16xi32>], vector<16xf32>,
        %add3A_332 = arith.constant 250 : i32
        %add3A_333 = vector.broadcast %add3A_332 : i32 to vector<16xi32>
        %add3A_334 = arith.addi %add3A_68, %add3A_333 : vector<16xi32>
        %shift_right_logical3A_335 = arith.constant 5 : i32
        %shift_right_logical3A_336 = vector.broadcast %shift_right_logical3A_335 : i32 to vector<16xi32>
        %shift_right_logical3A_337 = arith.shrui %add3A_334, %shift_right_logical3A_336 : vector<16xi32>
        %and3A_338 = arith.constant 31 : i32
        %and3A_339 = vector.broadcast %and3A_338 : i32 to vector<16xi32>
        %and3A_340 = arith.andi %add3A_334, %and3A_339 : vector<16xi32>
        %gather3A_341 = tpu.vector_load_idx %arg10[%shift_right_logical3A_337, %and3A_340] : memref<1600x32xf32, #tpu.memory_space<vmem>>[vector<16xi32>, vector<16xi32>], vector<16xf32>,
        %mul3A_342 = arith.mulf %gather3A_331, %gather3A_341 : vector<16xf32>
        %add3A_343 = arith.addf %add3A_292, %mul3A_342 : vector<16xf32>
        %add3A_344 = arith.constant 266 : i32
        %add3A_345 = vector.broadcast %add3A_344 : i32 to vector<16xi32>
        %add3A_346 = arith.addi %add3A_68, %add3A_345 : vector<16xi32>
        %shift_right_logical3A_347 = arith.constant 5 : i32
        %shift_right_logical3A_348 = vector.broadcast %shift_right_logical3A_347 : i32 to vector<16xi32>
        %shift_right_logical3A_349 = arith.shrui %add3A_346, %shift_right_logical3A_348 : vector<16xi32>
        %and3A_350 = arith.constant 31 : i32
        %and3A_351 = vector.broadcast %and3A_350 : i32 to vector<16xi32>
        %and3A_352 = arith.andi %add3A_346, %and3A_351 : vector<16xi32>
        %gather3A_353 = tpu.vector_load_idx %arg10[%shift_right_logical3A_349, %and3A_352] : memref<1600x32xf32, #tpu.memory_space<vmem>>[vector<16xi32>, vector<16xi32>], vector<16xf32>,
        %mul3A_354 = arith.mulf %gather3A_331, %gather3A_353 : vector<16xf32>
        %add3A_355 = arith.addf %add3A_304, %mul3A_354 : vector<16xf32>
        %add3A_356 = arith.constant 282 : i32
        %add3A_357 = vector.broadcast %add3A_356 : i32 to vector<16xi32>
        %add3A_358 = arith.addi %add3A_68, %add3A_357 : vector<16xi32>
        %shift_right_logical3A_359 = arith.constant 5 : i32
        %shift_right_logical3A_360 = vector.broadcast %shift_right_logical3A_359 : i32 to vector<16xi32>
        %shift_right_logical3A_361 = arith.shrui %add3A_358, %shift_right_logical3A_360 : vector<16xi32>
        %and3A_362 = arith.constant 31 : i32
        %and3A_363 = vector.broadcast %and3A_362 : i32 to vector<16xi32>
        %and3A_364 = arith.andi %add3A_358, %and3A_363 : vector<16xi32>
        %gather3A_365 = tpu.vector_load_idx %arg10[%shift_right_logical3A_361, %and3A_364] : memref<1600x32xf32, #tpu.memory_space<vmem>>[vector<16xi32>, vector<16xi32>], vector<16xf32>,
        %mul3A_366 = arith.mulf %gather3A_331, %gather3A_365 : vector<16xf32>
        %add3A_367 = arith.addf %add3A_316, %mul3A_366 : vector<16xf32>
        %add3A_368 = arith.constant 284 : i32
        %add3A_369 = vector.broadcast %add3A_368 : i32 to vector<16xi32>
        %add3A_370 = arith.addi %add3A_68, %add3A_369 : vector<16xi32>
        %shift_right_logical3A_371 = arith.constant 5 : i32
        %shift_right_logical3A_372 = vector.broadcast %shift_right_logical3A_371 : i32 to vector<16xi32>
        %shift_right_logical3A_373 = arith.shrui %add3A_370, %shift_right_logical3A_372 : vector<16xi32>
        %and3A_374 = arith.constant 31 : i32
        %and3A_375 = vector.broadcast %and3A_374 : i32 to vector<16xi32>
        %and3A_376 = arith.andi %add3A_370, %and3A_375 : vector<16xi32>
        %gather3A_377 = tpu.vector_load_idx %arg10[%shift_right_logical3A_373, %and3A_376] : memref<1600x32xf32, #tpu.memory_space<vmem>>[vector<16xi32>, vector<16xi32>], vector<16xf32>,
        %mul3A_378 = arith.mulf %gather3A_331, %gather3A_377 : vector<16xf32>
        %add3A_379 = arith.addf %add3A_328, %mul3A_378 : vector<16xf32>
        %broadcast_in_dim3A_380 = arith.constant 6 : i32
        %broadcast_in_dim3A_381 = vector.broadcast %broadcast_in_dim3A_380 : i32 to vector<16xi32>
        %gather3A_382 = tpu.vector_load_idx %arg8[%broadcast_in_dim3A, %broadcast_in_dim3A_381] : memref<32x32xf32, #tpu.memory_space<vmem>>[vector<16xi32>, vector<16xi32>], vector<16xf32>,
        %add3A_383 = arith.constant 300 : i32
        %add3A_384 = vector.broadcast %add3A_383 : i32 to vector<16xi32>
        %add3A_385 = arith.addi %add3A_68, %add3A_384 : vector<16xi32>
        %shift_right_logical3A_386 = arith.constant 5 : i32
        %shift_right_logical3A_387 = vector.broadcast %shift_right_logical3A_386 : i32 to vector<16xi32>
        %shift_right_logical3A_388 = arith.shrui %add3A_385, %shift_right_logical3A_387 : vector<16xi32>
        %and3A_389 = arith.constant 31 : i32
        %and3A_390 = vector.broadcast %and3A_389 : i32 to vector<16xi32>
        %and3A_391 = arith.andi %add3A_385, %and3A_390 : vector<16xi32>
        %gather3A_392 = tpu.vector_load_idx %arg10[%shift_right_logical3A_388, %and3A_391] : memref<1600x32xf32, #tpu.memory_space<vmem>>[vector<16xi32>, vector<16xi32>], vector<16xf32>,
        %mul3A_393 = arith.mulf %gather3A_382, %gather3A_392 : vector<16xf32>
        %add3A_394 = arith.addf %add3A_343, %mul3A_393 : vector<16xf32>
        %add3A_395 = arith.constant 316 : i32
        %add3A_396 = vector.broadcast %add3A_395 : i32 to vector<16xi32>
        %add3A_397 = arith.addi %add3A_68, %add3A_396 : vector<16xi32>
        %shift_right_logical3A_398 = arith.constant 5 : i32
        %shift_right_logical3A_399 = vector.broadcast %shift_right_logical3A_398 : i32 to vector<16xi32>
        %shift_right_logical3A_400 = arith.shrui %add3A_397, %shift_right_logical3A_399 : vector<16xi32>
        %and3A_401 = arith.constant 31 : i32
        %and3A_402 = vector.broadcast %and3A_401 : i32 to vector<16xi32>
        %and3A_403 = arith.andi %add3A_397, %and3A_402 : vector<16xi32>
        %gather3A_404 = tpu.vector_load_idx %arg10[%shift_right_logical3A_400, %and3A_403] : memref<1600x32xf32, #tpu.memory_space<vmem>>[vector<16xi32>, vector<16xi32>], vector<16xf32>,
        %mul3A_405 = arith.mulf %gather3A_382, %gather3A_404 : vector<16xf32>
        %add3A_406 = arith.addf %add3A_355, %mul3A_405 : vector<16xf32>
        %add3A_407 = arith.constant 332 : i32
        %add3A_408 = vector.broadcast %add3A_407 : i32 to vector<16xi32>
        %add3A_409 = arith.addi %add3A_68, %add3A_408 : vector<16xi32>
        %shift_right_logical3A_410 = arith.constant 5 : i32
        %shift_right_logical3A_411 = vector.broadcast %shift_right_logical3A_410 : i32 to vector<16xi32>
        %shift_right_logical3A_412 = arith.shrui %add3A_409, %shift_right_logical3A_411 : vector<16xi32>
        %and3A_413 = arith.constant 31 : i32
        %and3A_414 = vector.broadcast %and3A_413 : i32 to vector<16xi32>
        %and3A_415 = arith.andi %add3A_409, %and3A_414 : vector<16xi32>
        %gather3A_416 = tpu.vector_load_idx %arg10[%shift_right_logical3A_412, %and3A_415] : memref<1600x32xf32, #tpu.memory_space<vmem>>[vector<16xi32>, vector<16xi32>], vector<16xf32>,
        %mul3A_417 = arith.mulf %gather3A_382, %gather3A_416 : vector<16xf32>
        %add3A_418 = arith.addf %add3A_367, %mul3A_417 : vector<16xf32>
        %add3A_419 = arith.constant 334 : i32
        %add3A_420 = vector.broadcast %add3A_419 : i32 to vector<16xi32>
        %add3A_421 = arith.addi %add3A_68, %add3A_420 : vector<16xi32>
        %shift_right_logical3A_422 = arith.constant 5 : i32
        %shift_right_logical3A_423 = vector.broadcast %shift_right_logical3A_422 : i32 to vector<16xi32>
        %shift_right_logical3A_424 = arith.shrui %add3A_421, %shift_right_logical3A_423 : vector<16xi32>
        %and3A_425 = arith.constant 31 : i32
        %and3A_426 = vector.broadcast %and3A_425 : i32 to vector<16xi32>
        %and3A_427 = arith.andi %add3A_421, %and3A_426 : vector<16xi32>
        %gather3A_428 = tpu.vector_load_idx %arg10[%shift_right_logical3A_424, %and3A_427] : memref<1600x32xf32, #tpu.memory_space<vmem>>[vector<16xi32>, vector<16xi32>], vector<16xf32>,
        %mul3A_429 = arith.mulf %gather3A_382, %gather3A_428 : vector<16xf32>
        %add3A_430 = arith.addf %add3A_379, %mul3A_429 : vector<16xf32>
        %broadcast_in_dim3A_431 = arith.constant 7 : i32
        %broadcast_in_dim3A_432 = vector.broadcast %broadcast_in_dim3A_431 : i32 to vector<16xi32>
        %gather3A_433 = tpu.vector_load_idx %arg8[%broadcast_in_dim3A, %broadcast_in_dim3A_432] : memref<32x32xf32, #tpu.memory_space<vmem>>[vector<16xi32>, vector<16xi32>], vector<16xf32>,
        %add3A_434 = arith.constant 350 : i32
        %add3A_435 = vector.broadcast %add3A_434 : i32 to vector<16xi32>
        %add3A_436 = arith.addi %add3A_68, %add3A_435 : vector<16xi32>
        %shift_right_logical3A_437 = arith.constant 5 : i32
        %shift_right_logical3A_438 = vector.broadcast %shift_right_logical3A_437 : i32 to vector<16xi32>
        %shift_right_logical3A_439 = arith.shrui %add3A_436, %shift_right_logical3A_438 : vector<16xi32>
        %and3A_440 = arith.constant 31 : i32
        %and3A_441 = vector.broadcast %and3A_440 : i32 to vector<16xi32>
        %and3A_442 = arith.andi %add3A_436, %and3A_441 : vector<16xi32>
        %gather3A_443 = tpu.vector_load_idx %arg10[%shift_right_logical3A_439, %and3A_442] : memref<1600x32xf32, #tpu.memory_space<vmem>>[vector<16xi32>, vector<16xi32>], vector<16xf32>,
        %mul3A_444 = arith.mulf %gather3A_433, %gather3A_443 : vector<16xf32>
        %add3A_445 = arith.addf %add3A_394, %mul3A_444 : vector<16xf32>
        %add3A_446 = arith.constant 366 : i32
        %add3A_447 = vector.broadcast %add3A_446 : i32 to vector<16xi32>
        %add3A_448 = arith.addi %add3A_68, %add3A_447 : vector<16xi32>
        %shift_right_logical3A_449 = arith.constant 5 : i32
        %shift_right_logical3A_450 = vector.broadcast %shift_right_logical3A_449 : i32 to vector<16xi32>
        %shift_right_logical3A_451 = arith.shrui %add3A_448, %shift_right_logical3A_450 : vector<16xi32>
        %and3A_452 = arith.constant 31 : i32
        %and3A_453 = vector.broadcast %and3A_452 : i32 to vector<16xi32>
        %and3A_454 = arith.andi %add3A_448, %and3A_453 : vector<16xi32>
        %gather3A_455 = tpu.vector_load_idx %arg10[%shift_right_logical3A_451, %and3A_454] : memref<1600x32xf32, #tpu.memory_space<vmem>>[vector<16xi32>, vector<16xi32>], vector<16xf32>,
        %mul3A_456 = arith.mulf %gather3A_433, %gather3A_455 : vector<16xf32>
        %add3A_457 = arith.addf %add3A_406, %mul3A_456 : vector<16xf32>
        %add3A_458 = arith.constant 382 : i32
        %add3A_459 = vector.broadcast %add3A_458 : i32 to vector<16xi32>
        %add3A_460 = arith.addi %add3A_68, %add3A_459 : vector<16xi32>
        %shift_right_logical3A_461 = arith.constant 5 : i32
        %shift_right_logical3A_462 = vector.broadcast %shift_right_logical3A_461 : i32 to vector<16xi32>
        %shift_right_logical3A_463 = arith.shrui %add3A_460, %shift_right_logical3A_462 : vector<16xi32>
        %and3A_464 = arith.constant 31 : i32
        %and3A_465 = vector.broadcast %and3A_464 : i32 to vector<16xi32>
        %and3A_466 = arith.andi %add3A_460, %and3A_465 : vector<16xi32>
        %gather3A_467 = tpu.vector_load_idx %arg10[%shift_right_logical3A_463, %and3A_466] : memref<1600x32xf32, #tpu.memory_space<vmem>>[vector<16xi32>, vector<16xi32>], vector<16xf32>,
        %mul3A_468 = arith.mulf %gather3A_433, %gather3A_467 : vector<16xf32>
        %add3A_469 = arith.addf %add3A_418, %mul3A_468 : vector<16xf32>
        %add3A_470 = arith.constant 384 : i32
        %add3A_471 = vector.broadcast %add3A_470 : i32 to vector<16xi32>
        %add3A_472 = arith.addi %add3A_68, %add3A_471 : vector<16xi32>
        %shift_right_logical3A_473 = arith.constant 5 : i32
        %shift_right_logical3A_474 = vector.broadcast %shift_right_logical3A_473 : i32 to vector<16xi32>
        %shift_right_logical3A_475 = arith.shrui %add3A_472, %shift_right_logical3A_474 : vector<16xi32>
        %and3A_476 = arith.constant 31 : i32
        %and3A_477 = vector.broadcast %and3A_476 : i32 to vector<16xi32>
        %and3A_478 = arith.andi %add3A_472, %and3A_477 : vector<16xi32>
        %gather3A_479 = tpu.vector_load_idx %arg10[%shift_right_logical3A_475, %and3A_478] : memref<1600x32xf32, #tpu.memory_space<vmem>>[vector<16xi32>, vector<16xi32>], vector<16xf32>,
        %mul3A_480 = arith.mulf %gather3A_433, %gather3A_479 : vector<16xf32>
        %add3A_481 = arith.addf %add3A_430, %mul3A_480 : vector<16xf32>
        %broadcast_in_dim3A_482 = arith.constant 8 : i32
        %broadcast_in_dim3A_483 = vector.broadcast %broadcast_in_dim3A_482 : i32 to vector<16xi32>
        %gather3A_484 = tpu.vector_load_idx %arg8[%broadcast_in_dim3A, %broadcast_in_dim3A_483] : memref<32x32xf32, #tpu.memory_space<vmem>>[vector<16xi32>, vector<16xi32>], vector<16xf32>,
        %add3A_485 = arith.constant 400 : i32
        %add3A_486 = vector.broadcast %add3A_485 : i32 to vector<16xi32>
        %add3A_487 = arith.addi %add3A_68, %add3A_486 : vector<16xi32>
        %shift_right_logical3A_488 = arith.constant 5 : i32
        %shift_right_logical3A_489 = vector.broadcast %shift_right_logical3A_488 : i32 to vector<16xi32>
        %shift_right_logical3A_490 = arith.shrui %add3A_487, %shift_right_logical3A_489 : vector<16xi32>
        %and3A_491 = arith.constant 31 : i32
        %and3A_492 = vector.broadcast %and3A_491 : i32 to vector<16xi32>
        %and3A_493 = arith.andi %add3A_487, %and3A_492 : vector<16xi32>
        %gather3A_494 = tpu.vector_load_idx %arg10[%shift_right_logical3A_490, %and3A_493] : memref<1600x32xf32, #tpu.memory_space<vmem>>[vector<16xi32>, vector<16xi32>], vector<16xf32>,
        %mul3A_495 = arith.mulf %gather3A_484, %gather3A_494 : vector<16xf32>
        %add3A_496 = arith.addf %add3A_445, %mul3A_495 : vector<16xf32>
        %add3A_497 = arith.constant 416 : i32
        %add3A_498 = vector.broadcast %add3A_497 : i32 to vector<16xi32>
        %add3A_499 = arith.addi %add3A_68, %add3A_498 : vector<16xi32>
        %shift_right_logical3A_500 = arith.constant 5 : i32
        %shift_right_logical3A_501 = vector.broadcast %shift_right_logical3A_500 : i32 to vector<16xi32>
        %shift_right_logical3A_502 = arith.shrui %add3A_499, %shift_right_logical3A_501 : vector<16xi32>
        %and3A_503 = arith.constant 31 : i32
        %and3A_504 = vector.broadcast %and3A_503 : i32 to vector<16xi32>
        %and3A_505 = arith.andi %add3A_499, %and3A_504 : vector<16xi32>
        %gather3A_506 = tpu.vector_load_idx %arg10[%shift_right_logical3A_502, %and3A_505] : memref<1600x32xf32, #tpu.memory_space<vmem>>[vector<16xi32>, vector<16xi32>], vector<16xf32>,
        %mul3A_507 = arith.mulf %gather3A_484, %gather3A_506 : vector<16xf32>
        %add3A_508 = arith.addf %add3A_457, %mul3A_507 : vector<16xf32>
        %add3A_509 = arith.constant 432 : i32
        %add3A_510 = vector.broadcast %add3A_509 : i32 to vector<16xi32>
        %add3A_511 = arith.addi %add3A_68, %add3A_510 : vector<16xi32>
        %shift_right_logical3A_512 = arith.constant 5 : i32
        %shift_right_logical3A_513 = vector.broadcast %shift_right_logical3A_512 : i32 to vector<16xi32>
        %shift_right_logical3A_514 = arith.shrui %add3A_511, %shift_right_logical3A_513 : vector<16xi32>
        %and3A_515 = arith.constant 31 : i32
        %and3A_516 = vector.broadcast %and3A_515 : i32 to vector<16xi32>
        %and3A_517 = arith.andi %add3A_511, %and3A_516 : vector<16xi32>
        %gather3A_518 = tpu.vector_load_idx %arg10[%shift_right_logical3A_514, %and3A_517] : memref<1600x32xf32, #tpu.memory_space<vmem>>[vector<16xi32>, vector<16xi32>], vector<16xf32>,
        %mul3A_519 = arith.mulf %gather3A_484, %gather3A_518 : vector<16xf32>
        %add3A_520 = arith.addf %add3A_469, %mul3A_519 : vector<16xf32>
        %add3A_521 = arith.constant 434 : i32
        %add3A_522 = vector.broadcast %add3A_521 : i32 to vector<16xi32>
        %add3A_523 = arith.addi %add3A_68, %add3A_522 : vector<16xi32>
        %shift_right_logical3A_524 = arith.constant 5 : i32
        %shift_right_logical3A_525 = vector.broadcast %shift_right_logical3A_524 : i32 to vector<16xi32>
        %shift_right_logical3A_526 = arith.shrui %add3A_523, %shift_right_logical3A_525 : vector<16xi32>
        %and3A_527 = arith.constant 31 : i32
        %and3A_528 = vector.broadcast %and3A_527 : i32 to vector<16xi32>
        %and3A_529 = arith.andi %add3A_523, %and3A_528 : vector<16xi32>
        %gather3A_530 = tpu.vector_load_idx %arg10[%shift_right_logical3A_526, %and3A_529] : memref<1600x32xf32, #tpu.memory_space<vmem>>[vector<16xi32>, vector<16xi32>], vector<16xf32>,
        %mul3A_531 = arith.mulf %gather3A_484, %gather3A_530 : vector<16xf32>
        %add3A_532 = arith.addf %add3A_481, %mul3A_531 : vector<16xf32>
        %broadcast_in_dim3A_533 = arith.constant 9 : i32
        %broadcast_in_dim3A_534 = vector.broadcast %broadcast_in_dim3A_533 : i32 to vector<16xi32>
        %gather3A_535 = tpu.vector_load_idx %arg8[%broadcast_in_dim3A, %broadcast_in_dim3A_534] : memref<32x32xf32, #tpu.memory_space<vmem>>[vector<16xi32>, vector<16xi32>], vector<16xf32>,
        %add3A_536 = arith.constant 450 : i32
        %add3A_537 = vector.broadcast %add3A_536 : i32 to vector<16xi32>
        %add3A_538 = arith.addi %add3A_68, %add3A_537 : vector<16xi32>
        %shift_right_logical3A_539 = arith.constant 5 : i32
        %shift_right_logical3A_540 = vector.broadcast %shift_right_logical3A_539 : i32 to vector<16xi32>
        %shift_right_logical3A_541 = arith.shrui %add3A_538, %shift_right_logical3A_540 : vector<16xi32>
        %and3A_542 = arith.constant 31 : i32
        %and3A_543 = vector.broadcast %and3A_542 : i32 to vector<16xi32>
        %and3A_544 = arith.andi %add3A_538, %and3A_543 : vector<16xi32>
        %gather3A_545 = tpu.vector_load_idx %arg10[%shift_right_logical3A_541, %and3A_544] : memref<1600x32xf32, #tpu.memory_space<vmem>>[vector<16xi32>, vector<16xi32>], vector<16xf32>,
        %mul3A_546 = arith.mulf %gather3A_535, %gather3A_545 : vector<16xf32>
        %add3A_547 = arith.addf %add3A_496, %mul3A_546 : vector<16xf32>
        %add3A_548 = arith.constant 466 : i32
        %add3A_549 = vector.broadcast %add3A_548 : i32 to vector<16xi32>
        %add3A_550 = arith.addi %add3A_68, %add3A_549 : vector<16xi32>
        %shift_right_logical3A_551 = arith.constant 5 : i32
        %shift_right_logical3A_552 = vector.broadcast %shift_right_logical3A_551 : i32 to vector<16xi32>
        %shift_right_logical3A_553 = arith.shrui %add3A_550, %shift_right_logical3A_552 : vector<16xi32>
        %and3A_554 = arith.constant 31 : i32
        %and3A_555 = vector.broadcast %and3A_554 : i32 to vector<16xi32>
        %and3A_556 = arith.andi %add3A_550, %and3A_555 : vector<16xi32>
        %gather3A_557 = tpu.vector_load_idx %arg10[%shift_right_logical3A_553, %and3A_556] : memref<1600x32xf32, #tpu.memory_space<vmem>>[vector<16xi32>, vector<16xi32>], vector<16xf32>,
        %mul3A_558 = arith.mulf %gather3A_535, %gather3A_557 : vector<16xf32>
        %add3A_559 = arith.addf %add3A_508, %mul3A_558 : vector<16xf32>
        %add3A_560 = arith.constant 482 : i32
        %add3A_561 = vector.broadcast %add3A_560 : i32 to vector<16xi32>
        %add3A_562 = arith.addi %add3A_68, %add3A_561 : vector<16xi32>
        %shift_right_logical3A_563 = arith.constant 5 : i32
        %shift_right_logical3A_564 = vector.broadcast %shift_right_logical3A_563 : i32 to vector<16xi32>
        %shift_right_logical3A_565 = arith.shrui %add3A_562, %shift_right_logical3A_564 : vector<16xi32>
        %and3A_566 = arith.constant 31 : i32
        %and3A_567 = vector.broadcast %and3A_566 : i32 to vector<16xi32>
        %and3A_568 = arith.andi %add3A_562, %and3A_567 : vector<16xi32>
        %gather3A_569 = tpu.vector_load_idx %arg10[%shift_right_logical3A_565, %and3A_568] : memref<1600x32xf32, #tpu.memory_space<vmem>>[vector<16xi32>, vector<16xi32>], vector<16xf32>,
        %mul3A_570 = arith.mulf %gather3A_535, %gather3A_569 : vector<16xf32>
        %add3A_571 = arith.addf %add3A_520, %mul3A_570 : vector<16xf32>
        %add3A_572 = arith.constant 484 : i32
        %add3A_573 = vector.broadcast %add3A_572 : i32 to vector<16xi32>
        %add3A_574 = arith.addi %add3A_68, %add3A_573 : vector<16xi32>
        %shift_right_logical3A_575 = arith.constant 5 : i32
        %shift_right_logical3A_576 = vector.broadcast %shift_right_logical3A_575 : i32 to vector<16xi32>
        %shift_right_logical3A_577 = arith.shrui %add3A_574, %shift_right_logical3A_576 : vector<16xi32>
        %and3A_578 = arith.constant 31 : i32
        %and3A_579 = vector.broadcast %and3A_578 : i32 to vector<16xi32>
        %and3A_580 = arith.andi %add3A_574, %and3A_579 : vector<16xi32>
        %gather3A_581 = tpu.vector_load_idx %arg10[%shift_right_logical3A_577, %and3A_580] : memref<1600x32xf32, #tpu.memory_space<vmem>>[vector<16xi32>, vector<16xi32>], vector<16xf32>,
        %mul3A_582 = arith.mulf %gather3A_535, %gather3A_581 : vector<16xf32>
        %add3A_583 = arith.addf %add3A_532, %mul3A_582 : vector<16xf32>
        %broadcast_in_dim3A_584 = arith.constant 10 : i32
        %broadcast_in_dim3A_585 = vector.broadcast %broadcast_in_dim3A_584 : i32 to vector<16xi32>
        %gather3A_586 = tpu.vector_load_idx %arg8[%broadcast_in_dim3A, %broadcast_in_dim3A_585] : memref<32x32xf32, #tpu.memory_space<vmem>>[vector<16xi32>, vector<16xi32>], vector<16xf32>,
        %add3A_587 = arith.constant 500 : i32
        %add3A_588 = vector.broadcast %add3A_587 : i32 to vector<16xi32>
        %add3A_589 = arith.addi %add3A_68, %add3A_588 : vector<16xi32>
        %shift_right_logical3A_590 = arith.constant 5 : i32
        %shift_right_logical3A_591 = vector.broadcast %shift_right_logical3A_590 : i32 to vector<16xi32>
        %shift_right_logical3A_592 = arith.shrui %add3A_589, %shift_right_logical3A_591 : vector<16xi32>
        %and3A_593 = arith.constant 31 : i32
        %and3A_594 = vector.broadcast %and3A_593 : i32 to vector<16xi32>
        %and3A_595 = arith.andi %add3A_589, %and3A_594 : vector<16xi32>
        %gather3A_596 = tpu.vector_load_idx %arg10[%shift_right_logical3A_592, %and3A_595] : memref<1600x32xf32, #tpu.memory_space<vmem>>[vector<16xi32>, vector<16xi32>], vector<16xf32>,
        %mul3A_597 = arith.mulf %gather3A_586, %gather3A_596 : vector<16xf32>
        %add3A_598 = arith.addf %add3A_547, %mul3A_597 : vector<16xf32>
        %add3A_599 = arith.constant 516 : i32
        %add3A_600 = vector.broadcast %add3A_599 : i32 to vector<16xi32>
        %add3A_601 = arith.addi %add3A_68, %add3A_600 : vector<16xi32>
        %shift_right_logical3A_602 = arith.constant 5 : i32
        %shift_right_logical3A_603 = vector.broadcast %shift_right_logical3A_602 : i32 to vector<16xi32>
        %shift_right_logical3A_604 = arith.shrui %add3A_601, %shift_right_logical3A_603 : vector<16xi32>
        %and3A_605 = arith.constant 31 : i32
        %and3A_606 = vector.broadcast %and3A_605 : i32 to vector<16xi32>
        %and3A_607 = arith.andi %add3A_601, %and3A_606 : vector<16xi32>
        %gather3A_608 = tpu.vector_load_idx %arg10[%shift_right_logical3A_604, %and3A_607] : memref<1600x32xf32, #tpu.memory_space<vmem>>[vector<16xi32>, vector<16xi32>], vector<16xf32>,
        %mul3A_609 = arith.mulf %gather3A_586, %gather3A_608 : vector<16xf32>
        %add3A_610 = arith.addf %add3A_559, %mul3A_609 : vector<16xf32>
        %add3A_611 = arith.constant 532 : i32
        %add3A_612 = vector.broadcast %add3A_611 : i32 to vector<16xi32>
        %add3A_613 = arith.addi %add3A_68, %add3A_612 : vector<16xi32>
        %shift_right_logical3A_614 = arith.constant 5 : i32
        %shift_right_logical3A_615 = vector.broadcast %shift_right_logical3A_614 : i32 to vector<16xi32>
        %shift_right_logical3A_616 = arith.shrui %add3A_613, %shift_right_logical3A_615 : vector<16xi32>
        %and3A_617 = arith.constant 31 : i32
        %and3A_618 = vector.broadcast %and3A_617 : i32 to vector<16xi32>
        %and3A_619 = arith.andi %add3A_613, %and3A_618 : vector<16xi32>
        %gather3A_620 = tpu.vector_load_idx %arg10[%shift_right_logical3A_616, %and3A_619] : memref<1600x32xf32, #tpu.memory_space<vmem>>[vector<16xi32>, vector<16xi32>], vector<16xf32>,
        %mul3A_621 = arith.mulf %gather3A_586, %gather3A_620 : vector<16xf32>
        %add3A_622 = arith.addf %add3A_571, %mul3A_621 : vector<16xf32>
        %add3A_623 = arith.constant 534 : i32
        %add3A_624 = vector.broadcast %add3A_623 : i32 to vector<16xi32>
        %add3A_625 = arith.addi %add3A_68, %add3A_624 : vector<16xi32>
        %shift_right_logical3A_626 = arith.constant 5 : i32
        %shift_right_logical3A_627 = vector.broadcast %shift_right_logical3A_626 : i32 to vector<16xi32>
        %shift_right_logical3A_628 = arith.shrui %add3A_625, %shift_right_logical3A_627 : vector<16xi32>
        %and3A_629 = arith.constant 31 : i32
        %and3A_630 = vector.broadcast %and3A_629 : i32 to vector<16xi32>
        %and3A_631 = arith.andi %add3A_625, %and3A_630 : vector<16xi32>
        %gather3A_632 = tpu.vector_load_idx %arg10[%shift_right_logical3A_628, %and3A_631] : memref<1600x32xf32, #tpu.memory_space<vmem>>[vector<16xi32>, vector<16xi32>], vector<16xf32>,
        %mul3A_633 = arith.mulf %gather3A_586, %gather3A_632 : vector<16xf32>
        %add3A_634 = arith.addf %add3A_583, %mul3A_633 : vector<16xf32>
        %broadcast_in_dim3A_635 = arith.constant 11 : i32
        %broadcast_in_dim3A_636 = vector.broadcast %broadcast_in_dim3A_635 : i32 to vector<16xi32>
        %gather3A_637 = tpu.vector_load_idx %arg8[%broadcast_in_dim3A, %broadcast_in_dim3A_636] : memref<32x32xf32, #tpu.memory_space<vmem>>[vector<16xi32>, vector<16xi32>], vector<16xf32>,
        %add3A_638 = arith.constant 550 : i32
        %add3A_639 = vector.broadcast %add3A_638 : i32 to vector<16xi32>
        %add3A_640 = arith.addi %add3A_68, %add3A_639 : vector<16xi32>
        %shift_right_logical3A_641 = arith.constant 5 : i32
        %shift_right_logical3A_642 = vector.broadcast %shift_right_logical3A_641 : i32 to vector<16xi32>
        %shift_right_logical3A_643 = arith.shrui %add3A_640, %shift_right_logical3A_642 : vector<16xi32>
        %and3A_644 = arith.constant 31 : i32
        %and3A_645 = vector.broadcast %and3A_644 : i32 to vector<16xi32>
        %and3A_646 = arith.andi %add3A_640, %and3A_645 : vector<16xi32>
        %gather3A_647 = tpu.vector_load_idx %arg10[%shift_right_logical3A_643, %and3A_646] : memref<1600x32xf32, #tpu.memory_space<vmem>>[vector<16xi32>, vector<16xi32>], vector<16xf32>,
        %mul3A_648 = arith.mulf %gather3A_637, %gather3A_647 : vector<16xf32>
        %add3A_649 = arith.addf %add3A_598, %mul3A_648 : vector<16xf32>
        %add3A_650 = arith.constant 566 : i32
        %add3A_651 = vector.broadcast %add3A_650 : i32 to vector<16xi32>
        %add3A_652 = arith.addi %add3A_68, %add3A_651 : vector<16xi32>
        %shift_right_logical3A_653 = arith.constant 5 : i32
        %shift_right_logical3A_654 = vector.broadcast %shift_right_logical3A_653 : i32 to vector<16xi32>
        %shift_right_logical3A_655 = arith.shrui %add3A_652, %shift_right_logical3A_654 : vector<16xi32>
        %and3A_656 = arith.constant 31 : i32
        %and3A_657 = vector.broadcast %and3A_656 : i32 to vector<16xi32>
        %and3A_658 = arith.andi %add3A_652, %and3A_657 : vector<16xi32>
        %gather3A_659 = tpu.vector_load_idx %arg10[%shift_right_logical3A_655, %and3A_658] : memref<1600x32xf32, #tpu.memory_space<vmem>>[vector<16xi32>, vector<16xi32>], vector<16xf32>,
        %mul3A_660 = arith.mulf %gather3A_637, %gather3A_659 : vector<16xf32>
        %add3A_661 = arith.addf %add3A_610, %mul3A_660 : vector<16xf32>
        %add3A_662 = arith.constant 582 : i32
        %add3A_663 = vector.broadcast %add3A_662 : i32 to vector<16xi32>
        %add3A_664 = arith.addi %add3A_68, %add3A_663 : vector<16xi32>
        %shift_right_logical3A_665 = arith.constant 5 : i32
        %shift_right_logical3A_666 = vector.broadcast %shift_right_logical3A_665 : i32 to vector<16xi32>
        %shift_right_logical3A_667 = arith.shrui %add3A_664, %shift_right_logical3A_666 : vector<16xi32>
        %and3A_668 = arith.constant 31 : i32
        %and3A_669 = vector.broadcast %and3A_668 : i32 to vector<16xi32>
        %and3A_670 = arith.andi %add3A_664, %and3A_669 : vector<16xi32>
        %gather3A_671 = tpu.vector_load_idx %arg10[%shift_right_logical3A_667, %and3A_670] : memref<1600x32xf32, #tpu.memory_space<vmem>>[vector<16xi32>, vector<16xi32>], vector<16xf32>,
        %mul3A_672 = arith.mulf %gather3A_637, %gather3A_671 : vector<16xf32>
        %add3A_673 = arith.addf %add3A_622, %mul3A_672 : vector<16xf32>
        %add3A_674 = arith.constant 584 : i32
        %add3A_675 = vector.broadcast %add3A_674 : i32 to vector<16xi32>
        %add3A_676 = arith.addi %add3A_68, %add3A_675 : vector<16xi32>
        %shift_right_logical3A_677 = arith.constant 5 : i32
        %shift_right_logical3A_678 = vector.broadcast %shift_right_logical3A_677 : i32 to vector<16xi32>
        %shift_right_logical3A_679 = arith.shrui %add3A_676, %shift_right_logical3A_678 : vector<16xi32>
        %and3A_680 = arith.constant 31 : i32
        %and3A_681 = vector.broadcast %and3A_680 : i32 to vector<16xi32>
        %and3A_682 = arith.andi %add3A_676, %and3A_681 : vector<16xi32>
        %gather3A_683 = tpu.vector_load_idx %arg10[%shift_right_logical3A_679, %and3A_682] : memref<1600x32xf32, #tpu.memory_space<vmem>>[vector<16xi32>, vector<16xi32>], vector<16xf32>,
        %mul3A_684 = arith.mulf %gather3A_637, %gather3A_683 : vector<16xf32>
        %add3A_685 = arith.addf %add3A_634, %mul3A_684 : vector<16xf32>
        %broadcast_in_dim3A_686 = arith.constant 12 : i32
        %broadcast_in_dim3A_687 = vector.broadcast %broadcast_in_dim3A_686 : i32 to vector<16xi32>
        %gather3A_688 = tpu.vector_load_idx %arg8[%broadcast_in_dim3A, %broadcast_in_dim3A_687] : memref<32x32xf32, #tpu.memory_space<vmem>>[vector<16xi32>, vector<16xi32>], vector<16xf32>,
        %add3A_689 = arith.constant 600 : i32
        %add3A_690 = vector.broadcast %add3A_689 : i32 to vector<16xi32>
        %add3A_691 = arith.addi %add3A_68, %add3A_690 : vector<16xi32>
        %shift_right_logical3A_692 = arith.constant 5 : i32
        %shift_right_logical3A_693 = vector.broadcast %shift_right_logical3A_692 : i32 to vector<16xi32>
        %shift_right_logical3A_694 = arith.shrui %add3A_691, %shift_right_logical3A_693 : vector<16xi32>
        %and3A_695 = arith.constant 31 : i32
        %and3A_696 = vector.broadcast %and3A_695 : i32 to vector<16xi32>
        %and3A_697 = arith.andi %add3A_691, %and3A_696 : vector<16xi32>
        %gather3A_698 = tpu.vector_load_idx %arg10[%shift_right_logical3A_694, %and3A_697] : memref<1600x32xf32, #tpu.memory_space<vmem>>[vector<16xi32>, vector<16xi32>], vector<16xf32>,
        %mul3A_699 = arith.mulf %gather3A_688, %gather3A_698 : vector<16xf32>
        %add3A_700 = arith.addf %add3A_649, %mul3A_699 : vector<16xf32>
        %add3A_701 = arith.constant 616 : i32
        %add3A_702 = vector.broadcast %add3A_701 : i32 to vector<16xi32>
        %add3A_703 = arith.addi %add3A_68, %add3A_702 : vector<16xi32>
        %shift_right_logical3A_704 = arith.constant 5 : i32
        %shift_right_logical3A_705 = vector.broadcast %shift_right_logical3A_704 : i32 to vector<16xi32>
        %shift_right_logical3A_706 = arith.shrui %add3A_703, %shift_right_logical3A_705 : vector<16xi32>
        %and3A_707 = arith.constant 31 : i32
        %and3A_708 = vector.broadcast %and3A_707 : i32 to vector<16xi32>
        %and3A_709 = arith.andi %add3A_703, %and3A_708 : vector<16xi32>
        %gather3A_710 = tpu.vector_load_idx %arg10[%shift_right_logical3A_706, %and3A_709] : memref<1600x32xf32, #tpu.memory_space<vmem>>[vector<16xi32>, vector<16xi32>], vector<16xf32>,
        %mul3A_711 = arith.mulf %gather3A_688, %gather3A_710 : vector<16xf32>
        %add3A_712 = arith.addf %add3A_661, %mul3A_711 : vector<16xf32>
        %add3A_713 = arith.constant 632 : i32
        %add3A_714 = vector.broadcast %add3A_713 : i32 to vector<16xi32>
        %add3A_715 = arith.addi %add3A_68, %add3A_714 : vector<16xi32>
        %shift_right_logical3A_716 = arith.constant 5 : i32
        %shift_right_logical3A_717 = vector.broadcast %shift_right_logical3A_716 : i32 to vector<16xi32>
        %shift_right_logical3A_718 = arith.shrui %add3A_715, %shift_right_logical3A_717 : vector<16xi32>
        %and3A_719 = arith.constant 31 : i32
        %and3A_720 = vector.broadcast %and3A_719 : i32 to vector<16xi32>
        %and3A_721 = arith.andi %add3A_715, %and3A_720 : vector<16xi32>
        %gather3A_722 = tpu.vector_load_idx %arg10[%shift_right_logical3A_718, %and3A_721] : memref<1600x32xf32, #tpu.memory_space<vmem>>[vector<16xi32>, vector<16xi32>], vector<16xf32>,
        %mul3A_723 = arith.mulf %gather3A_688, %gather3A_722 : vector<16xf32>
        %add3A_724 = arith.addf %add3A_673, %mul3A_723 : vector<16xf32>
        %add3A_725 = arith.constant 634 : i32
        %add3A_726 = vector.broadcast %add3A_725 : i32 to vector<16xi32>
        %add3A_727 = arith.addi %add3A_68, %add3A_726 : vector<16xi32>
        %shift_right_logical3A_728 = arith.constant 5 : i32
        %shift_right_logical3A_729 = vector.broadcast %shift_right_logical3A_728 : i32 to vector<16xi32>
        %shift_right_logical3A_730 = arith.shrui %add3A_727, %shift_right_logical3A_729 : vector<16xi32>
        %and3A_731 = arith.constant 31 : i32
        %and3A_732 = vector.broadcast %and3A_731 : i32 to vector<16xi32>
        %and3A_733 = arith.andi %add3A_727, %and3A_732 : vector<16xi32>
        %gather3A_734 = tpu.vector_load_idx %arg10[%shift_right_logical3A_730, %and3A_733] : memref<1600x32xf32, #tpu.memory_space<vmem>>[vector<16xi32>, vector<16xi32>], vector<16xf32>,
        %mul3A_735 = arith.mulf %gather3A_688, %gather3A_734 : vector<16xf32>
        %add3A_736 = arith.addf %add3A_685, %mul3A_735 : vector<16xf32>
        %broadcast_in_dim3A_737 = arith.constant 13 : i32
        %broadcast_in_dim3A_738 = vector.broadcast %broadcast_in_dim3A_737 : i32 to vector<16xi32>
        %gather3A_739 = tpu.vector_load_idx %arg8[%broadcast_in_dim3A, %broadcast_in_dim3A_738] : memref<32x32xf32, #tpu.memory_space<vmem>>[vector<16xi32>, vector<16xi32>], vector<16xf32>,
        %add3A_740 = arith.constant 650 : i32
        %add3A_741 = vector.broadcast %add3A_740 : i32 to vector<16xi32>
        %add3A_742 = arith.addi %add3A_68, %add3A_741 : vector<16xi32>
        %shift_right_logical3A_743 = arith.constant 5 : i32
        %shift_right_logical3A_744 = vector.broadcast %shift_right_logical3A_743 : i32 to vector<16xi32>
        %shift_right_logical3A_745 = arith.shrui %add3A_742, %shift_right_logical3A_744 : vector<16xi32>
        %and3A_746 = arith.constant 31 : i32
        %and3A_747 = vector.broadcast %and3A_746 : i32 to vector<16xi32>
        %and3A_748 = arith.andi %add3A_742, %and3A_747 : vector<16xi32>
        %gather3A_749 = tpu.vector_load_idx %arg10[%shift_right_logical3A_745, %and3A_748] : memref<1600x32xf32, #tpu.memory_space<vmem>>[vector<16xi32>, vector<16xi32>], vector<16xf32>,
        %mul3A_750 = arith.mulf %gather3A_739, %gather3A_749 : vector<16xf32>
        %add3A_751 = arith.addf %add3A_700, %mul3A_750 : vector<16xf32>
        %add3A_752 = arith.constant 666 : i32
        %add3A_753 = vector.broadcast %add3A_752 : i32 to vector<16xi32>
        %add3A_754 = arith.addi %add3A_68, %add3A_753 : vector<16xi32>
        %shift_right_logical3A_755 = arith.constant 5 : i32
        %shift_right_logical3A_756 = vector.broadcast %shift_right_logical3A_755 : i32 to vector<16xi32>
        %shift_right_logical3A_757 = arith.shrui %add3A_754, %shift_right_logical3A_756 : vector<16xi32>
        %and3A_758 = arith.constant 31 : i32
        %and3A_759 = vector.broadcast %and3A_758 : i32 to vector<16xi32>
        %and3A_760 = arith.andi %add3A_754, %and3A_759 : vector<16xi32>
        %gather3A_761 = tpu.vector_load_idx %arg10[%shift_right_logical3A_757, %and3A_760] : memref<1600x32xf32, #tpu.memory_space<vmem>>[vector<16xi32>, vector<16xi32>], vector<16xf32>,
        %mul3A_762 = arith.mulf %gather3A_739, %gather3A_761 : vector<16xf32>
        %add3A_763 = arith.addf %add3A_712, %mul3A_762 : vector<16xf32>
        %add3A_764 = arith.constant 682 : i32
        %add3A_765 = vector.broadcast %add3A_764 : i32 to vector<16xi32>
        %add3A_766 = arith.addi %add3A_68, %add3A_765 : vector<16xi32>
        %shift_right_logical3A_767 = arith.constant 5 : i32
        %shift_right_logical3A_768 = vector.broadcast %shift_right_logical3A_767 : i32 to vector<16xi32>
        %shift_right_logical3A_769 = arith.shrui %add3A_766, %shift_right_logical3A_768 : vector<16xi32>
        %and3A_770 = arith.constant 31 : i32
        %and3A_771 = vector.broadcast %and3A_770 : i32 to vector<16xi32>
        %and3A_772 = arith.andi %add3A_766, %and3A_771 : vector<16xi32>
        %gather3A_773 = tpu.vector_load_idx %arg10[%shift_right_logical3A_769, %and3A_772] : memref<1600x32xf32, #tpu.memory_space<vmem>>[vector<16xi32>, vector<16xi32>], vector<16xf32>,
        %mul3A_774 = arith.mulf %gather3A_739, %gather3A_773 : vector<16xf32>
        %add3A_775 = arith.addf %add3A_724, %mul3A_774 : vector<16xf32>
        %add3A_776 = arith.constant 684 : i32
        %add3A_777 = vector.broadcast %add3A_776 : i32 to vector<16xi32>
        %add3A_778 = arith.addi %add3A_68, %add3A_777 : vector<16xi32>
        %shift_right_logical3A_779 = arith.constant 5 : i32
        %shift_right_logical3A_780 = vector.broadcast %shift_right_logical3A_779 : i32 to vector<16xi32>
        %shift_right_logical3A_781 = arith.shrui %add3A_778, %shift_right_logical3A_780 : vector<16xi32>
        %and3A_782 = arith.constant 31 : i32
        %and3A_783 = vector.broadcast %and3A_782 : i32 to vector<16xi32>
        %and3A_784 = arith.andi %add3A_778, %and3A_783 : vector<16xi32>
        %gather3A_785 = tpu.vector_load_idx %arg10[%shift_right_logical3A_781, %and3A_784] : memref<1600x32xf32, #tpu.memory_space<vmem>>[vector<16xi32>, vector<16xi32>], vector<16xf32>,
        %mul3A_786 = arith.mulf %gather3A_739, %gather3A_785 : vector<16xf32>
        %add3A_787 = arith.addf %add3A_736, %mul3A_786 : vector<16xf32>
        %broadcast_in_dim3A_788 = arith.constant 14 : i32
        %broadcast_in_dim3A_789 = vector.broadcast %broadcast_in_dim3A_788 : i32 to vector<16xi32>
        %gather3A_790 = tpu.vector_load_idx %arg8[%broadcast_in_dim3A, %broadcast_in_dim3A_789] : memref<32x32xf32, #tpu.memory_space<vmem>>[vector<16xi32>, vector<16xi32>], vector<16xf32>,
        %add3A_791 = arith.constant 700 : i32
        %add3A_792 = vector.broadcast %add3A_791 : i32 to vector<16xi32>
        %add3A_793 = arith.addi %add3A_68, %add3A_792 : vector<16xi32>
        %shift_right_logical3A_794 = arith.constant 5 : i32
        %shift_right_logical3A_795 = vector.broadcast %shift_right_logical3A_794 : i32 to vector<16xi32>
        %shift_right_logical3A_796 = arith.shrui %add3A_793, %shift_right_logical3A_795 : vector<16xi32>
        %and3A_797 = arith.constant 31 : i32
        %and3A_798 = vector.broadcast %and3A_797 : i32 to vector<16xi32>
        %and3A_799 = arith.andi %add3A_793, %and3A_798 : vector<16xi32>
        %gather3A_800 = tpu.vector_load_idx %arg10[%shift_right_logical3A_796, %and3A_799] : memref<1600x32xf32, #tpu.memory_space<vmem>>[vector<16xi32>, vector<16xi32>], vector<16xf32>,
        %mul3A_801 = arith.mulf %gather3A_790, %gather3A_800 : vector<16xf32>
        %add3A_802 = arith.addf %add3A_751, %mul3A_801 : vector<16xf32>
        %add3A_803 = arith.constant 716 : i32
        %add3A_804 = vector.broadcast %add3A_803 : i32 to vector<16xi32>
        %add3A_805 = arith.addi %add3A_68, %add3A_804 : vector<16xi32>
        %shift_right_logical3A_806 = arith.constant 5 : i32
        %shift_right_logical3A_807 = vector.broadcast %shift_right_logical3A_806 : i32 to vector<16xi32>
        %shift_right_logical3A_808 = arith.shrui %add3A_805, %shift_right_logical3A_807 : vector<16xi32>
        %and3A_809 = arith.constant 31 : i32
        %and3A_810 = vector.broadcast %and3A_809 : i32 to vector<16xi32>
        %and3A_811 = arith.andi %add3A_805, %and3A_810 : vector<16xi32>
        %gather3A_812 = tpu.vector_load_idx %arg10[%shift_right_logical3A_808, %and3A_811] : memref<1600x32xf32, #tpu.memory_space<vmem>>[vector<16xi32>, vector<16xi32>], vector<16xf32>,
        %mul3A_813 = arith.mulf %gather3A_790, %gather3A_812 : vector<16xf32>
        %add3A_814 = arith.addf %add3A_763, %mul3A_813 : vector<16xf32>
        %add3A_815 = arith.constant 732 : i32
        %add3A_816 = vector.broadcast %add3A_815 : i32 to vector<16xi32>
        %add3A_817 = arith.addi %add3A_68, %add3A_816 : vector<16xi32>
        %shift_right_logical3A_818 = arith.constant 5 : i32
        %shift_right_logical3A_819 = vector.broadcast %shift_right_logical3A_818 : i32 to vector<16xi32>
        %shift_right_logical3A_820 = arith.shrui %add3A_817, %shift_right_logical3A_819 : vector<16xi32>
        %and3A_821 = arith.constant 31 : i32
        %and3A_822 = vector.broadcast %and3A_821 : i32 to vector<16xi32>
        %and3A_823 = arith.andi %add3A_817, %and3A_822 : vector<16xi32>
        %gather3A_824 = tpu.vector_load_idx %arg10[%shift_right_logical3A_820, %and3A_823] : memref<1600x32xf32, #tpu.memory_space<vmem>>[vector<16xi32>, vector<16xi32>], vector<16xf32>,
        %mul3A_825 = arith.mulf %gather3A_790, %gather3A_824 : vector<16xf32>
        %add3A_826 = arith.addf %add3A_775, %mul3A_825 : vector<16xf32>
        %add3A_827 = arith.constant 734 : i32
        %add3A_828 = vector.broadcast %add3A_827 : i32 to vector<16xi32>
        %add3A_829 = arith.addi %add3A_68, %add3A_828 : vector<16xi32>
        %shift_right_logical3A_830 = arith.constant 5 : i32
        %shift_right_logical3A_831 = vector.broadcast %shift_right_logical3A_830 : i32 to vector<16xi32>
        %shift_right_logical3A_832 = arith.shrui %add3A_829, %shift_right_logical3A_831 : vector<16xi32>
        %and3A_833 = arith.constant 31 : i32
        %and3A_834 = vector.broadcast %and3A_833 : i32 to vector<16xi32>
        %and3A_835 = arith.andi %add3A_829, %and3A_834 : vector<16xi32>
        %gather3A_836 = tpu.vector_load_idx %arg10[%shift_right_logical3A_832, %and3A_835] : memref<1600x32xf32, #tpu.memory_space<vmem>>[vector<16xi32>, vector<16xi32>], vector<16xf32>,
        %mul3A_837 = arith.mulf %gather3A_790, %gather3A_836 : vector<16xf32>
        %add3A_838 = arith.addf %add3A_787, %mul3A_837 : vector<16xf32>
        %broadcast_in_dim3A_839 = arith.constant 15 : i32
        %broadcast_in_dim3A_840 = vector.broadcast %broadcast_in_dim3A_839 : i32 to vector<16xi32>
        %gather3A_841 = tpu.vector_load_idx %arg8[%broadcast_in_dim3A, %broadcast_in_dim3A_840] : memref<32x32xf32, #tpu.memory_space<vmem>>[vector<16xi32>, vector<16xi32>], vector<16xf32>,
        %add3A_842 = arith.constant 750 : i32
        %add3A_843 = vector.broadcast %add3A_842 : i32 to vector<16xi32>
        %add3A_844 = arith.addi %add3A_68, %add3A_843 : vector<16xi32>
        %shift_right_logical3A_845 = arith.constant 5 : i32
        %shift_right_logical3A_846 = vector.broadcast %shift_right_logical3A_845 : i32 to vector<16xi32>
        %shift_right_logical3A_847 = arith.shrui %add3A_844, %shift_right_logical3A_846 : vector<16xi32>
        %and3A_848 = arith.constant 31 : i32
        %and3A_849 = vector.broadcast %and3A_848 : i32 to vector<16xi32>
        %and3A_850 = arith.andi %add3A_844, %and3A_849 : vector<16xi32>
        %gather3A_851 = tpu.vector_load_idx %arg10[%shift_right_logical3A_847, %and3A_850] : memref<1600x32xf32, #tpu.memory_space<vmem>>[vector<16xi32>, vector<16xi32>], vector<16xf32>,
        %mul3A_852 = arith.mulf %gather3A_841, %gather3A_851 : vector<16xf32>
        %add3A_853 = arith.addf %add3A_802, %mul3A_852 : vector<16xf32>
        %add3A_854 = arith.constant 766 : i32
        %add3A_855 = vector.broadcast %add3A_854 : i32 to vector<16xi32>
        %add3A_856 = arith.addi %add3A_68, %add3A_855 : vector<16xi32>
        %shift_right_logical3A_857 = arith.constant 5 : i32
        %shift_right_logical3A_858 = vector.broadcast %shift_right_logical3A_857 : i32 to vector<16xi32>
        %shift_right_logical3A_859 = arith.shrui %add3A_856, %shift_right_logical3A_858 : vector<16xi32>
        %and3A_860 = arith.constant 31 : i32
        %and3A_861 = vector.broadcast %and3A_860 : i32 to vector<16xi32>
        %and3A_862 = arith.andi %add3A_856, %and3A_861 : vector<16xi32>
        %gather3A_863 = tpu.vector_load_idx %arg10[%shift_right_logical3A_859, %and3A_862] : memref<1600x32xf32, #tpu.memory_space<vmem>>[vector<16xi32>, vector<16xi32>], vector<16xf32>,
        %mul3A_864 = arith.mulf %gather3A_841, %gather3A_863 : vector<16xf32>
        %add3A_865 = arith.addf %add3A_814, %mul3A_864 : vector<16xf32>
        %add3A_866 = arith.constant 782 : i32
        %add3A_867 = vector.broadcast %add3A_866 : i32 to vector<16xi32>
        %add3A_868 = arith.addi %add3A_68, %add3A_867 : vector<16xi32>
        %shift_right_logical3A_869 = arith.constant 5 : i32
        %shift_right_logical3A_870 = vector.broadcast %shift_right_logical3A_869 : i32 to vector<16xi32>
        %shift_right_logical3A_871 = arith.shrui %add3A_868, %shift_right_logical3A_870 : vector<16xi32>
        %and3A_872 = arith.constant 31 : i32
        %and3A_873 = vector.broadcast %and3A_872 : i32 to vector<16xi32>
        %and3A_874 = arith.andi %add3A_868, %and3A_873 : vector<16xi32>
        %gather3A_875 = tpu.vector_load_idx %arg10[%shift_right_logical3A_871, %and3A_874] : memref<1600x32xf32, #tpu.memory_space<vmem>>[vector<16xi32>, vector<16xi32>], vector<16xf32>,
        %mul3A_876 = arith.mulf %gather3A_841, %gather3A_875 : vector<16xf32>
        %add3A_877 = arith.addf %add3A_826, %mul3A_876 : vector<16xf32>
        %add3A_878 = arith.constant 784 : i32
        %add3A_879 = vector.broadcast %add3A_878 : i32 to vector<16xi32>
        %add3A_880 = arith.addi %add3A_68, %add3A_879 : vector<16xi32>
        %shift_right_logical3A_881 = arith.constant 5 : i32
        %shift_right_logical3A_882 = vector.broadcast %shift_right_logical3A_881 : i32 to vector<16xi32>
        %shift_right_logical3A_883 = arith.shrui %add3A_880, %shift_right_logical3A_882 : vector<16xi32>
        %and3A_884 = arith.constant 31 : i32
        %and3A_885 = vector.broadcast %and3A_884 : i32 to vector<16xi32>
        %and3A_886 = arith.andi %add3A_880, %and3A_885 : vector<16xi32>
        %gather3A_887 = tpu.vector_load_idx %arg10[%shift_right_logical3A_883, %and3A_886] : memref<1600x32xf32, #tpu.memory_space<vmem>>[vector<16xi32>, vector<16xi32>], vector<16xf32>,
        %mul3A_888 = arith.mulf %gather3A_841, %gather3A_887 : vector<16xf32>
        %add3A_889 = arith.addf %add3A_838, %mul3A_888 : vector<16xf32>
        %broadcast_in_dim3A_890 = arith.constant 16 : i32
        %broadcast_in_dim3A_891 = vector.broadcast %broadcast_in_dim3A_890 : i32 to vector<16xi32>
        %gather3A_892 = tpu.vector_load_idx %arg8[%broadcast_in_dim3A, %broadcast_in_dim3A_891] : memref<32x32xf32, #tpu.memory_space<vmem>>[vector<16xi32>, vector<16xi32>], vector<16xf32>,
        %add3A_893 = arith.constant 800 : i32
        %add3A_894 = vector.broadcast %add3A_893 : i32 to vector<16xi32>
        %add3A_895 = arith.addi %add3A_68, %add3A_894 : vector<16xi32>
        %shift_right_logical3A_896 = arith.constant 5 : i32
        %shift_right_logical3A_897 = vector.broadcast %shift_right_logical3A_896 : i32 to vector<16xi32>
        %shift_right_logical3A_898 = arith.shrui %add3A_895, %shift_right_logical3A_897 : vector<16xi32>
        %and3A_899 = arith.constant 31 : i32
        %and3A_900 = vector.broadcast %and3A_899 : i32 to vector<16xi32>
        %and3A_901 = arith.andi %add3A_895, %and3A_900 : vector<16xi32>
        %gather3A_902 = tpu.vector_load_idx %arg10[%shift_right_logical3A_898, %and3A_901] : memref<1600x32xf32, #tpu.memory_space<vmem>>[vector<16xi32>, vector<16xi32>], vector<16xf32>,
        %mul3A_903 = arith.mulf %gather3A_892, %gather3A_902 : vector<16xf32>
        %add3A_904 = arith.addf %add3A_853, %mul3A_903 : vector<16xf32>
        %add3A_905 = arith.constant 816 : i32
        %add3A_906 = vector.broadcast %add3A_905 : i32 to vector<16xi32>
        %add3A_907 = arith.addi %add3A_68, %add3A_906 : vector<16xi32>
        %shift_right_logical3A_908 = arith.constant 5 : i32
        %shift_right_logical3A_909 = vector.broadcast %shift_right_logical3A_908 : i32 to vector<16xi32>
        %shift_right_logical3A_910 = arith.shrui %add3A_907, %shift_right_logical3A_909 : vector<16xi32>
        %and3A_911 = arith.constant 31 : i32
        %and3A_912 = vector.broadcast %and3A_911 : i32 to vector<16xi32>
        %and3A_913 = arith.andi %add3A_907, %and3A_912 : vector<16xi32>
        %gather3A_914 = tpu.vector_load_idx %arg10[%shift_right_logical3A_910, %and3A_913] : memref<1600x32xf32, #tpu.memory_space<vmem>>[vector<16xi32>, vector<16xi32>], vector<16xf32>,
        %mul3A_915 = arith.mulf %gather3A_892, %gather3A_914 : vector<16xf32>
        %add3A_916 = arith.addf %add3A_865, %mul3A_915 : vector<16xf32>
        %add3A_917 = arith.constant 832 : i32
        %add3A_918 = vector.broadcast %add3A_917 : i32 to vector<16xi32>
        %add3A_919 = arith.addi %add3A_68, %add3A_918 : vector<16xi32>
        %shift_right_logical3A_920 = arith.constant 5 : i32
        %shift_right_logical3A_921 = vector.broadcast %shift_right_logical3A_920 : i32 to vector<16xi32>
        %shift_right_logical3A_922 = arith.shrui %add3A_919, %shift_right_logical3A_921 : vector<16xi32>
        %and3A_923 = arith.constant 31 : i32
        %and3A_924 = vector.broadcast %and3A_923 : i32 to vector<16xi32>
        %and3A_925 = arith.andi %add3A_919, %and3A_924 : vector<16xi32>
        %gather3A_926 = tpu.vector_load_idx %arg10[%shift_right_logical3A_922, %and3A_925] : memref<1600x32xf32, #tpu.memory_space<vmem>>[vector<16xi32>, vector<16xi32>], vector<16xf32>,
        %mul3A_927 = arith.mulf %gather3A_892, %gather3A_926 : vector<16xf32>
        %add3A_928 = arith.addf %add3A_877, %mul3A_927 : vector<16xf32>
        %add3A_929 = arith.constant 834 : i32
        %add3A_930 = vector.broadcast %add3A_929 : i32 to vector<16xi32>
        %add3A_931 = arith.addi %add3A_68, %add3A_930 : vector<16xi32>
        %shift_right_logical3A_932 = arith.constant 5 : i32
        %shift_right_logical3A_933 = vector.broadcast %shift_right_logical3A_932 : i32 to vector<16xi32>
        %shift_right_logical3A_934 = arith.shrui %add3A_931, %shift_right_logical3A_933 : vector<16xi32>
        %and3A_935 = arith.constant 31 : i32
        %and3A_936 = vector.broadcast %and3A_935 : i32 to vector<16xi32>
        %and3A_937 = arith.andi %add3A_931, %and3A_936 : vector<16xi32>
        %gather3A_938 = tpu.vector_load_idx %arg10[%shift_right_logical3A_934, %and3A_937] : memref<1600x32xf32, #tpu.memory_space<vmem>>[vector<16xi32>, vector<16xi32>], vector<16xf32>,
        %mul3A_939 = arith.mulf %gather3A_892, %gather3A_938 : vector<16xf32>
        %add3A_940 = arith.addf %add3A_889, %mul3A_939 : vector<16xf32>
        %broadcast_in_dim3A_941 = arith.constant 17 : i32
        %broadcast_in_dim3A_942 = vector.broadcast %broadcast_in_dim3A_941 : i32 to vector<16xi32>
        %gather3A_943 = tpu.vector_load_idx %arg8[%broadcast_in_dim3A, %broadcast_in_dim3A_942] : memref<32x32xf32, #tpu.memory_space<vmem>>[vector<16xi32>, vector<16xi32>], vector<16xf32>,
        %add3A_944 = arith.constant 850 : i32
        %add3A_945 = vector.broadcast %add3A_944 : i32 to vector<16xi32>
        %add3A_946 = arith.addi %add3A_68, %add3A_945 : vector<16xi32>
        %shift_right_logical3A_947 = arith.constant 5 : i32
        %shift_right_logical3A_948 = vector.broadcast %shift_right_logical3A_947 : i32 to vector<16xi32>
        %shift_right_logical3A_949 = arith.shrui %add3A_946, %shift_right_logical3A_948 : vector<16xi32>
        %and3A_950 = arith.constant 31 : i32
        %and3A_951 = vector.broadcast %and3A_950 : i32 to vector<16xi32>
        %and3A_952 = arith.andi %add3A_946, %and3A_951 : vector<16xi32>
        %gather3A_953 = tpu.vector_load_idx %arg10[%shift_right_logical3A_949, %and3A_952] : memref<1600x32xf32, #tpu.memory_space<vmem>>[vector<16xi32>, vector<16xi32>], vector<16xf32>,
        %mul3A_954 = arith.mulf %gather3A_943, %gather3A_953 : vector<16xf32>
        %add3A_955 = arith.addf %add3A_904, %mul3A_954 : vector<16xf32>
        %add3A_956 = arith.constant 866 : i32
        %add3A_957 = vector.broadcast %add3A_956 : i32 to vector<16xi32>
        %add3A_958 = arith.addi %add3A_68, %add3A_957 : vector<16xi32>
        %shift_right_logical3A_959 = arith.constant 5 : i32
        %shift_right_logical3A_960 = vector.broadcast %shift_right_logical3A_959 : i32 to vector<16xi32>
        %shift_right_logical3A_961 = arith.shrui %add3A_958, %shift_right_logical3A_960 : vector<16xi32>
        %and3A_962 = arith.constant 31 : i32
        %and3A_963 = vector.broadcast %and3A_962 : i32 to vector<16xi32>
        %and3A_964 = arith.andi %add3A_958, %and3A_963 : vector<16xi32>
        %gather3A_965 = tpu.vector_load_idx %arg10[%shift_right_logical3A_961, %and3A_964] : memref<1600x32xf32, #tpu.memory_space<vmem>>[vector<16xi32>, vector<16xi32>], vector<16xf32>,
        %mul3A_966 = arith.mulf %gather3A_943, %gather3A_965 : vector<16xf32>
        %add3A_967 = arith.addf %add3A_916, %mul3A_966 : vector<16xf32>
        %add3A_968 = arith.constant 882 : i32
        %add3A_969 = vector.broadcast %add3A_968 : i32 to vector<16xi32>
        %add3A_970 = arith.addi %add3A_68, %add3A_969 : vector<16xi32>
        %shift_right_logical3A_971 = arith.constant 5 : i32
        %shift_right_logical3A_972 = vector.broadcast %shift_right_logical3A_971 : i32 to vector<16xi32>
        %shift_right_logical3A_973 = arith.shrui %add3A_970, %shift_right_logical3A_972 : vector<16xi32>
        %and3A_974 = arith.constant 31 : i32
        %and3A_975 = vector.broadcast %and3A_974 : i32 to vector<16xi32>
        %and3A_976 = arith.andi %add3A_970, %and3A_975 : vector<16xi32>
        %gather3A_977 = tpu.vector_load_idx %arg10[%shift_right_logical3A_973, %and3A_976] : memref<1600x32xf32, #tpu.memory_space<vmem>>[vector<16xi32>, vector<16xi32>], vector<16xf32>,
        %mul3A_978 = arith.mulf %gather3A_943, %gather3A_977 : vector<16xf32>
        %add3A_979 = arith.addf %add3A_928, %mul3A_978 : vector<16xf32>
        %add3A_980 = arith.constant 884 : i32
        %add3A_981 = vector.broadcast %add3A_980 : i32 to vector<16xi32>
        %add3A_982 = arith.addi %add3A_68, %add3A_981 : vector<16xi32>
        %shift_right_logical3A_983 = arith.constant 5 : i32
        %shift_right_logical3A_984 = vector.broadcast %shift_right_logical3A_983 : i32 to vector<16xi32>
        %shift_right_logical3A_985 = arith.shrui %add3A_982, %shift_right_logical3A_984 : vector<16xi32>
        %and3A_986 = arith.constant 31 : i32
        %and3A_987 = vector.broadcast %and3A_986 : i32 to vector<16xi32>
        %and3A_988 = arith.andi %add3A_982, %and3A_987 : vector<16xi32>
        %gather3A_989 = tpu.vector_load_idx %arg10[%shift_right_logical3A_985, %and3A_988] : memref<1600x32xf32, #tpu.memory_space<vmem>>[vector<16xi32>, vector<16xi32>], vector<16xf32>,
        %mul3A_990 = arith.mulf %gather3A_943, %gather3A_989 : vector<16xf32>
        %add3A_991 = arith.addf %add3A_940, %mul3A_990 : vector<16xf32>
        %broadcast_in_dim3A_992 = arith.constant 18 : i32
        %broadcast_in_dim3A_993 = vector.broadcast %broadcast_in_dim3A_992 : i32 to vector<16xi32>
        %gather3A_994 = tpu.vector_load_idx %arg8[%broadcast_in_dim3A, %broadcast_in_dim3A_993] : memref<32x32xf32, #tpu.memory_space<vmem>>[vector<16xi32>, vector<16xi32>], vector<16xf32>,
        %add3A_995 = arith.constant 900 : i32
        %add3A_996 = vector.broadcast %add3A_995 : i32 to vector<16xi32>
        %add3A_997 = arith.addi %add3A_68, %add3A_996 : vector<16xi32>
        %shift_right_logical3A_998 = arith.constant 5 : i32
        %shift_right_logical3A_999 = vector.broadcast %shift_right_logical3A_998 : i32 to vector<16xi32>
        %shift_right_logical3A_1000 = arith.shrui %add3A_997, %shift_right_logical3A_999 : vector<16xi32>
        %and3A_1001 = arith.constant 31 : i32
        %and3A_1002 = vector.broadcast %and3A_1001 : i32 to vector<16xi32>
        %and3A_1003 = arith.andi %add3A_997, %and3A_1002 : vector<16xi32>
        %gather3A_1004 = tpu.vector_load_idx %arg10[%shift_right_logical3A_1000, %and3A_1003] : memref<1600x32xf32, #tpu.memory_space<vmem>>[vector<16xi32>, vector<16xi32>], vector<16xf32>,
        %mul3A_1005 = arith.mulf %gather3A_994, %gather3A_1004 : vector<16xf32>
        %add3A_1006 = arith.addf %add3A_955, %mul3A_1005 : vector<16xf32>
        %add3A_1007 = arith.constant 916 : i32
        %add3A_1008 = vector.broadcast %add3A_1007 : i32 to vector<16xi32>
        %add3A_1009 = arith.addi %add3A_68, %add3A_1008 : vector<16xi32>
        %shift_right_logical3A_1010 = arith.constant 5 : i32
        %shift_right_logical3A_1011 = vector.broadcast %shift_right_logical3A_1010 : i32 to vector<16xi32>
        %shift_right_logical3A_1012 = arith.shrui %add3A_1009, %shift_right_logical3A_1011 : vector<16xi32>
        %and3A_1013 = arith.constant 31 : i32
        %and3A_1014 = vector.broadcast %and3A_1013 : i32 to vector<16xi32>
        %and3A_1015 = arith.andi %add3A_1009, %and3A_1014 : vector<16xi32>
        %gather3A_1016 = tpu.vector_load_idx %arg10[%shift_right_logical3A_1012, %and3A_1015] : memref<1600x32xf32, #tpu.memory_space<vmem>>[vector<16xi32>, vector<16xi32>], vector<16xf32>,
        %mul3A_1017 = arith.mulf %gather3A_994, %gather3A_1016 : vector<16xf32>
        %add3A_1018 = arith.addf %add3A_967, %mul3A_1017 : vector<16xf32>
        %add3A_1019 = arith.constant 932 : i32
        %add3A_1020 = vector.broadcast %add3A_1019 : i32 to vector<16xi32>
        %add3A_1021 = arith.addi %add3A_68, %add3A_1020 : vector<16xi32>
        %shift_right_logical3A_1022 = arith.constant 5 : i32
        %shift_right_logical3A_1023 = vector.broadcast %shift_right_logical3A_1022 : i32 to vector<16xi32>
        %shift_right_logical3A_1024 = arith.shrui %add3A_1021, %shift_right_logical3A_1023 : vector<16xi32>
        %and3A_1025 = arith.constant 31 : i32
        %and3A_1026 = vector.broadcast %and3A_1025 : i32 to vector<16xi32>
        %and3A_1027 = arith.andi %add3A_1021, %and3A_1026 : vector<16xi32>
        %gather3A_1028 = tpu.vector_load_idx %arg10[%shift_right_logical3A_1024, %and3A_1027] : memref<1600x32xf32, #tpu.memory_space<vmem>>[vector<16xi32>, vector<16xi32>], vector<16xf32>,
        %mul3A_1029 = arith.mulf %gather3A_994, %gather3A_1028 : vector<16xf32>
        %add3A_1030 = arith.addf %add3A_979, %mul3A_1029 : vector<16xf32>
        %add3A_1031 = arith.constant 934 : i32
        %add3A_1032 = vector.broadcast %add3A_1031 : i32 to vector<16xi32>
        %add3A_1033 = arith.addi %add3A_68, %add3A_1032 : vector<16xi32>
        %shift_right_logical3A_1034 = arith.constant 5 : i32
        %shift_right_logical3A_1035 = vector.broadcast %shift_right_logical3A_1034 : i32 to vector<16xi32>
        %shift_right_logical3A_1036 = arith.shrui %add3A_1033, %shift_right_logical3A_1035 : vector<16xi32>
        %and3A_1037 = arith.constant 31 : i32
        %and3A_1038 = vector.broadcast %and3A_1037 : i32 to vector<16xi32>
        %and3A_1039 = arith.andi %add3A_1033, %and3A_1038 : vector<16xi32>
        %gather3A_1040 = tpu.vector_load_idx %arg10[%shift_right_logical3A_1036, %and3A_1039] : memref<1600x32xf32, #tpu.memory_space<vmem>>[vector<16xi32>, vector<16xi32>], vector<16xf32>,
        %mul3A_1041 = arith.mulf %gather3A_994, %gather3A_1040 : vector<16xf32>
        %add3A_1042 = arith.addf %add3A_991, %mul3A_1041 : vector<16xf32>
        %broadcast_in_dim3A_1043 = arith.constant 19 : i32
        %broadcast_in_dim3A_1044 = vector.broadcast %broadcast_in_dim3A_1043 : i32 to vector<16xi32>
        %gather3A_1045 = tpu.vector_load_idx %arg8[%broadcast_in_dim3A, %broadcast_in_dim3A_1044] : memref<32x32xf32, #tpu.memory_space<vmem>>[vector<16xi32>, vector<16xi32>], vector<16xf32>,
        %add3A_1046 = arith.constant 950 : i32
        %add3A_1047 = vector.broadcast %add3A_1046 : i32 to vector<16xi32>
        %add3A_1048 = arith.addi %add3A_68, %add3A_1047 : vector<16xi32>
        %shift_right_logical3A_1049 = arith.constant 5 : i32
        %shift_right_logical3A_1050 = vector.broadcast %shift_right_logical3A_1049 : i32 to vector<16xi32>
        %shift_right_logical3A_1051 = arith.shrui %add3A_1048, %shift_right_logical3A_1050 : vector<16xi32>
        %and3A_1052 = arith.constant 31 : i32
        %and3A_1053 = vector.broadcast %and3A_1052 : i32 to vector<16xi32>
        %and3A_1054 = arith.andi %add3A_1048, %and3A_1053 : vector<16xi32>
        %gather3A_1055 = tpu.vector_load_idx %arg10[%shift_right_logical3A_1051, %and3A_1054] : memref<1600x32xf32, #tpu.memory_space<vmem>>[vector<16xi32>, vector<16xi32>], vector<16xf32>,
        %mul3A_1056 = arith.mulf %gather3A_1045, %gather3A_1055 : vector<16xf32>
        %add3A_1057 = arith.addf %add3A_1006, %mul3A_1056 : vector<16xf32>
        %add3A_1058 = arith.constant 966 : i32
        %add3A_1059 = vector.broadcast %add3A_1058 : i32 to vector<16xi32>
        %add3A_1060 = arith.addi %add3A_68, %add3A_1059 : vector<16xi32>
        %shift_right_logical3A_1061 = arith.constant 5 : i32
        %shift_right_logical3A_1062 = vector.broadcast %shift_right_logical3A_1061 : i32 to vector<16xi32>
        %shift_right_logical3A_1063 = arith.shrui %add3A_1060, %shift_right_logical3A_1062 : vector<16xi32>
        %and3A_1064 = arith.constant 31 : i32
        %and3A_1065 = vector.broadcast %and3A_1064 : i32 to vector<16xi32>
        %and3A_1066 = arith.andi %add3A_1060, %and3A_1065 : vector<16xi32>
        %gather3A_1067 = tpu.vector_load_idx %arg10[%shift_right_logical3A_1063, %and3A_1066] : memref<1600x32xf32, #tpu.memory_space<vmem>>[vector<16xi32>, vector<16xi32>], vector<16xf32>,
        %mul3A_1068 = arith.mulf %gather3A_1045, %gather3A_1067 : vector<16xf32>
        %add3A_1069 = arith.addf %add3A_1018, %mul3A_1068 : vector<16xf32>
        %add3A_1070 = arith.constant 982 : i32
        %add3A_1071 = vector.broadcast %add3A_1070 : i32 to vector<16xi32>
        %add3A_1072 = arith.addi %add3A_68, %add3A_1071 : vector<16xi32>
        %shift_right_logical3A_1073 = arith.constant 5 : i32
        %shift_right_logical3A_1074 = vector.broadcast %shift_right_logical3A_1073 : i32 to vector<16xi32>
        %shift_right_logical3A_1075 = arith.shrui %add3A_1072, %shift_right_logical3A_1074 : vector<16xi32>
        %and3A_1076 = arith.constant 31 : i32
        %and3A_1077 = vector.broadcast %and3A_1076 : i32 to vector<16xi32>
        %and3A_1078 = arith.andi %add3A_1072, %and3A_1077 : vector<16xi32>
        %gather3A_1079 = tpu.vector_load_idx %arg10[%shift_right_logical3A_1075, %and3A_1078] : memref<1600x32xf32, #tpu.memory_space<vmem>>[vector<16xi32>, vector<16xi32>], vector<16xf32>,
        %mul3A_1080 = arith.mulf %gather3A_1045, %gather3A_1079 : vector<16xf32>
        %add3A_1081 = arith.addf %add3A_1030, %mul3A_1080 : vector<16xf32>
        %add3A_1082 = arith.constant 984 : i32
        %add3A_1083 = vector.broadcast %add3A_1082 : i32 to vector<16xi32>
        %add3A_1084 = arith.addi %add3A_68, %add3A_1083 : vector<16xi32>
        %shift_right_logical3A_1085 = arith.constant 5 : i32
        %shift_right_logical3A_1086 = vector.broadcast %shift_right_logical3A_1085 : i32 to vector<16xi32>
        %shift_right_logical3A_1087 = arith.shrui %add3A_1084, %shift_right_logical3A_1086 : vector<16xi32>
        %and3A_1088 = arith.constant 31 : i32
        %and3A_1089 = vector.broadcast %and3A_1088 : i32 to vector<16xi32>
        %and3A_1090 = arith.andi %add3A_1084, %and3A_1089 : vector<16xi32>
        %gather3A_1091 = tpu.vector_load_idx %arg10[%shift_right_logical3A_1087, %and3A_1090] : memref<1600x32xf32, #tpu.memory_space<vmem>>[vector<16xi32>, vector<16xi32>], vector<16xf32>,
        %mul3A_1092 = arith.mulf %gather3A_1045, %gather3A_1091 : vector<16xf32>
        %add3A_1093 = arith.addf %add3A_1042, %mul3A_1092 : vector<16xf32>
        %broadcast_in_dim3A_1094 = arith.constant 20 : i32
        %broadcast_in_dim3A_1095 = vector.broadcast %broadcast_in_dim3A_1094 : i32 to vector<16xi32>
        %gather3A_1096 = tpu.vector_load_idx %arg8[%broadcast_in_dim3A, %broadcast_in_dim3A_1095] : memref<32x32xf32, #tpu.memory_space<vmem>>[vector<16xi32>, vector<16xi32>], vector<16xf32>,
        %add3A_1097 = arith.constant 1000 : i32
        %add3A_1098 = vector.broadcast %add3A_1097 : i32 to vector<16xi32>
        %add3A_1099 = arith.addi %add3A_68, %add3A_1098 : vector<16xi32>
        %shift_right_logical3A_1100 = arith.constant 5 : i32
        %shift_right_logical3A_1101 = vector.broadcast %shift_right_logical3A_1100 : i32 to vector<16xi32>
        %shift_right_logical3A_1102 = arith.shrui %add3A_1099, %shift_right_logical3A_1101 : vector<16xi32>
        %and3A_1103 = arith.constant 31 : i32
        %and3A_1104 = vector.broadcast %and3A_1103 : i32 to vector<16xi32>
        %and3A_1105 = arith.andi %add3A_1099, %and3A_1104 : vector<16xi32>
        %gather3A_1106 = tpu.vector_load_idx %arg10[%shift_right_logical3A_1102, %and3A_1105] : memref<1600x32xf32, #tpu.memory_space<vmem>>[vector<16xi32>, vector<16xi32>], vector<16xf32>,
        %mul3A_1107 = arith.mulf %gather3A_1096, %gather3A_1106 : vector<16xf32>
        %add3A_1108 = arith.addf %add3A_1057, %mul3A_1107 : vector<16xf32>
        %add3A_1109 = arith.constant 1016 : i32
        %add3A_1110 = vector.broadcast %add3A_1109 : i32 to vector<16xi32>
        %add3A_1111 = arith.addi %add3A_68, %add3A_1110 : vector<16xi32>
        %shift_right_logical3A_1112 = arith.constant 5 : i32
        %shift_right_logical3A_1113 = vector.broadcast %shift_right_logical3A_1112 : i32 to vector<16xi32>
        %shift_right_logical3A_1114 = arith.shrui %add3A_1111, %shift_right_logical3A_1113 : vector<16xi32>
        %and3A_1115 = arith.constant 31 : i32
        %and3A_1116 = vector.broadcast %and3A_1115 : i32 to vector<16xi32>
        %and3A_1117 = arith.andi %add3A_1111, %and3A_1116 : vector<16xi32>
        %gather3A_1118 = tpu.vector_load_idx %arg10[%shift_right_logical3A_1114, %and3A_1117] : memref<1600x32xf32, #tpu.memory_space<vmem>>[vector<16xi32>, vector<16xi32>], vector<16xf32>,
        %mul3A_1119 = arith.mulf %gather3A_1096, %gather3A_1118 : vector<16xf32>
        %add3A_1120 = arith.addf %add3A_1069, %mul3A_1119 : vector<16xf32>
        %add3A_1121 = arith.constant 1032 : i32
        %add3A_1122 = vector.broadcast %add3A_1121 : i32 to vector<16xi32>
        %add3A_1123 = arith.addi %add3A_68, %add3A_1122 : vector<16xi32>
        %shift_right_logical3A_1124 = arith.constant 5 : i32
        %shift_right_logical3A_1125 = vector.broadcast %shift_right_logical3A_1124 : i32 to vector<16xi32>
        %shift_right_logical3A_1126 = arith.shrui %add3A_1123, %shift_right_logical3A_1125 : vector<16xi32>
        %and3A_1127 = arith.constant 31 : i32
        %and3A_1128 = vector.broadcast %and3A_1127 : i32 to vector<16xi32>
        %and3A_1129 = arith.andi %add3A_1123, %and3A_1128 : vector<16xi32>
        %gather3A_1130 = tpu.vector_load_idx %arg10[%shift_right_logical3A_1126, %and3A_1129] : memref<1600x32xf32, #tpu.memory_space<vmem>>[vector<16xi32>, vector<16xi32>], vector<16xf32>,
        %mul3A_1131 = arith.mulf %gather3A_1096, %gather3A_1130 : vector<16xf32>
        %add3A_1132 = arith.addf %add3A_1081, %mul3A_1131 : vector<16xf32>
        %add3A_1133 = arith.constant 1034 : i32
        %add3A_1134 = vector.broadcast %add3A_1133 : i32 to vector<16xi32>
        %add3A_1135 = arith.addi %add3A_68, %add3A_1134 : vector<16xi32>
        %shift_right_logical3A_1136 = arith.constant 5 : i32
        %shift_right_logical3A_1137 = vector.broadcast %shift_right_logical3A_1136 : i32 to vector<16xi32>
        %shift_right_logical3A_1138 = arith.shrui %add3A_1135, %shift_right_logical3A_1137 : vector<16xi32>
        %and3A_1139 = arith.constant 31 : i32
        %and3A_1140 = vector.broadcast %and3A_1139 : i32 to vector<16xi32>
        %and3A_1141 = arith.andi %add3A_1135, %and3A_1140 : vector<16xi32>
        %gather3A_1142 = tpu.vector_load_idx %arg10[%shift_right_logical3A_1138, %and3A_1141] : memref<1600x32xf32, #tpu.memory_space<vmem>>[vector<16xi32>, vector<16xi32>], vector<16xf32>,
        %mul3A_1143 = arith.mulf %gather3A_1096, %gather3A_1142 : vector<16xf32>
        %add3A_1144 = arith.addf %add3A_1093, %mul3A_1143 : vector<16xf32>
        %broadcast_in_dim3A_1145 = arith.constant 21 : i32
        %broadcast_in_dim3A_1146 = vector.broadcast %broadcast_in_dim3A_1145 : i32 to vector<16xi32>
        %gather3A_1147 = tpu.vector_load_idx %arg8[%broadcast_in_dim3A, %broadcast_in_dim3A_1146] : memref<32x32xf32, #tpu.memory_space<vmem>>[vector<16xi32>, vector<16xi32>], vector<16xf32>,
        %add3A_1148 = arith.constant 1050 : i32
        %add3A_1149 = vector.broadcast %add3A_1148 : i32 to vector<16xi32>
        %add3A_1150 = arith.addi %add3A_68, %add3A_1149 : vector<16xi32>
        %shift_right_logical3A_1151 = arith.constant 5 : i32
        %shift_right_logical3A_1152 = vector.broadcast %shift_right_logical3A_1151 : i32 to vector<16xi32>
        %shift_right_logical3A_1153 = arith.shrui %add3A_1150, %shift_right_logical3A_1152 : vector<16xi32>
        %and3A_1154 = arith.constant 31 : i32
        %and3A_1155 = vector.broadcast %and3A_1154 : i32 to vector<16xi32>
        %and3A_1156 = arith.andi %add3A_1150, %and3A_1155 : vector<16xi32>
        %gather3A_1157 = tpu.vector_load_idx %arg10[%shift_right_logical3A_1153, %and3A_1156] : memref<1600x32xf32, #tpu.memory_space<vmem>>[vector<16xi32>, vector<16xi32>], vector<16xf32>,
        %mul3A_1158 = arith.mulf %gather3A_1147, %gather3A_1157 : vector<16xf32>
        %add3A_1159 = arith.addf %add3A_1108, %mul3A_1158 : vector<16xf32>
        %add3A_1160 = arith.constant 1066 : i32
        %add3A_1161 = vector.broadcast %add3A_1160 : i32 to vector<16xi32>
        %add3A_1162 = arith.addi %add3A_68, %add3A_1161 : vector<16xi32>
        %shift_right_logical3A_1163 = arith.constant 5 : i32
        %shift_right_logical3A_1164 = vector.broadcast %shift_right_logical3A_1163 : i32 to vector<16xi32>
        %shift_right_logical3A_1165 = arith.shrui %add3A_1162, %shift_right_logical3A_1164 : vector<16xi32>
        %and3A_1166 = arith.constant 31 : i32
        %and3A_1167 = vector.broadcast %and3A_1166 : i32 to vector<16xi32>
        %and3A_1168 = arith.andi %add3A_1162, %and3A_1167 : vector<16xi32>
        %gather3A_1169 = tpu.vector_load_idx %arg10[%shift_right_logical3A_1165, %and3A_1168] : memref<1600x32xf32, #tpu.memory_space<vmem>>[vector<16xi32>, vector<16xi32>], vector<16xf32>,
        %mul3A_1170 = arith.mulf %gather3A_1147, %gather3A_1169 : vector<16xf32>
        %add3A_1171 = arith.addf %add3A_1120, %mul3A_1170 : vector<16xf32>
        %add3A_1172 = arith.constant 1082 : i32
        %add3A_1173 = vector.broadcast %add3A_1172 : i32 to vector<16xi32>
        %add3A_1174 = arith.addi %add3A_68, %add3A_1173 : vector<16xi32>
        %shift_right_logical3A_1175 = arith.constant 5 : i32
        %shift_right_logical3A_1176 = vector.broadcast %shift_right_logical3A_1175 : i32 to vector<16xi32>
        %shift_right_logical3A_1177 = arith.shrui %add3A_1174, %shift_right_logical3A_1176 : vector<16xi32>
        %and3A_1178 = arith.constant 31 : i32
        %and3A_1179 = vector.broadcast %and3A_1178 : i32 to vector<16xi32>
        %and3A_1180 = arith.andi %add3A_1174, %and3A_1179 : vector<16xi32>
        %gather3A_1181 = tpu.vector_load_idx %arg10[%shift_right_logical3A_1177, %and3A_1180] : memref<1600x32xf32, #tpu.memory_space<vmem>>[vector<16xi32>, vector<16xi32>], vector<16xf32>,
        %mul3A_1182 = arith.mulf %gather3A_1147, %gather3A_1181 : vector<16xf32>
        %add3A_1183 = arith.addf %add3A_1132, %mul3A_1182 : vector<16xf32>
        %add3A_1184 = arith.constant 1084 : i32
        %add3A_1185 = vector.broadcast %add3A_1184 : i32 to vector<16xi32>
        %add3A_1186 = arith.addi %add3A_68, %add3A_1185 : vector<16xi32>
        %shift_right_logical3A_1187 = arith.constant 5 : i32
        %shift_right_logical3A_1188 = vector.broadcast %shift_right_logical3A_1187 : i32 to vector<16xi32>
        %shift_right_logical3A_1189 = arith.shrui %add3A_1186, %shift_right_logical3A_1188 : vector<16xi32>
        %and3A_1190 = arith.constant 31 : i32
        %and3A_1191 = vector.broadcast %and3A_1190 : i32 to vector<16xi32>
        %and3A_1192 = arith.andi %add3A_1186, %and3A_1191 : vector<16xi32>
        %gather3A_1193 = tpu.vector_load_idx %arg10[%shift_right_logical3A_1189, %and3A_1192] : memref<1600x32xf32, #tpu.memory_space<vmem>>[vector<16xi32>, vector<16xi32>], vector<16xf32>,
        %mul3A_1194 = arith.mulf %gather3A_1147, %gather3A_1193 : vector<16xf32>
        %add3A_1195 = arith.addf %add3A_1144, %mul3A_1194 : vector<16xf32>
        %broadcast_in_dim3A_1196 = arith.constant 22 : i32
        %broadcast_in_dim3A_1197 = vector.broadcast %broadcast_in_dim3A_1196 : i32 to vector<16xi32>
        %gather3A_1198 = tpu.vector_load_idx %arg8[%broadcast_in_dim3A, %broadcast_in_dim3A_1197] : memref<32x32xf32, #tpu.memory_space<vmem>>[vector<16xi32>, vector<16xi32>], vector<16xf32>,
        %add3A_1199 = arith.constant 1100 : i32
        %add3A_1200 = vector.broadcast %add3A_1199 : i32 to vector<16xi32>
        %add3A_1201 = arith.addi %add3A_68, %add3A_1200 : vector<16xi32>
        %shift_right_logical3A_1202 = arith.constant 5 : i32
        %shift_right_logical3A_1203 = vector.broadcast %shift_right_logical3A_1202 : i32 to vector<16xi32>
        %shift_right_logical3A_1204 = arith.shrui %add3A_1201, %shift_right_logical3A_1203 : vector<16xi32>
        %and3A_1205 = arith.constant 31 : i32
        %and3A_1206 = vector.broadcast %and3A_1205 : i32 to vector<16xi32>
        %and3A_1207 = arith.andi %add3A_1201, %and3A_1206 : vector<16xi32>
        %gather3A_1208 = tpu.vector_load_idx %arg10[%shift_right_logical3A_1204, %and3A_1207] : memref<1600x32xf32, #tpu.memory_space<vmem>>[vector<16xi32>, vector<16xi32>], vector<16xf32>,
        %mul3A_1209 = arith.mulf %gather3A_1198, %gather3A_1208 : vector<16xf32>
        %add3A_1210 = arith.addf %add3A_1159, %mul3A_1209 : vector<16xf32>
        %add3A_1211 = arith.constant 1116 : i32
        %add3A_1212 = vector.broadcast %add3A_1211 : i32 to vector<16xi32>
        %add3A_1213 = arith.addi %add3A_68, %add3A_1212 : vector<16xi32>
        %shift_right_logical3A_1214 = arith.constant 5 : i32
        %shift_right_logical3A_1215 = vector.broadcast %shift_right_logical3A_1214 : i32 to vector<16xi32>
        %shift_right_logical3A_1216 = arith.shrui %add3A_1213, %shift_right_logical3A_1215 : vector<16xi32>
        %and3A_1217 = arith.constant 31 : i32
        %and3A_1218 = vector.broadcast %and3A_1217 : i32 to vector<16xi32>
        %and3A_1219 = arith.andi %add3A_1213, %and3A_1218 : vector<16xi32>
        %gather3A_1220 = tpu.vector_load_idx %arg10[%shift_right_logical3A_1216, %and3A_1219] : memref<1600x32xf32, #tpu.memory_space<vmem>>[vector<16xi32>, vector<16xi32>], vector<16xf32>,
        %mul3A_1221 = arith.mulf %gather3A_1198, %gather3A_1220 : vector<16xf32>
        %add3A_1222 = arith.addf %add3A_1171, %mul3A_1221 : vector<16xf32>
        %add3A_1223 = arith.constant 1132 : i32
        %add3A_1224 = vector.broadcast %add3A_1223 : i32 to vector<16xi32>
        %add3A_1225 = arith.addi %add3A_68, %add3A_1224 : vector<16xi32>
        %shift_right_logical3A_1226 = arith.constant 5 : i32
        %shift_right_logical3A_1227 = vector.broadcast %shift_right_logical3A_1226 : i32 to vector<16xi32>
        %shift_right_logical3A_1228 = arith.shrui %add3A_1225, %shift_right_logical3A_1227 : vector<16xi32>
        %and3A_1229 = arith.constant 31 : i32
        %and3A_1230 = vector.broadcast %and3A_1229 : i32 to vector<16xi32>
        %and3A_1231 = arith.andi %add3A_1225, %and3A_1230 : vector<16xi32>
        %gather3A_1232 = tpu.vector_load_idx %arg10[%shift_right_logical3A_1228, %and3A_1231] : memref<1600x32xf32, #tpu.memory_space<vmem>>[vector<16xi32>, vector<16xi32>], vector<16xf32>,
        %mul3A_1233 = arith.mulf %gather3A_1198, %gather3A_1232 : vector<16xf32>
        %add3A_1234 = arith.addf %add3A_1183, %mul3A_1233 : vector<16xf32>
        %add3A_1235 = arith.constant 1134 : i32
        %add3A_1236 = vector.broadcast %add3A_1235 : i32 to vector<16xi32>
        %add3A_1237 = arith.addi %add3A_68, %add3A_1236 : vector<16xi32>
        %shift_right_logical3A_1238 = arith.constant 5 : i32
        %shift_right_logical3A_1239 = vector.broadcast %shift_right_logical3A_1238 : i32 to vector<16xi32>
        %shift_right_logical3A_1240 = arith.shrui %add3A_1237, %shift_right_logical3A_1239 : vector<16xi32>
        %and3A_1241 = arith.constant 31 : i32
        %and3A_1242 = vector.broadcast %and3A_1241 : i32 to vector<16xi32>
        %and3A_1243 = arith.andi %add3A_1237, %and3A_1242 : vector<16xi32>
        %gather3A_1244 = tpu.vector_load_idx %arg10[%shift_right_logical3A_1240, %and3A_1243] : memref<1600x32xf32, #tpu.memory_space<vmem>>[vector<16xi32>, vector<16xi32>], vector<16xf32>,
        %mul3A_1245 = arith.mulf %gather3A_1198, %gather3A_1244 : vector<16xf32>
        %add3A_1246 = arith.addf %add3A_1195, %mul3A_1245 : vector<16xf32>
        %broadcast_in_dim3A_1247 = arith.constant 23 : i32
        %broadcast_in_dim3A_1248 = vector.broadcast %broadcast_in_dim3A_1247 : i32 to vector<16xi32>
        %gather3A_1249 = tpu.vector_load_idx %arg8[%broadcast_in_dim3A, %broadcast_in_dim3A_1248] : memref<32x32xf32, #tpu.memory_space<vmem>>[vector<16xi32>, vector<16xi32>], vector<16xf32>,
        %add3A_1250 = arith.constant 1150 : i32
        %add3A_1251 = vector.broadcast %add3A_1250 : i32 to vector<16xi32>
        %add3A_1252 = arith.addi %add3A_68, %add3A_1251 : vector<16xi32>
        %shift_right_logical3A_1253 = arith.constant 5 : i32
        %shift_right_logical3A_1254 = vector.broadcast %shift_right_logical3A_1253 : i32 to vector<16xi32>
        %shift_right_logical3A_1255 = arith.shrui %add3A_1252, %shift_right_logical3A_1254 : vector<16xi32>
        %and3A_1256 = arith.constant 31 : i32
        %and3A_1257 = vector.broadcast %and3A_1256 : i32 to vector<16xi32>
        %and3A_1258 = arith.andi %add3A_1252, %and3A_1257 : vector<16xi32>
        %gather3A_1259 = tpu.vector_load_idx %arg10[%shift_right_logical3A_1255, %and3A_1258] : memref<1600x32xf32, #tpu.memory_space<vmem>>[vector<16xi32>, vector<16xi32>], vector<16xf32>,
        %mul3A_1260 = arith.mulf %gather3A_1249, %gather3A_1259 : vector<16xf32>
        %add3A_1261 = arith.addf %add3A_1210, %mul3A_1260 : vector<16xf32>
        %add3A_1262 = arith.constant 1166 : i32
        %add3A_1263 = vector.broadcast %add3A_1262 : i32 to vector<16xi32>
        %add3A_1264 = arith.addi %add3A_68, %add3A_1263 : vector<16xi32>
        %shift_right_logical3A_1265 = arith.constant 5 : i32
        %shift_right_logical3A_1266 = vector.broadcast %shift_right_logical3A_1265 : i32 to vector<16xi32>
        %shift_right_logical3A_1267 = arith.shrui %add3A_1264, %shift_right_logical3A_1266 : vector<16xi32>
        %and3A_1268 = arith.constant 31 : i32
        %and3A_1269 = vector.broadcast %and3A_1268 : i32 to vector<16xi32>
        %and3A_1270 = arith.andi %add3A_1264, %and3A_1269 : vector<16xi32>
        %gather3A_1271 = tpu.vector_load_idx %arg10[%shift_right_logical3A_1267, %and3A_1270] : memref<1600x32xf32, #tpu.memory_space<vmem>>[vector<16xi32>, vector<16xi32>], vector<16xf32>,
        %mul3A_1272 = arith.mulf %gather3A_1249, %gather3A_1271 : vector<16xf32>
        %add3A_1273 = arith.addf %add3A_1222, %mul3A_1272 : vector<16xf32>
        %add3A_1274 = arith.constant 1182 : i32
        %add3A_1275 = vector.broadcast %add3A_1274 : i32 to vector<16xi32>
        %add3A_1276 = arith.addi %add3A_68, %add3A_1275 : vector<16xi32>
        %shift_right_logical3A_1277 = arith.constant 5 : i32
        %shift_right_logical3A_1278 = vector.broadcast %shift_right_logical3A_1277 : i32 to vector<16xi32>
        %shift_right_logical3A_1279 = arith.shrui %add3A_1276, %shift_right_logical3A_1278 : vector<16xi32>
        %and3A_1280 = arith.constant 31 : i32
        %and3A_1281 = vector.broadcast %and3A_1280 : i32 to vector<16xi32>
        %and3A_1282 = arith.andi %add3A_1276, %and3A_1281 : vector<16xi32>
        %gather3A_1283 = tpu.vector_load_idx %arg10[%shift_right_logical3A_1279, %and3A_1282] : memref<1600x32xf32, #tpu.memory_space<vmem>>[vector<16xi32>, vector<16xi32>], vector<16xf32>,
        %mul3A_1284 = arith.mulf %gather3A_1249, %gather3A_1283 : vector<16xf32>
        %add3A_1285 = arith.addf %add3A_1234, %mul3A_1284 : vector<16xf32>
        %add3A_1286 = arith.constant 1184 : i32
        %add3A_1287 = vector.broadcast %add3A_1286 : i32 to vector<16xi32>
        %add3A_1288 = arith.addi %add3A_68, %add3A_1287 : vector<16xi32>
        %shift_right_logical3A_1289 = arith.constant 5 : i32
        %shift_right_logical3A_1290 = vector.broadcast %shift_right_logical3A_1289 : i32 to vector<16xi32>
        %shift_right_logical3A_1291 = arith.shrui %add3A_1288, %shift_right_logical3A_1290 : vector<16xi32>
        %and3A_1292 = arith.constant 31 : i32
        %and3A_1293 = vector.broadcast %and3A_1292 : i32 to vector<16xi32>
        %and3A_1294 = arith.andi %add3A_1288, %and3A_1293 : vector<16xi32>
        %gather3A_1295 = tpu.vector_load_idx %arg10[%shift_right_logical3A_1291, %and3A_1294] : memref<1600x32xf32, #tpu.memory_space<vmem>>[vector<16xi32>, vector<16xi32>], vector<16xf32>,
        %mul3A_1296 = arith.mulf %gather3A_1249, %gather3A_1295 : vector<16xf32>
        %add3A_1297 = arith.addf %add3A_1246, %mul3A_1296 : vector<16xf32>
        %broadcast_in_dim3A_1298 = arith.constant 24 : i32
        %broadcast_in_dim3A_1299 = vector.broadcast %broadcast_in_dim3A_1298 : i32 to vector<16xi32>
        %gather3A_1300 = tpu.vector_load_idx %arg8[%broadcast_in_dim3A, %broadcast_in_dim3A_1299] : memref<32x32xf32, #tpu.memory_space<vmem>>[vector<16xi32>, vector<16xi32>], vector<16xf32>,
        %add3A_1301 = arith.constant 1200 : i32
        %add3A_1302 = vector.broadcast %add3A_1301 : i32 to vector<16xi32>
        %add3A_1303 = arith.addi %add3A_68, %add3A_1302 : vector<16xi32>
        %shift_right_logical3A_1304 = arith.constant 5 : i32
        %shift_right_logical3A_1305 = vector.broadcast %shift_right_logical3A_1304 : i32 to vector<16xi32>
        %shift_right_logical3A_1306 = arith.shrui %add3A_1303, %shift_right_logical3A_1305 : vector<16xi32>
        %and3A_1307 = arith.constant 31 : i32
        %and3A_1308 = vector.broadcast %and3A_1307 : i32 to vector<16xi32>
        %and3A_1309 = arith.andi %add3A_1303, %and3A_1308 : vector<16xi32>
        %gather3A_1310 = tpu.vector_load_idx %arg10[%shift_right_logical3A_1306, %and3A_1309] : memref<1600x32xf32, #tpu.memory_space<vmem>>[vector<16xi32>, vector<16xi32>], vector<16xf32>,
        %mul3A_1311 = arith.mulf %gather3A_1300, %gather3A_1310 : vector<16xf32>
        %add3A_1312 = arith.addf %add3A_1261, %mul3A_1311 : vector<16xf32>
        %add3A_1313 = arith.constant 1216 : i32
        %add3A_1314 = vector.broadcast %add3A_1313 : i32 to vector<16xi32>
        %add3A_1315 = arith.addi %add3A_68, %add3A_1314 : vector<16xi32>
        %shift_right_logical3A_1316 = arith.constant 5 : i32
        %shift_right_logical3A_1317 = vector.broadcast %shift_right_logical3A_1316 : i32 to vector<16xi32>
        %shift_right_logical3A_1318 = arith.shrui %add3A_1315, %shift_right_logical3A_1317 : vector<16xi32>
        %and3A_1319 = arith.constant 31 : i32
        %and3A_1320 = vector.broadcast %and3A_1319 : i32 to vector<16xi32>
        %and3A_1321 = arith.andi %add3A_1315, %and3A_1320 : vector<16xi32>
        %gather3A_1322 = tpu.vector_load_idx %arg10[%shift_right_logical3A_1318, %and3A_1321] : memref<1600x32xf32, #tpu.memory_space<vmem>>[vector<16xi32>, vector<16xi32>], vector<16xf32>,
        %mul3A_1323 = arith.mulf %gather3A_1300, %gather3A_1322 : vector<16xf32>
        %add3A_1324 = arith.addf %add3A_1273, %mul3A_1323 : vector<16xf32>
        %add3A_1325 = arith.constant 1232 : i32
        %add3A_1326 = vector.broadcast %add3A_1325 : i32 to vector<16xi32>
        %add3A_1327 = arith.addi %add3A_68, %add3A_1326 : vector<16xi32>
        %shift_right_logical3A_1328 = arith.constant 5 : i32
        %shift_right_logical3A_1329 = vector.broadcast %shift_right_logical3A_1328 : i32 to vector<16xi32>
        %shift_right_logical3A_1330 = arith.shrui %add3A_1327, %shift_right_logical3A_1329 : vector<16xi32>
        %and3A_1331 = arith.constant 31 : i32
        %and3A_1332 = vector.broadcast %and3A_1331 : i32 to vector<16xi32>
        %and3A_1333 = arith.andi %add3A_1327, %and3A_1332 : vector<16xi32>
        %gather3A_1334 = tpu.vector_load_idx %arg10[%shift_right_logical3A_1330, %and3A_1333] : memref<1600x32xf32, #tpu.memory_space<vmem>>[vector<16xi32>, vector<16xi32>], vector<16xf32>,
        %mul3A_1335 = arith.mulf %gather3A_1300, %gather3A_1334 : vector<16xf32>
        %add3A_1336 = arith.addf %add3A_1285, %mul3A_1335 : vector<16xf32>
        %add3A_1337 = arith.constant 1234 : i32
        %add3A_1338 = vector.broadcast %add3A_1337 : i32 to vector<16xi32>
        %add3A_1339 = arith.addi %add3A_68, %add3A_1338 : vector<16xi32>
        %shift_right_logical3A_1340 = arith.constant 5 : i32
        %shift_right_logical3A_1341 = vector.broadcast %shift_right_logical3A_1340 : i32 to vector<16xi32>
        %shift_right_logical3A_1342 = arith.shrui %add3A_1339, %shift_right_logical3A_1341 : vector<16xi32>
        %and3A_1343 = arith.constant 31 : i32
        %and3A_1344 = vector.broadcast %and3A_1343 : i32 to vector<16xi32>
        %and3A_1345 = arith.andi %add3A_1339, %and3A_1344 : vector<16xi32>
        %gather3A_1346 = tpu.vector_load_idx %arg10[%shift_right_logical3A_1342, %and3A_1345] : memref<1600x32xf32, #tpu.memory_space<vmem>>[vector<16xi32>, vector<16xi32>], vector<16xf32>,
        %mul3A_1347 = arith.mulf %gather3A_1300, %gather3A_1346 : vector<16xf32>
        %add3A_1348 = arith.addf %add3A_1297, %mul3A_1347 : vector<16xf32>
        %broadcast_in_dim3A_1349 = arith.constant 25 : i32
        %broadcast_in_dim3A_1350 = vector.broadcast %broadcast_in_dim3A_1349 : i32 to vector<16xi32>
        %gather3A_1351 = tpu.vector_load_idx %arg8[%broadcast_in_dim3A, %broadcast_in_dim3A_1350] : memref<32x32xf32, #tpu.memory_space<vmem>>[vector<16xi32>, vector<16xi32>], vector<16xf32>,
        %add3A_1352 = arith.constant 1250 : i32
        %add3A_1353 = vector.broadcast %add3A_1352 : i32 to vector<16xi32>
        %add3A_1354 = arith.addi %add3A_68, %add3A_1353 : vector<16xi32>
        %shift_right_logical3A_1355 = arith.constant 5 : i32
        %shift_right_logical3A_1356 = vector.broadcast %shift_right_logical3A_1355 : i32 to vector<16xi32>
        %shift_right_logical3A_1357 = arith.shrui %add3A_1354, %shift_right_logical3A_1356 : vector<16xi32>
        %and3A_1358 = arith.constant 31 : i32
        %and3A_1359 = vector.broadcast %and3A_1358 : i32 to vector<16xi32>
        %and3A_1360 = arith.andi %add3A_1354, %and3A_1359 : vector<16xi32>
        %gather3A_1361 = tpu.vector_load_idx %arg10[%shift_right_logical3A_1357, %and3A_1360] : memref<1600x32xf32, #tpu.memory_space<vmem>>[vector<16xi32>, vector<16xi32>], vector<16xf32>,
        %mul3A_1362 = arith.mulf %gather3A_1351, %gather3A_1361 : vector<16xf32>
        %add3A_1363 = arith.addf %add3A_1312, %mul3A_1362 : vector<16xf32>
        %add3A_1364 = arith.constant 1266 : i32
        %add3A_1365 = vector.broadcast %add3A_1364 : i32 to vector<16xi32>
        %add3A_1366 = arith.addi %add3A_68, %add3A_1365 : vector<16xi32>
        %shift_right_logical3A_1367 = arith.constant 5 : i32
        %shift_right_logical3A_1368 = vector.broadcast %shift_right_logical3A_1367 : i32 to vector<16xi32>
        %shift_right_logical3A_1369 = arith.shrui %add3A_1366, %shift_right_logical3A_1368 : vector<16xi32>
        %and3A_1370 = arith.constant 31 : i32
        %and3A_1371 = vector.broadcast %and3A_1370 : i32 to vector<16xi32>
        %and3A_1372 = arith.andi %add3A_1366, %and3A_1371 : vector<16xi32>
        %gather3A_1373 = tpu.vector_load_idx %arg10[%shift_right_logical3A_1369, %and3A_1372] : memref<1600x32xf32, #tpu.memory_space<vmem>>[vector<16xi32>, vector<16xi32>], vector<16xf32>,
        %mul3A_1374 = arith.mulf %gather3A_1351, %gather3A_1373 : vector<16xf32>
        %add3A_1375 = arith.addf %add3A_1324, %mul3A_1374 : vector<16xf32>
        %add3A_1376 = arith.constant 1282 : i32
        %add3A_1377 = vector.broadcast %add3A_1376 : i32 to vector<16xi32>
        %add3A_1378 = arith.addi %add3A_68, %add3A_1377 : vector<16xi32>
        %shift_right_logical3A_1379 = arith.constant 5 : i32
        %shift_right_logical3A_1380 = vector.broadcast %shift_right_logical3A_1379 : i32 to vector<16xi32>
        %shift_right_logical3A_1381 = arith.shrui %add3A_1378, %shift_right_logical3A_1380 : vector<16xi32>
        %and3A_1382 = arith.constant 31 : i32
        %and3A_1383 = vector.broadcast %and3A_1382 : i32 to vector<16xi32>
        %and3A_1384 = arith.andi %add3A_1378, %and3A_1383 : vector<16xi32>
        %gather3A_1385 = tpu.vector_load_idx %arg10[%shift_right_logical3A_1381, %and3A_1384] : memref<1600x32xf32, #tpu.memory_space<vmem>>[vector<16xi32>, vector<16xi32>], vector<16xf32>,
        %mul3A_1386 = arith.mulf %gather3A_1351, %gather3A_1385 : vector<16xf32>
        %add3A_1387 = arith.addf %add3A_1336, %mul3A_1386 : vector<16xf32>
        %add3A_1388 = arith.constant 1284 : i32
        %add3A_1389 = vector.broadcast %add3A_1388 : i32 to vector<16xi32>
        %add3A_1390 = arith.addi %add3A_68, %add3A_1389 : vector<16xi32>
        %shift_right_logical3A_1391 = arith.constant 5 : i32
        %shift_right_logical3A_1392 = vector.broadcast %shift_right_logical3A_1391 : i32 to vector<16xi32>
        %shift_right_logical3A_1393 = arith.shrui %add3A_1390, %shift_right_logical3A_1392 : vector<16xi32>
        %and3A_1394 = arith.constant 31 : i32
        %and3A_1395 = vector.broadcast %and3A_1394 : i32 to vector<16xi32>
        %and3A_1396 = arith.andi %add3A_1390, %and3A_1395 : vector<16xi32>
        %gather3A_1397 = tpu.vector_load_idx %arg10[%shift_right_logical3A_1393, %and3A_1396] : memref<1600x32xf32, #tpu.memory_space<vmem>>[vector<16xi32>, vector<16xi32>], vector<16xf32>,
        %mul3A_1398 = arith.mulf %gather3A_1351, %gather3A_1397 : vector<16xf32>
        %add3A_1399 = arith.addf %add3A_1348, %mul3A_1398 : vector<16xf32>
        %broadcast_in_dim3A_1400 = arith.constant 26 : i32
        %broadcast_in_dim3A_1401 = vector.broadcast %broadcast_in_dim3A_1400 : i32 to vector<16xi32>
        %gather3A_1402 = tpu.vector_load_idx %arg8[%broadcast_in_dim3A, %broadcast_in_dim3A_1401] : memref<32x32xf32, #tpu.memory_space<vmem>>[vector<16xi32>, vector<16xi32>], vector<16xf32>,
        %add3A_1403 = arith.constant 1300 : i32
        %add3A_1404 = vector.broadcast %add3A_1403 : i32 to vector<16xi32>
        %add3A_1405 = arith.addi %add3A_68, %add3A_1404 : vector<16xi32>
        %shift_right_logical3A_1406 = arith.constant 5 : i32
        %shift_right_logical3A_1407 = vector.broadcast %shift_right_logical3A_1406 : i32 to vector<16xi32>
        %shift_right_logical3A_1408 = arith.shrui %add3A_1405, %shift_right_logical3A_1407 : vector<16xi32>
        %and3A_1409 = arith.constant 31 : i32
        %and3A_1410 = vector.broadcast %and3A_1409 : i32 to vector<16xi32>
        %and3A_1411 = arith.andi %add3A_1405, %and3A_1410 : vector<16xi32>
        %gather3A_1412 = tpu.vector_load_idx %arg10[%shift_right_logical3A_1408, %and3A_1411] : memref<1600x32xf32, #tpu.memory_space<vmem>>[vector<16xi32>, vector<16xi32>], vector<16xf32>,
        %mul3A_1413 = arith.mulf %gather3A_1402, %gather3A_1412 : vector<16xf32>
        %add3A_1414 = arith.addf %add3A_1363, %mul3A_1413 : vector<16xf32>
        %add3A_1415 = arith.constant 1316 : i32
        %add3A_1416 = vector.broadcast %add3A_1415 : i32 to vector<16xi32>
        %add3A_1417 = arith.addi %add3A_68, %add3A_1416 : vector<16xi32>
        %shift_right_logical3A_1418 = arith.constant 5 : i32
        %shift_right_logical3A_1419 = vector.broadcast %shift_right_logical3A_1418 : i32 to vector<16xi32>
        %shift_right_logical3A_1420 = arith.shrui %add3A_1417, %shift_right_logical3A_1419 : vector<16xi32>
        %and3A_1421 = arith.constant 31 : i32
        %and3A_1422 = vector.broadcast %and3A_1421 : i32 to vector<16xi32>
        %and3A_1423 = arith.andi %add3A_1417, %and3A_1422 : vector<16xi32>
        %gather3A_1424 = tpu.vector_load_idx %arg10[%shift_right_logical3A_1420, %and3A_1423] : memref<1600x32xf32, #tpu.memory_space<vmem>>[vector<16xi32>, vector<16xi32>], vector<16xf32>,
        %mul3A_1425 = arith.mulf %gather3A_1402, %gather3A_1424 : vector<16xf32>
        %add3A_1426 = arith.addf %add3A_1375, %mul3A_1425 : vector<16xf32>
        %add3A_1427 = arith.constant 1332 : i32
        %add3A_1428 = vector.broadcast %add3A_1427 : i32 to vector<16xi32>
        %add3A_1429 = arith.addi %add3A_68, %add3A_1428 : vector<16xi32>
        %shift_right_logical3A_1430 = arith.constant 5 : i32
        %shift_right_logical3A_1431 = vector.broadcast %shift_right_logical3A_1430 : i32 to vector<16xi32>
        %shift_right_logical3A_1432 = arith.shrui %add3A_1429, %shift_right_logical3A_1431 : vector<16xi32>
        %and3A_1433 = arith.constant 31 : i32
        %and3A_1434 = vector.broadcast %and3A_1433 : i32 to vector<16xi32>
        %and3A_1435 = arith.andi %add3A_1429, %and3A_1434 : vector<16xi32>
        %gather3A_1436 = tpu.vector_load_idx %arg10[%shift_right_logical3A_1432, %and3A_1435] : memref<1600x32xf32, #tpu.memory_space<vmem>>[vector<16xi32>, vector<16xi32>], vector<16xf32>,
        %mul3A_1437 = arith.mulf %gather3A_1402, %gather3A_1436 : vector<16xf32>
        %add3A_1438 = arith.addf %add3A_1387, %mul3A_1437 : vector<16xf32>
        %add3A_1439 = arith.constant 1334 : i32
        %add3A_1440 = vector.broadcast %add3A_1439 : i32 to vector<16xi32>
        %add3A_1441 = arith.addi %add3A_68, %add3A_1440 : vector<16xi32>
        %shift_right_logical3A_1442 = arith.constant 5 : i32
        %shift_right_logical3A_1443 = vector.broadcast %shift_right_logical3A_1442 : i32 to vector<16xi32>
        %shift_right_logical3A_1444 = arith.shrui %add3A_1441, %shift_right_logical3A_1443 : vector<16xi32>
        %and3A_1445 = arith.constant 31 : i32
        %and3A_1446 = vector.broadcast %and3A_1445 : i32 to vector<16xi32>
        %and3A_1447 = arith.andi %add3A_1441, %and3A_1446 : vector<16xi32>
        %gather3A_1448 = tpu.vector_load_idx %arg10[%shift_right_logical3A_1444, %and3A_1447] : memref<1600x32xf32, #tpu.memory_space<vmem>>[vector<16xi32>, vector<16xi32>], vector<16xf32>,
        %mul3A_1449 = arith.mulf %gather3A_1402, %gather3A_1448 : vector<16xf32>
        %add3A_1450 = arith.addf %add3A_1399, %mul3A_1449 : vector<16xf32>
        %broadcast_in_dim3A_1451 = arith.constant 27 : i32
        %broadcast_in_dim3A_1452 = vector.broadcast %broadcast_in_dim3A_1451 : i32 to vector<16xi32>
        %gather3A_1453 = tpu.vector_load_idx %arg8[%broadcast_in_dim3A, %broadcast_in_dim3A_1452] : memref<32x32xf32, #tpu.memory_space<vmem>>[vector<16xi32>, vector<16xi32>], vector<16xf32>,
        %add3A_1454 = arith.constant 1350 : i32
        %add3A_1455 = vector.broadcast %add3A_1454 : i32 to vector<16xi32>
        %add3A_1456 = arith.addi %add3A_68, %add3A_1455 : vector<16xi32>
        %shift_right_logical3A_1457 = arith.constant 5 : i32
        %shift_right_logical3A_1458 = vector.broadcast %shift_right_logical3A_1457 : i32 to vector<16xi32>
        %shift_right_logical3A_1459 = arith.shrui %add3A_1456, %shift_right_logical3A_1458 : vector<16xi32>
        %and3A_1460 = arith.constant 31 : i32
        %and3A_1461 = vector.broadcast %and3A_1460 : i32 to vector<16xi32>
        %and3A_1462 = arith.andi %add3A_1456, %and3A_1461 : vector<16xi32>
        %gather3A_1463 = tpu.vector_load_idx %arg10[%shift_right_logical3A_1459, %and3A_1462] : memref<1600x32xf32, #tpu.memory_space<vmem>>[vector<16xi32>, vector<16xi32>], vector<16xf32>,
        %mul3A_1464 = arith.mulf %gather3A_1453, %gather3A_1463 : vector<16xf32>
        %add3A_1465 = arith.addf %add3A_1414, %mul3A_1464 : vector<16xf32>
        %add3A_1466 = arith.constant 1366 : i32
        %add3A_1467 = vector.broadcast %add3A_1466 : i32 to vector<16xi32>
        %add3A_1468 = arith.addi %add3A_68, %add3A_1467 : vector<16xi32>
        %shift_right_logical3A_1469 = arith.constant 5 : i32
        %shift_right_logical3A_1470 = vector.broadcast %shift_right_logical3A_1469 : i32 to vector<16xi32>
        %shift_right_logical3A_1471 = arith.shrui %add3A_1468, %shift_right_logical3A_1470 : vector<16xi32>
        %and3A_1472 = arith.constant 31 : i32
        %and3A_1473 = vector.broadcast %and3A_1472 : i32 to vector<16xi32>
        %and3A_1474 = arith.andi %add3A_1468, %and3A_1473 : vector<16xi32>
        %gather3A_1475 = tpu.vector_load_idx %arg10[%shift_right_logical3A_1471, %and3A_1474] : memref<1600x32xf32, #tpu.memory_space<vmem>>[vector<16xi32>, vector<16xi32>], vector<16xf32>,
        %mul3A_1476 = arith.mulf %gather3A_1453, %gather3A_1475 : vector<16xf32>
        %add3A_1477 = arith.addf %add3A_1426, %mul3A_1476 : vector<16xf32>
        %add3A_1478 = arith.constant 1382 : i32
        %add3A_1479 = vector.broadcast %add3A_1478 : i32 to vector<16xi32>
        %add3A_1480 = arith.addi %add3A_68, %add3A_1479 : vector<16xi32>
        %shift_right_logical3A_1481 = arith.constant 5 : i32
        %shift_right_logical3A_1482 = vector.broadcast %shift_right_logical3A_1481 : i32 to vector<16xi32>
        %shift_right_logical3A_1483 = arith.shrui %add3A_1480, %shift_right_logical3A_1482 : vector<16xi32>
        %and3A_1484 = arith.constant 31 : i32
        %and3A_1485 = vector.broadcast %and3A_1484 : i32 to vector<16xi32>
        %and3A_1486 = arith.andi %add3A_1480, %and3A_1485 : vector<16xi32>
        %gather3A_1487 = tpu.vector_load_idx %arg10[%shift_right_logical3A_1483, %and3A_1486] : memref<1600x32xf32, #tpu.memory_space<vmem>>[vector<16xi32>, vector<16xi32>], vector<16xf32>,
        %mul3A_1488 = arith.mulf %gather3A_1453, %gather3A_1487 : vector<16xf32>
        %add3A_1489 = arith.addf %add3A_1438, %mul3A_1488 : vector<16xf32>
        %add3A_1490 = arith.constant 1384 : i32
        %add3A_1491 = vector.broadcast %add3A_1490 : i32 to vector<16xi32>
        %add3A_1492 = arith.addi %add3A_68, %add3A_1491 : vector<16xi32>
        %shift_right_logical3A_1493 = arith.constant 5 : i32
        %shift_right_logical3A_1494 = vector.broadcast %shift_right_logical3A_1493 : i32 to vector<16xi32>
        %shift_right_logical3A_1495 = arith.shrui %add3A_1492, %shift_right_logical3A_1494 : vector<16xi32>
        %and3A_1496 = arith.constant 31 : i32
        %and3A_1497 = vector.broadcast %and3A_1496 : i32 to vector<16xi32>
        %and3A_1498 = arith.andi %add3A_1492, %and3A_1497 : vector<16xi32>
        %gather3A_1499 = tpu.vector_load_idx %arg10[%shift_right_logical3A_1495, %and3A_1498] : memref<1600x32xf32, #tpu.memory_space<vmem>>[vector<16xi32>, vector<16xi32>], vector<16xf32>,
        %mul3A_1500 = arith.mulf %gather3A_1453, %gather3A_1499 : vector<16xf32>
        %add3A_1501 = arith.addf %add3A_1450, %mul3A_1500 : vector<16xf32>
        %broadcast_in_dim3A_1502 = arith.constant 28 : i32
        %broadcast_in_dim3A_1503 = vector.broadcast %broadcast_in_dim3A_1502 : i32 to vector<16xi32>
        %gather3A_1504 = tpu.vector_load_idx %arg8[%broadcast_in_dim3A, %broadcast_in_dim3A_1503] : memref<32x32xf32, #tpu.memory_space<vmem>>[vector<16xi32>, vector<16xi32>], vector<16xf32>,
        %add3A_1505 = arith.constant 1400 : i32
        %add3A_1506 = vector.broadcast %add3A_1505 : i32 to vector<16xi32>
        %add3A_1507 = arith.addi %add3A_68, %add3A_1506 : vector<16xi32>
        %shift_right_logical3A_1508 = arith.constant 5 : i32
        %shift_right_logical3A_1509 = vector.broadcast %shift_right_logical3A_1508 : i32 to vector<16xi32>
        %shift_right_logical3A_1510 = arith.shrui %add3A_1507, %shift_right_logical3A_1509 : vector<16xi32>
        %and3A_1511 = arith.constant 31 : i32
        %and3A_1512 = vector.broadcast %and3A_1511 : i32 to vector<16xi32>
        %and3A_1513 = arith.andi %add3A_1507, %and3A_1512 : vector<16xi32>
        %gather3A_1514 = tpu.vector_load_idx %arg10[%shift_right_logical3A_1510, %and3A_1513] : memref<1600x32xf32, #tpu.memory_space<vmem>>[vector<16xi32>, vector<16xi32>], vector<16xf32>,
        %mul3A_1515 = arith.mulf %gather3A_1504, %gather3A_1514 : vector<16xf32>
        %add3A_1516 = arith.addf %add3A_1465, %mul3A_1515 : vector<16xf32>
        %add3A_1517 = arith.constant 1416 : i32
        %add3A_1518 = vector.broadcast %add3A_1517 : i32 to vector<16xi32>
        %add3A_1519 = arith.addi %add3A_68, %add3A_1518 : vector<16xi32>
        %shift_right_logical3A_1520 = arith.constant 5 : i32
        %shift_right_logical3A_1521 = vector.broadcast %shift_right_logical3A_1520 : i32 to vector<16xi32>
        %shift_right_logical3A_1522 = arith.shrui %add3A_1519, %shift_right_logical3A_1521 : vector<16xi32>
        %and3A_1523 = arith.constant 31 : i32
        %and3A_1524 = vector.broadcast %and3A_1523 : i32 to vector<16xi32>
        %and3A_1525 = arith.andi %add3A_1519, %and3A_1524 : vector<16xi32>
        %gather3A_1526 = tpu.vector_load_idx %arg10[%shift_right_logical3A_1522, %and3A_1525] : memref<1600x32xf32, #tpu.memory_space<vmem>>[vector<16xi32>, vector<16xi32>], vector<16xf32>,
        %mul3A_1527 = arith.mulf %gather3A_1504, %gather3A_1526 : vector<16xf32>
        %add3A_1528 = arith.addf %add3A_1477, %mul3A_1527 : vector<16xf32>
        %add3A_1529 = arith.constant 1432 : i32
        %add3A_1530 = vector.broadcast %add3A_1529 : i32 to vector<16xi32>
        %add3A_1531 = arith.addi %add3A_68, %add3A_1530 : vector<16xi32>
        %shift_right_logical3A_1532 = arith.constant 5 : i32
        %shift_right_logical3A_1533 = vector.broadcast %shift_right_logical3A_1532 : i32 to vector<16xi32>
        %shift_right_logical3A_1534 = arith.shrui %add3A_1531, %shift_right_logical3A_1533 : vector<16xi32>
        %and3A_1535 = arith.constant 31 : i32
        %and3A_1536 = vector.broadcast %and3A_1535 : i32 to vector<16xi32>
        %and3A_1537 = arith.andi %add3A_1531, %and3A_1536 : vector<16xi32>
        %gather3A_1538 = tpu.vector_load_idx %arg10[%shift_right_logical3A_1534, %and3A_1537] : memref<1600x32xf32, #tpu.memory_space<vmem>>[vector<16xi32>, vector<16xi32>], vector<16xf32>,
        %mul3A_1539 = arith.mulf %gather3A_1504, %gather3A_1538 : vector<16xf32>
        %add3A_1540 = arith.addf %add3A_1489, %mul3A_1539 : vector<16xf32>
        %add3A_1541 = arith.constant 1434 : i32
        %add3A_1542 = vector.broadcast %add3A_1541 : i32 to vector<16xi32>
        %add3A_1543 = arith.addi %add3A_68, %add3A_1542 : vector<16xi32>
        %shift_right_logical3A_1544 = arith.constant 5 : i32
        %shift_right_logical3A_1545 = vector.broadcast %shift_right_logical3A_1544 : i32 to vector<16xi32>
        %shift_right_logical3A_1546 = arith.shrui %add3A_1543, %shift_right_logical3A_1545 : vector<16xi32>
        %and3A_1547 = arith.constant 31 : i32
        %and3A_1548 = vector.broadcast %and3A_1547 : i32 to vector<16xi32>
        %and3A_1549 = arith.andi %add3A_1543, %and3A_1548 : vector<16xi32>
        %gather3A_1550 = tpu.vector_load_idx %arg10[%shift_right_logical3A_1546, %and3A_1549] : memref<1600x32xf32, #tpu.memory_space<vmem>>[vector<16xi32>, vector<16xi32>], vector<16xf32>,
        %mul3A_1551 = arith.mulf %gather3A_1504, %gather3A_1550 : vector<16xf32>
        %add3A_1552 = arith.addf %add3A_1501, %mul3A_1551 : vector<16xf32>
        %broadcast_in_dim3A_1553 = arith.constant 29 : i32
        %broadcast_in_dim3A_1554 = vector.broadcast %broadcast_in_dim3A_1553 : i32 to vector<16xi32>
        %gather3A_1555 = tpu.vector_load_idx %arg8[%broadcast_in_dim3A, %broadcast_in_dim3A_1554] : memref<32x32xf32, #tpu.memory_space<vmem>>[vector<16xi32>, vector<16xi32>], vector<16xf32>,
        %add3A_1556 = arith.constant 1450 : i32
        %add3A_1557 = vector.broadcast %add3A_1556 : i32 to vector<16xi32>
        %add3A_1558 = arith.addi %add3A_68, %add3A_1557 : vector<16xi32>
        %shift_right_logical3A_1559 = arith.constant 5 : i32
        %shift_right_logical3A_1560 = vector.broadcast %shift_right_logical3A_1559 : i32 to vector<16xi32>
        %shift_right_logical3A_1561 = arith.shrui %add3A_1558, %shift_right_logical3A_1560 : vector<16xi32>
        %and3A_1562 = arith.constant 31 : i32
        %and3A_1563 = vector.broadcast %and3A_1562 : i32 to vector<16xi32>
        %and3A_1564 = arith.andi %add3A_1558, %and3A_1563 : vector<16xi32>
        %gather3A_1565 = tpu.vector_load_idx %arg10[%shift_right_logical3A_1561, %and3A_1564] : memref<1600x32xf32, #tpu.memory_space<vmem>>[vector<16xi32>, vector<16xi32>], vector<16xf32>,
        %mul3A_1566 = arith.mulf %gather3A_1555, %gather3A_1565 : vector<16xf32>
        %add3A_1567 = arith.addf %add3A_1516, %mul3A_1566 : vector<16xf32>
        %add3A_1568 = arith.constant 1466 : i32
        %add3A_1569 = vector.broadcast %add3A_1568 : i32 to vector<16xi32>
        %add3A_1570 = arith.addi %add3A_68, %add3A_1569 : vector<16xi32>
        %shift_right_logical3A_1571 = arith.constant 5 : i32
        %shift_right_logical3A_1572 = vector.broadcast %shift_right_logical3A_1571 : i32 to vector<16xi32>
        %shift_right_logical3A_1573 = arith.shrui %add3A_1570, %shift_right_logical3A_1572 : vector<16xi32>
        %and3A_1574 = arith.constant 31 : i32
        %and3A_1575 = vector.broadcast %and3A_1574 : i32 to vector<16xi32>
        %and3A_1576 = arith.andi %add3A_1570, %and3A_1575 : vector<16xi32>
        %gather3A_1577 = tpu.vector_load_idx %arg10[%shift_right_logical3A_1573, %and3A_1576] : memref<1600x32xf32, #tpu.memory_space<vmem>>[vector<16xi32>, vector<16xi32>], vector<16xf32>,
        %mul3A_1578 = arith.mulf %gather3A_1555, %gather3A_1577 : vector<16xf32>
        %add3A_1579 = arith.addf %add3A_1528, %mul3A_1578 : vector<16xf32>
        %add3A_1580 = arith.constant 1482 : i32
        %add3A_1581 = vector.broadcast %add3A_1580 : i32 to vector<16xi32>
        %add3A_1582 = arith.addi %add3A_68, %add3A_1581 : vector<16xi32>
        %shift_right_logical3A_1583 = arith.constant 5 : i32
        %shift_right_logical3A_1584 = vector.broadcast %shift_right_logical3A_1583 : i32 to vector<16xi32>
        %shift_right_logical3A_1585 = arith.shrui %add3A_1582, %shift_right_logical3A_1584 : vector<16xi32>
        %and3A_1586 = arith.constant 31 : i32
        %and3A_1587 = vector.broadcast %and3A_1586 : i32 to vector<16xi32>
        %and3A_1588 = arith.andi %add3A_1582, %and3A_1587 : vector<16xi32>
        %gather3A_1589 = tpu.vector_load_idx %arg10[%shift_right_logical3A_1585, %and3A_1588] : memref<1600x32xf32, #tpu.memory_space<vmem>>[vector<16xi32>, vector<16xi32>], vector<16xf32>,
        %mul3A_1590 = arith.mulf %gather3A_1555, %gather3A_1589 : vector<16xf32>
        %add3A_1591 = arith.addf %add3A_1540, %mul3A_1590 : vector<16xf32>
        %add3A_1592 = arith.constant 1484 : i32
        %add3A_1593 = vector.broadcast %add3A_1592 : i32 to vector<16xi32>
        %add3A_1594 = arith.addi %add3A_68, %add3A_1593 : vector<16xi32>
        %shift_right_logical3A_1595 = arith.constant 5 : i32
        %shift_right_logical3A_1596 = vector.broadcast %shift_right_logical3A_1595 : i32 to vector<16xi32>
        %shift_right_logical3A_1597 = arith.shrui %add3A_1594, %shift_right_logical3A_1596 : vector<16xi32>
        %and3A_1598 = arith.constant 31 : i32
        %and3A_1599 = vector.broadcast %and3A_1598 : i32 to vector<16xi32>
        %and3A_1600 = arith.andi %add3A_1594, %and3A_1599 : vector<16xi32>
        %gather3A_1601 = tpu.vector_load_idx %arg10[%shift_right_logical3A_1597, %and3A_1600] : memref<1600x32xf32, #tpu.memory_space<vmem>>[vector<16xi32>, vector<16xi32>], vector<16xf32>,
        %mul3A_1602 = arith.mulf %gather3A_1555, %gather3A_1601 : vector<16xf32>
        %add3A_1603 = arith.addf %add3A_1552, %mul3A_1602 : vector<16xf32>
        %broadcast_in_dim3A_1604 = arith.constant 30 : i32
        %broadcast_in_dim3A_1605 = vector.broadcast %broadcast_in_dim3A_1604 : i32 to vector<16xi32>
        %gather3A_1606 = tpu.vector_load_idx %arg8[%broadcast_in_dim3A, %broadcast_in_dim3A_1605] : memref<32x32xf32, #tpu.memory_space<vmem>>[vector<16xi32>, vector<16xi32>], vector<16xf32>,
        %add3A_1607 = arith.constant 1500 : i32
        %add3A_1608 = vector.broadcast %add3A_1607 : i32 to vector<16xi32>
        %add3A_1609 = arith.addi %add3A_68, %add3A_1608 : vector<16xi32>
        %shift_right_logical3A_1610 = arith.constant 5 : i32
        %shift_right_logical3A_1611 = vector.broadcast %shift_right_logical3A_1610 : i32 to vector<16xi32>
        %shift_right_logical3A_1612 = arith.shrui %add3A_1609, %shift_right_logical3A_1611 : vector<16xi32>
        %and3A_1613 = arith.constant 31 : i32
        %and3A_1614 = vector.broadcast %and3A_1613 : i32 to vector<16xi32>
        %and3A_1615 = arith.andi %add3A_1609, %and3A_1614 : vector<16xi32>
        %gather3A_1616 = tpu.vector_load_idx %arg10[%shift_right_logical3A_1612, %and3A_1615] : memref<1600x32xf32, #tpu.memory_space<vmem>>[vector<16xi32>, vector<16xi32>], vector<16xf32>,
        %mul3A_1617 = arith.mulf %gather3A_1606, %gather3A_1616 : vector<16xf32>
        %add3A_1618 = arith.addf %add3A_1567, %mul3A_1617 : vector<16xf32>
        %add3A_1619 = arith.constant 1516 : i32
        %add3A_1620 = vector.broadcast %add3A_1619 : i32 to vector<16xi32>
        %add3A_1621 = arith.addi %add3A_68, %add3A_1620 : vector<16xi32>
        %shift_right_logical3A_1622 = arith.constant 5 : i32
        %shift_right_logical3A_1623 = vector.broadcast %shift_right_logical3A_1622 : i32 to vector<16xi32>
        %shift_right_logical3A_1624 = arith.shrui %add3A_1621, %shift_right_logical3A_1623 : vector<16xi32>
        %and3A_1625 = arith.constant 31 : i32
        %and3A_1626 = vector.broadcast %and3A_1625 : i32 to vector<16xi32>
        %and3A_1627 = arith.andi %add3A_1621, %and3A_1626 : vector<16xi32>
        %gather3A_1628 = tpu.vector_load_idx %arg10[%shift_right_logical3A_1624, %and3A_1627] : memref<1600x32xf32, #tpu.memory_space<vmem>>[vector<16xi32>, vector<16xi32>], vector<16xf32>,
        %mul3A_1629 = arith.mulf %gather3A_1606, %gather3A_1628 : vector<16xf32>
        %add3A_1630 = arith.addf %add3A_1579, %mul3A_1629 : vector<16xf32>
        %add3A_1631 = arith.constant 1532 : i32
        %add3A_1632 = vector.broadcast %add3A_1631 : i32 to vector<16xi32>
        %add3A_1633 = arith.addi %add3A_68, %add3A_1632 : vector<16xi32>
        %shift_right_logical3A_1634 = arith.constant 5 : i32
        %shift_right_logical3A_1635 = vector.broadcast %shift_right_logical3A_1634 : i32 to vector<16xi32>
        %shift_right_logical3A_1636 = arith.shrui %add3A_1633, %shift_right_logical3A_1635 : vector<16xi32>
        %and3A_1637 = arith.constant 31 : i32
        %and3A_1638 = vector.broadcast %and3A_1637 : i32 to vector<16xi32>
        %and3A_1639 = arith.andi %add3A_1633, %and3A_1638 : vector<16xi32>
        %gather3A_1640 = tpu.vector_load_idx %arg10[%shift_right_logical3A_1636, %and3A_1639] : memref<1600x32xf32, #tpu.memory_space<vmem>>[vector<16xi32>, vector<16xi32>], vector<16xf32>,
        %mul3A_1641 = arith.mulf %gather3A_1606, %gather3A_1640 : vector<16xf32>
        %add3A_1642 = arith.addf %add3A_1591, %mul3A_1641 : vector<16xf32>
        %add3A_1643 = arith.constant 1534 : i32
        %add3A_1644 = vector.broadcast %add3A_1643 : i32 to vector<16xi32>
        %add3A_1645 = arith.addi %add3A_68, %add3A_1644 : vector<16xi32>
        %shift_right_logical3A_1646 = arith.constant 5 : i32
        %shift_right_logical3A_1647 = vector.broadcast %shift_right_logical3A_1646 : i32 to vector<16xi32>
        %shift_right_logical3A_1648 = arith.shrui %add3A_1645, %shift_right_logical3A_1647 : vector<16xi32>
        %and3A_1649 = arith.constant 31 : i32
        %and3A_1650 = vector.broadcast %and3A_1649 : i32 to vector<16xi32>
        %and3A_1651 = arith.andi %add3A_1645, %and3A_1650 : vector<16xi32>
        %gather3A_1652 = tpu.vector_load_idx %arg10[%shift_right_logical3A_1648, %and3A_1651] : memref<1600x32xf32, #tpu.memory_space<vmem>>[vector<16xi32>, vector<16xi32>], vector<16xf32>,
        %mul3A_1653 = arith.mulf %gather3A_1606, %gather3A_1652 : vector<16xf32>
        %add3A_1654 = arith.addf %add3A_1603, %mul3A_1653 : vector<16xf32>
        %broadcast_in_dim3A_1655 = arith.constant 31 : i32
        %broadcast_in_dim3A_1656 = vector.broadcast %broadcast_in_dim3A_1655 : i32 to vector<16xi32>
        %gather3A_1657 = tpu.vector_load_idx %arg8[%broadcast_in_dim3A, %broadcast_in_dim3A_1656] : memref<32x32xf32, #tpu.memory_space<vmem>>[vector<16xi32>, vector<16xi32>], vector<16xf32>,
        %add3A_1658 = arith.constant 1550 : i32
        %add3A_1659 = vector.broadcast %add3A_1658 : i32 to vector<16xi32>
        %add3A_1660 = arith.addi %add3A_68, %add3A_1659 : vector<16xi32>
        %shift_right_logical3A_1661 = arith.constant 5 : i32
        %shift_right_logical3A_1662 = vector.broadcast %shift_right_logical3A_1661 : i32 to vector<16xi32>
        %shift_right_logical3A_1663 = arith.shrui %add3A_1660, %shift_right_logical3A_1662 : vector<16xi32>
        %and3A_1664 = arith.constant 31 : i32
        %and3A_1665 = vector.broadcast %and3A_1664 : i32 to vector<16xi32>
        %and3A_1666 = arith.andi %add3A_1660, %and3A_1665 : vector<16xi32>
        %gather3A_1667 = tpu.vector_load_idx %arg10[%shift_right_logical3A_1663, %and3A_1666] : memref<1600x32xf32, #tpu.memory_space<vmem>>[vector<16xi32>, vector<16xi32>], vector<16xf32>,
        %mul3A_1668 = arith.mulf %gather3A_1657, %gather3A_1667 : vector<16xf32>
        %add3A_1669 = arith.addf %add3A_1618, %mul3A_1668 : vector<16xf32>
        %add3A_1670 = arith.constant 1566 : i32
        %add3A_1671 = vector.broadcast %add3A_1670 : i32 to vector<16xi32>
        %add3A_1672 = arith.addi %add3A_68, %add3A_1671 : vector<16xi32>
        %shift_right_logical3A_1673 = arith.constant 5 : i32
        %shift_right_logical3A_1674 = vector.broadcast %shift_right_logical3A_1673 : i32 to vector<16xi32>
        %shift_right_logical3A_1675 = arith.shrui %add3A_1672, %shift_right_logical3A_1674 : vector<16xi32>
        %and3A_1676 = arith.constant 31 : i32
        %and3A_1677 = vector.broadcast %and3A_1676 : i32 to vector<16xi32>
        %and3A_1678 = arith.andi %add3A_1672, %and3A_1677 : vector<16xi32>
        %gather3A_1679 = tpu.vector_load_idx %arg10[%shift_right_logical3A_1675, %and3A_1678] : memref<1600x32xf32, #tpu.memory_space<vmem>>[vector<16xi32>, vector<16xi32>], vector<16xf32>,
        %mul3A_1680 = arith.mulf %gather3A_1657, %gather3A_1679 : vector<16xf32>
        %add3A_1681 = arith.addf %add3A_1630, %mul3A_1680 : vector<16xf32>
        %add3A_1682 = arith.constant 1582 : i32
        %add3A_1683 = vector.broadcast %add3A_1682 : i32 to vector<16xi32>
        %add3A_1684 = arith.addi %add3A_68, %add3A_1683 : vector<16xi32>
        %shift_right_logical3A_1685 = arith.constant 5 : i32
        %shift_right_logical3A_1686 = vector.broadcast %shift_right_logical3A_1685 : i32 to vector<16xi32>
        %shift_right_logical3A_1687 = arith.shrui %add3A_1684, %shift_right_logical3A_1686 : vector<16xi32>
        %and3A_1688 = arith.constant 31 : i32
        %and3A_1689 = vector.broadcast %and3A_1688 : i32 to vector<16xi32>
        %and3A_1690 = arith.andi %add3A_1684, %and3A_1689 : vector<16xi32>
        %gather3A_1691 = tpu.vector_load_idx %arg10[%shift_right_logical3A_1687, %and3A_1690] : memref<1600x32xf32, #tpu.memory_space<vmem>>[vector<16xi32>, vector<16xi32>], vector<16xf32>,
        %mul3A_1692 = arith.mulf %gather3A_1657, %gather3A_1691 : vector<16xf32>
        %add3A_1693 = arith.addf %add3A_1642, %mul3A_1692 : vector<16xf32>
        %add3A_1694 = arith.constant 1584 : i32
        %add3A_1695 = vector.broadcast %add3A_1694 : i32 to vector<16xi32>
        %add3A_1696 = arith.addi %add3A_68, %add3A_1695 : vector<16xi32>
        %shift_right_logical3A_1697 = arith.constant 5 : i32
        %shift_right_logical3A_1698 = vector.broadcast %shift_right_logical3A_1697 : i32 to vector<16xi32>
        %shift_right_logical3A_1699 = arith.shrui %add3A_1696, %shift_right_logical3A_1698 : vector<16xi32>
        %and3A_1700 = arith.constant 31 : i32
        %and3A_1701 = vector.broadcast %and3A_1700 : i32 to vector<16xi32>
        %and3A_1702 = arith.andi %add3A_1696, %and3A_1701 : vector<16xi32>
        %gather3A_1703 = tpu.vector_load_idx %arg10[%shift_right_logical3A_1699, %and3A_1702] : memref<1600x32xf32, #tpu.memory_space<vmem>>[vector<16xi32>, vector<16xi32>], vector<16xf32>,
        %mul3A_1704 = arith.mulf %gather3A_1657, %gather3A_1703 : vector<16xf32>
        %add3A_1705 = arith.addf %add3A_1654, %mul3A_1704 : vector<16xf32>
        %mul3A_1706 = arith.constant 50 : i32
        %mul3A_1707 = arith.muli %scan3A_64, %mul3A_1706 : i32
        %add3A_1708 = arith.constant 0 : i32
        %add3A_1709 = arith.addi %mul3A_1707, %add3A_1708 : i32
        %swap3A = arith.index_cast %add3A_1709 : i32 to index
        %swap3A_1710 = tpu.vector_load %arg12[%swap3A] {strides = array<i32>} : memref<1600xf32, #tpu.memory_space<vmem>>, vector<16xf32>,
        tpu.vector_store %arg12[%swap3A], %add3A_1669 {strides = array<i32>} : memref<1600xf32, #tpu.memory_space<vmem>>, vector<16xf32>,
        %add3A_1711 = arith.constant 16 : i32
        %add3A_1712 = arith.addi %mul3A_1707, %add3A_1711 : i32
        %swap3A_1713 = arith.index_cast %add3A_1712 : i32 to index
        %swap3A_1714 = tpu.vector_load %arg12[%swap3A_1713] {strides = array<i32>} : memref<1600xf32, #tpu.memory_space<vmem>>, vector<16xf32>,
        tpu.vector_store %arg12[%swap3A_1713], %add3A_1681 {strides = array<i32>} : memref<1600xf32, #tpu.memory_space<vmem>>, vector<16xf32>,
        %add3A_1715 = arith.constant 32 : i32
        %add3A_1716 = arith.addi %mul3A_1707, %add3A_1715 : i32
        %swap3A_1717 = arith.index_cast %add3A_1716 : i32 to index
        %swap3A_1718 = tpu.vector_load %arg12[%swap3A_1717] {strides = array<i32>} : memref<1600xf32, #tpu.memory_space<vmem>>, vector<16xf32>,
        tpu.vector_store %arg12[%swap3A_1717], %add3A_1693 {strides = array<i32>} : memref<1600xf32, #tpu.memory_space<vmem>>, vector<16xf32>,
        %add3A_1719 = arith.constant 34 : i32
        %add3A_1720 = arith.addi %mul3A_1707, %add3A_1719 : i32
        %swap3A_1721 = arith.index_cast %add3A_1720 : i32 to index
        %swap3A_1722 = tpu.vector_load %arg12[%swap3A_1721] {strides = array<i32>} : memref<1600xf32, #tpu.memory_space<vmem>>, vector<16xf32>,
        tpu.vector_store %arg12[%swap3A_1721], %add3A_1705 {strides = array<i32>} : memref<1600xf32, #tpu.memory_space<vmem>>, vector<16xf32>,
      }
      %scan3A_36 = arith.constant 32 : i32
      %mul3A_37 = arith.constant 512 : i32
      %mul3A_38 = arith.muli %add3A, %mul3A_37 : i32
      %mul3A_39 = arith.constant 32 : i32
      %mul3A_40 = arith.muli %mul3A_16, %mul3A_39 : i32
      %add3A_41 = arith.addi %mul3A_38, %mul3A_40 : i32
      %mul3A_42 = arith.constant 50 : i32
      %mul3A_43 = arith.muli %add3A_41, %mul3A_42 : i32
      "tpu.region"() ({
        %run_scoped3A = tpu.sem_alloc : memref<!tpu.dma_semaphore, #tpu.memory_space<semaphore_mem>>
        %dma_start3A_64 = tpu.memref_slice %arg5[%mul3A_43] : memref<819200xf32, #tpu.memory_space<hbm>> -> memref<1600xf32, #tpu.memory_space<hbm>>
        %dma_start3A_65 = tpu.memref_slice %arg5[%mul3A_43] : memref<819200xf32, #tpu.memory_space<hbm>> -> memref<1600xf32, #tpu.memory_space<hbm>>
        tpu.enqueue_dma source(%arg12 : memref<1600xf32, #tpu.memory_space<vmem>>) target(%dma_start3A_65 : memref<1600xf32, #tpu.memory_space<hbm>>) target_semaphore(%run_scoped3A : memref<!tpu.dma_semaphore, #tpu.memory_space<semaphore_mem>>)
        %dma_wait3A_66 = tpu.memref_slice %arg5[%mul3A_43] : memref<819200xf32, #tpu.memory_space<hbm>> -> memref<1600xf32, #tpu.memory_space<hbm>>
        %dma_wait3A_67 = tpu.memref_slice %arg5[%mul3A_43] : memref<819200xf32, #tpu.memory_space<hbm>> -> memref<1600xf32, #tpu.memory_space<hbm>>
        tpu.wait_dma2 semaphore(%run_scoped3A : memref<!tpu.dma_semaphore, #tpu.memory_space<semaphore_mem>>) src(%arg12 : memref<1600xf32, #tpu.memory_space<vmem>>) dst(%dma_wait3A_67 : memref<1600xf32, #tpu.memory_space<hbm>>)
        tpu.yield
      }) : () -> ()
      %lt3A = arith.constant 7 : i32
      %lt3A_44 = arith.cmpi slt, %scan3A_14, %lt3A : i32
      %convert_element_type3A = arith.extui %lt3A_44 : i1 to i32
      %cond3A = arith.constant 0 : i32
      %cond3A_45 = arith.cmpi ne, %convert_element_type3A, %cond3A : i32
      scf.if %cond3A_45 {
        %add3A_64 = arith.constant 2 : i32
        %add3A_65 = arith.addi %mul3A_16, %add3A_64 : i32
        %mul3A_66 = arith.constant 512 : i32
        %mul3A_67 = arith.muli %add3A, %mul3A_66 : i32
        %mul3A_68 = arith.constant 32 : i32
        %mul3A_69 = arith.muli %add3A_65, %mul3A_68 : i32
        %add3A_70 = arith.addi %mul3A_67, %mul3A_69 : i32
        %mul3A_71 = arith.constant 50 : i32
        %mul3A_72 = arith.muli %add3A_70, %mul3A_71 : i32
        "tpu.region"() ({
          %run_scoped3A = tpu.sem_alloc : memref<!tpu.dma_semaphore, #tpu.memory_space<semaphore_mem>>
          %dma_start3A_76 = tpu.memref_slice %arg3[%mul3A_72] : memref<819200xi32, #tpu.memory_space<hbm>> -> memref<1600xi32, #tpu.memory_space<hbm>>
          %dma_start3A_77 = tpu.memref_slice %arg3[%mul3A_72] : memref<819200xi32, #tpu.memory_space<hbm>> -> memref<1600xi32, #tpu.memory_space<hbm>>
          tpu.enqueue_dma source(%dma_start3A_77 : memref<1600xi32, #tpu.memory_space<hbm>>) target(%arg6 : memref<1600xi32, #tpu.memory_space<vmem>>) target_semaphore(%run_scoped3A : memref<!tpu.dma_semaphore, #tpu.memory_space<semaphore_mem>>)
          %dma_wait3A_78 = tpu.memref_slice %arg3[%mul3A_72] : memref<819200xi32, #tpu.memory_space<hbm>> -> memref<1600xi32, #tpu.memory_space<hbm>>
          %dma_wait3A_79 = tpu.memref_slice %arg3[%mul3A_72] : memref<819200xi32, #tpu.memory_space<hbm>> -> memref<1600xi32, #tpu.memory_space<hbm>>
          tpu.wait_dma2 semaphore(%run_scoped3A : memref<!tpu.dma_semaphore, #tpu.memory_space<semaphore_mem>>) src(%dma_wait3A_79 : memref<1600xi32, #tpu.memory_space<hbm>>) dst(%arg6 : memref<1600xi32, #tpu.memory_space<vmem>>)
          tpu.yield
        }) : () -> ()
        "tpu.region"() ({
          %run_scoped3A = tpu.sem_alloc : memref<!tpu.dma_semaphore, #tpu.memory_space<semaphore_mem>>
          %dma_start3A_76 = arith.constant 0 : i32
          %dma_start3A_77 = tpu.memref_slice %arg2[%add3A_70, %dma_start3A_76] : memref<16384x32xf32, #tpu.memory_space<hbm>> -> memref<32x32xf32, #tpu.memory_space<hbm>>
          %dma_start3A_78 = arith.constant 0 : i32
          %dma_start3A_79 = tpu.memref_slice %arg2[%add3A_70, %dma_start3A_78] : memref<16384x32xf32, #tpu.memory_space<hbm>> -> memref<32x32xf32, #tpu.memory_space<hbm>>
          tpu.enqueue_dma source(%dma_start3A_79 : memref<32x32xf32, #tpu.memory_space<hbm>>) target(%arg8 : memref<32x32xf32, #tpu.memory_space<vmem>>) target_semaphore(%run_scoped3A : memref<!tpu.dma_semaphore, #tpu.memory_space<semaphore_mem>>)
          %dma_wait3A_80 = arith.constant 0 : i32
          %dma_wait3A_81 = tpu.memref_slice %arg2[%add3A_70, %dma_wait3A_80] : memref<16384x32xf32, #tpu.memory_space<hbm>> -> memref<32x32xf32, #tpu.memory_space<hbm>>
          %dma_wait3A_82 = arith.constant 0 : i32
          %dma_wait3A_83 = tpu.memref_slice %arg2[%add3A_70, %dma_wait3A_82] : memref<16384x32xf32, #tpu.memory_space<hbm>> -> memref<32x32xf32, #tpu.memory_space<hbm>>
          tpu.wait_dma2 semaphore(%run_scoped3A : memref<!tpu.dma_semaphore, #tpu.memory_space<semaphore_mem>>) src(%dma_wait3A_83 : memref<32x32xf32, #tpu.memory_space<hbm>>) dst(%arg8 : memref<32x32xf32, #tpu.memory_space<vmem>>)
          tpu.yield
        }) : () -> ()
        %dma_start3A_73 = arith.constant 0 : i32
        %dma_start3A_74 = arith.constant 0 : i32
        %dma_start3A_75 = tpu.memref_slice %arg4[%dma_start3A_73, %dma_start3A_74] : memref<1000000x32xf32, #tpu.memory_space<hbm>> -> memref<1000000x32xf32, #tpu.memory_space<hbm>>
        tpu.enqueue_indirect_dma source(%dma_start3A_75 : memref<1000000x32xf32, #tpu.memory_space<hbm>>) target(%arg10 : memref<1600x32xf32, #tpu.memory_space<vmem>>) offsets(%arg6 : memref<1600xi32, #tpu.memory_space<vmem>>) semaphore(%arg14 : memref<!tpu.dma_semaphore, #tpu.memory_space<semaphore_mem>>)
      } else {
      }
      %dma_wait3A_46 = arith.constant 0 : i32
      %dma_wait3A_47 = arith.constant 0 : i32
      %dma_wait3A_48 = tpu.memref_slice %arg4[%dma_wait3A_46, %dma_wait3A_47] : memref<1000000x32xf32, #tpu.memory_space<hbm>> -> memref<1000000x32xf32, #tpu.memory_space<hbm>>
      tpu.wait_indirect_dma semaphore(%arg15 : memref<!tpu.dma_semaphore, #tpu.memory_space<semaphore_mem>>) src(%dma_wait3A_48 : memref<1000000x32xf32, #tpu.memory_space<hbm>>) dst(%arg11 : memref<1600x32xf32, #tpu.memory_space<vmem>>)
      %add3A_49 = arith.constant 1 : i32
      %add3A_50 = arith.addi %mul3A_16, %add3A_49 : i32
      %scan3A_51 = arith.constant 0 : i32
      %scan3A_52 = arith.constant 0 : i32
      %scan3A_53 = arith.constant 32 : i32
      %scan3A_54 = arith.addi %scan3A_52, %scan3A_53 : i32
      %scan3A_55 = arith.constant 1 : i32
      scf.for %scan3A_64 = %scan3A_52 to %scan3A_54 step %scan3A_55  : i32 {
        %mul3A_65 = arith.constant 1600 : i32
        %mul3A_66 = arith.muli %scan3A_64, %mul3A_65 : i32
        %iota3A = tpu.iota {dimensions = array<i32: 0>} : vector<16xi32>
        %add3A_67 = vector.broadcast %mul3A_66 : i32 to vector<16xi32>
        %add3A_68 = arith.addi %add3A_67, %iota3A : vector<16xi32>
        %broadcast_in_dim3A = vector.broadcast %scan3A_64 : i32 to vector<16xi32>
        %broadcast_in_dim3A_69 = arith.constant 0.000000e+00 : f32
        %broadcast_in_dim3A_70 = vector.broadcast %broadcast_in_dim3A_69 : f32 to vector<16xf32>
        %broadcast_in_dim3A_71 = arith.constant 0.000000e+00 : f32
        %broadcast_in_dim3A_72 = vector.broadcast %broadcast_in_dim3A_71 : f32 to vector<16xf32>
        %broadcast_in_dim3A_73 = arith.constant 0.000000e+00 : f32
        %broadcast_in_dim3A_74 = vector.broadcast %broadcast_in_dim3A_73 : f32 to vector<16xf32>
        %broadcast_in_dim3A_75 = arith.constant 0.000000e+00 : f32
        %broadcast_in_dim3A_76 = vector.broadcast %broadcast_in_dim3A_75 : f32 to vector<16xf32>
        %broadcast_in_dim3A_77 = arith.constant 0 : i32
        %broadcast_in_dim3A_78 = vector.broadcast %broadcast_in_dim3A_77 : i32 to vector<16xi32>
        %gather3A = tpu.vector_load_idx %arg9[%broadcast_in_dim3A, %broadcast_in_dim3A_78] : memref<32x32xf32, #tpu.memory_space<vmem>>[vector<16xi32>, vector<16xi32>], vector<16xf32>,
        %add3A_79 = arith.constant 0 : i32
        %add3A_80 = vector.broadcast %add3A_79 : i32 to vector<16xi32>
        %add3A_81 = arith.addi %add3A_68, %add3A_80 : vector<16xi32>
        %shift_right_logical3A = arith.constant 5 : i32
        %shift_right_logical3A_82 = vector.broadcast %shift_right_logical3A : i32 to vector<16xi32>
        %shift_right_logical3A_83 = arith.shrui %add3A_81, %shift_right_logical3A_82 : vector<16xi32>
        %and3A = arith.constant 31 : i32
        %and3A_84 = vector.broadcast %and3A : i32 to vector<16xi32>
        %and3A_85 = arith.andi %add3A_81, %and3A_84 : vector<16xi32>
        %gather3A_86 = tpu.vector_load_idx %arg11[%shift_right_logical3A_83, %and3A_85] : memref<1600x32xf32, #tpu.memory_space<vmem>>[vector<16xi32>, vector<16xi32>], vector<16xf32>,
        %mul3A_87 = arith.mulf %gather3A, %gather3A_86 : vector<16xf32>
        %add3A_88 = arith.addf %broadcast_in_dim3A_70, %mul3A_87 : vector<16xf32>
        %add3A_89 = arith.constant 16 : i32
        %add3A_90 = vector.broadcast %add3A_89 : i32 to vector<16xi32>
        %add3A_91 = arith.addi %add3A_68, %add3A_90 : vector<16xi32>
        %shift_right_logical3A_92 = arith.constant 5 : i32
        %shift_right_logical3A_93 = vector.broadcast %shift_right_logical3A_92 : i32 to vector<16xi32>
        %shift_right_logical3A_94 = arith.shrui %add3A_91, %shift_right_logical3A_93 : vector<16xi32>
        %and3A_95 = arith.constant 31 : i32
        %and3A_96 = vector.broadcast %and3A_95 : i32 to vector<16xi32>
        %and3A_97 = arith.andi %add3A_91, %and3A_96 : vector<16xi32>
        %gather3A_98 = tpu.vector_load_idx %arg11[%shift_right_logical3A_94, %and3A_97] : memref<1600x32xf32, #tpu.memory_space<vmem>>[vector<16xi32>, vector<16xi32>], vector<16xf32>,
        %mul3A_99 = arith.mulf %gather3A, %gather3A_98 : vector<16xf32>
        %add3A_100 = arith.addf %broadcast_in_dim3A_72, %mul3A_99 : vector<16xf32>
        %add3A_101 = arith.constant 32 : i32
        %add3A_102 = vector.broadcast %add3A_101 : i32 to vector<16xi32>
        %add3A_103 = arith.addi %add3A_68, %add3A_102 : vector<16xi32>
        %shift_right_logical3A_104 = arith.constant 5 : i32
        %shift_right_logical3A_105 = vector.broadcast %shift_right_logical3A_104 : i32 to vector<16xi32>
        %shift_right_logical3A_106 = arith.shrui %add3A_103, %shift_right_logical3A_105 : vector<16xi32>
        %and3A_107 = arith.constant 31 : i32
        %and3A_108 = vector.broadcast %and3A_107 : i32 to vector<16xi32>
        %and3A_109 = arith.andi %add3A_103, %and3A_108 : vector<16xi32>
        %gather3A_110 = tpu.vector_load_idx %arg11[%shift_right_logical3A_106, %and3A_109] : memref<1600x32xf32, #tpu.memory_space<vmem>>[vector<16xi32>, vector<16xi32>], vector<16xf32>,
        %mul3A_111 = arith.mulf %gather3A, %gather3A_110 : vector<16xf32>
        %add3A_112 = arith.addf %broadcast_in_dim3A_74, %mul3A_111 : vector<16xf32>
        %add3A_113 = arith.constant 34 : i32
        %add3A_114 = vector.broadcast %add3A_113 : i32 to vector<16xi32>
        %add3A_115 = arith.addi %add3A_68, %add3A_114 : vector<16xi32>
        %shift_right_logical3A_116 = arith.constant 5 : i32
        %shift_right_logical3A_117 = vector.broadcast %shift_right_logical3A_116 : i32 to vector<16xi32>
        %shift_right_logical3A_118 = arith.shrui %add3A_115, %shift_right_logical3A_117 : vector<16xi32>
        %and3A_119 = arith.constant 31 : i32
        %and3A_120 = vector.broadcast %and3A_119 : i32 to vector<16xi32>
        %and3A_121 = arith.andi %add3A_115, %and3A_120 : vector<16xi32>
        %gather3A_122 = tpu.vector_load_idx %arg11[%shift_right_logical3A_118, %and3A_121] : memref<1600x32xf32, #tpu.memory_space<vmem>>[vector<16xi32>, vector<16xi32>], vector<16xf32>,
        %mul3A_123 = arith.mulf %gather3A, %gather3A_122 : vector<16xf32>
        %add3A_124 = arith.addf %broadcast_in_dim3A_76, %mul3A_123 : vector<16xf32>
        %broadcast_in_dim3A_125 = arith.constant 1 : i32
        %broadcast_in_dim3A_126 = vector.broadcast %broadcast_in_dim3A_125 : i32 to vector<16xi32>
        %gather3A_127 = tpu.vector_load_idx %arg9[%broadcast_in_dim3A, %broadcast_in_dim3A_126] : memref<32x32xf32, #tpu.memory_space<vmem>>[vector<16xi32>, vector<16xi32>], vector<16xf32>,
        %add3A_128 = arith.constant 50 : i32
        %add3A_129 = vector.broadcast %add3A_128 : i32 to vector<16xi32>
        %add3A_130 = arith.addi %add3A_68, %add3A_129 : vector<16xi32>
        %shift_right_logical3A_131 = arith.constant 5 : i32
        %shift_right_logical3A_132 = vector.broadcast %shift_right_logical3A_131 : i32 to vector<16xi32>
        %shift_right_logical3A_133 = arith.shrui %add3A_130, %shift_right_logical3A_132 : vector<16xi32>
        %and3A_134 = arith.constant 31 : i32
        %and3A_135 = vector.broadcast %and3A_134 : i32 to vector<16xi32>
        %and3A_136 = arith.andi %add3A_130, %and3A_135 : vector<16xi32>
        %gather3A_137 = tpu.vector_load_idx %arg11[%shift_right_logical3A_133, %and3A_136] : memref<1600x32xf32, #tpu.memory_space<vmem>>[vector<16xi32>, vector<16xi32>], vector<16xf32>,
        %mul3A_138 = arith.mulf %gather3A_127, %gather3A_137 : vector<16xf32>
        %add3A_139 = arith.addf %add3A_88, %mul3A_138 : vector<16xf32>
        %add3A_140 = arith.constant 66 : i32
        %add3A_141 = vector.broadcast %add3A_140 : i32 to vector<16xi32>
        %add3A_142 = arith.addi %add3A_68, %add3A_141 : vector<16xi32>
        %shift_right_logical3A_143 = arith.constant 5 : i32
        %shift_right_logical3A_144 = vector.broadcast %shift_right_logical3A_143 : i32 to vector<16xi32>
        %shift_right_logical3A_145 = arith.shrui %add3A_142, %shift_right_logical3A_144 : vector<16xi32>
        %and3A_146 = arith.constant 31 : i32
        %and3A_147 = vector.broadcast %and3A_146 : i32 to vector<16xi32>
        %and3A_148 = arith.andi %add3A_142, %and3A_147 : vector<16xi32>
        %gather3A_149 = tpu.vector_load_idx %arg11[%shift_right_logical3A_145, %and3A_148] : memref<1600x32xf32, #tpu.memory_space<vmem>>[vector<16xi32>, vector<16xi32>], vector<16xf32>,
        %mul3A_150 = arith.mulf %gather3A_127, %gather3A_149 : vector<16xf32>
        %add3A_151 = arith.addf %add3A_100, %mul3A_150 : vector<16xf32>
        %add3A_152 = arith.constant 82 : i32
        %add3A_153 = vector.broadcast %add3A_152 : i32 to vector<16xi32>
        %add3A_154 = arith.addi %add3A_68, %add3A_153 : vector<16xi32>
        %shift_right_logical3A_155 = arith.constant 5 : i32
        %shift_right_logical3A_156 = vector.broadcast %shift_right_logical3A_155 : i32 to vector<16xi32>
        %shift_right_logical3A_157 = arith.shrui %add3A_154, %shift_right_logical3A_156 : vector<16xi32>
        %and3A_158 = arith.constant 31 : i32
        %and3A_159 = vector.broadcast %and3A_158 : i32 to vector<16xi32>
        %and3A_160 = arith.andi %add3A_154, %and3A_159 : vector<16xi32>
        %gather3A_161 = tpu.vector_load_idx %arg11[%shift_right_logical3A_157, %and3A_160] : memref<1600x32xf32, #tpu.memory_space<vmem>>[vector<16xi32>, vector<16xi32>], vector<16xf32>,
        %mul3A_162 = arith.mulf %gather3A_127, %gather3A_161 : vector<16xf32>
        %add3A_163 = arith.addf %add3A_112, %mul3A_162 : vector<16xf32>
        %add3A_164 = arith.constant 84 : i32
        %add3A_165 = vector.broadcast %add3A_164 : i32 to vector<16xi32>
        %add3A_166 = arith.addi %add3A_68, %add3A_165 : vector<16xi32>
        %shift_right_logical3A_167 = arith.constant 5 : i32
        %shift_right_logical3A_168 = vector.broadcast %shift_right_logical3A_167 : i32 to vector<16xi32>
        %shift_right_logical3A_169 = arith.shrui %add3A_166, %shift_right_logical3A_168 : vector<16xi32>
        %and3A_170 = arith.constant 31 : i32
        %and3A_171 = vector.broadcast %and3A_170 : i32 to vector<16xi32>
        %and3A_172 = arith.andi %add3A_166, %and3A_171 : vector<16xi32>
        %gather3A_173 = tpu.vector_load_idx %arg11[%shift_right_logical3A_169, %and3A_172] : memref<1600x32xf32, #tpu.memory_space<vmem>>[vector<16xi32>, vector<16xi32>], vector<16xf32>,
        %mul3A_174 = arith.mulf %gather3A_127, %gather3A_173 : vector<16xf32>
        %add3A_175 = arith.addf %add3A_124, %mul3A_174 : vector<16xf32>
        %broadcast_in_dim3A_176 = arith.constant 2 : i32
        %broadcast_in_dim3A_177 = vector.broadcast %broadcast_in_dim3A_176 : i32 to vector<16xi32>
        %gather3A_178 = tpu.vector_load_idx %arg9[%broadcast_in_dim3A, %broadcast_in_dim3A_177] : memref<32x32xf32, #tpu.memory_space<vmem>>[vector<16xi32>, vector<16xi32>], vector<16xf32>,
        %add3A_179 = arith.constant 100 : i32
        %add3A_180 = vector.broadcast %add3A_179 : i32 to vector<16xi32>
        %add3A_181 = arith.addi %add3A_68, %add3A_180 : vector<16xi32>
        %shift_right_logical3A_182 = arith.constant 5 : i32
        %shift_right_logical3A_183 = vector.broadcast %shift_right_logical3A_182 : i32 to vector<16xi32>
        %shift_right_logical3A_184 = arith.shrui %add3A_181, %shift_right_logical3A_183 : vector<16xi32>
        %and3A_185 = arith.constant 31 : i32
        %and3A_186 = vector.broadcast %and3A_185 : i32 to vector<16xi32>
        %and3A_187 = arith.andi %add3A_181, %and3A_186 : vector<16xi32>
        %gather3A_188 = tpu.vector_load_idx %arg11[%shift_right_logical3A_184, %and3A_187] : memref<1600x32xf32, #tpu.memory_space<vmem>>[vector<16xi32>, vector<16xi32>], vector<16xf32>,
        %mul3A_189 = arith.mulf %gather3A_178, %gather3A_188 : vector<16xf32>
        %add3A_190 = arith.addf %add3A_139, %mul3A_189 : vector<16xf32>
        %add3A_191 = arith.constant 116 : i32
        %add3A_192 = vector.broadcast %add3A_191 : i32 to vector<16xi32>
        %add3A_193 = arith.addi %add3A_68, %add3A_192 : vector<16xi32>
        %shift_right_logical3A_194 = arith.constant 5 : i32
        %shift_right_logical3A_195 = vector.broadcast %shift_right_logical3A_194 : i32 to vector<16xi32>
        %shift_right_logical3A_196 = arith.shrui %add3A_193, %shift_right_logical3A_195 : vector<16xi32>
        %and3A_197 = arith.constant 31 : i32
        %and3A_198 = vector.broadcast %and3A_197 : i32 to vector<16xi32>
        %and3A_199 = arith.andi %add3A_193, %and3A_198 : vector<16xi32>
        %gather3A_200 = tpu.vector_load_idx %arg11[%shift_right_logical3A_196, %and3A_199] : memref<1600x32xf32, #tpu.memory_space<vmem>>[vector<16xi32>, vector<16xi32>], vector<16xf32>,
        %mul3A_201 = arith.mulf %gather3A_178, %gather3A_200 : vector<16xf32>
        %add3A_202 = arith.addf %add3A_151, %mul3A_201 : vector<16xf32>
        %add3A_203 = arith.constant 132 : i32
        %add3A_204 = vector.broadcast %add3A_203 : i32 to vector<16xi32>
        %add3A_205 = arith.addi %add3A_68, %add3A_204 : vector<16xi32>
        %shift_right_logical3A_206 = arith.constant 5 : i32
        %shift_right_logical3A_207 = vector.broadcast %shift_right_logical3A_206 : i32 to vector<16xi32>
        %shift_right_logical3A_208 = arith.shrui %add3A_205, %shift_right_logical3A_207 : vector<16xi32>
        %and3A_209 = arith.constant 31 : i32
        %and3A_210 = vector.broadcast %and3A_209 : i32 to vector<16xi32>
        %and3A_211 = arith.andi %add3A_205, %and3A_210 : vector<16xi32>
        %gather3A_212 = tpu.vector_load_idx %arg11[%shift_right_logical3A_208, %and3A_211] : memref<1600x32xf32, #tpu.memory_space<vmem>>[vector<16xi32>, vector<16xi32>], vector<16xf32>,
        %mul3A_213 = arith.mulf %gather3A_178, %gather3A_212 : vector<16xf32>
        %add3A_214 = arith.addf %add3A_163, %mul3A_213 : vector<16xf32>
        %add3A_215 = arith.constant 134 : i32
        %add3A_216 = vector.broadcast %add3A_215 : i32 to vector<16xi32>
        %add3A_217 = arith.addi %add3A_68, %add3A_216 : vector<16xi32>
        %shift_right_logical3A_218 = arith.constant 5 : i32
        %shift_right_logical3A_219 = vector.broadcast %shift_right_logical3A_218 : i32 to vector<16xi32>
        %shift_right_logical3A_220 = arith.shrui %add3A_217, %shift_right_logical3A_219 : vector<16xi32>
        %and3A_221 = arith.constant 31 : i32
        %and3A_222 = vector.broadcast %and3A_221 : i32 to vector<16xi32>
        %and3A_223 = arith.andi %add3A_217, %and3A_222 : vector<16xi32>
        %gather3A_224 = tpu.vector_load_idx %arg11[%shift_right_logical3A_220, %and3A_223] : memref<1600x32xf32, #tpu.memory_space<vmem>>[vector<16xi32>, vector<16xi32>], vector<16xf32>,
        %mul3A_225 = arith.mulf %gather3A_178, %gather3A_224 : vector<16xf32>
        %add3A_226 = arith.addf %add3A_175, %mul3A_225 : vector<16xf32>
        %broadcast_in_dim3A_227 = arith.constant 3 : i32
        %broadcast_in_dim3A_228 = vector.broadcast %broadcast_in_dim3A_227 : i32 to vector<16xi32>
        %gather3A_229 = tpu.vector_load_idx %arg9[%broadcast_in_dim3A, %broadcast_in_dim3A_228] : memref<32x32xf32, #tpu.memory_space<vmem>>[vector<16xi32>, vector<16xi32>], vector<16xf32>,
        %add3A_230 = arith.constant 150 : i32
        %add3A_231 = vector.broadcast %add3A_230 : i32 to vector<16xi32>
        %add3A_232 = arith.addi %add3A_68, %add3A_231 : vector<16xi32>
        %shift_right_logical3A_233 = arith.constant 5 : i32
        %shift_right_logical3A_234 = vector.broadcast %shift_right_logical3A_233 : i32 to vector<16xi32>
        %shift_right_logical3A_235 = arith.shrui %add3A_232, %shift_right_logical3A_234 : vector<16xi32>
        %and3A_236 = arith.constant 31 : i32
        %and3A_237 = vector.broadcast %and3A_236 : i32 to vector<16xi32>
        %and3A_238 = arith.andi %add3A_232, %and3A_237 : vector<16xi32>
        %gather3A_239 = tpu.vector_load_idx %arg11[%shift_right_logical3A_235, %and3A_238] : memref<1600x32xf32, #tpu.memory_space<vmem>>[vector<16xi32>, vector<16xi32>], vector<16xf32>,
        %mul3A_240 = arith.mulf %gather3A_229, %gather3A_239 : vector<16xf32>
        %add3A_241 = arith.addf %add3A_190, %mul3A_240 : vector<16xf32>
        %add3A_242 = arith.constant 166 : i32
        %add3A_243 = vector.broadcast %add3A_242 : i32 to vector<16xi32>
        %add3A_244 = arith.addi %add3A_68, %add3A_243 : vector<16xi32>
        %shift_right_logical3A_245 = arith.constant 5 : i32
        %shift_right_logical3A_246 = vector.broadcast %shift_right_logical3A_245 : i32 to vector<16xi32>
        %shift_right_logical3A_247 = arith.shrui %add3A_244, %shift_right_logical3A_246 : vector<16xi32>
        %and3A_248 = arith.constant 31 : i32
        %and3A_249 = vector.broadcast %and3A_248 : i32 to vector<16xi32>
        %and3A_250 = arith.andi %add3A_244, %and3A_249 : vector<16xi32>
        %gather3A_251 = tpu.vector_load_idx %arg11[%shift_right_logical3A_247, %and3A_250] : memref<1600x32xf32, #tpu.memory_space<vmem>>[vector<16xi32>, vector<16xi32>], vector<16xf32>,
        %mul3A_252 = arith.mulf %gather3A_229, %gather3A_251 : vector<16xf32>
        %add3A_253 = arith.addf %add3A_202, %mul3A_252 : vector<16xf32>
        %add3A_254 = arith.constant 182 : i32
        %add3A_255 = vector.broadcast %add3A_254 : i32 to vector<16xi32>
        %add3A_256 = arith.addi %add3A_68, %add3A_255 : vector<16xi32>
        %shift_right_logical3A_257 = arith.constant 5 : i32
        %shift_right_logical3A_258 = vector.broadcast %shift_right_logical3A_257 : i32 to vector<16xi32>
        %shift_right_logical3A_259 = arith.shrui %add3A_256, %shift_right_logical3A_258 : vector<16xi32>
        %and3A_260 = arith.constant 31 : i32
        %and3A_261 = vector.broadcast %and3A_260 : i32 to vector<16xi32>
        %and3A_262 = arith.andi %add3A_256, %and3A_261 : vector<16xi32>
        %gather3A_263 = tpu.vector_load_idx %arg11[%shift_right_logical3A_259, %and3A_262] : memref<1600x32xf32, #tpu.memory_space<vmem>>[vector<16xi32>, vector<16xi32>], vector<16xf32>,
        %mul3A_264 = arith.mulf %gather3A_229, %gather3A_263 : vector<16xf32>
        %add3A_265 = arith.addf %add3A_214, %mul3A_264 : vector<16xf32>
        %add3A_266 = arith.constant 184 : i32
        %add3A_267 = vector.broadcast %add3A_266 : i32 to vector<16xi32>
        %add3A_268 = arith.addi %add3A_68, %add3A_267 : vector<16xi32>
        %shift_right_logical3A_269 = arith.constant 5 : i32
        %shift_right_logical3A_270 = vector.broadcast %shift_right_logical3A_269 : i32 to vector<16xi32>
        %shift_right_logical3A_271 = arith.shrui %add3A_268, %shift_right_logical3A_270 : vector<16xi32>
        %and3A_272 = arith.constant 31 : i32
        %and3A_273 = vector.broadcast %and3A_272 : i32 to vector<16xi32>
        %and3A_274 = arith.andi %add3A_268, %and3A_273 : vector<16xi32>
        %gather3A_275 = tpu.vector_load_idx %arg11[%shift_right_logical3A_271, %and3A_274] : memref<1600x32xf32, #tpu.memory_space<vmem>>[vector<16xi32>, vector<16xi32>], vector<16xf32>,
        %mul3A_276 = arith.mulf %gather3A_229, %gather3A_275 : vector<16xf32>
        %add3A_277 = arith.addf %add3A_226, %mul3A_276 : vector<16xf32>
        %broadcast_in_dim3A_278 = arith.constant 4 : i32
        %broadcast_in_dim3A_279 = vector.broadcast %broadcast_in_dim3A_278 : i32 to vector<16xi32>
        %gather3A_280 = tpu.vector_load_idx %arg9[%broadcast_in_dim3A, %broadcast_in_dim3A_279] : memref<32x32xf32, #tpu.memory_space<vmem>>[vector<16xi32>, vector<16xi32>], vector<16xf32>,
        %add3A_281 = arith.constant 200 : i32
        %add3A_282 = vector.broadcast %add3A_281 : i32 to vector<16xi32>
        %add3A_283 = arith.addi %add3A_68, %add3A_282 : vector<16xi32>
        %shift_right_logical3A_284 = arith.constant 5 : i32
        %shift_right_logical3A_285 = vector.broadcast %shift_right_logical3A_284 : i32 to vector<16xi32>
        %shift_right_logical3A_286 = arith.shrui %add3A_283, %shift_right_logical3A_285 : vector<16xi32>
        %and3A_287 = arith.constant 31 : i32
        %and3A_288 = vector.broadcast %and3A_287 : i32 to vector<16xi32>
        %and3A_289 = arith.andi %add3A_283, %and3A_288 : vector<16xi32>
        %gather3A_290 = tpu.vector_load_idx %arg11[%shift_right_logical3A_286, %and3A_289] : memref<1600x32xf32, #tpu.memory_space<vmem>>[vector<16xi32>, vector<16xi32>], vector<16xf32>,
        %mul3A_291 = arith.mulf %gather3A_280, %gather3A_290 : vector<16xf32>
        %add3A_292 = arith.addf %add3A_241, %mul3A_291 : vector<16xf32>
        %add3A_293 = arith.constant 216 : i32
        %add3A_294 = vector.broadcast %add3A_293 : i32 to vector<16xi32>
        %add3A_295 = arith.addi %add3A_68, %add3A_294 : vector<16xi32>
        %shift_right_logical3A_296 = arith.constant 5 : i32
        %shift_right_logical3A_297 = vector.broadcast %shift_right_logical3A_296 : i32 to vector<16xi32>
        %shift_right_logical3A_298 = arith.shrui %add3A_295, %shift_right_logical3A_297 : vector<16xi32>
        %and3A_299 = arith.constant 31 : i32
        %and3A_300 = vector.broadcast %and3A_299 : i32 to vector<16xi32>
        %and3A_301 = arith.andi %add3A_295, %and3A_300 : vector<16xi32>
        %gather3A_302 = tpu.vector_load_idx %arg11[%shift_right_logical3A_298, %and3A_301] : memref<1600x32xf32, #tpu.memory_space<vmem>>[vector<16xi32>, vector<16xi32>], vector<16xf32>,
        %mul3A_303 = arith.mulf %gather3A_280, %gather3A_302 : vector<16xf32>
        %add3A_304 = arith.addf %add3A_253, %mul3A_303 : vector<16xf32>
        %add3A_305 = arith.constant 232 : i32
        %add3A_306 = vector.broadcast %add3A_305 : i32 to vector<16xi32>
        %add3A_307 = arith.addi %add3A_68, %add3A_306 : vector<16xi32>
        %shift_right_logical3A_308 = arith.constant 5 : i32
        %shift_right_logical3A_309 = vector.broadcast %shift_right_logical3A_308 : i32 to vector<16xi32>
        %shift_right_logical3A_310 = arith.shrui %add3A_307, %shift_right_logical3A_309 : vector<16xi32>
        %and3A_311 = arith.constant 31 : i32
        %and3A_312 = vector.broadcast %and3A_311 : i32 to vector<16xi32>
        %and3A_313 = arith.andi %add3A_307, %and3A_312 : vector<16xi32>
        %gather3A_314 = tpu.vector_load_idx %arg11[%shift_right_logical3A_310, %and3A_313] : memref<1600x32xf32, #tpu.memory_space<vmem>>[vector<16xi32>, vector<16xi32>], vector<16xf32>,
        %mul3A_315 = arith.mulf %gather3A_280, %gather3A_314 : vector<16xf32>
        %add3A_316 = arith.addf %add3A_265, %mul3A_315 : vector<16xf32>
        %add3A_317 = arith.constant 234 : i32
        %add3A_318 = vector.broadcast %add3A_317 : i32 to vector<16xi32>
        %add3A_319 = arith.addi %add3A_68, %add3A_318 : vector<16xi32>
        %shift_right_logical3A_320 = arith.constant 5 : i32
        %shift_right_logical3A_321 = vector.broadcast %shift_right_logical3A_320 : i32 to vector<16xi32>
        %shift_right_logical3A_322 = arith.shrui %add3A_319, %shift_right_logical3A_321 : vector<16xi32>
        %and3A_323 = arith.constant 31 : i32
        %and3A_324 = vector.broadcast %and3A_323 : i32 to vector<16xi32>
        %and3A_325 = arith.andi %add3A_319, %and3A_324 : vector<16xi32>
        %gather3A_326 = tpu.vector_load_idx %arg11[%shift_right_logical3A_322, %and3A_325] : memref<1600x32xf32, #tpu.memory_space<vmem>>[vector<16xi32>, vector<16xi32>], vector<16xf32>,
        %mul3A_327 = arith.mulf %gather3A_280, %gather3A_326 : vector<16xf32>
        %add3A_328 = arith.addf %add3A_277, %mul3A_327 : vector<16xf32>
        %broadcast_in_dim3A_329 = arith.constant 5 : i32
        %broadcast_in_dim3A_330 = vector.broadcast %broadcast_in_dim3A_329 : i32 to vector<16xi32>
        %gather3A_331 = tpu.vector_load_idx %arg9[%broadcast_in_dim3A, %broadcast_in_dim3A_330] : memref<32x32xf32, #tpu.memory_space<vmem>>[vector<16xi32>, vector<16xi32>], vector<16xf32>,
        %add3A_332 = arith.constant 250 : i32
        %add3A_333 = vector.broadcast %add3A_332 : i32 to vector<16xi32>
        %add3A_334 = arith.addi %add3A_68, %add3A_333 : vector<16xi32>
        %shift_right_logical3A_335 = arith.constant 5 : i32
        %shift_right_logical3A_336 = vector.broadcast %shift_right_logical3A_335 : i32 to vector<16xi32>
        %shift_right_logical3A_337 = arith.shrui %add3A_334, %shift_right_logical3A_336 : vector<16xi32>
        %and3A_338 = arith.constant 31 : i32
        %and3A_339 = vector.broadcast %and3A_338 : i32 to vector<16xi32>
        %and3A_340 = arith.andi %add3A_334, %and3A_339 : vector<16xi32>
        %gather3A_341 = tpu.vector_load_idx %arg11[%shift_right_logical3A_337, %and3A_340] : memref<1600x32xf32, #tpu.memory_space<vmem>>[vector<16xi32>, vector<16xi32>], vector<16xf32>,
        %mul3A_342 = arith.mulf %gather3A_331, %gather3A_341 : vector<16xf32>
        %add3A_343 = arith.addf %add3A_292, %mul3A_342 : vector<16xf32>
        %add3A_344 = arith.constant 266 : i32
        %add3A_345 = vector.broadcast %add3A_344 : i32 to vector<16xi32>
        %add3A_346 = arith.addi %add3A_68, %add3A_345 : vector<16xi32>
        %shift_right_logical3A_347 = arith.constant 5 : i32
        %shift_right_logical3A_348 = vector.broadcast %shift_right_logical3A_347 : i32 to vector<16xi32>
        %shift_right_logical3A_349 = arith.shrui %add3A_346, %shift_right_logical3A_348 : vector<16xi32>
        %and3A_350 = arith.constant 31 : i32
        %and3A_351 = vector.broadcast %and3A_350 : i32 to vector<16xi32>
        %and3A_352 = arith.andi %add3A_346, %and3A_351 : vector<16xi32>
        %gather3A_353 = tpu.vector_load_idx %arg11[%shift_right_logical3A_349, %and3A_352] : memref<1600x32xf32, #tpu.memory_space<vmem>>[vector<16xi32>, vector<16xi32>], vector<16xf32>,
        %mul3A_354 = arith.mulf %gather3A_331, %gather3A_353 : vector<16xf32>
        %add3A_355 = arith.addf %add3A_304, %mul3A_354 : vector<16xf32>
        %add3A_356 = arith.constant 282 : i32
        %add3A_357 = vector.broadcast %add3A_356 : i32 to vector<16xi32>
        %add3A_358 = arith.addi %add3A_68, %add3A_357 : vector<16xi32>
        %shift_right_logical3A_359 = arith.constant 5 : i32
        %shift_right_logical3A_360 = vector.broadcast %shift_right_logical3A_359 : i32 to vector<16xi32>
        %shift_right_logical3A_361 = arith.shrui %add3A_358, %shift_right_logical3A_360 : vector<16xi32>
        %and3A_362 = arith.constant 31 : i32
        %and3A_363 = vector.broadcast %and3A_362 : i32 to vector<16xi32>
        %and3A_364 = arith.andi %add3A_358, %and3A_363 : vector<16xi32>
        %gather3A_365 = tpu.vector_load_idx %arg11[%shift_right_logical3A_361, %and3A_364] : memref<1600x32xf32, #tpu.memory_space<vmem>>[vector<16xi32>, vector<16xi32>], vector<16xf32>,
        %mul3A_366 = arith.mulf %gather3A_331, %gather3A_365 : vector<16xf32>
        %add3A_367 = arith.addf %add3A_316, %mul3A_366 : vector<16xf32>
        %add3A_368 = arith.constant 284 : i32
        %add3A_369 = vector.broadcast %add3A_368 : i32 to vector<16xi32>
        %add3A_370 = arith.addi %add3A_68, %add3A_369 : vector<16xi32>
        %shift_right_logical3A_371 = arith.constant 5 : i32
        %shift_right_logical3A_372 = vector.broadcast %shift_right_logical3A_371 : i32 to vector<16xi32>
        %shift_right_logical3A_373 = arith.shrui %add3A_370, %shift_right_logical3A_372 : vector<16xi32>
        %and3A_374 = arith.constant 31 : i32
        %and3A_375 = vector.broadcast %and3A_374 : i32 to vector<16xi32>
        %and3A_376 = arith.andi %add3A_370, %and3A_375 : vector<16xi32>
        %gather3A_377 = tpu.vector_load_idx %arg11[%shift_right_logical3A_373, %and3A_376] : memref<1600x32xf32, #tpu.memory_space<vmem>>[vector<16xi32>, vector<16xi32>], vector<16xf32>,
        %mul3A_378 = arith.mulf %gather3A_331, %gather3A_377 : vector<16xf32>
        %add3A_379 = arith.addf %add3A_328, %mul3A_378 : vector<16xf32>
        %broadcast_in_dim3A_380 = arith.constant 6 : i32
        %broadcast_in_dim3A_381 = vector.broadcast %broadcast_in_dim3A_380 : i32 to vector<16xi32>
        %gather3A_382 = tpu.vector_load_idx %arg9[%broadcast_in_dim3A, %broadcast_in_dim3A_381] : memref<32x32xf32, #tpu.memory_space<vmem>>[vector<16xi32>, vector<16xi32>], vector<16xf32>,
        %add3A_383 = arith.constant 300 : i32
        %add3A_384 = vector.broadcast %add3A_383 : i32 to vector<16xi32>
        %add3A_385 = arith.addi %add3A_68, %add3A_384 : vector<16xi32>
        %shift_right_logical3A_386 = arith.constant 5 : i32
        %shift_right_logical3A_387 = vector.broadcast %shift_right_logical3A_386 : i32 to vector<16xi32>
        %shift_right_logical3A_388 = arith.shrui %add3A_385, %shift_right_logical3A_387 : vector<16xi32>
        %and3A_389 = arith.constant 31 : i32
        %and3A_390 = vector.broadcast %and3A_389 : i32 to vector<16xi32>
        %and3A_391 = arith.andi %add3A_385, %and3A_390 : vector<16xi32>
        %gather3A_392 = tpu.vector_load_idx %arg11[%shift_right_logical3A_388, %and3A_391] : memref<1600x32xf32, #tpu.memory_space<vmem>>[vector<16xi32>, vector<16xi32>], vector<16xf32>,
        %mul3A_393 = arith.mulf %gather3A_382, %gather3A_392 : vector<16xf32>
        %add3A_394 = arith.addf %add3A_343, %mul3A_393 : vector<16xf32>
        %add3A_395 = arith.constant 316 : i32
        %add3A_396 = vector.broadcast %add3A_395 : i32 to vector<16xi32>
        %add3A_397 = arith.addi %add3A_68, %add3A_396 : vector<16xi32>
        %shift_right_logical3A_398 = arith.constant 5 : i32
        %shift_right_logical3A_399 = vector.broadcast %shift_right_logical3A_398 : i32 to vector<16xi32>
        %shift_right_logical3A_400 = arith.shrui %add3A_397, %shift_right_logical3A_399 : vector<16xi32>
        %and3A_401 = arith.constant 31 : i32
        %and3A_402 = vector.broadcast %and3A_401 : i32 to vector<16xi32>
        %and3A_403 = arith.andi %add3A_397, %and3A_402 : vector<16xi32>
        %gather3A_404 = tpu.vector_load_idx %arg11[%shift_right_logical3A_400, %and3A_403] : memref<1600x32xf32, #tpu.memory_space<vmem>>[vector<16xi32>, vector<16xi32>], vector<16xf32>,
        %mul3A_405 = arith.mulf %gather3A_382, %gather3A_404 : vector<16xf32>
        %add3A_406 = arith.addf %add3A_355, %mul3A_405 : vector<16xf32>
        %add3A_407 = arith.constant 332 : i32
        %add3A_408 = vector.broadcast %add3A_407 : i32 to vector<16xi32>
        %add3A_409 = arith.addi %add3A_68, %add3A_408 : vector<16xi32>
        %shift_right_logical3A_410 = arith.constant 5 : i32
        %shift_right_logical3A_411 = vector.broadcast %shift_right_logical3A_410 : i32 to vector<16xi32>
        %shift_right_logical3A_412 = arith.shrui %add3A_409, %shift_right_logical3A_411 : vector<16xi32>
        %and3A_413 = arith.constant 31 : i32
        %and3A_414 = vector.broadcast %and3A_413 : i32 to vector<16xi32>
        %and3A_415 = arith.andi %add3A_409, %and3A_414 : vector<16xi32>
        %gather3A_416 = tpu.vector_load_idx %arg11[%shift_right_logical3A_412, %and3A_415] : memref<1600x32xf32, #tpu.memory_space<vmem>>[vector<16xi32>, vector<16xi32>], vector<16xf32>,
        %mul3A_417 = arith.mulf %gather3A_382, %gather3A_416 : vector<16xf32>
        %add3A_418 = arith.addf %add3A_367, %mul3A_417 : vector<16xf32>
        %add3A_419 = arith.constant 334 : i32
        %add3A_420 = vector.broadcast %add3A_419 : i32 to vector<16xi32>
        %add3A_421 = arith.addi %add3A_68, %add3A_420 : vector<16xi32>
        %shift_right_logical3A_422 = arith.constant 5 : i32
        %shift_right_logical3A_423 = vector.broadcast %shift_right_logical3A_422 : i32 to vector<16xi32>
        %shift_right_logical3A_424 = arith.shrui %add3A_421, %shift_right_logical3A_423 : vector<16xi32>
        %and3A_425 = arith.constant 31 : i32
        %and3A_426 = vector.broadcast %and3A_425 : i32 to vector<16xi32>
        %and3A_427 = arith.andi %add3A_421, %and3A_426 : vector<16xi32>
        %gather3A_428 = tpu.vector_load_idx %arg11[%shift_right_logical3A_424, %and3A_427] : memref<1600x32xf32, #tpu.memory_space<vmem>>[vector<16xi32>, vector<16xi32>], vector<16xf32>,
        %mul3A_429 = arith.mulf %gather3A_382, %gather3A_428 : vector<16xf32>
        %add3A_430 = arith.addf %add3A_379, %mul3A_429 : vector<16xf32>
        %broadcast_in_dim3A_431 = arith.constant 7 : i32
        %broadcast_in_dim3A_432 = vector.broadcast %broadcast_in_dim3A_431 : i32 to vector<16xi32>
        %gather3A_433 = tpu.vector_load_idx %arg9[%broadcast_in_dim3A, %broadcast_in_dim3A_432] : memref<32x32xf32, #tpu.memory_space<vmem>>[vector<16xi32>, vector<16xi32>], vector<16xf32>,
        %add3A_434 = arith.constant 350 : i32
        %add3A_435 = vector.broadcast %add3A_434 : i32 to vector<16xi32>
        %add3A_436 = arith.addi %add3A_68, %add3A_435 : vector<16xi32>
        %shift_right_logical3A_437 = arith.constant 5 : i32
        %shift_right_logical3A_438 = vector.broadcast %shift_right_logical3A_437 : i32 to vector<16xi32>
        %shift_right_logical3A_439 = arith.shrui %add3A_436, %shift_right_logical3A_438 : vector<16xi32>
        %and3A_440 = arith.constant 31 : i32
        %and3A_441 = vector.broadcast %and3A_440 : i32 to vector<16xi32>
        %and3A_442 = arith.andi %add3A_436, %and3A_441 : vector<16xi32>
        %gather3A_443 = tpu.vector_load_idx %arg11[%shift_right_logical3A_439, %and3A_442] : memref<1600x32xf32, #tpu.memory_space<vmem>>[vector<16xi32>, vector<16xi32>], vector<16xf32>,
        %mul3A_444 = arith.mulf %gather3A_433, %gather3A_443 : vector<16xf32>
        %add3A_445 = arith.addf %add3A_394, %mul3A_444 : vector<16xf32>
        %add3A_446 = arith.constant 366 : i32
        %add3A_447 = vector.broadcast %add3A_446 : i32 to vector<16xi32>
        %add3A_448 = arith.addi %add3A_68, %add3A_447 : vector<16xi32>
        %shift_right_logical3A_449 = arith.constant 5 : i32
        %shift_right_logical3A_450 = vector.broadcast %shift_right_logical3A_449 : i32 to vector<16xi32>
        %shift_right_logical3A_451 = arith.shrui %add3A_448, %shift_right_logical3A_450 : vector<16xi32>
        %and3A_452 = arith.constant 31 : i32
        %and3A_453 = vector.broadcast %and3A_452 : i32 to vector<16xi32>
        %and3A_454 = arith.andi %add3A_448, %and3A_453 : vector<16xi32>
        %gather3A_455 = tpu.vector_load_idx %arg11[%shift_right_logical3A_451, %and3A_454] : memref<1600x32xf32, #tpu.memory_space<vmem>>[vector<16xi32>, vector<16xi32>], vector<16xf32>,
        %mul3A_456 = arith.mulf %gather3A_433, %gather3A_455 : vector<16xf32>
        %add3A_457 = arith.addf %add3A_406, %mul3A_456 : vector<16xf32>
        %add3A_458 = arith.constant 382 : i32
        %add3A_459 = vector.broadcast %add3A_458 : i32 to vector<16xi32>
        %add3A_460 = arith.addi %add3A_68, %add3A_459 : vector<16xi32>
        %shift_right_logical3A_461 = arith.constant 5 : i32
        %shift_right_logical3A_462 = vector.broadcast %shift_right_logical3A_461 : i32 to vector<16xi32>
        %shift_right_logical3A_463 = arith.shrui %add3A_460, %shift_right_logical3A_462 : vector<16xi32>
        %and3A_464 = arith.constant 31 : i32
        %and3A_465 = vector.broadcast %and3A_464 : i32 to vector<16xi32>
        %and3A_466 = arith.andi %add3A_460, %and3A_465 : vector<16xi32>
        %gather3A_467 = tpu.vector_load_idx %arg11[%shift_right_logical3A_463, %and3A_466] : memref<1600x32xf32, #tpu.memory_space<vmem>>[vector<16xi32>, vector<16xi32>], vector<16xf32>,
        %mul3A_468 = arith.mulf %gather3A_433, %gather3A_467 : vector<16xf32>
        %add3A_469 = arith.addf %add3A_418, %mul3A_468 : vector<16xf32>
        %add3A_470 = arith.constant 384 : i32
        %add3A_471 = vector.broadcast %add3A_470 : i32 to vector<16xi32>
        %add3A_472 = arith.addi %add3A_68, %add3A_471 : vector<16xi32>
        %shift_right_logical3A_473 = arith.constant 5 : i32
        %shift_right_logical3A_474 = vector.broadcast %shift_right_logical3A_473 : i32 to vector<16xi32>
        %shift_right_logical3A_475 = arith.shrui %add3A_472, %shift_right_logical3A_474 : vector<16xi32>
        %and3A_476 = arith.constant 31 : i32
        %and3A_477 = vector.broadcast %and3A_476 : i32 to vector<16xi32>
        %and3A_478 = arith.andi %add3A_472, %and3A_477 : vector<16xi32>
        %gather3A_479 = tpu.vector_load_idx %arg11[%shift_right_logical3A_475, %and3A_478] : memref<1600x32xf32, #tpu.memory_space<vmem>>[vector<16xi32>, vector<16xi32>], vector<16xf32>,
        %mul3A_480 = arith.mulf %gather3A_433, %gather3A_479 : vector<16xf32>
        %add3A_481 = arith.addf %add3A_430, %mul3A_480 : vector<16xf32>
        %broadcast_in_dim3A_482 = arith.constant 8 : i32
        %broadcast_in_dim3A_483 = vector.broadcast %broadcast_in_dim3A_482 : i32 to vector<16xi32>
        %gather3A_484 = tpu.vector_load_idx %arg9[%broadcast_in_dim3A, %broadcast_in_dim3A_483] : memref<32x32xf32, #tpu.memory_space<vmem>>[vector<16xi32>, vector<16xi32>], vector<16xf32>,
        %add3A_485 = arith.constant 400 : i32
        %add3A_486 = vector.broadcast %add3A_485 : i32 to vector<16xi32>
        %add3A_487 = arith.addi %add3A_68, %add3A_486 : vector<16xi32>
        %shift_right_logical3A_488 = arith.constant 5 : i32
        %shift_right_logical3A_489 = vector.broadcast %shift_right_logical3A_488 : i32 to vector<16xi32>
        %shift_right_logical3A_490 = arith.shrui %add3A_487, %shift_right_logical3A_489 : vector<16xi32>
        %and3A_491 = arith.constant 31 : i32
        %and3A_492 = vector.broadcast %and3A_491 : i32 to vector<16xi32>
        %and3A_493 = arith.andi %add3A_487, %and3A_492 : vector<16xi32>
        %gather3A_494 = tpu.vector_load_idx %arg11[%shift_right_logical3A_490, %and3A_493] : memref<1600x32xf32, #tpu.memory_space<vmem>>[vector<16xi32>, vector<16xi32>], vector<16xf32>,
        %mul3A_495 = arith.mulf %gather3A_484, %gather3A_494 : vector<16xf32>
        %add3A_496 = arith.addf %add3A_445, %mul3A_495 : vector<16xf32>
        %add3A_497 = arith.constant 416 : i32
        %add3A_498 = vector.broadcast %add3A_497 : i32 to vector<16xi32>
        %add3A_499 = arith.addi %add3A_68, %add3A_498 : vector<16xi32>
        %shift_right_logical3A_500 = arith.constant 5 : i32
        %shift_right_logical3A_501 = vector.broadcast %shift_right_logical3A_500 : i32 to vector<16xi32>
        %shift_right_logical3A_502 = arith.shrui %add3A_499, %shift_right_logical3A_501 : vector<16xi32>
        %and3A_503 = arith.constant 31 : i32
        %and3A_504 = vector.broadcast %and3A_503 : i32 to vector<16xi32>
        %and3A_505 = arith.andi %add3A_499, %and3A_504 : vector<16xi32>
        %gather3A_506 = tpu.vector_load_idx %arg11[%shift_right_logical3A_502, %and3A_505] : memref<1600x32xf32, #tpu.memory_space<vmem>>[vector<16xi32>, vector<16xi32>], vector<16xf32>,
        %mul3A_507 = arith.mulf %gather3A_484, %gather3A_506 : vector<16xf32>
        %add3A_508 = arith.addf %add3A_457, %mul3A_507 : vector<16xf32>
        %add3A_509 = arith.constant 432 : i32
        %add3A_510 = vector.broadcast %add3A_509 : i32 to vector<16xi32>
        %add3A_511 = arith.addi %add3A_68, %add3A_510 : vector<16xi32>
        %shift_right_logical3A_512 = arith.constant 5 : i32
        %shift_right_logical3A_513 = vector.broadcast %shift_right_logical3A_512 : i32 to vector<16xi32>
        %shift_right_logical3A_514 = arith.shrui %add3A_511, %shift_right_logical3A_513 : vector<16xi32>
        %and3A_515 = arith.constant 31 : i32
        %and3A_516 = vector.broadcast %and3A_515 : i32 to vector<16xi32>
        %and3A_517 = arith.andi %add3A_511, %and3A_516 : vector<16xi32>
        %gather3A_518 = tpu.vector_load_idx %arg11[%shift_right_logical3A_514, %and3A_517] : memref<1600x32xf32, #tpu.memory_space<vmem>>[vector<16xi32>, vector<16xi32>], vector<16xf32>,
        %mul3A_519 = arith.mulf %gather3A_484, %gather3A_518 : vector<16xf32>
        %add3A_520 = arith.addf %add3A_469, %mul3A_519 : vector<16xf32>
        %add3A_521 = arith.constant 434 : i32
        %add3A_522 = vector.broadcast %add3A_521 : i32 to vector<16xi32>
        %add3A_523 = arith.addi %add3A_68, %add3A_522 : vector<16xi32>
        %shift_right_logical3A_524 = arith.constant 5 : i32
        %shift_right_logical3A_525 = vector.broadcast %shift_right_logical3A_524 : i32 to vector<16xi32>
        %shift_right_logical3A_526 = arith.shrui %add3A_523, %shift_right_logical3A_525 : vector<16xi32>
        %and3A_527 = arith.constant 31 : i32
        %and3A_528 = vector.broadcast %and3A_527 : i32 to vector<16xi32>
        %and3A_529 = arith.andi %add3A_523, %and3A_528 : vector<16xi32>
        %gather3A_530 = tpu.vector_load_idx %arg11[%shift_right_logical3A_526, %and3A_529] : memref<1600x32xf32, #tpu.memory_space<vmem>>[vector<16xi32>, vector<16xi32>], vector<16xf32>,
        %mul3A_531 = arith.mulf %gather3A_484, %gather3A_530 : vector<16xf32>
        %add3A_532 = arith.addf %add3A_481, %mul3A_531 : vector<16xf32>
        %broadcast_in_dim3A_533 = arith.constant 9 : i32
        %broadcast_in_dim3A_534 = vector.broadcast %broadcast_in_dim3A_533 : i32 to vector<16xi32>
        %gather3A_535 = tpu.vector_load_idx %arg9[%broadcast_in_dim3A, %broadcast_in_dim3A_534] : memref<32x32xf32, #tpu.memory_space<vmem>>[vector<16xi32>, vector<16xi32>], vector<16xf32>,
        %add3A_536 = arith.constant 450 : i32
        %add3A_537 = vector.broadcast %add3A_536 : i32 to vector<16xi32>
        %add3A_538 = arith.addi %add3A_68, %add3A_537 : vector<16xi32>
        %shift_right_logical3A_539 = arith.constant 5 : i32
        %shift_right_logical3A_540 = vector.broadcast %shift_right_logical3A_539 : i32 to vector<16xi32>
        %shift_right_logical3A_541 = arith.shrui %add3A_538, %shift_right_logical3A_540 : vector<16xi32>
        %and3A_542 = arith.constant 31 : i32
        %and3A_543 = vector.broadcast %and3A_542 : i32 to vector<16xi32>
        %and3A_544 = arith.andi %add3A_538, %and3A_543 : vector<16xi32>
        %gather3A_545 = tpu.vector_load_idx %arg11[%shift_right_logical3A_541, %and3A_544] : memref<1600x32xf32, #tpu.memory_space<vmem>>[vector<16xi32>, vector<16xi32>], vector<16xf32>,
        %mul3A_546 = arith.mulf %gather3A_535, %gather3A_545 : vector<16xf32>
        %add3A_547 = arith.addf %add3A_496, %mul3A_546 : vector<16xf32>
        %add3A_548 = arith.constant 466 : i32
        %add3A_549 = vector.broadcast %add3A_548 : i32 to vector<16xi32>
        %add3A_550 = arith.addi %add3A_68, %add3A_549 : vector<16xi32>
        %shift_right_logical3A_551 = arith.constant 5 : i32
        %shift_right_logical3A_552 = vector.broadcast %shift_right_logical3A_551 : i32 to vector<16xi32>
        %shift_right_logical3A_553 = arith.shrui %add3A_550, %shift_right_logical3A_552 : vector<16xi32>
        %and3A_554 = arith.constant 31 : i32
        %and3A_555 = vector.broadcast %and3A_554 : i32 to vector<16xi32>
        %and3A_556 = arith.andi %add3A_550, %and3A_555 : vector<16xi32>
        %gather3A_557 = tpu.vector_load_idx %arg11[%shift_right_logical3A_553, %and3A_556] : memref<1600x32xf32, #tpu.memory_space<vmem>>[vector<16xi32>, vector<16xi32>], vector<16xf32>,
        %mul3A_558 = arith.mulf %gather3A_535, %gather3A_557 : vector<16xf32>
        %add3A_559 = arith.addf %add3A_508, %mul3A_558 : vector<16xf32>
        %add3A_560 = arith.constant 482 : i32
        %add3A_561 = vector.broadcast %add3A_560 : i32 to vector<16xi32>
        %add3A_562 = arith.addi %add3A_68, %add3A_561 : vector<16xi32>
        %shift_right_logical3A_563 = arith.constant 5 : i32
        %shift_right_logical3A_564 = vector.broadcast %shift_right_logical3A_563 : i32 to vector<16xi32>
        %shift_right_logical3A_565 = arith.shrui %add3A_562, %shift_right_logical3A_564 : vector<16xi32>
        %and3A_566 = arith.constant 31 : i32
        %and3A_567 = vector.broadcast %and3A_566 : i32 to vector<16xi32>
        %and3A_568 = arith.andi %add3A_562, %and3A_567 : vector<16xi32>
        %gather3A_569 = tpu.vector_load_idx %arg11[%shift_right_logical3A_565, %and3A_568] : memref<1600x32xf32, #tpu.memory_space<vmem>>[vector<16xi32>, vector<16xi32>], vector<16xf32>,
        %mul3A_570 = arith.mulf %gather3A_535, %gather3A_569 : vector<16xf32>
        %add3A_571 = arith.addf %add3A_520, %mul3A_570 : vector<16xf32>
        %add3A_572 = arith.constant 484 : i32
        %add3A_573 = vector.broadcast %add3A_572 : i32 to vector<16xi32>
        %add3A_574 = arith.addi %add3A_68, %add3A_573 : vector<16xi32>
        %shift_right_logical3A_575 = arith.constant 5 : i32
        %shift_right_logical3A_576 = vector.broadcast %shift_right_logical3A_575 : i32 to vector<16xi32>
        %shift_right_logical3A_577 = arith.shrui %add3A_574, %shift_right_logical3A_576 : vector<16xi32>
        %and3A_578 = arith.constant 31 : i32
        %and3A_579 = vector.broadcast %and3A_578 : i32 to vector<16xi32>
        %and3A_580 = arith.andi %add3A_574, %and3A_579 : vector<16xi32>
        %gather3A_581 = tpu.vector_load_idx %arg11[%shift_right_logical3A_577, %and3A_580] : memref<1600x32xf32, #tpu.memory_space<vmem>>[vector<16xi32>, vector<16xi32>], vector<16xf32>,
        %mul3A_582 = arith.mulf %gather3A_535, %gather3A_581 : vector<16xf32>
        %add3A_583 = arith.addf %add3A_532, %mul3A_582 : vector<16xf32>
        %broadcast_in_dim3A_584 = arith.constant 10 : i32
        %broadcast_in_dim3A_585 = vector.broadcast %broadcast_in_dim3A_584 : i32 to vector<16xi32>
        %gather3A_586 = tpu.vector_load_idx %arg9[%broadcast_in_dim3A, %broadcast_in_dim3A_585] : memref<32x32xf32, #tpu.memory_space<vmem>>[vector<16xi32>, vector<16xi32>], vector<16xf32>,
        %add3A_587 = arith.constant 500 : i32
        %add3A_588 = vector.broadcast %add3A_587 : i32 to vector<16xi32>
        %add3A_589 = arith.addi %add3A_68, %add3A_588 : vector<16xi32>
        %shift_right_logical3A_590 = arith.constant 5 : i32
        %shift_right_logical3A_591 = vector.broadcast %shift_right_logical3A_590 : i32 to vector<16xi32>
        %shift_right_logical3A_592 = arith.shrui %add3A_589, %shift_right_logical3A_591 : vector<16xi32>
        %and3A_593 = arith.constant 31 : i32
        %and3A_594 = vector.broadcast %and3A_593 : i32 to vector<16xi32>
        %and3A_595 = arith.andi %add3A_589, %and3A_594 : vector<16xi32>
        %gather3A_596 = tpu.vector_load_idx %arg11[%shift_right_logical3A_592, %and3A_595] : memref<1600x32xf32, #tpu.memory_space<vmem>>[vector<16xi32>, vector<16xi32>], vector<16xf32>,
        %mul3A_597 = arith.mulf %gather3A_586, %gather3A_596 : vector<16xf32>
        %add3A_598 = arith.addf %add3A_547, %mul3A_597 : vector<16xf32>
        %add3A_599 = arith.constant 516 : i32
        %add3A_600 = vector.broadcast %add3A_599 : i32 to vector<16xi32>
        %add3A_601 = arith.addi %add3A_68, %add3A_600 : vector<16xi32>
        %shift_right_logical3A_602 = arith.constant 5 : i32
        %shift_right_logical3A_603 = vector.broadcast %shift_right_logical3A_602 : i32 to vector<16xi32>
        %shift_right_logical3A_604 = arith.shrui %add3A_601, %shift_right_logical3A_603 : vector<16xi32>
        %and3A_605 = arith.constant 31 : i32
        %and3A_606 = vector.broadcast %and3A_605 : i32 to vector<16xi32>
        %and3A_607 = arith.andi %add3A_601, %and3A_606 : vector<16xi32>
        %gather3A_608 = tpu.vector_load_idx %arg11[%shift_right_logical3A_604, %and3A_607] : memref<1600x32xf32, #tpu.memory_space<vmem>>[vector<16xi32>, vector<16xi32>], vector<16xf32>,
        %mul3A_609 = arith.mulf %gather3A_586, %gather3A_608 : vector<16xf32>
        %add3A_610 = arith.addf %add3A_559, %mul3A_609 : vector<16xf32>
        %add3A_611 = arith.constant 532 : i32
        %add3A_612 = vector.broadcast %add3A_611 : i32 to vector<16xi32>
        %add3A_613 = arith.addi %add3A_68, %add3A_612 : vector<16xi32>
        %shift_right_logical3A_614 = arith.constant 5 : i32
        %shift_right_logical3A_615 = vector.broadcast %shift_right_logical3A_614 : i32 to vector<16xi32>
        %shift_right_logical3A_616 = arith.shrui %add3A_613, %shift_right_logical3A_615 : vector<16xi32>
        %and3A_617 = arith.constant 31 : i32
        %and3A_618 = vector.broadcast %and3A_617 : i32 to vector<16xi32>
        %and3A_619 = arith.andi %add3A_613, %and3A_618 : vector<16xi32>
        %gather3A_620 = tpu.vector_load_idx %arg11[%shift_right_logical3A_616, %and3A_619] : memref<1600x32xf32, #tpu.memory_space<vmem>>[vector<16xi32>, vector<16xi32>], vector<16xf32>,
        %mul3A_621 = arith.mulf %gather3A_586, %gather3A_620 : vector<16xf32>
        %add3A_622 = arith.addf %add3A_571, %mul3A_621 : vector<16xf32>
        %add3A_623 = arith.constant 534 : i32
        %add3A_624 = vector.broadcast %add3A_623 : i32 to vector<16xi32>
        %add3A_625 = arith.addi %add3A_68, %add3A_624 : vector<16xi32>
        %shift_right_logical3A_626 = arith.constant 5 : i32
        %shift_right_logical3A_627 = vector.broadcast %shift_right_logical3A_626 : i32 to vector<16xi32>
        %shift_right_logical3A_628 = arith.shrui %add3A_625, %shift_right_logical3A_627 : vector<16xi32>
        %and3A_629 = arith.constant 31 : i32
        %and3A_630 = vector.broadcast %and3A_629 : i32 to vector<16xi32>
        %and3A_631 = arith.andi %add3A_625, %and3A_630 : vector<16xi32>
        %gather3A_632 = tpu.vector_load_idx %arg11[%shift_right_logical3A_628, %and3A_631] : memref<1600x32xf32, #tpu.memory_space<vmem>>[vector<16xi32>, vector<16xi32>], vector<16xf32>,
        %mul3A_633 = arith.mulf %gather3A_586, %gather3A_632 : vector<16xf32>
        %add3A_634 = arith.addf %add3A_583, %mul3A_633 : vector<16xf32>
        %broadcast_in_dim3A_635 = arith.constant 11 : i32
        %broadcast_in_dim3A_636 = vector.broadcast %broadcast_in_dim3A_635 : i32 to vector<16xi32>
        %gather3A_637 = tpu.vector_load_idx %arg9[%broadcast_in_dim3A, %broadcast_in_dim3A_636] : memref<32x32xf32, #tpu.memory_space<vmem>>[vector<16xi32>, vector<16xi32>], vector<16xf32>,
        %add3A_638 = arith.constant 550 : i32
        %add3A_639 = vector.broadcast %add3A_638 : i32 to vector<16xi32>
        %add3A_640 = arith.addi %add3A_68, %add3A_639 : vector<16xi32>
        %shift_right_logical3A_641 = arith.constant 5 : i32
        %shift_right_logical3A_642 = vector.broadcast %shift_right_logical3A_641 : i32 to vector<16xi32>
        %shift_right_logical3A_643 = arith.shrui %add3A_640, %shift_right_logical3A_642 : vector<16xi32>
        %and3A_644 = arith.constant 31 : i32
        %and3A_645 = vector.broadcast %and3A_644 : i32 to vector<16xi32>
        %and3A_646 = arith.andi %add3A_640, %and3A_645 : vector<16xi32>
        %gather3A_647 = tpu.vector_load_idx %arg11[%shift_right_logical3A_643, %and3A_646] : memref<1600x32xf32, #tpu.memory_space<vmem>>[vector<16xi32>, vector<16xi32>], vector<16xf32>,
        %mul3A_648 = arith.mulf %gather3A_637, %gather3A_647 : vector<16xf32>
        %add3A_649 = arith.addf %add3A_598, %mul3A_648 : vector<16xf32>
        %add3A_650 = arith.constant 566 : i32
        %add3A_651 = vector.broadcast %add3A_650 : i32 to vector<16xi32>
        %add3A_652 = arith.addi %add3A_68, %add3A_651 : vector<16xi32>
        %shift_right_logical3A_653 = arith.constant 5 : i32
        %shift_right_logical3A_654 = vector.broadcast %shift_right_logical3A_653 : i32 to vector<16xi32>
        %shift_right_logical3A_655 = arith.shrui %add3A_652, %shift_right_logical3A_654 : vector<16xi32>
        %and3A_656 = arith.constant 31 : i32
        %and3A_657 = vector.broadcast %and3A_656 : i32 to vector<16xi32>
        %and3A_658 = arith.andi %add3A_652, %and3A_657 : vector<16xi32>
        %gather3A_659 = tpu.vector_load_idx %arg11[%shift_right_logical3A_655, %and3A_658] : memref<1600x32xf32, #tpu.memory_space<vmem>>[vector<16xi32>, vector<16xi32>], vector<16xf32>,
        %mul3A_660 = arith.mulf %gather3A_637, %gather3A_659 : vector<16xf32>
        %add3A_661 = arith.addf %add3A_610, %mul3A_660 : vector<16xf32>
        %add3A_662 = arith.constant 582 : i32
        %add3A_663 = vector.broadcast %add3A_662 : i32 to vector<16xi32>
        %add3A_664 = arith.addi %add3A_68, %add3A_663 : vector<16xi32>
        %shift_right_logical3A_665 = arith.constant 5 : i32
        %shift_right_logical3A_666 = vector.broadcast %shift_right_logical3A_665 : i32 to vector<16xi32>
        %shift_right_logical3A_667 = arith.shrui %add3A_664, %shift_right_logical3A_666 : vector<16xi32>
        %and3A_668 = arith.constant 31 : i32
        %and3A_669 = vector.broadcast %and3A_668 : i32 to vector<16xi32>
        %and3A_670 = arith.andi %add3A_664, %and3A_669 : vector<16xi32>
        %gather3A_671 = tpu.vector_load_idx %arg11[%shift_right_logical3A_667, %and3A_670] : memref<1600x32xf32, #tpu.memory_space<vmem>>[vector<16xi32>, vector<16xi32>], vector<16xf32>,
        %mul3A_672 = arith.mulf %gather3A_637, %gather3A_671 : vector<16xf32>
        %add3A_673 = arith.addf %add3A_622, %mul3A_672 : vector<16xf32>
        %add3A_674 = arith.constant 584 : i32
        %add3A_675 = vector.broadcast %add3A_674 : i32 to vector<16xi32>
        %add3A_676 = arith.addi %add3A_68, %add3A_675 : vector<16xi32>
        %shift_right_logical3A_677 = arith.constant 5 : i32
        %shift_right_logical3A_678 = vector.broadcast %shift_right_logical3A_677 : i32 to vector<16xi32>
        %shift_right_logical3A_679 = arith.shrui %add3A_676, %shift_right_logical3A_678 : vector<16xi32>
        %and3A_680 = arith.constant 31 : i32
        %and3A_681 = vector.broadcast %and3A_680 : i32 to vector<16xi32>
        %and3A_682 = arith.andi %add3A_676, %and3A_681 : vector<16xi32>
        %gather3A_683 = tpu.vector_load_idx %arg11[%shift_right_logical3A_679, %and3A_682] : memref<1600x32xf32, #tpu.memory_space<vmem>>[vector<16xi32>, vector<16xi32>], vector<16xf32>,
        %mul3A_684 = arith.mulf %gather3A_637, %gather3A_683 : vector<16xf32>
        %add3A_685 = arith.addf %add3A_634, %mul3A_684 : vector<16xf32>
        %broadcast_in_dim3A_686 = arith.constant 12 : i32
        %broadcast_in_dim3A_687 = vector.broadcast %broadcast_in_dim3A_686 : i32 to vector<16xi32>
        %gather3A_688 = tpu.vector_load_idx %arg9[%broadcast_in_dim3A, %broadcast_in_dim3A_687] : memref<32x32xf32, #tpu.memory_space<vmem>>[vector<16xi32>, vector<16xi32>], vector<16xf32>,
        %add3A_689 = arith.constant 600 : i32
        %add3A_690 = vector.broadcast %add3A_689 : i32 to vector<16xi32>
        %add3A_691 = arith.addi %add3A_68, %add3A_690 : vector<16xi32>
        %shift_right_logical3A_692 = arith.constant 5 : i32
        %shift_right_logical3A_693 = vector.broadcast %shift_right_logical3A_692 : i32 to vector<16xi32>
        %shift_right_logical3A_694 = arith.shrui %add3A_691, %shift_right_logical3A_693 : vector<16xi32>
        %and3A_695 = arith.constant 31 : i32
        %and3A_696 = vector.broadcast %and3A_695 : i32 to vector<16xi32>
        %and3A_697 = arith.andi %add3A_691, %and3A_696 : vector<16xi32>
        %gather3A_698 = tpu.vector_load_idx %arg11[%shift_right_logical3A_694, %and3A_697] : memref<1600x32xf32, #tpu.memory_space<vmem>>[vector<16xi32>, vector<16xi32>], vector<16xf32>,
        %mul3A_699 = arith.mulf %gather3A_688, %gather3A_698 : vector<16xf32>
        %add3A_700 = arith.addf %add3A_649, %mul3A_699 : vector<16xf32>
        %add3A_701 = arith.constant 616 : i32
        %add3A_702 = vector.broadcast %add3A_701 : i32 to vector<16xi32>
        %add3A_703 = arith.addi %add3A_68, %add3A_702 : vector<16xi32>
        %shift_right_logical3A_704 = arith.constant 5 : i32
        %shift_right_logical3A_705 = vector.broadcast %shift_right_logical3A_704 : i32 to vector<16xi32>
        %shift_right_logical3A_706 = arith.shrui %add3A_703, %shift_right_logical3A_705 : vector<16xi32>
        %and3A_707 = arith.constant 31 : i32
        %and3A_708 = vector.broadcast %and3A_707 : i32 to vector<16xi32>
        %and3A_709 = arith.andi %add3A_703, %and3A_708 : vector<16xi32>
        %gather3A_710 = tpu.vector_load_idx %arg11[%shift_right_logical3A_706, %and3A_709] : memref<1600x32xf32, #tpu.memory_space<vmem>>[vector<16xi32>, vector<16xi32>], vector<16xf32>,
        %mul3A_711 = arith.mulf %gather3A_688, %gather3A_710 : vector<16xf32>
        %add3A_712 = arith.addf %add3A_661, %mul3A_711 : vector<16xf32>
        %add3A_713 = arith.constant 632 : i32
        %add3A_714 = vector.broadcast %add3A_713 : i32 to vector<16xi32>
        %add3A_715 = arith.addi %add3A_68, %add3A_714 : vector<16xi32>
        %shift_right_logical3A_716 = arith.constant 5 : i32
        %shift_right_logical3A_717 = vector.broadcast %shift_right_logical3A_716 : i32 to vector<16xi32>
        %shift_right_logical3A_718 = arith.shrui %add3A_715, %shift_right_logical3A_717 : vector<16xi32>
        %and3A_719 = arith.constant 31 : i32
        %and3A_720 = vector.broadcast %and3A_719 : i32 to vector<16xi32>
        %and3A_721 = arith.andi %add3A_715, %and3A_720 : vector<16xi32>
        %gather3A_722 = tpu.vector_load_idx %arg11[%shift_right_logical3A_718, %and3A_721] : memref<1600x32xf32, #tpu.memory_space<vmem>>[vector<16xi32>, vector<16xi32>], vector<16xf32>,
        %mul3A_723 = arith.mulf %gather3A_688, %gather3A_722 : vector<16xf32>
        %add3A_724 = arith.addf %add3A_673, %mul3A_723 : vector<16xf32>
        %add3A_725 = arith.constant 634 : i32
        %add3A_726 = vector.broadcast %add3A_725 : i32 to vector<16xi32>
        %add3A_727 = arith.addi %add3A_68, %add3A_726 : vector<16xi32>
        %shift_right_logical3A_728 = arith.constant 5 : i32
        %shift_right_logical3A_729 = vector.broadcast %shift_right_logical3A_728 : i32 to vector<16xi32>
        %shift_right_logical3A_730 = arith.shrui %add3A_727, %shift_right_logical3A_729 : vector<16xi32>
        %and3A_731 = arith.constant 31 : i32
        %and3A_732 = vector.broadcast %and3A_731 : i32 to vector<16xi32>
        %and3A_733 = arith.andi %add3A_727, %and3A_732 : vector<16xi32>
        %gather3A_734 = tpu.vector_load_idx %arg11[%shift_right_logical3A_730, %and3A_733] : memref<1600x32xf32, #tpu.memory_space<vmem>>[vector<16xi32>, vector<16xi32>], vector<16xf32>,
        %mul3A_735 = arith.mulf %gather3A_688, %gather3A_734 : vector<16xf32>
        %add3A_736 = arith.addf %add3A_685, %mul3A_735 : vector<16xf32>
        %broadcast_in_dim3A_737 = arith.constant 13 : i32
        %broadcast_in_dim3A_738 = vector.broadcast %broadcast_in_dim3A_737 : i32 to vector<16xi32>
        %gather3A_739 = tpu.vector_load_idx %arg9[%broadcast_in_dim3A, %broadcast_in_dim3A_738] : memref<32x32xf32, #tpu.memory_space<vmem>>[vector<16xi32>, vector<16xi32>], vector<16xf32>,
        %add3A_740 = arith.constant 650 : i32
        %add3A_741 = vector.broadcast %add3A_740 : i32 to vector<16xi32>
        %add3A_742 = arith.addi %add3A_68, %add3A_741 : vector<16xi32>
        %shift_right_logical3A_743 = arith.constant 5 : i32
        %shift_right_logical3A_744 = vector.broadcast %shift_right_logical3A_743 : i32 to vector<16xi32>
        %shift_right_logical3A_745 = arith.shrui %add3A_742, %shift_right_logical3A_744 : vector<16xi32>
        %and3A_746 = arith.constant 31 : i32
        %and3A_747 = vector.broadcast %and3A_746 : i32 to vector<16xi32>
        %and3A_748 = arith.andi %add3A_742, %and3A_747 : vector<16xi32>
        %gather3A_749 = tpu.vector_load_idx %arg11[%shift_right_logical3A_745, %and3A_748] : memref<1600x32xf32, #tpu.memory_space<vmem>>[vector<16xi32>, vector<16xi32>], vector<16xf32>,
        %mul3A_750 = arith.mulf %gather3A_739, %gather3A_749 : vector<16xf32>
        %add3A_751 = arith.addf %add3A_700, %mul3A_750 : vector<16xf32>
        %add3A_752 = arith.constant 666 : i32
        %add3A_753 = vector.broadcast %add3A_752 : i32 to vector<16xi32>
        %add3A_754 = arith.addi %add3A_68, %add3A_753 : vector<16xi32>
        %shift_right_logical3A_755 = arith.constant 5 : i32
        %shift_right_logical3A_756 = vector.broadcast %shift_right_logical3A_755 : i32 to vector<16xi32>
        %shift_right_logical3A_757 = arith.shrui %add3A_754, %shift_right_logical3A_756 : vector<16xi32>
        %and3A_758 = arith.constant 31 : i32
        %and3A_759 = vector.broadcast %and3A_758 : i32 to vector<16xi32>
        %and3A_760 = arith.andi %add3A_754, %and3A_759 : vector<16xi32>
        %gather3A_761 = tpu.vector_load_idx %arg11[%shift_right_logical3A_757, %and3A_760] : memref<1600x32xf32, #tpu.memory_space<vmem>>[vector<16xi32>, vector<16xi32>], vector<16xf32>,
        %mul3A_762 = arith.mulf %gather3A_739, %gather3A_761 : vector<16xf32>
        %add3A_763 = arith.addf %add3A_712, %mul3A_762 : vector<16xf32>
        %add3A_764 = arith.constant 682 : i32
        %add3A_765 = vector.broadcast %add3A_764 : i32 to vector<16xi32>
        %add3A_766 = arith.addi %add3A_68, %add3A_765 : vector<16xi32>
        %shift_right_logical3A_767 = arith.constant 5 : i32
        %shift_right_logical3A_768 = vector.broadcast %shift_right_logical3A_767 : i32 to vector<16xi32>
        %shift_right_logical3A_769 = arith.shrui %add3A_766, %shift_right_logical3A_768 : vector<16xi32>
        %and3A_770 = arith.constant 31 : i32
        %and3A_771 = vector.broadcast %and3A_770 : i32 to vector<16xi32>
        %and3A_772 = arith.andi %add3A_766, %and3A_771 : vector<16xi32>
        %gather3A_773 = tpu.vector_load_idx %arg11[%shift_right_logical3A_769, %and3A_772] : memref<1600x32xf32, #tpu.memory_space<vmem>>[vector<16xi32>, vector<16xi32>], vector<16xf32>,
        %mul3A_774 = arith.mulf %gather3A_739, %gather3A_773 : vector<16xf32>
        %add3A_775 = arith.addf %add3A_724, %mul3A_774 : vector<16xf32>
        %add3A_776 = arith.constant 684 : i32
        %add3A_777 = vector.broadcast %add3A_776 : i32 to vector<16xi32>
        %add3A_778 = arith.addi %add3A_68, %add3A_777 : vector<16xi32>
        %shift_right_logical3A_779 = arith.constant 5 : i32
        %shift_right_logical3A_780 = vector.broadcast %shift_right_logical3A_779 : i32 to vector<16xi32>
        %shift_right_logical3A_781 = arith.shrui %add3A_778, %shift_right_logical3A_780 : vector<16xi32>
        %and3A_782 = arith.constant 31 : i32
        %and3A_783 = vector.broadcast %and3A_782 : i32 to vector<16xi32>
        %and3A_784 = arith.andi %add3A_778, %and3A_783 : vector<16xi32>
        %gather3A_785 = tpu.vector_load_idx %arg11[%shift_right_logical3A_781, %and3A_784] : memref<1600x32xf32, #tpu.memory_space<vmem>>[vector<16xi32>, vector<16xi32>], vector<16xf32>,
        %mul3A_786 = arith.mulf %gather3A_739, %gather3A_785 : vector<16xf32>
        %add3A_787 = arith.addf %add3A_736, %mul3A_786 : vector<16xf32>
        %broadcast_in_dim3A_788 = arith.constant 14 : i32
        %broadcast_in_dim3A_789 = vector.broadcast %broadcast_in_dim3A_788 : i32 to vector<16xi32>
        %gather3A_790 = tpu.vector_load_idx %arg9[%broadcast_in_dim3A, %broadcast_in_dim3A_789] : memref<32x32xf32, #tpu.memory_space<vmem>>[vector<16xi32>, vector<16xi32>], vector<16xf32>,
        %add3A_791 = arith.constant 700 : i32
        %add3A_792 = vector.broadcast %add3A_791 : i32 to vector<16xi32>
        %add3A_793 = arith.addi %add3A_68, %add3A_792 : vector<16xi32>
        %shift_right_logical3A_794 = arith.constant 5 : i32
        %shift_right_logical3A_795 = vector.broadcast %shift_right_logical3A_794 : i32 to vector<16xi32>
        %shift_right_logical3A_796 = arith.shrui %add3A_793, %shift_right_logical3A_795 : vector<16xi32>
        %and3A_797 = arith.constant 31 : i32
        %and3A_798 = vector.broadcast %and3A_797 : i32 to vector<16xi32>
        %and3A_799 = arith.andi %add3A_793, %and3A_798 : vector<16xi32>
        %gather3A_800 = tpu.vector_load_idx %arg11[%shift_right_logical3A_796, %and3A_799] : memref<1600x32xf32, #tpu.memory_space<vmem>>[vector<16xi32>, vector<16xi32>], vector<16xf32>,
        %mul3A_801 = arith.mulf %gather3A_790, %gather3A_800 : vector<16xf32>
        %add3A_802 = arith.addf %add3A_751, %mul3A_801 : vector<16xf32>
        %add3A_803 = arith.constant 716 : i32
        %add3A_804 = vector.broadcast %add3A_803 : i32 to vector<16xi32>
        %add3A_805 = arith.addi %add3A_68, %add3A_804 : vector<16xi32>
        %shift_right_logical3A_806 = arith.constant 5 : i32
        %shift_right_logical3A_807 = vector.broadcast %shift_right_logical3A_806 : i32 to vector<16xi32>
        %shift_right_logical3A_808 = arith.shrui %add3A_805, %shift_right_logical3A_807 : vector<16xi32>
        %and3A_809 = arith.constant 31 : i32
        %and3A_810 = vector.broadcast %and3A_809 : i32 to vector<16xi32>
        %and3A_811 = arith.andi %add3A_805, %and3A_810 : vector<16xi32>
        %gather3A_812 = tpu.vector_load_idx %arg11[%shift_right_logical3A_808, %and3A_811] : memref<1600x32xf32, #tpu.memory_space<vmem>>[vector<16xi32>, vector<16xi32>], vector<16xf32>,
        %mul3A_813 = arith.mulf %gather3A_790, %gather3A_812 : vector<16xf32>
        %add3A_814 = arith.addf %add3A_763, %mul3A_813 : vector<16xf32>
        %add3A_815 = arith.constant 732 : i32
        %add3A_816 = vector.broadcast %add3A_815 : i32 to vector<16xi32>
        %add3A_817 = arith.addi %add3A_68, %add3A_816 : vector<16xi32>
        %shift_right_logical3A_818 = arith.constant 5 : i32
        %shift_right_logical3A_819 = vector.broadcast %shift_right_logical3A_818 : i32 to vector<16xi32>
        %shift_right_logical3A_820 = arith.shrui %add3A_817, %shift_right_logical3A_819 : vector<16xi32>
        %and3A_821 = arith.constant 31 : i32
        %and3A_822 = vector.broadcast %and3A_821 : i32 to vector<16xi32>
        %and3A_823 = arith.andi %add3A_817, %and3A_822 : vector<16xi32>
        %gather3A_824 = tpu.vector_load_idx %arg11[%shift_right_logical3A_820, %and3A_823] : memref<1600x32xf32, #tpu.memory_space<vmem>>[vector<16xi32>, vector<16xi32>], vector<16xf32>,
        %mul3A_825 = arith.mulf %gather3A_790, %gather3A_824 : vector<16xf32>
        %add3A_826 = arith.addf %add3A_775, %mul3A_825 : vector<16xf32>
        %add3A_827 = arith.constant 734 : i32
        %add3A_828 = vector.broadcast %add3A_827 : i32 to vector<16xi32>
        %add3A_829 = arith.addi %add3A_68, %add3A_828 : vector<16xi32>
        %shift_right_logical3A_830 = arith.constant 5 : i32
        %shift_right_logical3A_831 = vector.broadcast %shift_right_logical3A_830 : i32 to vector<16xi32>
        %shift_right_logical3A_832 = arith.shrui %add3A_829, %shift_right_logical3A_831 : vector<16xi32>
        %and3A_833 = arith.constant 31 : i32
        %and3A_834 = vector.broadcast %and3A_833 : i32 to vector<16xi32>
        %and3A_835 = arith.andi %add3A_829, %and3A_834 : vector<16xi32>
        %gather3A_836 = tpu.vector_load_idx %arg11[%shift_right_logical3A_832, %and3A_835] : memref<1600x32xf32, #tpu.memory_space<vmem>>[vector<16xi32>, vector<16xi32>], vector<16xf32>,
        %mul3A_837 = arith.mulf %gather3A_790, %gather3A_836 : vector<16xf32>
        %add3A_838 = arith.addf %add3A_787, %mul3A_837 : vector<16xf32>
        %broadcast_in_dim3A_839 = arith.constant 15 : i32
        %broadcast_in_dim3A_840 = vector.broadcast %broadcast_in_dim3A_839 : i32 to vector<16xi32>
        %gather3A_841 = tpu.vector_load_idx %arg9[%broadcast_in_dim3A, %broadcast_in_dim3A_840] : memref<32x32xf32, #tpu.memory_space<vmem>>[vector<16xi32>, vector<16xi32>], vector<16xf32>,
        %add3A_842 = arith.constant 750 : i32
        %add3A_843 = vector.broadcast %add3A_842 : i32 to vector<16xi32>
        %add3A_844 = arith.addi %add3A_68, %add3A_843 : vector<16xi32>
        %shift_right_logical3A_845 = arith.constant 5 : i32
        %shift_right_logical3A_846 = vector.broadcast %shift_right_logical3A_845 : i32 to vector<16xi32>
        %shift_right_logical3A_847 = arith.shrui %add3A_844, %shift_right_logical3A_846 : vector<16xi32>
        %and3A_848 = arith.constant 31 : i32
        %and3A_849 = vector.broadcast %and3A_848 : i32 to vector<16xi32>
        %and3A_850 = arith.andi %add3A_844, %and3A_849 : vector<16xi32>
        %gather3A_851 = tpu.vector_load_idx %arg11[%shift_right_logical3A_847, %and3A_850] : memref<1600x32xf32, #tpu.memory_space<vmem>>[vector<16xi32>, vector<16xi32>], vector<16xf32>,
        %mul3A_852 = arith.mulf %gather3A_841, %gather3A_851 : vector<16xf32>
        %add3A_853 = arith.addf %add3A_802, %mul3A_852 : vector<16xf32>
        %add3A_854 = arith.constant 766 : i32
        %add3A_855 = vector.broadcast %add3A_854 : i32 to vector<16xi32>
        %add3A_856 = arith.addi %add3A_68, %add3A_855 : vector<16xi32>
        %shift_right_logical3A_857 = arith.constant 5 : i32
        %shift_right_logical3A_858 = vector.broadcast %shift_right_logical3A_857 : i32 to vector<16xi32>
        %shift_right_logical3A_859 = arith.shrui %add3A_856, %shift_right_logical3A_858 : vector<16xi32>
        %and3A_860 = arith.constant 31 : i32
        %and3A_861 = vector.broadcast %and3A_860 : i32 to vector<16xi32>
        %and3A_862 = arith.andi %add3A_856, %and3A_861 : vector<16xi32>
        %gather3A_863 = tpu.vector_load_idx %arg11[%shift_right_logical3A_859, %and3A_862] : memref<1600x32xf32, #tpu.memory_space<vmem>>[vector<16xi32>, vector<16xi32>], vector<16xf32>,
        %mul3A_864 = arith.mulf %gather3A_841, %gather3A_863 : vector<16xf32>
        %add3A_865 = arith.addf %add3A_814, %mul3A_864 : vector<16xf32>
        %add3A_866 = arith.constant 782 : i32
        %add3A_867 = vector.broadcast %add3A_866 : i32 to vector<16xi32>
        %add3A_868 = arith.addi %add3A_68, %add3A_867 : vector<16xi32>
        %shift_right_logical3A_869 = arith.constant 5 : i32
        %shift_right_logical3A_870 = vector.broadcast %shift_right_logical3A_869 : i32 to vector<16xi32>
        %shift_right_logical3A_871 = arith.shrui %add3A_868, %shift_right_logical3A_870 : vector<16xi32>
        %and3A_872 = arith.constant 31 : i32
        %and3A_873 = vector.broadcast %and3A_872 : i32 to vector<16xi32>
        %and3A_874 = arith.andi %add3A_868, %and3A_873 : vector<16xi32>
        %gather3A_875 = tpu.vector_load_idx %arg11[%shift_right_logical3A_871, %and3A_874] : memref<1600x32xf32, #tpu.memory_space<vmem>>[vector<16xi32>, vector<16xi32>], vector<16xf32>,
        %mul3A_876 = arith.mulf %gather3A_841, %gather3A_875 : vector<16xf32>
        %add3A_877 = arith.addf %add3A_826, %mul3A_876 : vector<16xf32>
        %add3A_878 = arith.constant 784 : i32
        %add3A_879 = vector.broadcast %add3A_878 : i32 to vector<16xi32>
        %add3A_880 = arith.addi %add3A_68, %add3A_879 : vector<16xi32>
        %shift_right_logical3A_881 = arith.constant 5 : i32
        %shift_right_logical3A_882 = vector.broadcast %shift_right_logical3A_881 : i32 to vector<16xi32>
        %shift_right_logical3A_883 = arith.shrui %add3A_880, %shift_right_logical3A_882 : vector<16xi32>
        %and3A_884 = arith.constant 31 : i32
        %and3A_885 = vector.broadcast %and3A_884 : i32 to vector<16xi32>
        %and3A_886 = arith.andi %add3A_880, %and3A_885 : vector<16xi32>
        %gather3A_887 = tpu.vector_load_idx %arg11[%shift_right_logical3A_883, %and3A_886] : memref<1600x32xf32, #tpu.memory_space<vmem>>[vector<16xi32>, vector<16xi32>], vector<16xf32>,
        %mul3A_888 = arith.mulf %gather3A_841, %gather3A_887 : vector<16xf32>
        %add3A_889 = arith.addf %add3A_838, %mul3A_888 : vector<16xf32>
        %broadcast_in_dim3A_890 = arith.constant 16 : i32
        %broadcast_in_dim3A_891 = vector.broadcast %broadcast_in_dim3A_890 : i32 to vector<16xi32>
        %gather3A_892 = tpu.vector_load_idx %arg9[%broadcast_in_dim3A, %broadcast_in_dim3A_891] : memref<32x32xf32, #tpu.memory_space<vmem>>[vector<16xi32>, vector<16xi32>], vector<16xf32>,
        %add3A_893 = arith.constant 800 : i32
        %add3A_894 = vector.broadcast %add3A_893 : i32 to vector<16xi32>
        %add3A_895 = arith.addi %add3A_68, %add3A_894 : vector<16xi32>
        %shift_right_logical3A_896 = arith.constant 5 : i32
        %shift_right_logical3A_897 = vector.broadcast %shift_right_logical3A_896 : i32 to vector<16xi32>
        %shift_right_logical3A_898 = arith.shrui %add3A_895, %shift_right_logical3A_897 : vector<16xi32>
        %and3A_899 = arith.constant 31 : i32
        %and3A_900 = vector.broadcast %and3A_899 : i32 to vector<16xi32>
        %and3A_901 = arith.andi %add3A_895, %and3A_900 : vector<16xi32>
        %gather3A_902 = tpu.vector_load_idx %arg11[%shift_right_logical3A_898, %and3A_901] : memref<1600x32xf32, #tpu.memory_space<vmem>>[vector<16xi32>, vector<16xi32>], vector<16xf32>,
        %mul3A_903 = arith.mulf %gather3A_892, %gather3A_902 : vector<16xf32>
        %add3A_904 = arith.addf %add3A_853, %mul3A_903 : vector<16xf32>
        %add3A_905 = arith.constant 816 : i32
        %add3A_906 = vector.broadcast %add3A_905 : i32 to vector<16xi32>
        %add3A_907 = arith.addi %add3A_68, %add3A_906 : vector<16xi32>
        %shift_right_logical3A_908 = arith.constant 5 : i32
        %shift_right_logical3A_909 = vector.broadcast %shift_right_logical3A_908 : i32 to vector<16xi32>
        %shift_right_logical3A_910 = arith.shrui %add3A_907, %shift_right_logical3A_909 : vector<16xi32>
        %and3A_911 = arith.constant 31 : i32
        %and3A_912 = vector.broadcast %and3A_911 : i32 to vector<16xi32>
        %and3A_913 = arith.andi %add3A_907, %and3A_912 : vector<16xi32>
        %gather3A_914 = tpu.vector_load_idx %arg11[%shift_right_logical3A_910, %and3A_913] : memref<1600x32xf32, #tpu.memory_space<vmem>>[vector<16xi32>, vector<16xi32>], vector<16xf32>,
        %mul3A_915 = arith.mulf %gather3A_892, %gather3A_914 : vector<16xf32>
        %add3A_916 = arith.addf %add3A_865, %mul3A_915 : vector<16xf32>
        %add3A_917 = arith.constant 832 : i32
        %add3A_918 = vector.broadcast %add3A_917 : i32 to vector<16xi32>
        %add3A_919 = arith.addi %add3A_68, %add3A_918 : vector<16xi32>
        %shift_right_logical3A_920 = arith.constant 5 : i32
        %shift_right_logical3A_921 = vector.broadcast %shift_right_logical3A_920 : i32 to vector<16xi32>
        %shift_right_logical3A_922 = arith.shrui %add3A_919, %shift_right_logical3A_921 : vector<16xi32>
        %and3A_923 = arith.constant 31 : i32
        %and3A_924 = vector.broadcast %and3A_923 : i32 to vector<16xi32>
        %and3A_925 = arith.andi %add3A_919, %and3A_924 : vector<16xi32>
        %gather3A_926 = tpu.vector_load_idx %arg11[%shift_right_logical3A_922, %and3A_925] : memref<1600x32xf32, #tpu.memory_space<vmem>>[vector<16xi32>, vector<16xi32>], vector<16xf32>,
        %mul3A_927 = arith.mulf %gather3A_892, %gather3A_926 : vector<16xf32>
        %add3A_928 = arith.addf %add3A_877, %mul3A_927 : vector<16xf32>
        %add3A_929 = arith.constant 834 : i32
        %add3A_930 = vector.broadcast %add3A_929 : i32 to vector<16xi32>
        %add3A_931 = arith.addi %add3A_68, %add3A_930 : vector<16xi32>
        %shift_right_logical3A_932 = arith.constant 5 : i32
        %shift_right_logical3A_933 = vector.broadcast %shift_right_logical3A_932 : i32 to vector<16xi32>
        %shift_right_logical3A_934 = arith.shrui %add3A_931, %shift_right_logical3A_933 : vector<16xi32>
        %and3A_935 = arith.constant 31 : i32
        %and3A_936 = vector.broadcast %and3A_935 : i32 to vector<16xi32>
        %and3A_937 = arith.andi %add3A_931, %and3A_936 : vector<16xi32>
        %gather3A_938 = tpu.vector_load_idx %arg11[%shift_right_logical3A_934, %and3A_937] : memref<1600x32xf32, #tpu.memory_space<vmem>>[vector<16xi32>, vector<16xi32>], vector<16xf32>,
        %mul3A_939 = arith.mulf %gather3A_892, %gather3A_938 : vector<16xf32>
        %add3A_940 = arith.addf %add3A_889, %mul3A_939 : vector<16xf32>
        %broadcast_in_dim3A_941 = arith.constant 17 : i32
        %broadcast_in_dim3A_942 = vector.broadcast %broadcast_in_dim3A_941 : i32 to vector<16xi32>
        %gather3A_943 = tpu.vector_load_idx %arg9[%broadcast_in_dim3A, %broadcast_in_dim3A_942] : memref<32x32xf32, #tpu.memory_space<vmem>>[vector<16xi32>, vector<16xi32>], vector<16xf32>,
        %add3A_944 = arith.constant 850 : i32
        %add3A_945 = vector.broadcast %add3A_944 : i32 to vector<16xi32>
        %add3A_946 = arith.addi %add3A_68, %add3A_945 : vector<16xi32>
        %shift_right_logical3A_947 = arith.constant 5 : i32
        %shift_right_logical3A_948 = vector.broadcast %shift_right_logical3A_947 : i32 to vector<16xi32>
        %shift_right_logical3A_949 = arith.shrui %add3A_946, %shift_right_logical3A_948 : vector<16xi32>
        %and3A_950 = arith.constant 31 : i32
        %and3A_951 = vector.broadcast %and3A_950 : i32 to vector<16xi32>
        %and3A_952 = arith.andi %add3A_946, %and3A_951 : vector<16xi32>
        %gather3A_953 = tpu.vector_load_idx %arg11[%shift_right_logical3A_949, %and3A_952] : memref<1600x32xf32, #tpu.memory_space<vmem>>[vector<16xi32>, vector<16xi32>], vector<16xf32>,
        %mul3A_954 = arith.mulf %gather3A_943, %gather3A_953 : vector<16xf32>
        %add3A_955 = arith.addf %add3A_904, %mul3A_954 : vector<16xf32>
        %add3A_956 = arith.constant 866 : i32
        %add3A_957 = vector.broadcast %add3A_956 : i32 to vector<16xi32>
        %add3A_958 = arith.addi %add3A_68, %add3A_957 : vector<16xi32>
        %shift_right_logical3A_959 = arith.constant 5 : i32
        %shift_right_logical3A_960 = vector.broadcast %shift_right_logical3A_959 : i32 to vector<16xi32>
        %shift_right_logical3A_961 = arith.shrui %add3A_958, %shift_right_logical3A_960 : vector<16xi32>
        %and3A_962 = arith.constant 31 : i32
        %and3A_963 = vector.broadcast %and3A_962 : i32 to vector<16xi32>
        %and3A_964 = arith.andi %add3A_958, %and3A_963 : vector<16xi32>
        %gather3A_965 = tpu.vector_load_idx %arg11[%shift_right_logical3A_961, %and3A_964] : memref<1600x32xf32, #tpu.memory_space<vmem>>[vector<16xi32>, vector<16xi32>], vector<16xf32>,
        %mul3A_966 = arith.mulf %gather3A_943, %gather3A_965 : vector<16xf32>
        %add3A_967 = arith.addf %add3A_916, %mul3A_966 : vector<16xf32>
        %add3A_968 = arith.constant 882 : i32
        %add3A_969 = vector.broadcast %add3A_968 : i32 to vector<16xi32>
        %add3A_970 = arith.addi %add3A_68, %add3A_969 : vector<16xi32>
        %shift_right_logical3A_971 = arith.constant 5 : i32
        %shift_right_logical3A_972 = vector.broadcast %shift_right_logical3A_971 : i32 to vector<16xi32>
        %shift_right_logical3A_973 = arith.shrui %add3A_970, %shift_right_logical3A_972 : vector<16xi32>
        %and3A_974 = arith.constant 31 : i32
        %and3A_975 = vector.broadcast %and3A_974 : i32 to vector<16xi32>
        %and3A_976 = arith.andi %add3A_970, %and3A_975 : vector<16xi32>
        %gather3A_977 = tpu.vector_load_idx %arg11[%shift_right_logical3A_973, %and3A_976] : memref<1600x32xf32, #tpu.memory_space<vmem>>[vector<16xi32>, vector<16xi32>], vector<16xf32>,
        %mul3A_978 = arith.mulf %gather3A_943, %gather3A_977 : vector<16xf32>
        %add3A_979 = arith.addf %add3A_928, %mul3A_978 : vector<16xf32>
        %add3A_980 = arith.constant 884 : i32
        %add3A_981 = vector.broadcast %add3A_980 : i32 to vector<16xi32>
        %add3A_982 = arith.addi %add3A_68, %add3A_981 : vector<16xi32>
        %shift_right_logical3A_983 = arith.constant 5 : i32
        %shift_right_logical3A_984 = vector.broadcast %shift_right_logical3A_983 : i32 to vector<16xi32>
        %shift_right_logical3A_985 = arith.shrui %add3A_982, %shift_right_logical3A_984 : vector<16xi32>
        %and3A_986 = arith.constant 31 : i32
        %and3A_987 = vector.broadcast %and3A_986 : i32 to vector<16xi32>
        %and3A_988 = arith.andi %add3A_982, %and3A_987 : vector<16xi32>
        %gather3A_989 = tpu.vector_load_idx %arg11[%shift_right_logical3A_985, %and3A_988] : memref<1600x32xf32, #tpu.memory_space<vmem>>[vector<16xi32>, vector<16xi32>], vector<16xf32>,
        %mul3A_990 = arith.mulf %gather3A_943, %gather3A_989 : vector<16xf32>
        %add3A_991 = arith.addf %add3A_940, %mul3A_990 : vector<16xf32>
        %broadcast_in_dim3A_992 = arith.constant 18 : i32
        %broadcast_in_dim3A_993 = vector.broadcast %broadcast_in_dim3A_992 : i32 to vector<16xi32>
        %gather3A_994 = tpu.vector_load_idx %arg9[%broadcast_in_dim3A, %broadcast_in_dim3A_993] : memref<32x32xf32, #tpu.memory_space<vmem>>[vector<16xi32>, vector<16xi32>], vector<16xf32>,
        %add3A_995 = arith.constant 900 : i32
        %add3A_996 = vector.broadcast %add3A_995 : i32 to vector<16xi32>
        %add3A_997 = arith.addi %add3A_68, %add3A_996 : vector<16xi32>
        %shift_right_logical3A_998 = arith.constant 5 : i32
        %shift_right_logical3A_999 = vector.broadcast %shift_right_logical3A_998 : i32 to vector<16xi32>
        %shift_right_logical3A_1000 = arith.shrui %add3A_997, %shift_right_logical3A_999 : vector<16xi32>
        %and3A_1001 = arith.constant 31 : i32
        %and3A_1002 = vector.broadcast %and3A_1001 : i32 to vector<16xi32>
        %and3A_1003 = arith.andi %add3A_997, %and3A_1002 : vector<16xi32>
        %gather3A_1004 = tpu.vector_load_idx %arg11[%shift_right_logical3A_1000, %and3A_1003] : memref<1600x32xf32, #tpu.memory_space<vmem>>[vector<16xi32>, vector<16xi32>], vector<16xf32>,
        %mul3A_1005 = arith.mulf %gather3A_994, %gather3A_1004 : vector<16xf32>
        %add3A_1006 = arith.addf %add3A_955, %mul3A_1005 : vector<16xf32>
        %add3A_1007 = arith.constant 916 : i32
        %add3A_1008 = vector.broadcast %add3A_1007 : i32 to vector<16xi32>
        %add3A_1009 = arith.addi %add3A_68, %add3A_1008 : vector<16xi32>
        %shift_right_logical3A_1010 = arith.constant 5 : i32
        %shift_right_logical3A_1011 = vector.broadcast %shift_right_logical3A_1010 : i32 to vector<16xi32>
        %shift_right_logical3A_1012 = arith.shrui %add3A_1009, %shift_right_logical3A_1011 : vector<16xi32>
        %and3A_1013 = arith.constant 31 : i32
        %and3A_1014 = vector.broadcast %and3A_1013 : i32 to vector<16xi32>
        %and3A_1015 = arith.andi %add3A_1009, %and3A_1014 : vector<16xi32>
        %gather3A_1016 = tpu.vector_load_idx %arg11[%shift_right_logical3A_1012, %and3A_1015] : memref<1600x32xf32, #tpu.memory_space<vmem>>[vector<16xi32>, vector<16xi32>], vector<16xf32>,
        %mul3A_1017 = arith.mulf %gather3A_994, %gather3A_1016 : vector<16xf32>
        %add3A_1018 = arith.addf %add3A_967, %mul3A_1017 : vector<16xf32>
        %add3A_1019 = arith.constant 932 : i32
        %add3A_1020 = vector.broadcast %add3A_1019 : i32 to vector<16xi32>
        %add3A_1021 = arith.addi %add3A_68, %add3A_1020 : vector<16xi32>
        %shift_right_logical3A_1022 = arith.constant 5 : i32
        %shift_right_logical3A_1023 = vector.broadcast %shift_right_logical3A_1022 : i32 to vector<16xi32>
        %shift_right_logical3A_1024 = arith.shrui %add3A_1021, %shift_right_logical3A_1023 : vector<16xi32>
        %and3A_1025 = arith.constant 31 : i32
        %and3A_1026 = vector.broadcast %and3A_1025 : i32 to vector<16xi32>
        %and3A_1027 = arith.andi %add3A_1021, %and3A_1026 : vector<16xi32>
        %gather3A_1028 = tpu.vector_load_idx %arg11[%shift_right_logical3A_1024, %and3A_1027] : memref<1600x32xf32, #tpu.memory_space<vmem>>[vector<16xi32>, vector<16xi32>], vector<16xf32>,
        %mul3A_1029 = arith.mulf %gather3A_994, %gather3A_1028 : vector<16xf32>
        %add3A_1030 = arith.addf %add3A_979, %mul3A_1029 : vector<16xf32>
        %add3A_1031 = arith.constant 934 : i32
        %add3A_1032 = vector.broadcast %add3A_1031 : i32 to vector<16xi32>
        %add3A_1033 = arith.addi %add3A_68, %add3A_1032 : vector<16xi32>
        %shift_right_logical3A_1034 = arith.constant 5 : i32
        %shift_right_logical3A_1035 = vector.broadcast %shift_right_logical3A_1034 : i32 to vector<16xi32>
        %shift_right_logical3A_1036 = arith.shrui %add3A_1033, %shift_right_logical3A_1035 : vector<16xi32>
        %and3A_1037 = arith.constant 31 : i32
        %and3A_1038 = vector.broadcast %and3A_1037 : i32 to vector<16xi32>
        %and3A_1039 = arith.andi %add3A_1033, %and3A_1038 : vector<16xi32>
        %gather3A_1040 = tpu.vector_load_idx %arg11[%shift_right_logical3A_1036, %and3A_1039] : memref<1600x32xf32, #tpu.memory_space<vmem>>[vector<16xi32>, vector<16xi32>], vector<16xf32>,
        %mul3A_1041 = arith.mulf %gather3A_994, %gather3A_1040 : vector<16xf32>
        %add3A_1042 = arith.addf %add3A_991, %mul3A_1041 : vector<16xf32>
        %broadcast_in_dim3A_1043 = arith.constant 19 : i32
        %broadcast_in_dim3A_1044 = vector.broadcast %broadcast_in_dim3A_1043 : i32 to vector<16xi32>
        %gather3A_1045 = tpu.vector_load_idx %arg9[%broadcast_in_dim3A, %broadcast_in_dim3A_1044] : memref<32x32xf32, #tpu.memory_space<vmem>>[vector<16xi32>, vector<16xi32>], vector<16xf32>,
        %add3A_1046 = arith.constant 950 : i32
        %add3A_1047 = vector.broadcast %add3A_1046 : i32 to vector<16xi32>
        %add3A_1048 = arith.addi %add3A_68, %add3A_1047 : vector<16xi32>
        %shift_right_logical3A_1049 = arith.constant 5 : i32
        %shift_right_logical3A_1050 = vector.broadcast %shift_right_logical3A_1049 : i32 to vector<16xi32>
        %shift_right_logical3A_1051 = arith.shrui %add3A_1048, %shift_right_logical3A_1050 : vector<16xi32>
        %and3A_1052 = arith.constant 31 : i32
        %and3A_1053 = vector.broadcast %and3A_1052 : i32 to vector<16xi32>
        %and3A_1054 = arith.andi %add3A_1048, %and3A_1053 : vector<16xi32>
        %gather3A_1055 = tpu.vector_load_idx %arg11[%shift_right_logical3A_1051, %and3A_1054] : memref<1600x32xf32, #tpu.memory_space<vmem>>[vector<16xi32>, vector<16xi32>], vector<16xf32>,
        %mul3A_1056 = arith.mulf %gather3A_1045, %gather3A_1055 : vector<16xf32>
        %add3A_1057 = arith.addf %add3A_1006, %mul3A_1056 : vector<16xf32>
        %add3A_1058 = arith.constant 966 : i32
        %add3A_1059 = vector.broadcast %add3A_1058 : i32 to vector<16xi32>
        %add3A_1060 = arith.addi %add3A_68, %add3A_1059 : vector<16xi32>
        %shift_right_logical3A_1061 = arith.constant 5 : i32
        %shift_right_logical3A_1062 = vector.broadcast %shift_right_logical3A_1061 : i32 to vector<16xi32>
        %shift_right_logical3A_1063 = arith.shrui %add3A_1060, %shift_right_logical3A_1062 : vector<16xi32>
        %and3A_1064 = arith.constant 31 : i32
        %and3A_1065 = vector.broadcast %and3A_1064 : i32 to vector<16xi32>
        %and3A_1066 = arith.andi %add3A_1060, %and3A_1065 : vector<16xi32>
        %gather3A_1067 = tpu.vector_load_idx %arg11[%shift_right_logical3A_1063, %and3A_1066] : memref<1600x32xf32, #tpu.memory_space<vmem>>[vector<16xi32>, vector<16xi32>], vector<16xf32>,
        %mul3A_1068 = arith.mulf %gather3A_1045, %gather3A_1067 : vector<16xf32>
        %add3A_1069 = arith.addf %add3A_1018, %mul3A_1068 : vector<16xf32>
        %add3A_1070 = arith.constant 982 : i32
        %add3A_1071 = vector.broadcast %add3A_1070 : i32 to vector<16xi32>
        %add3A_1072 = arith.addi %add3A_68, %add3A_1071 : vector<16xi32>
        %shift_right_logical3A_1073 = arith.constant 5 : i32
        %shift_right_logical3A_1074 = vector.broadcast %shift_right_logical3A_1073 : i32 to vector<16xi32>
        %shift_right_logical3A_1075 = arith.shrui %add3A_1072, %shift_right_logical3A_1074 : vector<16xi32>
        %and3A_1076 = arith.constant 31 : i32
        %and3A_1077 = vector.broadcast %and3A_1076 : i32 to vector<16xi32>
        %and3A_1078 = arith.andi %add3A_1072, %and3A_1077 : vector<16xi32>
        %gather3A_1079 = tpu.vector_load_idx %arg11[%shift_right_logical3A_1075, %and3A_1078] : memref<1600x32xf32, #tpu.memory_space<vmem>>[vector<16xi32>, vector<16xi32>], vector<16xf32>,
        %mul3A_1080 = arith.mulf %gather3A_1045, %gather3A_1079 : vector<16xf32>
        %add3A_1081 = arith.addf %add3A_1030, %mul3A_1080 : vector<16xf32>
        %add3A_1082 = arith.constant 984 : i32
        %add3A_1083 = vector.broadcast %add3A_1082 : i32 to vector<16xi32>
        %add3A_1084 = arith.addi %add3A_68, %add3A_1083 : vector<16xi32>
        %shift_right_logical3A_1085 = arith.constant 5 : i32
        %shift_right_logical3A_1086 = vector.broadcast %shift_right_logical3A_1085 : i32 to vector<16xi32>
        %shift_right_logical3A_1087 = arith.shrui %add3A_1084, %shift_right_logical3A_1086 : vector<16xi32>
        %and3A_1088 = arith.constant 31 : i32
        %and3A_1089 = vector.broadcast %and3A_1088 : i32 to vector<16xi32>
        %and3A_1090 = arith.andi %add3A_1084, %and3A_1089 : vector<16xi32>
        %gather3A_1091 = tpu.vector_load_idx %arg11[%shift_right_logical3A_1087, %and3A_1090] : memref<1600x32xf32, #tpu.memory_space<vmem>>[vector<16xi32>, vector<16xi32>], vector<16xf32>,
        %mul3A_1092 = arith.mulf %gather3A_1045, %gather3A_1091 : vector<16xf32>
        %add3A_1093 = arith.addf %add3A_1042, %mul3A_1092 : vector<16xf32>
        %broadcast_in_dim3A_1094 = arith.constant 20 : i32
        %broadcast_in_dim3A_1095 = vector.broadcast %broadcast_in_dim3A_1094 : i32 to vector<16xi32>
        %gather3A_1096 = tpu.vector_load_idx %arg9[%broadcast_in_dim3A, %broadcast_in_dim3A_1095] : memref<32x32xf32, #tpu.memory_space<vmem>>[vector<16xi32>, vector<16xi32>], vector<16xf32>,
        %add3A_1097 = arith.constant 1000 : i32
        %add3A_1098 = vector.broadcast %add3A_1097 : i32 to vector<16xi32>
        %add3A_1099 = arith.addi %add3A_68, %add3A_1098 : vector<16xi32>
        %shift_right_logical3A_1100 = arith.constant 5 : i32
        %shift_right_logical3A_1101 = vector.broadcast %shift_right_logical3A_1100 : i32 to vector<16xi32>
        %shift_right_logical3A_1102 = arith.shrui %add3A_1099, %shift_right_logical3A_1101 : vector<16xi32>
        %and3A_1103 = arith.constant 31 : i32
        %and3A_1104 = vector.broadcast %and3A_1103 : i32 to vector<16xi32>
        %and3A_1105 = arith.andi %add3A_1099, %and3A_1104 : vector<16xi32>
        %gather3A_1106 = tpu.vector_load_idx %arg11[%shift_right_logical3A_1102, %and3A_1105] : memref<1600x32xf32, #tpu.memory_space<vmem>>[vector<16xi32>, vector<16xi32>], vector<16xf32>,
        %mul3A_1107 = arith.mulf %gather3A_1096, %gather3A_1106 : vector<16xf32>
        %add3A_1108 = arith.addf %add3A_1057, %mul3A_1107 : vector<16xf32>
        %add3A_1109 = arith.constant 1016 : i32
        %add3A_1110 = vector.broadcast %add3A_1109 : i32 to vector<16xi32>
        %add3A_1111 = arith.addi %add3A_68, %add3A_1110 : vector<16xi32>
        %shift_right_logical3A_1112 = arith.constant 5 : i32
        %shift_right_logical3A_1113 = vector.broadcast %shift_right_logical3A_1112 : i32 to vector<16xi32>
        %shift_right_logical3A_1114 = arith.shrui %add3A_1111, %shift_right_logical3A_1113 : vector<16xi32>
        %and3A_1115 = arith.constant 31 : i32
        %and3A_1116 = vector.broadcast %and3A_1115 : i32 to vector<16xi32>
        %and3A_1117 = arith.andi %add3A_1111, %and3A_1116 : vector<16xi32>
        %gather3A_1118 = tpu.vector_load_idx %arg11[%shift_right_logical3A_1114, %and3A_1117] : memref<1600x32xf32, #tpu.memory_space<vmem>>[vector<16xi32>, vector<16xi32>], vector<16xf32>,
        %mul3A_1119 = arith.mulf %gather3A_1096, %gather3A_1118 : vector<16xf32>
        %add3A_1120 = arith.addf %add3A_1069, %mul3A_1119 : vector<16xf32>
        %add3A_1121 = arith.constant 1032 : i32
        %add3A_1122 = vector.broadcast %add3A_1121 : i32 to vector<16xi32>
        %add3A_1123 = arith.addi %add3A_68, %add3A_1122 : vector<16xi32>
        %shift_right_logical3A_1124 = arith.constant 5 : i32
        %shift_right_logical3A_1125 = vector.broadcast %shift_right_logical3A_1124 : i32 to vector<16xi32>
        %shift_right_logical3A_1126 = arith.shrui %add3A_1123, %shift_right_logical3A_1125 : vector<16xi32>
        %and3A_1127 = arith.constant 31 : i32
        %and3A_1128 = vector.broadcast %and3A_1127 : i32 to vector<16xi32>
        %and3A_1129 = arith.andi %add3A_1123, %and3A_1128 : vector<16xi32>
        %gather3A_1130 = tpu.vector_load_idx %arg11[%shift_right_logical3A_1126, %and3A_1129] : memref<1600x32xf32, #tpu.memory_space<vmem>>[vector<16xi32>, vector<16xi32>], vector<16xf32>,
        %mul3A_1131 = arith.mulf %gather3A_1096, %gather3A_1130 : vector<16xf32>
        %add3A_1132 = arith.addf %add3A_1081, %mul3A_1131 : vector<16xf32>
        %add3A_1133 = arith.constant 1034 : i32
        %add3A_1134 = vector.broadcast %add3A_1133 : i32 to vector<16xi32>
        %add3A_1135 = arith.addi %add3A_68, %add3A_1134 : vector<16xi32>
        %shift_right_logical3A_1136 = arith.constant 5 : i32
        %shift_right_logical3A_1137 = vector.broadcast %shift_right_logical3A_1136 : i32 to vector<16xi32>
        %shift_right_logical3A_1138 = arith.shrui %add3A_1135, %shift_right_logical3A_1137 : vector<16xi32>
        %and3A_1139 = arith.constant 31 : i32
        %and3A_1140 = vector.broadcast %and3A_1139 : i32 to vector<16xi32>
        %and3A_1141 = arith.andi %add3A_1135, %and3A_1140 : vector<16xi32>
        %gather3A_1142 = tpu.vector_load_idx %arg11[%shift_right_logical3A_1138, %and3A_1141] : memref<1600x32xf32, #tpu.memory_space<vmem>>[vector<16xi32>, vector<16xi32>], vector<16xf32>,
        %mul3A_1143 = arith.mulf %gather3A_1096, %gather3A_1142 : vector<16xf32>
        %add3A_1144 = arith.addf %add3A_1093, %mul3A_1143 : vector<16xf32>
        %broadcast_in_dim3A_1145 = arith.constant 21 : i32
        %broadcast_in_dim3A_1146 = vector.broadcast %broadcast_in_dim3A_1145 : i32 to vector<16xi32>
        %gather3A_1147 = tpu.vector_load_idx %arg9[%broadcast_in_dim3A, %broadcast_in_dim3A_1146] : memref<32x32xf32, #tpu.memory_space<vmem>>[vector<16xi32>, vector<16xi32>], vector<16xf32>,
        %add3A_1148 = arith.constant 1050 : i32
        %add3A_1149 = vector.broadcast %add3A_1148 : i32 to vector<16xi32>
        %add3A_1150 = arith.addi %add3A_68, %add3A_1149 : vector<16xi32>
        %shift_right_logical3A_1151 = arith.constant 5 : i32
        %shift_right_logical3A_1152 = vector.broadcast %shift_right_logical3A_1151 : i32 to vector<16xi32>
        %shift_right_logical3A_1153 = arith.shrui %add3A_1150, %shift_right_logical3A_1152 : vector<16xi32>
        %and3A_1154 = arith.constant 31 : i32
        %and3A_1155 = vector.broadcast %and3A_1154 : i32 to vector<16xi32>
        %and3A_1156 = arith.andi %add3A_1150, %and3A_1155 : vector<16xi32>
        %gather3A_1157 = tpu.vector_load_idx %arg11[%shift_right_logical3A_1153, %and3A_1156] : memref<1600x32xf32, #tpu.memory_space<vmem>>[vector<16xi32>, vector<16xi32>], vector<16xf32>,
        %mul3A_1158 = arith.mulf %gather3A_1147, %gather3A_1157 : vector<16xf32>
        %add3A_1159 = arith.addf %add3A_1108, %mul3A_1158 : vector<16xf32>
        %add3A_1160 = arith.constant 1066 : i32
        %add3A_1161 = vector.broadcast %add3A_1160 : i32 to vector<16xi32>
        %add3A_1162 = arith.addi %add3A_68, %add3A_1161 : vector<16xi32>
        %shift_right_logical3A_1163 = arith.constant 5 : i32
        %shift_right_logical3A_1164 = vector.broadcast %shift_right_logical3A_1163 : i32 to vector<16xi32>
        %shift_right_logical3A_1165 = arith.shrui %add3A_1162, %shift_right_logical3A_1164 : vector<16xi32>
        %and3A_1166 = arith.constant 31 : i32
        %and3A_1167 = vector.broadcast %and3A_1166 : i32 to vector<16xi32>
        %and3A_1168 = arith.andi %add3A_1162, %and3A_1167 : vector<16xi32>
        %gather3A_1169 = tpu.vector_load_idx %arg11[%shift_right_logical3A_1165, %and3A_1168] : memref<1600x32xf32, #tpu.memory_space<vmem>>[vector<16xi32>, vector<16xi32>], vector<16xf32>,
        %mul3A_1170 = arith.mulf %gather3A_1147, %gather3A_1169 : vector<16xf32>
        %add3A_1171 = arith.addf %add3A_1120, %mul3A_1170 : vector<16xf32>
        %add3A_1172 = arith.constant 1082 : i32
        %add3A_1173 = vector.broadcast %add3A_1172 : i32 to vector<16xi32>
        %add3A_1174 = arith.addi %add3A_68, %add3A_1173 : vector<16xi32>
        %shift_right_logical3A_1175 = arith.constant 5 : i32
        %shift_right_logical3A_1176 = vector.broadcast %shift_right_logical3A_1175 : i32 to vector<16xi32>
        %shift_right_logical3A_1177 = arith.shrui %add3A_1174, %shift_right_logical3A_1176 : vector<16xi32>
        %and3A_1178 = arith.constant 31 : i32
        %and3A_1179 = vector.broadcast %and3A_1178 : i32 to vector<16xi32>
        %and3A_1180 = arith.andi %add3A_1174, %and3A_1179 : vector<16xi32>
        %gather3A_1181 = tpu.vector_load_idx %arg11[%shift_right_logical3A_1177, %and3A_1180] : memref<1600x32xf32, #tpu.memory_space<vmem>>[vector<16xi32>, vector<16xi32>], vector<16xf32>,
        %mul3A_1182 = arith.mulf %gather3A_1147, %gather3A_1181 : vector<16xf32>
        %add3A_1183 = arith.addf %add3A_1132, %mul3A_1182 : vector<16xf32>
        %add3A_1184 = arith.constant 1084 : i32
        %add3A_1185 = vector.broadcast %add3A_1184 : i32 to vector<16xi32>
        %add3A_1186 = arith.addi %add3A_68, %add3A_1185 : vector<16xi32>
        %shift_right_logical3A_1187 = arith.constant 5 : i32
        %shift_right_logical3A_1188 = vector.broadcast %shift_right_logical3A_1187 : i32 to vector<16xi32>
        %shift_right_logical3A_1189 = arith.shrui %add3A_1186, %shift_right_logical3A_1188 : vector<16xi32>
        %and3A_1190 = arith.constant 31 : i32
        %and3A_1191 = vector.broadcast %and3A_1190 : i32 to vector<16xi32>
        %and3A_1192 = arith.andi %add3A_1186, %and3A_1191 : vector<16xi32>
        %gather3A_1193 = tpu.vector_load_idx %arg11[%shift_right_logical3A_1189, %and3A_1192] : memref<1600x32xf32, #tpu.memory_space<vmem>>[vector<16xi32>, vector<16xi32>], vector<16xf32>,
        %mul3A_1194 = arith.mulf %gather3A_1147, %gather3A_1193 : vector<16xf32>
        %add3A_1195 = arith.addf %add3A_1144, %mul3A_1194 : vector<16xf32>
        %broadcast_in_dim3A_1196 = arith.constant 22 : i32
        %broadcast_in_dim3A_1197 = vector.broadcast %broadcast_in_dim3A_1196 : i32 to vector<16xi32>
        %gather3A_1198 = tpu.vector_load_idx %arg9[%broadcast_in_dim3A, %broadcast_in_dim3A_1197] : memref<32x32xf32, #tpu.memory_space<vmem>>[vector<16xi32>, vector<16xi32>], vector<16xf32>,
        %add3A_1199 = arith.constant 1100 : i32
        %add3A_1200 = vector.broadcast %add3A_1199 : i32 to vector<16xi32>
        %add3A_1201 = arith.addi %add3A_68, %add3A_1200 : vector<16xi32>
        %shift_right_logical3A_1202 = arith.constant 5 : i32
        %shift_right_logical3A_1203 = vector.broadcast %shift_right_logical3A_1202 : i32 to vector<16xi32>
        %shift_right_logical3A_1204 = arith.shrui %add3A_1201, %shift_right_logical3A_1203 : vector<16xi32>
        %and3A_1205 = arith.constant 31 : i32
        %and3A_1206 = vector.broadcast %and3A_1205 : i32 to vector<16xi32>
        %and3A_1207 = arith.andi %add3A_1201, %and3A_1206 : vector<16xi32>
        %gather3A_1208 = tpu.vector_load_idx %arg11[%shift_right_logical3A_1204, %and3A_1207] : memref<1600x32xf32, #tpu.memory_space<vmem>>[vector<16xi32>, vector<16xi32>], vector<16xf32>,
        %mul3A_1209 = arith.mulf %gather3A_1198, %gather3A_1208 : vector<16xf32>
        %add3A_1210 = arith.addf %add3A_1159, %mul3A_1209 : vector<16xf32>
        %add3A_1211 = arith.constant 1116 : i32
        %add3A_1212 = vector.broadcast %add3A_1211 : i32 to vector<16xi32>
        %add3A_1213 = arith.addi %add3A_68, %add3A_1212 : vector<16xi32>
        %shift_right_logical3A_1214 = arith.constant 5 : i32
        %shift_right_logical3A_1215 = vector.broadcast %shift_right_logical3A_1214 : i32 to vector<16xi32>
        %shift_right_logical3A_1216 = arith.shrui %add3A_1213, %shift_right_logical3A_1215 : vector<16xi32>
        %and3A_1217 = arith.constant 31 : i32
        %and3A_1218 = vector.broadcast %and3A_1217 : i32 to vector<16xi32>
        %and3A_1219 = arith.andi %add3A_1213, %and3A_1218 : vector<16xi32>
        %gather3A_1220 = tpu.vector_load_idx %arg11[%shift_right_logical3A_1216, %and3A_1219] : memref<1600x32xf32, #tpu.memory_space<vmem>>[vector<16xi32>, vector<16xi32>], vector<16xf32>,
        %mul3A_1221 = arith.mulf %gather3A_1198, %gather3A_1220 : vector<16xf32>
        %add3A_1222 = arith.addf %add3A_1171, %mul3A_1221 : vector<16xf32>
        %add3A_1223 = arith.constant 1132 : i32
        %add3A_1224 = vector.broadcast %add3A_1223 : i32 to vector<16xi32>
        %add3A_1225 = arith.addi %add3A_68, %add3A_1224 : vector<16xi32>
        %shift_right_logical3A_1226 = arith.constant 5 : i32
        %shift_right_logical3A_1227 = vector.broadcast %shift_right_logical3A_1226 : i32 to vector<16xi32>
        %shift_right_logical3A_1228 = arith.shrui %add3A_1225, %shift_right_logical3A_1227 : vector<16xi32>
        %and3A_1229 = arith.constant 31 : i32
        %and3A_1230 = vector.broadcast %and3A_1229 : i32 to vector<16xi32>
        %and3A_1231 = arith.andi %add3A_1225, %and3A_1230 : vector<16xi32>
        %gather3A_1232 = tpu.vector_load_idx %arg11[%shift_right_logical3A_1228, %and3A_1231] : memref<1600x32xf32, #tpu.memory_space<vmem>>[vector<16xi32>, vector<16xi32>], vector<16xf32>,
        %mul3A_1233 = arith.mulf %gather3A_1198, %gather3A_1232 : vector<16xf32>
        %add3A_1234 = arith.addf %add3A_1183, %mul3A_1233 : vector<16xf32>
        %add3A_1235 = arith.constant 1134 : i32
        %add3A_1236 = vector.broadcast %add3A_1235 : i32 to vector<16xi32>
        %add3A_1237 = arith.addi %add3A_68, %add3A_1236 : vector<16xi32>
        %shift_right_logical3A_1238 = arith.constant 5 : i32
        %shift_right_logical3A_1239 = vector.broadcast %shift_right_logical3A_1238 : i32 to vector<16xi32>
        %shift_right_logical3A_1240 = arith.shrui %add3A_1237, %shift_right_logical3A_1239 : vector<16xi32>
        %and3A_1241 = arith.constant 31 : i32
        %and3A_1242 = vector.broadcast %and3A_1241 : i32 to vector<16xi32>
        %and3A_1243 = arith.andi %add3A_1237, %and3A_1242 : vector<16xi32>
        %gather3A_1244 = tpu.vector_load_idx %arg11[%shift_right_logical3A_1240, %and3A_1243] : memref<1600x32xf32, #tpu.memory_space<vmem>>[vector<16xi32>, vector<16xi32>], vector<16xf32>,
        %mul3A_1245 = arith.mulf %gather3A_1198, %gather3A_1244 : vector<16xf32>
        %add3A_1246 = arith.addf %add3A_1195, %mul3A_1245 : vector<16xf32>
        %broadcast_in_dim3A_1247 = arith.constant 23 : i32
        %broadcast_in_dim3A_1248 = vector.broadcast %broadcast_in_dim3A_1247 : i32 to vector<16xi32>
        %gather3A_1249 = tpu.vector_load_idx %arg9[%broadcast_in_dim3A, %broadcast_in_dim3A_1248] : memref<32x32xf32, #tpu.memory_space<vmem>>[vector<16xi32>, vector<16xi32>], vector<16xf32>,
        %add3A_1250 = arith.constant 1150 : i32
        %add3A_1251 = vector.broadcast %add3A_1250 : i32 to vector<16xi32>
        %add3A_1252 = arith.addi %add3A_68, %add3A_1251 : vector<16xi32>
        %shift_right_logical3A_1253 = arith.constant 5 : i32
        %shift_right_logical3A_1254 = vector.broadcast %shift_right_logical3A_1253 : i32 to vector<16xi32>
        %shift_right_logical3A_1255 = arith.shrui %add3A_1252, %shift_right_logical3A_1254 : vector<16xi32>
        %and3A_1256 = arith.constant 31 : i32
        %and3A_1257 = vector.broadcast %and3A_1256 : i32 to vector<16xi32>
        %and3A_1258 = arith.andi %add3A_1252, %and3A_1257 : vector<16xi32>
        %gather3A_1259 = tpu.vector_load_idx %arg11[%shift_right_logical3A_1255, %and3A_1258] : memref<1600x32xf32, #tpu.memory_space<vmem>>[vector<16xi32>, vector<16xi32>], vector<16xf32>,
        %mul3A_1260 = arith.mulf %gather3A_1249, %gather3A_1259 : vector<16xf32>
        %add3A_1261 = arith.addf %add3A_1210, %mul3A_1260 : vector<16xf32>
        %add3A_1262 = arith.constant 1166 : i32
        %add3A_1263 = vector.broadcast %add3A_1262 : i32 to vector<16xi32>
        %add3A_1264 = arith.addi %add3A_68, %add3A_1263 : vector<16xi32>
        %shift_right_logical3A_1265 = arith.constant 5 : i32
        %shift_right_logical3A_1266 = vector.broadcast %shift_right_logical3A_1265 : i32 to vector<16xi32>
        %shift_right_logical3A_1267 = arith.shrui %add3A_1264, %shift_right_logical3A_1266 : vector<16xi32>
        %and3A_1268 = arith.constant 31 : i32
        %and3A_1269 = vector.broadcast %and3A_1268 : i32 to vector<16xi32>
        %and3A_1270 = arith.andi %add3A_1264, %and3A_1269 : vector<16xi32>
        %gather3A_1271 = tpu.vector_load_idx %arg11[%shift_right_logical3A_1267, %and3A_1270] : memref<1600x32xf32, #tpu.memory_space<vmem>>[vector<16xi32>, vector<16xi32>], vector<16xf32>,
        %mul3A_1272 = arith.mulf %gather3A_1249, %gather3A_1271 : vector<16xf32>
        %add3A_1273 = arith.addf %add3A_1222, %mul3A_1272 : vector<16xf32>
        %add3A_1274 = arith.constant 1182 : i32
        %add3A_1275 = vector.broadcast %add3A_1274 : i32 to vector<16xi32>
        %add3A_1276 = arith.addi %add3A_68, %add3A_1275 : vector<16xi32>
        %shift_right_logical3A_1277 = arith.constant 5 : i32
        %shift_right_logical3A_1278 = vector.broadcast %shift_right_logical3A_1277 : i32 to vector<16xi32>
        %shift_right_logical3A_1279 = arith.shrui %add3A_1276, %shift_right_logical3A_1278 : vector<16xi32>
        %and3A_1280 = arith.constant 31 : i32
        %and3A_1281 = vector.broadcast %and3A_1280 : i32 to vector<16xi32>
        %and3A_1282 = arith.andi %add3A_1276, %and3A_1281 : vector<16xi32>
        %gather3A_1283 = tpu.vector_load_idx %arg11[%shift_right_logical3A_1279, %and3A_1282] : memref<1600x32xf32, #tpu.memory_space<vmem>>[vector<16xi32>, vector<16xi32>], vector<16xf32>,
        %mul3A_1284 = arith.mulf %gather3A_1249, %gather3A_1283 : vector<16xf32>
        %add3A_1285 = arith.addf %add3A_1234, %mul3A_1284 : vector<16xf32>
        %add3A_1286 = arith.constant 1184 : i32
        %add3A_1287 = vector.broadcast %add3A_1286 : i32 to vector<16xi32>
        %add3A_1288 = arith.addi %add3A_68, %add3A_1287 : vector<16xi32>
        %shift_right_logical3A_1289 = arith.constant 5 : i32
        %shift_right_logical3A_1290 = vector.broadcast %shift_right_logical3A_1289 : i32 to vector<16xi32>
        %shift_right_logical3A_1291 = arith.shrui %add3A_1288, %shift_right_logical3A_1290 : vector<16xi32>
        %and3A_1292 = arith.constant 31 : i32
        %and3A_1293 = vector.broadcast %and3A_1292 : i32 to vector<16xi32>
        %and3A_1294 = arith.andi %add3A_1288, %and3A_1293 : vector<16xi32>
        %gather3A_1295 = tpu.vector_load_idx %arg11[%shift_right_logical3A_1291, %and3A_1294] : memref<1600x32xf32, #tpu.memory_space<vmem>>[vector<16xi32>, vector<16xi32>], vector<16xf32>,
        %mul3A_1296 = arith.mulf %gather3A_1249, %gather3A_1295 : vector<16xf32>
        %add3A_1297 = arith.addf %add3A_1246, %mul3A_1296 : vector<16xf32>
        %broadcast_in_dim3A_1298 = arith.constant 24 : i32
        %broadcast_in_dim3A_1299 = vector.broadcast %broadcast_in_dim3A_1298 : i32 to vector<16xi32>
        %gather3A_1300 = tpu.vector_load_idx %arg9[%broadcast_in_dim3A, %broadcast_in_dim3A_1299] : memref<32x32xf32, #tpu.memory_space<vmem>>[vector<16xi32>, vector<16xi32>], vector<16xf32>,
        %add3A_1301 = arith.constant 1200 : i32
        %add3A_1302 = vector.broadcast %add3A_1301 : i32 to vector<16xi32>
        %add3A_1303 = arith.addi %add3A_68, %add3A_1302 : vector<16xi32>
        %shift_right_logical3A_1304 = arith.constant 5 : i32
        %shift_right_logical3A_1305 = vector.broadcast %shift_right_logical3A_1304 : i32 to vector<16xi32>
        %shift_right_logical3A_1306 = arith.shrui %add3A_1303, %shift_right_logical3A_1305 : vector<16xi32>
        %and3A_1307 = arith.constant 31 : i32
        %and3A_1308 = vector.broadcast %and3A_1307 : i32 to vector<16xi32>
        %and3A_1309 = arith.andi %add3A_1303, %and3A_1308 : vector<16xi32>
        %gather3A_1310 = tpu.vector_load_idx %arg11[%shift_right_logical3A_1306, %and3A_1309] : memref<1600x32xf32, #tpu.memory_space<vmem>>[vector<16xi32>, vector<16xi32>], vector<16xf32>,
        %mul3A_1311 = arith.mulf %gather3A_1300, %gather3A_1310 : vector<16xf32>
        %add3A_1312 = arith.addf %add3A_1261, %mul3A_1311 : vector<16xf32>
        %add3A_1313 = arith.constant 1216 : i32
        %add3A_1314 = vector.broadcast %add3A_1313 : i32 to vector<16xi32>
        %add3A_1315 = arith.addi %add3A_68, %add3A_1314 : vector<16xi32>
        %shift_right_logical3A_1316 = arith.constant 5 : i32
        %shift_right_logical3A_1317 = vector.broadcast %shift_right_logical3A_1316 : i32 to vector<16xi32>
        %shift_right_logical3A_1318 = arith.shrui %add3A_1315, %shift_right_logical3A_1317 : vector<16xi32>
        %and3A_1319 = arith.constant 31 : i32
        %and3A_1320 = vector.broadcast %and3A_1319 : i32 to vector<16xi32>
        %and3A_1321 = arith.andi %add3A_1315, %and3A_1320 : vector<16xi32>
        %gather3A_1322 = tpu.vector_load_idx %arg11[%shift_right_logical3A_1318, %and3A_1321] : memref<1600x32xf32, #tpu.memory_space<vmem>>[vector<16xi32>, vector<16xi32>], vector<16xf32>,
        %mul3A_1323 = arith.mulf %gather3A_1300, %gather3A_1322 : vector<16xf32>
        %add3A_1324 = arith.addf %add3A_1273, %mul3A_1323 : vector<16xf32>
        %add3A_1325 = arith.constant 1232 : i32
        %add3A_1326 = vector.broadcast %add3A_1325 : i32 to vector<16xi32>
        %add3A_1327 = arith.addi %add3A_68, %add3A_1326 : vector<16xi32>
        %shift_right_logical3A_1328 = arith.constant 5 : i32
        %shift_right_logical3A_1329 = vector.broadcast %shift_right_logical3A_1328 : i32 to vector<16xi32>
        %shift_right_logical3A_1330 = arith.shrui %add3A_1327, %shift_right_logical3A_1329 : vector<16xi32>
        %and3A_1331 = arith.constant 31 : i32
        %and3A_1332 = vector.broadcast %and3A_1331 : i32 to vector<16xi32>
        %and3A_1333 = arith.andi %add3A_1327, %and3A_1332 : vector<16xi32>
        %gather3A_1334 = tpu.vector_load_idx %arg11[%shift_right_logical3A_1330, %and3A_1333] : memref<1600x32xf32, #tpu.memory_space<vmem>>[vector<16xi32>, vector<16xi32>], vector<16xf32>,
        %mul3A_1335 = arith.mulf %gather3A_1300, %gather3A_1334 : vector<16xf32>
        %add3A_1336 = arith.addf %add3A_1285, %mul3A_1335 : vector<16xf32>
        %add3A_1337 = arith.constant 1234 : i32
        %add3A_1338 = vector.broadcast %add3A_1337 : i32 to vector<16xi32>
        %add3A_1339 = arith.addi %add3A_68, %add3A_1338 : vector<16xi32>
        %shift_right_logical3A_1340 = arith.constant 5 : i32
        %shift_right_logical3A_1341 = vector.broadcast %shift_right_logical3A_1340 : i32 to vector<16xi32>
        %shift_right_logical3A_1342 = arith.shrui %add3A_1339, %shift_right_logical3A_1341 : vector<16xi32>
        %and3A_1343 = arith.constant 31 : i32
        %and3A_1344 = vector.broadcast %and3A_1343 : i32 to vector<16xi32>
        %and3A_1345 = arith.andi %add3A_1339, %and3A_1344 : vector<16xi32>
        %gather3A_1346 = tpu.vector_load_idx %arg11[%shift_right_logical3A_1342, %and3A_1345] : memref<1600x32xf32, #tpu.memory_space<vmem>>[vector<16xi32>, vector<16xi32>], vector<16xf32>,
        %mul3A_1347 = arith.mulf %gather3A_1300, %gather3A_1346 : vector<16xf32>
        %add3A_1348 = arith.addf %add3A_1297, %mul3A_1347 : vector<16xf32>
        %broadcast_in_dim3A_1349 = arith.constant 25 : i32
        %broadcast_in_dim3A_1350 = vector.broadcast %broadcast_in_dim3A_1349 : i32 to vector<16xi32>
        %gather3A_1351 = tpu.vector_load_idx %arg9[%broadcast_in_dim3A, %broadcast_in_dim3A_1350] : memref<32x32xf32, #tpu.memory_space<vmem>>[vector<16xi32>, vector<16xi32>], vector<16xf32>,
        %add3A_1352 = arith.constant 1250 : i32
        %add3A_1353 = vector.broadcast %add3A_1352 : i32 to vector<16xi32>
        %add3A_1354 = arith.addi %add3A_68, %add3A_1353 : vector<16xi32>
        %shift_right_logical3A_1355 = arith.constant 5 : i32
        %shift_right_logical3A_1356 = vector.broadcast %shift_right_logical3A_1355 : i32 to vector<16xi32>
        %shift_right_logical3A_1357 = arith.shrui %add3A_1354, %shift_right_logical3A_1356 : vector<16xi32>
        %and3A_1358 = arith.constant 31 : i32
        %and3A_1359 = vector.broadcast %and3A_1358 : i32 to vector<16xi32>
        %and3A_1360 = arith.andi %add3A_1354, %and3A_1359 : vector<16xi32>
        %gather3A_1361 = tpu.vector_load_idx %arg11[%shift_right_logical3A_1357, %and3A_1360] : memref<1600x32xf32, #tpu.memory_space<vmem>>[vector<16xi32>, vector<16xi32>], vector<16xf32>,
        %mul3A_1362 = arith.mulf %gather3A_1351, %gather3A_1361 : vector<16xf32>
        %add3A_1363 = arith.addf %add3A_1312, %mul3A_1362 : vector<16xf32>
        %add3A_1364 = arith.constant 1266 : i32
        %add3A_1365 = vector.broadcast %add3A_1364 : i32 to vector<16xi32>
        %add3A_1366 = arith.addi %add3A_68, %add3A_1365 : vector<16xi32>
        %shift_right_logical3A_1367 = arith.constant 5 : i32
        %shift_right_logical3A_1368 = vector.broadcast %shift_right_logical3A_1367 : i32 to vector<16xi32>
        %shift_right_logical3A_1369 = arith.shrui %add3A_1366, %shift_right_logical3A_1368 : vector<16xi32>
        %and3A_1370 = arith.constant 31 : i32
        %and3A_1371 = vector.broadcast %and3A_1370 : i32 to vector<16xi32>
        %and3A_1372 = arith.andi %add3A_1366, %and3A_1371 : vector<16xi32>
        %gather3A_1373 = tpu.vector_load_idx %arg11[%shift_right_logical3A_1369, %and3A_1372] : memref<1600x32xf32, #tpu.memory_space<vmem>>[vector<16xi32>, vector<16xi32>], vector<16xf32>,
        %mul3A_1374 = arith.mulf %gather3A_1351, %gather3A_1373 : vector<16xf32>
        %add3A_1375 = arith.addf %add3A_1324, %mul3A_1374 : vector<16xf32>
        %add3A_1376 = arith.constant 1282 : i32
        %add3A_1377 = vector.broadcast %add3A_1376 : i32 to vector<16xi32>
        %add3A_1378 = arith.addi %add3A_68, %add3A_1377 : vector<16xi32>
        %shift_right_logical3A_1379 = arith.constant 5 : i32
        %shift_right_logical3A_1380 = vector.broadcast %shift_right_logical3A_1379 : i32 to vector<16xi32>
        %shift_right_logical3A_1381 = arith.shrui %add3A_1378, %shift_right_logical3A_1380 : vector<16xi32>
        %and3A_1382 = arith.constant 31 : i32
        %and3A_1383 = vector.broadcast %and3A_1382 : i32 to vector<16xi32>
        %and3A_1384 = arith.andi %add3A_1378, %and3A_1383 : vector<16xi32>
        %gather3A_1385 = tpu.vector_load_idx %arg11[%shift_right_logical3A_1381, %and3A_1384] : memref<1600x32xf32, #tpu.memory_space<vmem>>[vector<16xi32>, vector<16xi32>], vector<16xf32>,
        %mul3A_1386 = arith.mulf %gather3A_1351, %gather3A_1385 : vector<16xf32>
        %add3A_1387 = arith.addf %add3A_1336, %mul3A_1386 : vector<16xf32>
        %add3A_1388 = arith.constant 1284 : i32
        %add3A_1389 = vector.broadcast %add3A_1388 : i32 to vector<16xi32>
        %add3A_1390 = arith.addi %add3A_68, %add3A_1389 : vector<16xi32>
        %shift_right_logical3A_1391 = arith.constant 5 : i32
        %shift_right_logical3A_1392 = vector.broadcast %shift_right_logical3A_1391 : i32 to vector<16xi32>
        %shift_right_logical3A_1393 = arith.shrui %add3A_1390, %shift_right_logical3A_1392 : vector<16xi32>
        %and3A_1394 = arith.constant 31 : i32
        %and3A_1395 = vector.broadcast %and3A_1394 : i32 to vector<16xi32>
        %and3A_1396 = arith.andi %add3A_1390, %and3A_1395 : vector<16xi32>
        %gather3A_1397 = tpu.vector_load_idx %arg11[%shift_right_logical3A_1393, %and3A_1396] : memref<1600x32xf32, #tpu.memory_space<vmem>>[vector<16xi32>, vector<16xi32>], vector<16xf32>,
        %mul3A_1398 = arith.mulf %gather3A_1351, %gather3A_1397 : vector<16xf32>
        %add3A_1399 = arith.addf %add3A_1348, %mul3A_1398 : vector<16xf32>
        %broadcast_in_dim3A_1400 = arith.constant 26 : i32
        %broadcast_in_dim3A_1401 = vector.broadcast %broadcast_in_dim3A_1400 : i32 to vector<16xi32>
        %gather3A_1402 = tpu.vector_load_idx %arg9[%broadcast_in_dim3A, %broadcast_in_dim3A_1401] : memref<32x32xf32, #tpu.memory_space<vmem>>[vector<16xi32>, vector<16xi32>], vector<16xf32>,
        %add3A_1403 = arith.constant 1300 : i32
        %add3A_1404 = vector.broadcast %add3A_1403 : i32 to vector<16xi32>
        %add3A_1405 = arith.addi %add3A_68, %add3A_1404 : vector<16xi32>
        %shift_right_logical3A_1406 = arith.constant 5 : i32
        %shift_right_logical3A_1407 = vector.broadcast %shift_right_logical3A_1406 : i32 to vector<16xi32>
        %shift_right_logical3A_1408 = arith.shrui %add3A_1405, %shift_right_logical3A_1407 : vector<16xi32>
        %and3A_1409 = arith.constant 31 : i32
        %and3A_1410 = vector.broadcast %and3A_1409 : i32 to vector<16xi32>
        %and3A_1411 = arith.andi %add3A_1405, %and3A_1410 : vector<16xi32>
        %gather3A_1412 = tpu.vector_load_idx %arg11[%shift_right_logical3A_1408, %and3A_1411] : memref<1600x32xf32, #tpu.memory_space<vmem>>[vector<16xi32>, vector<16xi32>], vector<16xf32>,
        %mul3A_1413 = arith.mulf %gather3A_1402, %gather3A_1412 : vector<16xf32>
        %add3A_1414 = arith.addf %add3A_1363, %mul3A_1413 : vector<16xf32>
        %add3A_1415 = arith.constant 1316 : i32
        %add3A_1416 = vector.broadcast %add3A_1415 : i32 to vector<16xi32>
        %add3A_1417 = arith.addi %add3A_68, %add3A_1416 : vector<16xi32>
        %shift_right_logical3A_1418 = arith.constant 5 : i32
        %shift_right_logical3A_1419 = vector.broadcast %shift_right_logical3A_1418 : i32 to vector<16xi32>
        %shift_right_logical3A_1420 = arith.shrui %add3A_1417, %shift_right_logical3A_1419 : vector<16xi32>
        %and3A_1421 = arith.constant 31 : i32
        %and3A_1422 = vector.broadcast %and3A_1421 : i32 to vector<16xi32>
        %and3A_1423 = arith.andi %add3A_1417, %and3A_1422 : vector<16xi32>
        %gather3A_1424 = tpu.vector_load_idx %arg11[%shift_right_logical3A_1420, %and3A_1423] : memref<1600x32xf32, #tpu.memory_space<vmem>>[vector<16xi32>, vector<16xi32>], vector<16xf32>,
        %mul3A_1425 = arith.mulf %gather3A_1402, %gather3A_1424 : vector<16xf32>
        %add3A_1426 = arith.addf %add3A_1375, %mul3A_1425 : vector<16xf32>
        %add3A_1427 = arith.constant 1332 : i32
        %add3A_1428 = vector.broadcast %add3A_1427 : i32 to vector<16xi32>
        %add3A_1429 = arith.addi %add3A_68, %add3A_1428 : vector<16xi32>
        %shift_right_logical3A_1430 = arith.constant 5 : i32
        %shift_right_logical3A_1431 = vector.broadcast %shift_right_logical3A_1430 : i32 to vector<16xi32>
        %shift_right_logical3A_1432 = arith.shrui %add3A_1429, %shift_right_logical3A_1431 : vector<16xi32>
        %and3A_1433 = arith.constant 31 : i32
        %and3A_1434 = vector.broadcast %and3A_1433 : i32 to vector<16xi32>
        %and3A_1435 = arith.andi %add3A_1429, %and3A_1434 : vector<16xi32>
        %gather3A_1436 = tpu.vector_load_idx %arg11[%shift_right_logical3A_1432, %and3A_1435] : memref<1600x32xf32, #tpu.memory_space<vmem>>[vector<16xi32>, vector<16xi32>], vector<16xf32>,
        %mul3A_1437 = arith.mulf %gather3A_1402, %gather3A_1436 : vector<16xf32>
        %add3A_1438 = arith.addf %add3A_1387, %mul3A_1437 : vector<16xf32>
        %add3A_1439 = arith.constant 1334 : i32
        %add3A_1440 = vector.broadcast %add3A_1439 : i32 to vector<16xi32>
        %add3A_1441 = arith.addi %add3A_68, %add3A_1440 : vector<16xi32>
        %shift_right_logical3A_1442 = arith.constant 5 : i32
        %shift_right_logical3A_1443 = vector.broadcast %shift_right_logical3A_1442 : i32 to vector<16xi32>
        %shift_right_logical3A_1444 = arith.shrui %add3A_1441, %shift_right_logical3A_1443 : vector<16xi32>
        %and3A_1445 = arith.constant 31 : i32
        %and3A_1446 = vector.broadcast %and3A_1445 : i32 to vector<16xi32>
        %and3A_1447 = arith.andi %add3A_1441, %and3A_1446 : vector<16xi32>
        %gather3A_1448 = tpu.vector_load_idx %arg11[%shift_right_logical3A_1444, %and3A_1447] : memref<1600x32xf32, #tpu.memory_space<vmem>>[vector<16xi32>, vector<16xi32>], vector<16xf32>,
        %mul3A_1449 = arith.mulf %gather3A_1402, %gather3A_1448 : vector<16xf32>
        %add3A_1450 = arith.addf %add3A_1399, %mul3A_1449 : vector<16xf32>
        %broadcast_in_dim3A_1451 = arith.constant 27 : i32
        %broadcast_in_dim3A_1452 = vector.broadcast %broadcast_in_dim3A_1451 : i32 to vector<16xi32>
        %gather3A_1453 = tpu.vector_load_idx %arg9[%broadcast_in_dim3A, %broadcast_in_dim3A_1452] : memref<32x32xf32, #tpu.memory_space<vmem>>[vector<16xi32>, vector<16xi32>], vector<16xf32>,
        %add3A_1454 = arith.constant 1350 : i32
        %add3A_1455 = vector.broadcast %add3A_1454 : i32 to vector<16xi32>
        %add3A_1456 = arith.addi %add3A_68, %add3A_1455 : vector<16xi32>
        %shift_right_logical3A_1457 = arith.constant 5 : i32
        %shift_right_logical3A_1458 = vector.broadcast %shift_right_logical3A_1457 : i32 to vector<16xi32>
        %shift_right_logical3A_1459 = arith.shrui %add3A_1456, %shift_right_logical3A_1458 : vector<16xi32>
        %and3A_1460 = arith.constant 31 : i32
        %and3A_1461 = vector.broadcast %and3A_1460 : i32 to vector<16xi32>
        %and3A_1462 = arith.andi %add3A_1456, %and3A_1461 : vector<16xi32>
        %gather3A_1463 = tpu.vector_load_idx %arg11[%shift_right_logical3A_1459, %and3A_1462] : memref<1600x32xf32, #tpu.memory_space<vmem>>[vector<16xi32>, vector<16xi32>], vector<16xf32>,
        %mul3A_1464 = arith.mulf %gather3A_1453, %gather3A_1463 : vector<16xf32>
        %add3A_1465 = arith.addf %add3A_1414, %mul3A_1464 : vector<16xf32>
        %add3A_1466 = arith.constant 1366 : i32
        %add3A_1467 = vector.broadcast %add3A_1466 : i32 to vector<16xi32>
        %add3A_1468 = arith.addi %add3A_68, %add3A_1467 : vector<16xi32>
        %shift_right_logical3A_1469 = arith.constant 5 : i32
        %shift_right_logical3A_1470 = vector.broadcast %shift_right_logical3A_1469 : i32 to vector<16xi32>
        %shift_right_logical3A_1471 = arith.shrui %add3A_1468, %shift_right_logical3A_1470 : vector<16xi32>
        %and3A_1472 = arith.constant 31 : i32
        %and3A_1473 = vector.broadcast %and3A_1472 : i32 to vector<16xi32>
        %and3A_1474 = arith.andi %add3A_1468, %and3A_1473 : vector<16xi32>
        %gather3A_1475 = tpu.vector_load_idx %arg11[%shift_right_logical3A_1471, %and3A_1474] : memref<1600x32xf32, #tpu.memory_space<vmem>>[vector<16xi32>, vector<16xi32>], vector<16xf32>,
        %mul3A_1476 = arith.mulf %gather3A_1453, %gather3A_1475 : vector<16xf32>
        %add3A_1477 = arith.addf %add3A_1426, %mul3A_1476 : vector<16xf32>
        %add3A_1478 = arith.constant 1382 : i32
        %add3A_1479 = vector.broadcast %add3A_1478 : i32 to vector<16xi32>
        %add3A_1480 = arith.addi %add3A_68, %add3A_1479 : vector<16xi32>
        %shift_right_logical3A_1481 = arith.constant 5 : i32
        %shift_right_logical3A_1482 = vector.broadcast %shift_right_logical3A_1481 : i32 to vector<16xi32>
        %shift_right_logical3A_1483 = arith.shrui %add3A_1480, %shift_right_logical3A_1482 : vector<16xi32>
        %and3A_1484 = arith.constant 31 : i32
        %and3A_1485 = vector.broadcast %and3A_1484 : i32 to vector<16xi32>
        %and3A_1486 = arith.andi %add3A_1480, %and3A_1485 : vector<16xi32>
        %gather3A_1487 = tpu.vector_load_idx %arg11[%shift_right_logical3A_1483, %and3A_1486] : memref<1600x32xf32, #tpu.memory_space<vmem>>[vector<16xi32>, vector<16xi32>], vector<16xf32>,
        %mul3A_1488 = arith.mulf %gather3A_1453, %gather3A_1487 : vector<16xf32>
        %add3A_1489 = arith.addf %add3A_1438, %mul3A_1488 : vector<16xf32>
        %add3A_1490 = arith.constant 1384 : i32
        %add3A_1491 = vector.broadcast %add3A_1490 : i32 to vector<16xi32>
        %add3A_1492 = arith.addi %add3A_68, %add3A_1491 : vector<16xi32>
        %shift_right_logical3A_1493 = arith.constant 5 : i32
        %shift_right_logical3A_1494 = vector.broadcast %shift_right_logical3A_1493 : i32 to vector<16xi32>
        %shift_right_logical3A_1495 = arith.shrui %add3A_1492, %shift_right_logical3A_1494 : vector<16xi32>
        %and3A_1496 = arith.constant 31 : i32
        %and3A_1497 = vector.broadcast %and3A_1496 : i32 to vector<16xi32>
        %and3A_1498 = arith.andi %add3A_1492, %and3A_1497 : vector<16xi32>
        %gather3A_1499 = tpu.vector_load_idx %arg11[%shift_right_logical3A_1495, %and3A_1498] : memref<1600x32xf32, #tpu.memory_space<vmem>>[vector<16xi32>, vector<16xi32>], vector<16xf32>,
        %mul3A_1500 = arith.mulf %gather3A_1453, %gather3A_1499 : vector<16xf32>
        %add3A_1501 = arith.addf %add3A_1450, %mul3A_1500 : vector<16xf32>
        %broadcast_in_dim3A_1502 = arith.constant 28 : i32
        %broadcast_in_dim3A_1503 = vector.broadcast %broadcast_in_dim3A_1502 : i32 to vector<16xi32>
        %gather3A_1504 = tpu.vector_load_idx %arg9[%broadcast_in_dim3A, %broadcast_in_dim3A_1503] : memref<32x32xf32, #tpu.memory_space<vmem>>[vector<16xi32>, vector<16xi32>], vector<16xf32>,
        %add3A_1505 = arith.constant 1400 : i32
        %add3A_1506 = vector.broadcast %add3A_1505 : i32 to vector<16xi32>
        %add3A_1507 = arith.addi %add3A_68, %add3A_1506 : vector<16xi32>
        %shift_right_logical3A_1508 = arith.constant 5 : i32
        %shift_right_logical3A_1509 = vector.broadcast %shift_right_logical3A_1508 : i32 to vector<16xi32>
        %shift_right_logical3A_1510 = arith.shrui %add3A_1507, %shift_right_logical3A_1509 : vector<16xi32>
        %and3A_1511 = arith.constant 31 : i32
        %and3A_1512 = vector.broadcast %and3A_1511 : i32 to vector<16xi32>
        %and3A_1513 = arith.andi %add3A_1507, %and3A_1512 : vector<16xi32>
        %gather3A_1514 = tpu.vector_load_idx %arg11[%shift_right_logical3A_1510, %and3A_1513] : memref<1600x32xf32, #tpu.memory_space<vmem>>[vector<16xi32>, vector<16xi32>], vector<16xf32>,
        %mul3A_1515 = arith.mulf %gather3A_1504, %gather3A_1514 : vector<16xf32>
        %add3A_1516 = arith.addf %add3A_1465, %mul3A_1515 : vector<16xf32>
        %add3A_1517 = arith.constant 1416 : i32
        %add3A_1518 = vector.broadcast %add3A_1517 : i32 to vector<16xi32>
        %add3A_1519 = arith.addi %add3A_68, %add3A_1518 : vector<16xi32>
        %shift_right_logical3A_1520 = arith.constant 5 : i32
        %shift_right_logical3A_1521 = vector.broadcast %shift_right_logical3A_1520 : i32 to vector<16xi32>
        %shift_right_logical3A_1522 = arith.shrui %add3A_1519, %shift_right_logical3A_1521 : vector<16xi32>
        %and3A_1523 = arith.constant 31 : i32
        %and3A_1524 = vector.broadcast %and3A_1523 : i32 to vector<16xi32>
        %and3A_1525 = arith.andi %add3A_1519, %and3A_1524 : vector<16xi32>
        %gather3A_1526 = tpu.vector_load_idx %arg11[%shift_right_logical3A_1522, %and3A_1525] : memref<1600x32xf32, #tpu.memory_space<vmem>>[vector<16xi32>, vector<16xi32>], vector<16xf32>,
        %mul3A_1527 = arith.mulf %gather3A_1504, %gather3A_1526 : vector<16xf32>
        %add3A_1528 = arith.addf %add3A_1477, %mul3A_1527 : vector<16xf32>
        %add3A_1529 = arith.constant 1432 : i32
        %add3A_1530 = vector.broadcast %add3A_1529 : i32 to vector<16xi32>
        %add3A_1531 = arith.addi %add3A_68, %add3A_1530 : vector<16xi32>
        %shift_right_logical3A_1532 = arith.constant 5 : i32
        %shift_right_logical3A_1533 = vector.broadcast %shift_right_logical3A_1532 : i32 to vector<16xi32>
        %shift_right_logical3A_1534 = arith.shrui %add3A_1531, %shift_right_logical3A_1533 : vector<16xi32>
        %and3A_1535 = arith.constant 31 : i32
        %and3A_1536 = vector.broadcast %and3A_1535 : i32 to vector<16xi32>
        %and3A_1537 = arith.andi %add3A_1531, %and3A_1536 : vector<16xi32>
        %gather3A_1538 = tpu.vector_load_idx %arg11[%shift_right_logical3A_1534, %and3A_1537] : memref<1600x32xf32, #tpu.memory_space<vmem>>[vector<16xi32>, vector<16xi32>], vector<16xf32>,
        %mul3A_1539 = arith.mulf %gather3A_1504, %gather3A_1538 : vector<16xf32>
        %add3A_1540 = arith.addf %add3A_1489, %mul3A_1539 : vector<16xf32>
        %add3A_1541 = arith.constant 1434 : i32
        %add3A_1542 = vector.broadcast %add3A_1541 : i32 to vector<16xi32>
        %add3A_1543 = arith.addi %add3A_68, %add3A_1542 : vector<16xi32>
        %shift_right_logical3A_1544 = arith.constant 5 : i32
        %shift_right_logical3A_1545 = vector.broadcast %shift_right_logical3A_1544 : i32 to vector<16xi32>
        %shift_right_logical3A_1546 = arith.shrui %add3A_1543, %shift_right_logical3A_1545 : vector<16xi32>
        %and3A_1547 = arith.constant 31 : i32
        %and3A_1548 = vector.broadcast %and3A_1547 : i32 to vector<16xi32>
        %and3A_1549 = arith.andi %add3A_1543, %and3A_1548 : vector<16xi32>
        %gather3A_1550 = tpu.vector_load_idx %arg11[%shift_right_logical3A_1546, %and3A_1549] : memref<1600x32xf32, #tpu.memory_space<vmem>>[vector<16xi32>, vector<16xi32>], vector<16xf32>,
        %mul3A_1551 = arith.mulf %gather3A_1504, %gather3A_1550 : vector<16xf32>
        %add3A_1552 = arith.addf %add3A_1501, %mul3A_1551 : vector<16xf32>
        %broadcast_in_dim3A_1553 = arith.constant 29 : i32
        %broadcast_in_dim3A_1554 = vector.broadcast %broadcast_in_dim3A_1553 : i32 to vector<16xi32>
        %gather3A_1555 = tpu.vector_load_idx %arg9[%broadcast_in_dim3A, %broadcast_in_dim3A_1554] : memref<32x32xf32, #tpu.memory_space<vmem>>[vector<16xi32>, vector<16xi32>], vector<16xf32>,
        %add3A_1556 = arith.constant 1450 : i32
        %add3A_1557 = vector.broadcast %add3A_1556 : i32 to vector<16xi32>
        %add3A_1558 = arith.addi %add3A_68, %add3A_1557 : vector<16xi32>
        %shift_right_logical3A_1559 = arith.constant 5 : i32
        %shift_right_logical3A_1560 = vector.broadcast %shift_right_logical3A_1559 : i32 to vector<16xi32>
        %shift_right_logical3A_1561 = arith.shrui %add3A_1558, %shift_right_logical3A_1560 : vector<16xi32>
        %and3A_1562 = arith.constant 31 : i32
        %and3A_1563 = vector.broadcast %and3A_1562 : i32 to vector<16xi32>
        %and3A_1564 = arith.andi %add3A_1558, %and3A_1563 : vector<16xi32>
        %gather3A_1565 = tpu.vector_load_idx %arg11[%shift_right_logical3A_1561, %and3A_1564] : memref<1600x32xf32, #tpu.memory_space<vmem>>[vector<16xi32>, vector<16xi32>], vector<16xf32>,
        %mul3A_1566 = arith.mulf %gather3A_1555, %gather3A_1565 : vector<16xf32>
        %add3A_1567 = arith.addf %add3A_1516, %mul3A_1566 : vector<16xf32>
        %add3A_1568 = arith.constant 1466 : i32
        %add3A_1569 = vector.broadcast %add3A_1568 : i32 to vector<16xi32>
        %add3A_1570 = arith.addi %add3A_68, %add3A_1569 : vector<16xi32>
        %shift_right_logical3A_1571 = arith.constant 5 : i32
        %shift_right_logical3A_1572 = vector.broadcast %shift_right_logical3A_1571 : i32 to vector<16xi32>
        %shift_right_logical3A_1573 = arith.shrui %add3A_1570, %shift_right_logical3A_1572 : vector<16xi32>
        %and3A_1574 = arith.constant 31 : i32
        %and3A_1575 = vector.broadcast %and3A_1574 : i32 to vector<16xi32>
        %and3A_1576 = arith.andi %add3A_1570, %and3A_1575 : vector<16xi32>
        %gather3A_1577 = tpu.vector_load_idx %arg11[%shift_right_logical3A_1573, %and3A_1576] : memref<1600x32xf32, #tpu.memory_space<vmem>>[vector<16xi32>, vector<16xi32>], vector<16xf32>,
        %mul3A_1578 = arith.mulf %gather3A_1555, %gather3A_1577 : vector<16xf32>
        %add3A_1579 = arith.addf %add3A_1528, %mul3A_1578 : vector<16xf32>
        %add3A_1580 = arith.constant 1482 : i32
        %add3A_1581 = vector.broadcast %add3A_1580 : i32 to vector<16xi32>
        %add3A_1582 = arith.addi %add3A_68, %add3A_1581 : vector<16xi32>
        %shift_right_logical3A_1583 = arith.constant 5 : i32
        %shift_right_logical3A_1584 = vector.broadcast %shift_right_logical3A_1583 : i32 to vector<16xi32>
        %shift_right_logical3A_1585 = arith.shrui %add3A_1582, %shift_right_logical3A_1584 : vector<16xi32>
        %and3A_1586 = arith.constant 31 : i32
        %and3A_1587 = vector.broadcast %and3A_1586 : i32 to vector<16xi32>
        %and3A_1588 = arith.andi %add3A_1582, %and3A_1587 : vector<16xi32>
        %gather3A_1589 = tpu.vector_load_idx %arg11[%shift_right_logical3A_1585, %and3A_1588] : memref<1600x32xf32, #tpu.memory_space<vmem>>[vector<16xi32>, vector<16xi32>], vector<16xf32>,
        %mul3A_1590 = arith.mulf %gather3A_1555, %gather3A_1589 : vector<16xf32>
        %add3A_1591 = arith.addf %add3A_1540, %mul3A_1590 : vector<16xf32>
        %add3A_1592 = arith.constant 1484 : i32
        %add3A_1593 = vector.broadcast %add3A_1592 : i32 to vector<16xi32>
        %add3A_1594 = arith.addi %add3A_68, %add3A_1593 : vector<16xi32>
        %shift_right_logical3A_1595 = arith.constant 5 : i32
        %shift_right_logical3A_1596 = vector.broadcast %shift_right_logical3A_1595 : i32 to vector<16xi32>
        %shift_right_logical3A_1597 = arith.shrui %add3A_1594, %shift_right_logical3A_1596 : vector<16xi32>
        %and3A_1598 = arith.constant 31 : i32
        %and3A_1599 = vector.broadcast %and3A_1598 : i32 to vector<16xi32>
        %and3A_1600 = arith.andi %add3A_1594, %and3A_1599 : vector<16xi32>
        %gather3A_1601 = tpu.vector_load_idx %arg11[%shift_right_logical3A_1597, %and3A_1600] : memref<1600x32xf32, #tpu.memory_space<vmem>>[vector<16xi32>, vector<16xi32>], vector<16xf32>,
        %mul3A_1602 = arith.mulf %gather3A_1555, %gather3A_1601 : vector<16xf32>
        %add3A_1603 = arith.addf %add3A_1552, %mul3A_1602 : vector<16xf32>
        %broadcast_in_dim3A_1604 = arith.constant 30 : i32
        %broadcast_in_dim3A_1605 = vector.broadcast %broadcast_in_dim3A_1604 : i32 to vector<16xi32>
        %gather3A_1606 = tpu.vector_load_idx %arg9[%broadcast_in_dim3A, %broadcast_in_dim3A_1605] : memref<32x32xf32, #tpu.memory_space<vmem>>[vector<16xi32>, vector<16xi32>], vector<16xf32>,
        %add3A_1607 = arith.constant 1500 : i32
        %add3A_1608 = vector.broadcast %add3A_1607 : i32 to vector<16xi32>
        %add3A_1609 = arith.addi %add3A_68, %add3A_1608 : vector<16xi32>
        %shift_right_logical3A_1610 = arith.constant 5 : i32
        %shift_right_logical3A_1611 = vector.broadcast %shift_right_logical3A_1610 : i32 to vector<16xi32>
        %shift_right_logical3A_1612 = arith.shrui %add3A_1609, %shift_right_logical3A_1611 : vector<16xi32>
        %and3A_1613 = arith.constant 31 : i32
        %and3A_1614 = vector.broadcast %and3A_1613 : i32 to vector<16xi32>
        %and3A_1615 = arith.andi %add3A_1609, %and3A_1614 : vector<16xi32>
        %gather3A_1616 = tpu.vector_load_idx %arg11[%shift_right_logical3A_1612, %and3A_1615] : memref<1600x32xf32, #tpu.memory_space<vmem>>[vector<16xi32>, vector<16xi32>], vector<16xf32>,
        %mul3A_1617 = arith.mulf %gather3A_1606, %gather3A_1616 : vector<16xf32>
        %add3A_1618 = arith.addf %add3A_1567, %mul3A_1617 : vector<16xf32>
        %add3A_1619 = arith.constant 1516 : i32
        %add3A_1620 = vector.broadcast %add3A_1619 : i32 to vector<16xi32>
        %add3A_1621 = arith.addi %add3A_68, %add3A_1620 : vector<16xi32>
        %shift_right_logical3A_1622 = arith.constant 5 : i32
        %shift_right_logical3A_1623 = vector.broadcast %shift_right_logical3A_1622 : i32 to vector<16xi32>
        %shift_right_logical3A_1624 = arith.shrui %add3A_1621, %shift_right_logical3A_1623 : vector<16xi32>
        %and3A_1625 = arith.constant 31 : i32
        %and3A_1626 = vector.broadcast %and3A_1625 : i32 to vector<16xi32>
        %and3A_1627 = arith.andi %add3A_1621, %and3A_1626 : vector<16xi32>
        %gather3A_1628 = tpu.vector_load_idx %arg11[%shift_right_logical3A_1624, %and3A_1627] : memref<1600x32xf32, #tpu.memory_space<vmem>>[vector<16xi32>, vector<16xi32>], vector<16xf32>,
        %mul3A_1629 = arith.mulf %gather3A_1606, %gather3A_1628 : vector<16xf32>
        %add3A_1630 = arith.addf %add3A_1579, %mul3A_1629 : vector<16xf32>
        %add3A_1631 = arith.constant 1532 : i32
        %add3A_1632 = vector.broadcast %add3A_1631 : i32 to vector<16xi32>
        %add3A_1633 = arith.addi %add3A_68, %add3A_1632 : vector<16xi32>
        %shift_right_logical3A_1634 = arith.constant 5 : i32
        %shift_right_logical3A_1635 = vector.broadcast %shift_right_logical3A_1634 : i32 to vector<16xi32>
        %shift_right_logical3A_1636 = arith.shrui %add3A_1633, %shift_right_logical3A_1635 : vector<16xi32>
        %and3A_1637 = arith.constant 31 : i32
        %and3A_1638 = vector.broadcast %and3A_1637 : i32 to vector<16xi32>
        %and3A_1639 = arith.andi %add3A_1633, %and3A_1638 : vector<16xi32>
        %gather3A_1640 = tpu.vector_load_idx %arg11[%shift_right_logical3A_1636, %and3A_1639] : memref<1600x32xf32, #tpu.memory_space<vmem>>[vector<16xi32>, vector<16xi32>], vector<16xf32>,
        %mul3A_1641 = arith.mulf %gather3A_1606, %gather3A_1640 : vector<16xf32>
        %add3A_1642 = arith.addf %add3A_1591, %mul3A_1641 : vector<16xf32>
        %add3A_1643 = arith.constant 1534 : i32
        %add3A_1644 = vector.broadcast %add3A_1643 : i32 to vector<16xi32>
        %add3A_1645 = arith.addi %add3A_68, %add3A_1644 : vector<16xi32>
        %shift_right_logical3A_1646 = arith.constant 5 : i32
        %shift_right_logical3A_1647 = vector.broadcast %shift_right_logical3A_1646 : i32 to vector<16xi32>
        %shift_right_logical3A_1648 = arith.shrui %add3A_1645, %shift_right_logical3A_1647 : vector<16xi32>
        %and3A_1649 = arith.constant 31 : i32
        %and3A_1650 = vector.broadcast %and3A_1649 : i32 to vector<16xi32>
        %and3A_1651 = arith.andi %add3A_1645, %and3A_1650 : vector<16xi32>
        %gather3A_1652 = tpu.vector_load_idx %arg11[%shift_right_logical3A_1648, %and3A_1651] : memref<1600x32xf32, #tpu.memory_space<vmem>>[vector<16xi32>, vector<16xi32>], vector<16xf32>,
        %mul3A_1653 = arith.mulf %gather3A_1606, %gather3A_1652 : vector<16xf32>
        %add3A_1654 = arith.addf %add3A_1603, %mul3A_1653 : vector<16xf32>
        %broadcast_in_dim3A_1655 = arith.constant 31 : i32
        %broadcast_in_dim3A_1656 = vector.broadcast %broadcast_in_dim3A_1655 : i32 to vector<16xi32>
        %gather3A_1657 = tpu.vector_load_idx %arg9[%broadcast_in_dim3A, %broadcast_in_dim3A_1656] : memref<32x32xf32, #tpu.memory_space<vmem>>[vector<16xi32>, vector<16xi32>], vector<16xf32>,
        %add3A_1658 = arith.constant 1550 : i32
        %add3A_1659 = vector.broadcast %add3A_1658 : i32 to vector<16xi32>
        %add3A_1660 = arith.addi %add3A_68, %add3A_1659 : vector<16xi32>
        %shift_right_logical3A_1661 = arith.constant 5 : i32
        %shift_right_logical3A_1662 = vector.broadcast %shift_right_logical3A_1661 : i32 to vector<16xi32>
        %shift_right_logical3A_1663 = arith.shrui %add3A_1660, %shift_right_logical3A_1662 : vector<16xi32>
        %and3A_1664 = arith.constant 31 : i32
        %and3A_1665 = vector.broadcast %and3A_1664 : i32 to vector<16xi32>
        %and3A_1666 = arith.andi %add3A_1660, %and3A_1665 : vector<16xi32>
        %gather3A_1667 = tpu.vector_load_idx %arg11[%shift_right_logical3A_1663, %and3A_1666] : memref<1600x32xf32, #tpu.memory_space<vmem>>[vector<16xi32>, vector<16xi32>], vector<16xf32>,
        %mul3A_1668 = arith.mulf %gather3A_1657, %gather3A_1667 : vector<16xf32>
        %add3A_1669 = arith.addf %add3A_1618, %mul3A_1668 : vector<16xf32>
        %add3A_1670 = arith.constant 1566 : i32
        %add3A_1671 = vector.broadcast %add3A_1670 : i32 to vector<16xi32>
        %add3A_1672 = arith.addi %add3A_68, %add3A_1671 : vector<16xi32>
        %shift_right_logical3A_1673 = arith.constant 5 : i32
        %shift_right_logical3A_1674 = vector.broadcast %shift_right_logical3A_1673 : i32 to vector<16xi32>
        %shift_right_logical3A_1675 = arith.shrui %add3A_1672, %shift_right_logical3A_1674 : vector<16xi32>
        %and3A_1676 = arith.constant 31 : i32
        %and3A_1677 = vector.broadcast %and3A_1676 : i32 to vector<16xi32>
        %and3A_1678 = arith.andi %add3A_1672, %and3A_1677 : vector<16xi32>
        %gather3A_1679 = tpu.vector_load_idx %arg11[%shift_right_logical3A_1675, %and3A_1678] : memref<1600x32xf32, #tpu.memory_space<vmem>>[vector<16xi32>, vector<16xi32>], vector<16xf32>,
        %mul3A_1680 = arith.mulf %gather3A_1657, %gather3A_1679 : vector<16xf32>
        %add3A_1681 = arith.addf %add3A_1630, %mul3A_1680 : vector<16xf32>
        %add3A_1682 = arith.constant 1582 : i32
        %add3A_1683 = vector.broadcast %add3A_1682 : i32 to vector<16xi32>
        %add3A_1684 = arith.addi %add3A_68, %add3A_1683 : vector<16xi32>
        %shift_right_logical3A_1685 = arith.constant 5 : i32
        %shift_right_logical3A_1686 = vector.broadcast %shift_right_logical3A_1685 : i32 to vector<16xi32>
        %shift_right_logical3A_1687 = arith.shrui %add3A_1684, %shift_right_logical3A_1686 : vector<16xi32>
        %and3A_1688 = arith.constant 31 : i32
        %and3A_1689 = vector.broadcast %and3A_1688 : i32 to vector<16xi32>
        %and3A_1690 = arith.andi %add3A_1684, %and3A_1689 : vector<16xi32>
        %gather3A_1691 = tpu.vector_load_idx %arg11[%shift_right_logical3A_1687, %and3A_1690] : memref<1600x32xf32, #tpu.memory_space<vmem>>[vector<16xi32>, vector<16xi32>], vector<16xf32>,
        %mul3A_1692 = arith.mulf %gather3A_1657, %gather3A_1691 : vector<16xf32>
        %add3A_1693 = arith.addf %add3A_1642, %mul3A_1692 : vector<16xf32>
        %add3A_1694 = arith.constant 1584 : i32
        %add3A_1695 = vector.broadcast %add3A_1694 : i32 to vector<16xi32>
        %add3A_1696 = arith.addi %add3A_68, %add3A_1695 : vector<16xi32>
        %shift_right_logical3A_1697 = arith.constant 5 : i32
        %shift_right_logical3A_1698 = vector.broadcast %shift_right_logical3A_1697 : i32 to vector<16xi32>
        %shift_right_logical3A_1699 = arith.shrui %add3A_1696, %shift_right_logical3A_1698 : vector<16xi32>
        %and3A_1700 = arith.constant 31 : i32
        %and3A_1701 = vector.broadcast %and3A_1700 : i32 to vector<16xi32>
        %and3A_1702 = arith.andi %add3A_1696, %and3A_1701 : vector<16xi32>
        %gather3A_1703 = tpu.vector_load_idx %arg11[%shift_right_logical3A_1699, %and3A_1702] : memref<1600x32xf32, #tpu.memory_space<vmem>>[vector<16xi32>, vector<16xi32>], vector<16xf32>,
        %mul3A_1704 = arith.mulf %gather3A_1657, %gather3A_1703 : vector<16xf32>
        %add3A_1705 = arith.addf %add3A_1654, %mul3A_1704 : vector<16xf32>
        %mul3A_1706 = arith.constant 50 : i32
        %mul3A_1707 = arith.muli %scan3A_64, %mul3A_1706 : i32
        %add3A_1708 = arith.constant 0 : i32
        %add3A_1709 = arith.addi %mul3A_1707, %add3A_1708 : i32
        %swap3A = arith.index_cast %add3A_1709 : i32 to index
        %swap3A_1710 = tpu.vector_load %arg13[%swap3A] {strides = array<i32>} : memref<1600xf32, #tpu.memory_space<vmem>>, vector<16xf32>,
        tpu.vector_store %arg13[%swap3A], %add3A_1669 {strides = array<i32>} : memref<1600xf32, #tpu.memory_space<vmem>>, vector<16xf32>,
        %add3A_1711 = arith.constant 16 : i32
        %add3A_1712 = arith.addi %mul3A_1707, %add3A_1711 : i32
        %swap3A_1713 = arith.index_cast %add3A_1712 : i32 to index
        %swap3A_1714 = tpu.vector_load %arg13[%swap3A_1713] {strides = array<i32>} : memref<1600xf32, #tpu.memory_space<vmem>>, vector<16xf32>,
        tpu.vector_store %arg13[%swap3A_1713], %add3A_1681 {strides = array<i32>} : memref<1600xf32, #tpu.memory_space<vmem>>, vector<16xf32>,
        %add3A_1715 = arith.constant 32 : i32
        %add3A_1716 = arith.addi %mul3A_1707, %add3A_1715 : i32
        %swap3A_1717 = arith.index_cast %add3A_1716 : i32 to index
        %swap3A_1718 = tpu.vector_load %arg13[%swap3A_1717] {strides = array<i32>} : memref<1600xf32, #tpu.memory_space<vmem>>, vector<16xf32>,
        tpu.vector_store %arg13[%swap3A_1717], %add3A_1693 {strides = array<i32>} : memref<1600xf32, #tpu.memory_space<vmem>>, vector<16xf32>,
        %add3A_1719 = arith.constant 34 : i32
        %add3A_1720 = arith.addi %mul3A_1707, %add3A_1719 : i32
        %swap3A_1721 = arith.index_cast %add3A_1720 : i32 to index
        %swap3A_1722 = tpu.vector_load %arg13[%swap3A_1721] {strides = array<i32>} : memref<1600xf32, #tpu.memory_space<vmem>>, vector<16xf32>,
        tpu.vector_store %arg13[%swap3A_1721], %add3A_1705 {strides = array<i32>} : memref<1600xf32, #tpu.memory_space<vmem>>, vector<16xf32>,
      }
      %scan3A_56 = arith.constant 32 : i32
      %mul3A_57 = arith.constant 512 : i32
      %mul3A_58 = arith.muli %add3A, %mul3A_57 : i32
      %mul3A_59 = arith.constant 32 : i32
      %mul3A_60 = arith.muli %add3A_50, %mul3A_59 : i32
      %add3A_61 = arith.addi %mul3A_58, %mul3A_60 : i32
      %mul3A_62 = arith.constant 50 : i32
      %mul3A_63 = arith.muli %add3A_61, %mul3A_62 : i32
      "tpu.region"() ({
        %run_scoped3A = tpu.sem_alloc : memref<!tpu.dma_semaphore, #tpu.memory_space<semaphore_mem>>
        %dma_start3A_64 = tpu.memref_slice %arg5[%mul3A_63] : memref<819200xf32, #tpu.memory_space<hbm>> -> memref<1600xf32, #tpu.memory_space<hbm>>
        %dma_start3A_65 = tpu.memref_slice %arg5[%mul3A_63] : memref<819200xf32, #tpu.memory_space<hbm>> -> memref<1600xf32, #tpu.memory_space<hbm>>
        tpu.enqueue_dma source(%arg13 : memref<1600xf32, #tpu.memory_space<vmem>>) target(%dma_start3A_65 : memref<1600xf32, #tpu.memory_space<hbm>>) target_semaphore(%run_scoped3A : memref<!tpu.dma_semaphore, #tpu.memory_space<semaphore_mem>>)
        %dma_wait3A_66 = tpu.memref_slice %arg5[%mul3A_63] : memref<819200xf32, #tpu.memory_space<hbm>> -> memref<1600xf32, #tpu.memory_space<hbm>>
        %dma_wait3A_67 = tpu.memref_slice %arg5[%mul3A_63] : memref<819200xf32, #tpu.memory_space<hbm>> -> memref<1600xf32, #tpu.memory_space<hbm>>
        tpu.wait_dma2 semaphore(%run_scoped3A : memref<!tpu.dma_semaphore, #tpu.memory_space<semaphore_mem>>) src(%arg13 : memref<1600xf32, #tpu.memory_space<vmem>>) dst(%dma_wait3A_67 : memref<1600xf32, #tpu.memory_space<hbm>>)
        tpu.yield
      }) : () -> ()
    }
    %scan3A_13 = arith.constant 8 : i32
    return
  }
}

</mosaic_0001>

<sc_bundles>
// kernel: _run.3.cloned.1.call-start
scs
__scs_entry_jumppad:
0x0: {  	(pc) =	sbr.rel $0x88, $3  }
0x1: {  	(tag) =	ssettag $0x0;
	lr =	simm.s32 $0x1  }
0x2: {  	[smem:$0x3F9E] =	sst lr;
	_ =	strace $0xD0000000  }
0x3: {  	_ = 	snop  }
0x4: {  	_ = 	snop  }
0x5: {  	_ = 	snop  }
0x6: {  	_ = 	snop  }
0x7: {  	_ = 	snop  }
__scs_overlays_trampoline_lowered:
0x8: {  	[smem:$0x3FAD] =	sst s0  }
0x9: {  	[smem:$0x3FAE] =	sst s1  }
0xa: {  	[smem:$0x3FAF] =	sst s2  }
0xb: {  	[smem:$0x3FB0] =	sst s3  }
0xc: {  	[smem:$0x3FB1] =	sst s4  }
0xd: {  	[smem:$0x3FB2] =	sst s5  }
0xe: {  	[smem:$0x3FB3] =	sst s6  }
0xf: {  	[smem:$0x3FB4] =	sst s7  }
0x10: {  	[smem:$0x3FB5] =	sst s8  }
0x11: {  	[smem:$0x3FB6] =	sst s9;
	s0 =	simm.s32 @!p0 $0x0  }
0x12: {  	s1 =	sld [smem:$0x3F9C];
	s0 =	simm.s32 @p0 $0x1  }
0x13: {  	[smem:$0x3FB7] =	sst s0;
	s0 =	simm.s32 @!p1 $0x0  }
0x14: {  	s2 =	sld [smem:$0x3F9B];
	s0 =	simm.s32 @p1 $0x1  }
0x15: {  	[smem:$0x3FB8] =	sst s0;
	s0 =	simm.s32 @!p2 $0x0  }
0x16: {  	s3 =	sld [smem:$0x3FDB];
	s0 =	simm.s32 @p2 $0x1  }
0x17: {  	s4 =	simm.s32 $0x1BF5;
	[smem:$0x3FBA] =	sst s0  }
0x18: {  	s0 =	sld [smem:$0x3F9D];
	_ =	swait.ge [sflag:s4], $0x0  }
0x19: {  	s7 =	sld [smem:$0x3F9E]  }
0x1a: {  	s8 =	sadd.s32 $0xFFFFE003, lr  }
0x1b: {  	s9 =	sadd.s32 $0xFFFFFEF7, lr;
	s5 =	simm.s32 $0xFFFFFFFF;
	p2 =	slt.u32 s8, $0xFFFFF086  }
0x1c: {  	p1 =	slt.u32 s9, $0xF7A;
	s5 =	simm.s32 @!p2 $0x0  }
0x1d: {  	s5 =	simm.s32 @p1 $0x1;
	p0 =	seq.s32 s7, s2  }
0x1e: {  	s7 =	smul.u32 @!p0 $0xF7A, s2;
	p2 =	seq.s32 @!p0 s5, $0x0  }
0x1f: {  	s9 =	smul.u32 $0xF7A, s1;
	s8 =	simm.s32 @!p0 $0x1BF5;
	p2 =	por !p2, p0  }
0x20: {  	[sflag:s8] =	ssyncset.s32 @!p0 $0xFFFFF086;
	s6 =	sadd.s32 @!p0 s3, s7;
	s7 =	simm.s32 @!p0 $0x108  }
0x21: {  	s3 =	sadd.s32 s3, s9;
	s6 =	sadd.s32 @!p0 $0x88, s6;
	s7 =	simm.s32 @p2 $0x1082  }
0x22: {  	[simem:s7], [sflag:s8] =	dma.local @!p0 [hbm:s6], $0xF7A  }
0x23: {  	s9 =	sor.u32 $0xD0000000, s2;
	s6 =	simm.s32 $0x108;
	_ =	swait.ge @!p0 [sflag:s8], $0x0  }
0x24: {  	s3 =	sadd.s32 $0x88, s3;
	s6 =	simm.s32 @!p1 $0x1082;
	[sflag:s4] =	ssyncset.s32 $0xFFFFF086  }
0x25: {  	[simem:s6], [sflag:s4] =	dma.local [hbm:s3], $0xF7A  }
0x26: {  	[smem:$0x3F9E] =	sst s1;
	(tag) =	ssettag s2;
	_ =	strace s9  }
0x27: {  	s1 =	sld [smem:$0x3FAE]  }
0x28: {  	s2 =	sld [smem:$0x3FAF]  }
0x29: {  	s4 =	sld [smem:$0x3FB1]  }
0x2a: {  	p0 =	seq.s32 s5, $0x0;
	s5 =	sld [smem:$0x3FB2]  }
0x2b: {  	s6 =	sld [smem:$0x3FB3]  }
0x2c: {  	s7 =	sld [smem:$0x3FB4]  }
0x2d: {  	s3 =	simm.s32 $0x108;
	s8 =	sld [smem:$0x3FB5]  }
0x2e: {  	s3 =	simm.s32 @!p0 $0x1082;
	s9 =	sld [smem:$0x3FB6]  }
0x2f: {  	lr =	sadd.s32 s0, s3;
	s0 =	sld [smem:$0x3FAD]  }
0x30: {  	s3 =	sld [smem:$0x3FB0]  }
0x31: {  	[smem:$0x3FB9] =	sst s10  }
0x32: {  	s10 =	sld [smem:$0x3FB7];
	_ =	sdelay $0x3  }
0x33: {  	p0 =	seq.s32 s10, $0x1;
	s10 =	sld [smem:$0x3FB9];
	_ =	sdelay $0x3  }
0x34: {  	[smem:$0x3FB9] =	sst s10  }
0x35: {  	s10 =	sld [smem:$0x3FB8];
	_ =	sdelay $0x3  }
0x36: {  	p1 =	seq.s32 s10, $0x1;
	s10 =	sld [smem:$0x3FB9];
	_ =	sdelay $0x3  }
0x37: {  	[smem:$0x3FB9] =	sst s10  }
0x38: {  	s10 =	sld [smem:$0x3FBA]  }
0x39: {  	_ = 	snop;
	(pc) =	sbr.ind lr, $3  }
0x3a: {  	_ = 	snop  }
0x3b: {  	_ = 	snop  }
0x3c: {  	p2 =	seq.s32 s10, $0x1;
	s10 =	sld [smem:$0x3FB9]  }
0x3d: {  	_ =	shalt  }
0x3e: {  	_ =	shalt  }
0x3f: {  	_ =	shalt  }
0x40: {  	_ =	shalt  }
0x41: {  	_ =	shalt  }
0x42: {  	_ =	shalt  }
0x43: {  	_ =	shalt  }
0x44: {  	_ =	shalt  }
0x45: {  	_ =	shalt  }
0x46: {  	_ =	shalt  }
0x47: {  	_ =	shalt  }
0x48: {  	_ =	shalt  }
0x49: {  	_ =	shalt  }
0x4a: {  	_ =	shalt  }
0x4b: {  	_ =	shalt  }
0x4c: {  	_ =	shalt  }
0x4d: {  	_ =	shalt  }
0x4e: {  	_ =	shalt  }
0x4f: {  	_ =	shalt  }
0x50: {  	_ =	shalt  }
0x51: {  	_ =	shalt  }
0x52: {  	_ =	shalt  }
0x53: {  	_ =	shalt  }
0x54: {  	_ =	shalt  }
0x55: {  	_ =	shalt  }
0x56: {  	_ =	shalt  }
0x57: {  	_ =	shalt  }
0x58: {  	_ =	shalt  }
0x59: {  	_ =	shalt  }
0x5a: {  	_ =	shalt  }
0x5b: {  	_ =	shalt  }
0x5c: {  	_ =	shalt  }
0x5d: {  	_ =	shalt  }
0x5e: {  	_ =	shalt  }
0x5f: {  	_ =	shalt  }
0x60: {  	_ =	shalt  }
0x61: {  	_ =	shalt  }
0x62: {  	_ =	shalt  }
0x63: {  	_ =	shalt  }
0x64: {  	_ =	shalt  }
0x65: {  	_ =	shalt  }
0x66: {  	_ =	shalt  }
0x67: {  	_ =	shalt  }
0x68: {  	_ =	shalt  }
0x69: {  	_ =	shalt  }
0x6a: {  	_ =	shalt  }
0x6b: {  	_ =	shalt  }
0x6c: {  	_ =	shalt  }
0x6d: {  	_ =	shalt  }
0x6e: {  	_ =	shalt  }
0x6f: {  	_ =	shalt  }
0x70: {  	_ =	shalt  }
0x71: {  	_ =	shalt  }
0x72: {  	_ =	shalt  }
0x73: {  	_ =	shalt  }
0x74: {  	_ =	shalt  }
0x75: {  	_ =	shalt  }
0x76: {  	_ =	shalt  }
0x77: {  	_ =	shalt  }
0x78: {  	_ =	shalt  }
0x79: {  	_ =	shalt  }
0x7a: {  	_ =	shalt  }
0x7b: {  	_ =	shalt  }
0x7c: {  	_ =	shalt  }
0x7d: {  	_ =	shalt  }
0x7e: {  	_ =	shalt  }
0x7f: {  	_ =	shalt  }
0x80: {  	_ =	shalt  }
0x81: {  	_ =	shalt  }
0x82: {  	_ =	shalt  }
0x83: {  	_ =	shalt  }
0x84: {  	_ =	shalt  }
0x85: {  	_ =	shalt  }
0x86: {  	_ =	shalt  }
0x87: {  	_ =	shalt  }
.Lfunc_end0:
.L_simem_size_0:
called_computation_lowered:
.L_overlay_start_0:
0x88: {  	s2 =	sld [smem:$0x3FD9]  }
0x89: {  	s3 =	sld [smem:$0x3FFE];
	_ =	sdelay $0x1  }
0x8a: {  	s1 =	srdreg.scid  }
0x8b: {  	s0 =	sand.u32 $0x1, s1  }
0x8c: {  	s17 =	sshll.u32 s0, $0xA;
	s2 =	sadd.s32 s3, s2  }
0x8d: {  	s2 =	sadd.s32 s2, s17  }
0x8e: {  	[smem:$0x3FC5] =	sst s2  }
0x8f: {  	_ = 	snop  }
0x90: {  	s2 =	sld [smem:$0x3FC8]  }
0x91: {  	s18 =	sld [smem:$0x3FD0];
	(tm) =	ssettm $0x1  }
0x92: {  	s4 =	sld [smem:$0x3FFB];
	_ =	sdelay $0x3  }
0x93: {  	_ =	strace s4  }
0x94: {  	s4 =	sld [smem:$0x3FFC];
	_ =	sdelay $0x3  }
0x95: {  	_ =	strace s4  }
0x96: {  	s4 =	sld [smem:$0x3FFD];
	_ =	sdelay $0x3  }
0x97: {  	_ =	strace s4  }
0x98: {  	_ =	strace $0x8FFFFFFF  }
0x99: {  	s19 =	sld [smem:$0x3FDB];
	_ =	sdelay $0x1  }
0x9a: {  	s5 =	simm.s32 $_scs_section_size  }
0x9b: {  	s6 =	simm.s32 $_size__tile_overlayer_lowered;
	s7 =	simm.s32 $_tile_overlayer_lowered  }
0x9c: {  	s22 =	simm.s32 $0x1BFF;
	s21 =	sshll.u32 s7, $0x1;
	s4 =	sadd.s32 s5, s19  }
0x9d: {  	s8 =	simm.s32 $0x0;
	s20 =	sshll.u32 s6, $0x1;
	s6 =	sadd.s32 s21, s4  }
0x9e: {  	[timem:s8], [sflag:s22] =	dma.local [hbm:s6], s20  }
0x9f: {  	_ =	swait.ge [sflag:s22], s20  }
0xa0: {  	s5 =	ssub.s32 $0x0, s20;
	[sflag:s22] =	ssyncset.done $0x0  }
0xa1: {  	[sflag:s22] =	ssyncadd.s32 s5;
	_ =	sdelay $0x1  }
0xa2: {  	s23 =	simm.s32 $0x1B8B  }
0xa3: {  	_ =	swait.ge [sflag:s23], $0x1  }
0xa4: {  	[sflag:s23] =	ssyncset.done $0x0  }
0xa5: {  	s25 =	simm.s32 $0x1B8E;
	s24 =	sld [smem:$0x3FFE];
	[sflag:s23] =	ssyncadd.s32 $0xFFFFFFFF  }
0xa6: {  	s26 =	simm.s32 $execute0_lowered;
	[smem:$0x3FD2] =	sst s25  }
0xa7: {  	s6 =	sshll.u32 s26, $0x1;
	_ =	strace $0x80000046;
	[dreg:$0x1] =	wrdreg $0xFFFFFFFF  }
0xa8: {  	s28 =	simm.s32 $_size_execute0_lowered;
	s4 =	sadd.s32 s4, s6;
	[dreg:$0x0] =	wrdreg $0x0  }
0xa9: {  	s6 =	sshll.u32 s28, $0x1;
	[dreg:$0x2] =	wrdreg s4  }
0xaa: {  	[dreg:$0x3] =	wrdreg s6  }
0xab: {  	[dreg:$0x4] =	wrdreg $0xC0  }
0xac: {  	_ =	task [dreg:s8], $0x5FFFF  }
0xad: {  	[dreg:$0x1] =	wrdreg $0xFFFFFFFF  }
0xae: {  	[dreg:$0x0] =	wrdreg $0x60  }
0xaf: {  	[dreg:$0x2] =	wrdreg s24  }
0xb0: {  	[dreg:$0x3] =	wrdreg s2  }
0xb1: {  	[dreg:$0x4] =	wrdreg s18  }
0xb2: {  	[dreg:$0x5] =	wrdreg $0x9  }
0xb3: {  	_ =	task.clear_ibuf [dreg:s8], $0x6FFFF;
	_ =	strace $0x90000046  }
0xb4: {  	s29 =	simm.s32 $0x9;
	_ =	strace $0x80000048  }
0xb5: {  	_ =	swait.ge [sflag:s29], $0x1  }
0xb6: {  	[sflag:s29] =	ssyncadd.s32 $0xFFFFFFFF  }
0xb7: {  	_ =	strace $0x90000048  }
0xb8: {  	_ =	sfence  }
0xb9: {  	s30 =	sld [smem:$0x0];
	_ =	sdelay $0x2  }
0xba: {  	s31 =	sshll.u32 s1, $0xD;
	s1 =	sshrl.u32 s1, $0x2  }
0xbb: {  	s3 =	sand.u32 $0x4000, s31;
	s1 =	sadd.s32 s1, s30  }
0xbc: {  	s0 =	sor.u32 s3, s0;
	s1 =	sshll.u32 s1, $0x11  }
0xbd: {  	s0 =	sor.u32 s1, s0  }
0xbe: {  	s0 =	sadd.s32 $0x8F2B, s0  }
0xbf: {  	[sflag:s0] =	ssyncadd.remote.s32 $0x1  }
0xc0: {  	_ =	sfence.sel $0xFFFF  }
0xc1: {  	[dreg:$0x0] =	wrdreg $0xFFFFFFFF;
	(pc) =	sbr.abs _section_cstart, $3  }
0xc2: {  	[dreg:$0x1] =	wrdreg $0xFFFFFFFF  }
0xc3: {  	_ =	task.clear_ibuf [dreg:s8], $0x2FFFF;
	_ =	strace $0x9FFFFFFF  }
0xc4: {  	(tm) =	ssettm $0x7FFFFFFF  }
0xc5: {  	_ =	shalt  }
tec
execute0_lowered:
.L_overlay_start_1:
0x0: {  	(tag) =	ssettag $0x1  }
0x1: {  	v2 =	vimm.s32 $0x15141312;
	v3 =	vimm.s32 $0x19181716  }
0x2: {  	v4 =	vimm.s32 $0x1D1C1B1A;
	v5 =	vimm.s32 $0x1001F1E;
	vm0 =	vcmask $0x1F10  }
0x3: {  	v7 =	vimm.s32 $0x17161514;
	v10 =	vimm.s32 $0x1B1A1918;
	v2 =	vunpack.c.0.s8.s32 v2  }
0x4: {  	v3 =	vunpack.c.0.s8.s32 v3;
	v6 =	vunpack.c.0.s8.s32 v5;
	v5 =	vimm.s32 $0x3020100  }
0x5: {  	v4 =	vunpack.c.0.s8.s32 v4;
	v9 =	vunpack.c.0.s8.s32 v5;
	v5 =	vimm.s32 $0x1F1E1D1C  }
0x6: {  	v12 =	vunpack.c.0.s8.s32 v7;
	v13 =	vunpack.c.0.s8.s32 v10;
	v11 =	vunpack.c.0.s8.s32 v5  }
0x7: {  	v2 =	vsel vm0, v3, v2;
	v8 =	vsel vm0, v6, v4  }
0x8: {  	v5 =	vcombine.low v2, v8;
	v2 =	vsel vm0, v9, v11;
	v9 =	vsel vm0, v13, v12  }
0x9: {  	v10 =	vcombine.low v9, v2;
	v2 =	vimm.s32 $0x5040302  }
0xa: {  	v2 =	vunpack.c.0.s8.s32 v2  }
0xb: {  	v9 =	vimm.s32 $0x76543210  }
0xc: {  	v3 =	vsel vm0, v4, v3;
	v4 =	vunpack.c.l.s4.s8 v9;
	v2 =	vsel vm0, v2, v6  }
0xd: {  	v18 =	vcombine.low v3, v2;
	v3 =	vimm.s32 $0x98765432  }
0xe: {  	v2 =	vunpack.c.0.s8.s32 v4;
	v3 =	vunpack.c.l.s4.s8 v3  }
0xf: {  	v4 =	vsel vm0, v11, v13  }
0x10: {  	v22 =	vcombine.low v4, v2;
	v2 =	vimm.s32 $0x32107654;
	v3 =	vunpack.c.0.s8.s32 v3  }
0x11: {  	v0 =	vlaneseq.u32;
	v2 =	vunpack.c.l.s4.s8 v2  }
0x12: {  	vm15 =	vcmask $0x2F10;
	v4 =	vadd.s32 $0xFA, v0;
	v3 =	vand.u32 $0xF, v3  }
0x13: {  	[tilespmem:$0x1FDF0] =	vst v4;
	v2 =	vunpack.c.0.s8.s32 v2;
	v30 =	vcombine.low v8, v3;
	v3 =	vadd.s32 $0x10A, v0  }
0x14: {  	vm1 =	vcmask $0x3F30;
	v4 =	vimm.s32 $0x54329876;
	[tilespmem:$0x1FE00] =	vst v3;
	v3 =	vimm.s32 $0xB0A0908  }
0x15: {  	v8 =	vadd.s32 $0x11A, v0;
	v2 =	vand.u32 $0xF, v2;
	v3 =	vunpack.c.0.s8.s32 v3  }
0x16: {  	s6 =	rddreg [dreg:$0x0];
	v4 =	vunpack.c.l.s4.s8 v4;
	[tilespmem:$0x1FE10] =	vst v8;
	v8 =	vadd.s32 $0x11C, v0;
	v2 =	vsel vm15, v2, v11  }
0x17: {  	s0 =	rddreg [dreg:$0x1];
	s4 =	simm.s32 $0x0;
	[tilespmem:$0x1FE20] =	vst v8;
	v34 =	vsel vm1, v3, v2;
	v3 =	vadd.s32 $0x12C, v0  }
0x18: {  	[smem:$0x7FF] =	sst s4;
	v2 =	vunpack.c.0.s8.s32 v4;
	v4 =	vadd.s32 $0x13C, v0;
	[tilespmem:$0x1FE30] =	vst v3  }
0x19: {  	s2 =	rddreg [dreg:$0x2];
	v14 =	vor.u32 $0x20, v0;
	_ =	strace $0x80000047;
	[tilespmem:$0x1FE40] =	vst v4  }
0x1a: {  	v47 =	vadd.s32 $0x22, v0;
	[tilespmem:$0x1FF70] =	vst v14  }
0x1b: {  	v48 =	vadd.s32 $0x32, v0;
	[tilespmem:$0x1FF80] =	vst v47  }
0x1c: {  	v49 =	vadd.s32 $0x42, v0;
	[tilespmem:$0x1FF90] =	vst v48  }
0x1d: {  	v50 =	vadd.s32 $0x52, v0;
	[tilespmem:$0x1FFA0] =	vst v49  }
0x1e: {  	v51 =	vadd.s32 $0x54, v0;
	[tilespmem:$0x1FFB0] =	vst v50  }
0x1f: {  	v52 =	vadd.s32 $0x64, v0;
	[tilespmem:$0x1FFC0] =	vst v51  }
0x20: {  	v53 =	vadd.s32 $0x74, v0;
	[tilespmem:$0x1FFD0] =	vst v52  }
0x21: {  	v54 =	vadd.s32 $0x84, v0;
	[tilespmem:$0x1FFE0] =	vst v53  }
0x22: {  	v3 =	vimm.s32 $0xD0C0B0A;
	v4 =	vadd.s32 $0x14C, v0;
	[tilespmem:$0x1FFF0] =	vst v54  }
0x23: {  	v2 =	vand.u32 $0xF, v2;
	v3 =	vunpack.c.0.s8.s32 v3;
	[tilespmem:$0x1FE50] =	vst v4;
	v4 =	vadd.s32 $0x14E, v0  }
0x24: {  	v2 =	vsel vm15, v2, v6;
	[tilespmem:$0x1FE60] =	vst v4;
	v4 =	vadd.s32 $0x15E, v0  }
0x25: {  	v42 =	vsel vm1, v3, v2;
	v2 =	vadd.s32 $0x16E, v0;
	[tilespmem:$0x1FE70] =	vst v4  }
0x26: {  	[tilespmem:$0x1FE80] =	vst v2;
	v2 =	vadd.s32 $0x17E, v0  }
0x27: {  	[tilespmem:$0x1FE90] =	vst v2;
	v2 =	vor.u32 $0x180, v0  }
0x28: {  	[tilespmem:$0x1FEA0] =	vst v2;
	v2 =	vor.u32 $0x190, v0  }
0x29: {  	[tilespmem:$0x1FEB0] =	vst v2;
	v2 =	vor.u32 $0x1A0, v0  }
0x2a: {  	[tilespmem:$0x1FEC0] =	vst v2;
	v2 =	vor.u32 $0x1B0, v0  }
0x2b: {  	s5 =	srdreg.scid;
	s3 =	stileid.u32;
	[tilespmem:$0x1FED0] =	vst v2;
	v2 =	vadd.s32 $0x1B2, v0  }
0x2c: {  	s13 =	simm.s32 $0x3;
	s14 =	simm.s32 $0xC80;
	s15 =	simm.s32 $0x640;
	[tilespmem:$0x1FEE0] =	vst v2;
	v2 =	vadd.s32 $0x1C2, v0  }
0x2d: {  	s16 =	simm.s32 $0x1480;
	s17 =	simm.s32 $0x1080;
	s18 =	simm.s32 $0xDC80;
	v1 =	vor.u32 $0x10, v0;
	v7 =	vadd.s32 $0x2, v0;
	[tilespmem:$0x1FEF0] =	vst v2;
	v2 =	vadd.s32 $0x1D2, v0  }
0x2e: {  	s19 =	simm.s32 $0x1;
	s20 =	simm.s32 $0x1A480;
	s21 =	simm.s32 $0x2;
	v55 =	vadd.s32 $0x86, v0;
	v56 =	vadd.s32 $0x96, v0;
	[tilespmem:$0x1FF00] =	vst v2;
	v2 =	vadd.s32 $0x1E2, v0  }
0x2f: {  	s22 =	simm.s32 $0x1AAC0;
	v57 =	vadd.s32 $0xA6, v0;
	v58 =	vadd.s32 $0xB6, v0;
	s5 =	sand.u32 $0x1, s5;
	s7 =	sshll.u32 s3, $0x1;
	[tilespmem:$0x1FF10] =	vst v2;
	v2 =	vadd.s32 $0x1E4, v0  }
0x30: {  	s23 =	simm.s32 $0x0;
	v59 =	vadd.s32 $0xB8, v0;
	v60 =	vadd.s32 $0xC8, v0;
	s8 =	ssub.s32 $0x2, s5;
	s9 =	sor.u32 s5, s7;
	[tilespmem:$0x1FF20] =	vst v2;
	v2 =	vadd.s32 $0x1F4, v0  }
0x31: {  	v16 =	vadd.s32 $0x6, v0;
	v61 =	vadd.s32 $0xD8, v0;
	s5 =	sadd.s32 $0x600, s6;
	s6 =	sadd.s32 $0xF42A00, s6;
	s31 =	sshrl.u32 s8, $0x1;
	[tilespmem:$0x1FF30] =	vst v2;
	v2 =	vadd.s32 $0x204, v0  }
0x32: {  	v24 =	vadd.s32 $0x8, v0;
	v62 =	vadd.s32 $0xE8, v0;
	s10 =	smul.u32 $0xC80, s9;
	s7 =	sshll.u32 s9, $0x9;
	s9 =	sshll.u32 s9, $0xB;
	[tilespmem:$0x1FF40] =	vst v2;
	v2 =	vadd.s32 $0x214, v0  }
0x33: {  	v63 =	vadd.s32 $0xEA, v0;
	v28 =	vadd.s32 $0xA, v0;
	s11 =	ssub.s32 s8, s31;
	s9 =	sadd.s32 s5, s9;
	s12 =	sor.u32 $0x20, s7;
	[tilespmem:$0x1FF50] =	vst v2;
	v2 =	vadd.s32 $0x216, v0  }
0x34: {  	v36 =	vadd.s32 $0xC, v0;
	v40 =	vadd.s32 $0xE, v0;
	v12 =	vadd.s32 $0x4, v0;
	s8 =	sadd.s32 s0, s10;
	s10 =	sor.u32 $0x40, s7;
	s11 =	smax.u32 s11, $0x1;
	[tilespmem:$0x1FF60] =	vst v2  }
.LBB2_1:
0x35: {  	[tilespmem:s4], [sflag:$0x3] =	stream.linear.gather [hbm4b:s8+s4], $0x640, $0x38;
	[tilespmem:$0x1B100] =	vst v63  }
0x36: {  	_ =	swait.ge [sflag:s13], $0x640  }
0x37: {  	[sflag:s13] =	ssyncset.done $0x0  }
0x38: {  	[sflag:s13] =	ssyncadd.s32 $0xFFFFF9C0  }
0x39: {  	[tilespmem:s14], [sflag:$0x3] =	stream.linear.gather [hbm4b:s9+s4], $0x400, $0x38;
	[tilespmem:$0x1B100] =	vst v63  }
0x3a: {  	_ =	swait.ge [sflag:s13], $0x400  }
0x3b: {  	[sflag:s13] =	ssyncset.done $0x0  }
0x3c: {  	s24 =	simm.s32 $0x0;
	[sflag:s13] =	ssyncadd.s32 $0xFFFFFC00  }
0x3d: {  	[tilespmem:s16], [sflag:$0x1] =	stream.indirect.gather [hbm4b:s6+s15], $0x20, s4, s15, $0xb8;
	[tilespmem:$0x1B100] =	vst v63  }
.LBB2_2:
0x3e: {  	s26 =	sshll.u32 s24, $0x6  }
0x3f: {  	s29 =	sor.u32 s12, s26  }
0x40: {  	s25 =	smul.u32 $0x32, s29;
	_ =	sdelay $0x1  }
0x41: {  	s25 =	sshrl.u32 s25, $0x3  }
0x42: {  	s28 =	simm.s32 $0x0;
	s30 =	sadd.s32 s0, s25  }
0x43: {  	[tilespmem:s15], [sflag:$0x3] =	stream.linear.gather [hbm4b:s30+s28], $0x640, $0x38;
	[tilespmem:$0x1B100] =	vst v63  }
0x44: {  	s29 =	sshll.u32 s29, $0x2;
	_ =	swait.ge [sflag:s13], $0x640  }
0x45: {  	s29 =	sand.u32 $0x1FFFFF80, s29;
	[sflag:s13] =	ssyncset.done $0x0  }
0x46: {  	s29 =	sadd.s32 s5, s29;
	[sflag:s13] =	ssyncadd.s32 $0xFFFFF9C0  }
0x47: {  	[tilespmem:s17], [sflag:$0x3] =	stream.linear.gather [hbm4b:s29+s28], $0x400, $0x38;
	[tilespmem:$0x1B100] =	vst v63  }
0x48: {  	_ =	swait.ge [sflag:s13], $0x400  }
0x49: {  	[sflag:s13] =	ssyncset.done $0x0  }
0x4a: {  	[sflag:s13] =	ssyncadd.s32 $0xFFFFFC00  }
0x4b: {  	[tilespmem:s18], [sflag:$0x2] =	stream.indirect.gather [hbm4b:s6+s15], $0x20, s15, s15, $0xb8;
	[tilespmem:$0x1B100] =	vst v63  }
0x4c: {  	_ =	swait.ge [sflag:s19], $0xC800  }
0x4d: {  	s31 =	simm.s32 $0x0;
	[sflag:s19] =	ssyncset.done $0x0  }
0x4e: {  	s30 =	simm.s32 $0x0;
	s29 =	simm.s32 $0x1A4A2;
	[sflag:s19] =	ssyncadd.s32 $0xFFFF3800  }
.LBB2_3:
0x4f: {  	v2 =	vor.u32 s28, v0  }
0x50: {  	s1 =	sshll.u32 s31, $0x5;
	v3 =	vor.u32 s28, v1  }
0x51: {  	v43 =	vmov s1  }
0x52: {  	v11 =	vor.u32 $0x1, v43;
	v8 =	vadd.s32 s28, v48  }
0x53: {  	v35 =	vld [tilespmem:$0x1FE00];
	v4 =	vor.u32 s28, v14;
	v8 =	vand.u32 $0x1FFE0, v8  }
0x54: {  	v2 =	vld.idx.msk [tilespmem:v2+s16+$0x0], $0xffff;
	v8 =	vor.u32 v5, v8  }
0x55: {  	v6 =	vor.u32 s28, v47;
	v3 =	vld.idx.msk [tilespmem:v3+s16+$0x0], $0xffff  }
0x56: {  	v15 =	vor.u32 $0x2, v43;
	v13 =	vadd.s32 s28, v49;
	v9 =	vld.idx.msk [tilespmem:v43+s14+$0x0], $0xffff  }
0x57: {  	v23 =	vadd.s32 s28, v57;
	v21 =	vor.u32 $0x3, v43;
	v13 =	vand.u32 $0x1FFC0, v13;
	v11 =	vld.idx.msk [tilespmem:v11+s14+$0x0], $0xffff  }
0x58: {  	v23 =	vand.u32 $0x1FFE0, v23;
	v17 =	vadd.s32 s28, v53;
	v13 =	vor.u32 v7, v13;
	v4 =	vld.idx.msk [tilespmem:v4+s16+$0x0], $0xffff  }
0x59: {  	v23 =	vor.u32 v16, v23;
	v17 =	vand.u32 $0x1FFE0, v17;
	v8 =	vld.idx.msk [tilespmem:v8+s16+$0x0], $0xffff  }
0x5a: {  	v17 =	vor.u32 v10, v17;
	v6 =	vld.idx.msk [tilespmem:v6+s16+$0x0], $0xffff  }
0x5b: {  	v20 =	vadd.s32 s28, v55;
	v14 =	vadd.s32 s28, v50;
	v15 =	vld.idx.msk [tilespmem:v15+s14+$0x0], $0xffff  }
0x5c: {  	v25 =	vadd.s32 s28, v58;
	v14 =	vand.u32 $0x1FFE0, v14;
	v21 =	vld.idx.msk [tilespmem:v21+s14+$0x0], $0xffff;
	v2 =	vmul.f32 v2, v9  }
0x5d: {  	v26 =	vadd.s32 s28, v59;
	v27 =	vadd.s32 s28, v61;
	v14 =	vor.u32 v5, v14;
	v13 =	vld.idx.msk [tilespmem:v13+s16+$0x0], $0xffff  }
0x5e: {  	v23 =	vld.idx.msk [tilespmem:v23+s16+$0x0], $0xffff;
	v3 =	vmul.f32 v3, v9;
	v2 =	vadd.f32 $0.0e+00, v2;
	v8 =	vmul.f32 v8, v11  }
0x5f: {  	v17 =	vld.idx.msk [tilespmem:v17+s16+$0x0], $0xffff;
	v4 =	vmul.f32 v4, v9;
	v6 =	vmul.f32 v6, v9;
	v9 =	vadd.s32 s28, v51  }
0x60: {  	v32 =	vld [tilespmem:$0x1FDF0];
	v19 =	vadd.s32 s28, v54;
	v2 =	vadd.f32 v8, v2;
	v8 =	vand.u32 $0x1FFE0, v9  }
0x61: {  	v38 =	vld [tilespmem:$0x1FF40];
	v19 =	vand.u32 $0x1FFC0, v19;
	v35 =	vadd.s32 s28, v35;
	v8 =	vor.u32 v10, v8  }
0x62: {  	v3 =	vadd.f32 $0.0e+00, v3;
	v9 =	vmul.f32 v13, v11;
	v13 =	vld.idx.msk [tilespmem:v14+s16+$0x0], $0xffff;
	v14 =	vadd.s32 s28, v52  }
0x63: {  	v39 =	vld [tilespmem:$0x1FF50];
	v46 =	vand.u32 $0x1FFC0, v35;
	v23 =	vmul.f32 v23, v21;
	v14 =	vand.u32 $0x1FFE0, v14  }
0x64: {  	v41 =	vld [tilespmem:$0x1FF60];
	v17 =	vmul.f32 v17, v15;
	v14 =	vor.u32 v12, v14;
	v3 =	vadd.f32 v9, v3  }
0x65: {  	v47 =	vld [tilespmem:$0x1FF00];
	v9 =	vor.u32 v12, v19;
	v19 =	vand.u32 $0x1FFC0, v20;
	v20 =	vadd.s32 s28, v56  }
0x66: {  	v19 =	vor.u32 v16, v19;
	v20 =	vand.u32 $0x1FFE0, v20;
	v3 =	vadd.f32 v17, v3;
	v8 =	vld.idx.msk [tilespmem:v8+s16+$0x0], $0xffff  }
0x67: {  	v48 =	vld [tilespmem:$0x1FF10];
	v4 =	vadd.f32 $0.0e+00, v4;
	v20 =	vor.u32 v18, v20;
	v13 =	vmul.f32 v13, v11  }
0x68: {  	v25 =	vand.u32 $0x1FFE0, v25;
	v17 =	vor.u32 v28, v46;
	v3 =	vadd.f32 v23, v3;
	v23 =	vld [tilespmem:$0x1FE20]  }
0x69: {  	v27 =	vand.u32 $0x1FFE0, v27;
	v14 =	vld.idx.msk [tilespmem:v14+s16+$0x0], $0xffff;
	v4 =	vadd.f32 v13, v4;
	v13 =	vor.u32 v18, v25  }
0x6a: {  	v27 =	vor.u32 v22, v27;
	v9 =	vld.idx.msk [tilespmem:v9+s16+$0x0], $0xffff;
	v25 =	vand.u32 $0x1FFE0, v26;
	v26 =	vor.u32 $0x4, v43  }
0x6b: {  	v8 =	vmul.f32 v8, v11;
	v11 =	vld.idx.msk [tilespmem:v19+s16+$0x0], $0xffff;
	v19 =	vor.u32 v22, v25;
	v25 =	vadd.s32 s28, v60  }
0x6c: {  	v29 =	vadd.s32 s28, v62;
	v31 =	vadd.s32 s28, v63;
	v20 =	vld.idx.msk [tilespmem:v20+s16+$0x0], $0xffff;
	v25 =	vand.u32 $0x1FFC0, v25  }
0x6d: {  	v44 =	vadd.s32 $0x226, v0;
	v45 =	vadd.s32 $0x2EE, v0;
	v17 =	vld.idx.msk [tilespmem:v17+s16+$0x0], $0xffff;
	v25 =	vor.u32 v24, v25  }
0x6e: {  	v29 =	vand.u32 $0x1FFE0, v29;
	v31 =	vand.u32 $0x1FFE0, v31;
	v14 =	vmul.f32 v14, v15;
	v13 =	vld.idx.msk [tilespmem:v13+s16+$0x0], $0xffff  }
0x6f: {  	v29 =	vor.u32 v24, v29;
	v31 =	vor.u32 v28, v31;
	v33 =	vor.u32 $0x5, v43;
	v26 =	vld.idx.msk [tilespmem:v26+s14+$0x0], $0xffff  }
0x70: {  	v37 =	vor.u32 $0xA, v43;
	v6 =	vadd.f32 $0.0e+00, v6;
	v2 =	vadd.f32 v14, v2;
	v14 =	vld.idx.msk [tilespmem:v27+s16+$0x0], $0xffff  }
0x71: {  	v53 =	vadd.s32 s28, v44;
	v54 =	vor.u32 $0xB, v43;
	v32 =	vadd.s32 s28, v32;
	v27 =	vld [tilespmem:$0x1FE10]  }
0x72: {  	[tilespmem:$0x1F970] =	vst v44;
	v44 =	vadd.s32 $0x2DE, v0;
	v32 =	vand.u32 $0x1FFE0, v32;
	v6 =	vadd.f32 v8, v6;
	v8 =	vld.idx.msk [tilespmem:v25+s16+$0x0], $0xffff  }
0x73: {  	v38 =	vadd.s32 s28, v38;
	v9 =	vmul.f32 v9, v15;
	v19 =	vld.idx.msk [tilespmem:v19+s16+$0x0], $0xffff;
	v25 =	vor.u32 v30, v32  }
0x74: {  	v39 =	vadd.s32 s28, v39;
	v20 =	vmul.f32 v20, v21;
	v11 =	vmul.f32 v11, v15;
	v15 =	vld.idx.msk [tilespmem:v29+s16+$0x0], $0xffff  }
0x75: {  	v41 =	vadd.s32 s28, v41;
	v23 =	vadd.s32 s28, v23;
	v4 =	vadd.f32 v9, v4;
	v9 =	vld.idx.msk [tilespmem:v33+s14+$0x0], $0xffff  }
0x76: {  	v49 =	vld [tilespmem:$0x1FF20];
	v2 =	vadd.f32 v20, v2;
	v13 =	vmul.f32 v13, v21;
	v27 =	vadd.s32 s28, v27  }
0x77: {  	v29 =	vld.idx.msk [tilespmem:v31+s16+$0x0], $0xffff;
	v6 =	vadd.f32 v11, v6;
	v27 =	vand.u32 $0x1FFE0, v27;
	v8 =	vmul.f32 v8, v26  }
0x78: {  	v14 =	vmul.f32 v14, v26;
	v11 =	vor.u32 v30, v27;
	v19 =	vmul.f32 v19, v21;
	v20 =	vld.idx.msk [tilespmem:v25+s16+$0x0], $0xffff  }
0x79: {  	v21 =	vand.u32 $0x1FFE0, v23;
	v2 =	vadd.f32 v8, v2;
	v8 =	vmul.f32 v15, v26;
	v15 =	vld [tilespmem:$0x1FE30]  }
0x7a: {  	v51 =	vld [tilespmem:$0x1FF30];
	v17 =	vmul.f32 v17, v9;
	v3 =	vadd.f32 v14, v3;
	v21 =	vor.u32 v34, v21  }
0x7b: {  	v38 =	vand.u32 $0x1FFC0, v38;
	v39 =	vand.u32 $0x1FFE0, v39;
	v41 =	vand.u32 $0x1FFE0, v41;
	v23 =	vld [tilespmem:$0x1FEA0]  }
0x7c: {  	v38 =	vor.u32 v12, v38;
	v39 =	vor.u32 v10, v39;
	v3 =	vadd.f32 v17, v3;
	v17 =	vld [tilespmem:$0x1FE60]  }
0x7d: {  	v35 =	vadd.s32 s28, v49;
	v4 =	vadd.f32 v13, v4;
	v13 =	vmul.f32 v29, v26;
	v11 =	vld.idx.msk [tilespmem:v11+s16+$0x0], $0xffff  }
0x7e: {  	v6 =	vadd.f32 v19, v6;
	v14 =	vmul.f32 v20, v9;
	v20 =	vld [tilespmem:$0x1FE80];
	v15 =	vadd.s32 s28, v15  }
0x7f: {  	v19 =	vor.u32 $0x6, v43;
	v4 =	vadd.f32 v8, v4;
	v8 =	vld.idx.msk [tilespmem:v21+s16+$0x0], $0xffff;
	v15 =	vand.u32 $0x1FFE0, v15  }
0x80: {  	v6 =	vadd.f32 v13, v6;
	v2 =	vadd.f32 v14, v2;
	v14 =	vld [tilespmem:$0x1FE40];
	v13 =	vor.u32 v36, v15  }
0x81: {  	v49 =	vadd.s32 $0x394, v0;
	v50 =	vand.u32 $0x1FFE0, v35;
	v52 =	vor.u32 v18, v41;
	v15 =	vld [tilespmem:$0x1FE50]  }
0x82: {  	v41 =	vand.u32 $0x1FFE0, v53;
	v27 =	vld [tilespmem:$0x1FED0];
	v17 =	vadd.s32 s28, v17;
	v11 =	vmul.f32 v11, v9  }
0x83: {  	v31 =	vor.u32 $0x9, v43;
	v29 =	vld [tilespmem:$0x1FEE0];
	v17 =	vand.u32 $0x1FFC0, v17;
	v20 =	vadd.s32 s28, v20  }
0x84: {  	v8 =	vmul.f32 v8, v9;
	v4 =	vadd.f32 v11, v4;
	v11 =	vld.idx.msk [tilespmem:v19+s14+$0x0], $0xffff;
	v20 =	vand.u32 $0x1FFE0, v20  }
0x85: {  	v19 =	vor.u32 $0x7, v43;
	v14 =	vadd.s32 s28, v14;
	v20 =	vor.u32 v40, v20;
	v9 =	vld.idx.msk [tilespmem:v13+s16+$0x0], $0xffff  }
0x86: {  	v14 =	vand.u32 $0x1FFE0, v14;
	v15 =	vadd.s32 s28, v15;
	v13 =	vor.u32 v40, v17;
	v17 =	vld [tilespmem:$0x1FE70]  }
0x87: {  	v53 =	vadd.s32 $0x3B6, v0;
	v21 =	vld [tilespmem:$0x1FE90];
	v14 =	vor.u32 v34, v14;
	v15 =	vand.u32 $0x1FFC0, v15  }
0x88: {  	v35 =	vadd.s32 s28, v51;
	v32 =	vadd.s32 s28, v47;
	v31 =	vld.idx.msk [tilespmem:v31+s14+$0x0], $0xffff;
	v15 =	vor.u32 v36, v15  }
0x89: {  	v41 =	vor.u32 v16, v41;
	v35 =	vand.u32 $0x1FFE0, v35;
	v32 =	vand.u32 $0x1FFE0, v32;
	v26 =	vld [tilespmem:$0x1FEC0]  }
0x8a: {  	v51 =	vadd.s32 $0x3A6, v0;
	v35 =	vor.u32 v10, v35;
	v32 =	vor.u32 v5, v32;
	v19 =	vld.idx.msk [tilespmem:v19+s14+$0x0], $0xffff  }
0x8b: {  	v46 =	vor.u32 $0xF, v43;
	v25 =	vor.u32 $0x8, v43;
	v20 =	vld.idx.msk [tilespmem:v20+s16+$0x0], $0xffff;
	v17 =	vadd.s32 s28, v17  }
0x8c: {  	v23 =	vadd.s32 s28, v23;
	v21 =	vadd.s32 s28, v21;
	v14 =	vld.idx.msk [tilespmem:v14+s16+$0x0], $0xffff;
	v17 =	vand.u32 $0x1FFE0, v17  }
0x8d: {  	v21 =	vand.u32 $0x1FFE0, v21;
	v6 =	vadd.f32 v8, v6;
	v17 =	vor.u32 v42, v17;
	v8 =	vld.idx.msk [tilespmem:v15+s16+$0x0], $0xffff  }
0x8e: {  	v33 =	vadd.s32 s28, v48;
	v15 =	vor.u32 v42, v21;
	v21 =	vand.u32 $0x1FFC0, v23;
	v23 =	vld [tilespmem:$0x1FEB0]  }
0x8f: {  	v48 =	vor.u32 $0x12, v43;
	v33 =	vand.u32 $0x1FFE0, v33;
	v47 =	vadd.s32 $0x384, v0;
	v32 =	vld.idx.msk [tilespmem:v32+s16+$0x0], $0xffff  }
0x90: {  	v27 =	vadd.s32 s28, v27;
	v26 =	vadd.s32 s28, v26;
	v13 =	vld.idx.msk [tilespmem:v13+s16+$0x0], $0xffff;
	v21 =	vor.u32 v0, v21  }
0x91: {  	v29 =	vadd.s32 s28, v29;
	v25 =	vld.idx.msk [tilespmem:v25+s14+$0x0], $0xffff;
	v26 =	vand.u32 $0x1FFE0, v26;
	v9 =	vmul.f32 v9, v11  }
0x92: {  	v27 =	vand.u32 $0x1FFE0, v27;
	v26 =	vor.u32 v0, v26;
	v14 =	vmul.f32 v14, v11;
	v17 =	vld.idx.msk [tilespmem:v17+s16+$0x0], $0xffff  }
0x93: {  	v2 =	vadd.f32 v9, v2;
	v20 =	vmul.f32 v20, v19;
	v23 =	vadd.s32 s28, v23;
	v9 =	vld.idx.msk [tilespmem:v15+s16+$0x0], $0xffff  }
0x94: {  	v15 =	vor.u32 v1, v27;
	v27 =	vand.u32 $0x1FFE0, v29;
	v29 =	vld [tilespmem:$0x1FEF0];
	v3 =	vadd.f32 v14, v3  }
0x95: {  	v8 =	vmul.f32 v8, v11;
	v11 =	vmul.f32 v13, v11;
	v23 =	vand.u32 $0x1FFC0, v23;
	v21 =	vld.idx.msk [tilespmem:v21+s16+$0x0], $0xffff  }
0x96: {  	[tilespmem:$0x1FA70] =	vst v45;
	v13 =	vld.idx.msk [tilespmem:v37+s14+$0x0], $0xffff;
	v37 =	vadd.s32 s28, v45;
	v45 =	vadd.s32 $0x46E, v0;
	v23 =	vor.u32 v1, v23  }
0x97: {  	v26 =	vld.idx.msk [tilespmem:v26+s16+$0x0], $0xffff;
	v27 =	vor.u32 v5, v27;
	v37 =	vand.u32 $0x1FFE0, v37;
	v4 =	vadd.f32 v8, v4  }
0x98: {  	v6 =	vadd.f32 v11, v6;
	v3 =	vadd.f32 v20, v3;
	v20 =	vld.idx.msk [tilespmem:v39+s16+$0x0], $0xffff;
	v39 =	vadd.s32 $0x2CC, v0  }
0x99: {  	v29 =	vadd.s32 s28, v29;
	v14 =	vld.idx.msk [tilespmem:v15+s16+$0x0], $0xffff;
	v15 =	vor.u32 v7, v33;
	v17 =	vmul.f32 v17, v19  }
0x9a: {  	v33 =	vor.u32 v12, v50;
	v9 =	vmul.f32 v9, v19;
	v11 =	vmul.f32 v21, v19;
	v19 =	vld.idx.msk [tilespmem:v38+s16+$0x0], $0xffff  }
0x9b: {  	v50 =	vadd.s32 $0x3A4, v0;
	v29 =	vand.u32 $0x1FFC0, v29;
	v38 =	vadd.s32 s28, v51;
	v23 =	vld.idx.msk [tilespmem:v23+s16+$0x0], $0xffff  }
0x9c: {  	v21 =	vld.idx.msk [tilespmem:v54+s14+$0x0], $0xffff;
	v54 =	vor.u32 $0x13, v43;
	v29 =	vor.u32 v7, v29;
	v4 =	vadd.f32 v9, v4  }
0x9d: {  	v9 =	vmul.f32 v26, v25;
	v26 =	vadd.s32 $0x2AA, v0;
	v6 =	vadd.f32 v11, v6;
	v11 =	vld.idx.msk [tilespmem:v52+s16+$0x0], $0xffff  }
0x9e: {  	v27 =	vld.idx.msk [tilespmem:v27+s16+$0x0], $0xffff;
	v2 =	vadd.f32 v17, v2;
	[tilespmem:$0x1FA10] =	vst v26;
	v26 =	vadd.s32 s28, v26;
	v52 =	vand.u32 $0x1FFE0, v38  }
0x9f: {  	v3 =	vadd.f32 v9, v3;
	v26 =	vand.u32 $0x1FFE0, v26;
	v15 =	vld.idx.msk [tilespmem:v15+s16+$0x0], $0xffff;
	v14 =	vmul.f32 v14, v25  }
0xa0: {  	v8 =	vld.idx.msk [tilespmem:v33+s16+$0x0], $0xffff;
	v26 =	vor.u32 v28, v26;
	v17 =	vmul.f32 v23, v25;
	v23 =	vmul.f32 v32, v31  }
0xa1: {  	[tilespmem:$0x1FA40] =	vst v39;
	v4 =	vadd.f32 v14, v4;
	v32 =	vadd.s32 s28, v39;
	v39 =	vadd.s32 $0x45C, v0  }
0xa2: {  	v11 =	vmul.f32 v11, v13;
	v32 =	vand.u32 $0x1FFC0, v32;
	v2 =	vadd.f32 v17, v2  }
0xa3: {  	v29 =	vld.idx.msk [tilespmem:v29+s16+$0x0], $0xffff;
	v17 =	vmul.f32 v27, v25;
	v3 =	vadd.f32 v23, v3;
	v23 =	vor.u32 $0xD, v43  }
0xa4: {  	v25 =	vld.idx.msk [tilespmem:v41+s16+$0x0], $0xffff;
	v27 =	vadd.s32 $0x2AC, v0;
	v41 =	vadd.s32 $0x2DC, v0;
	v32 =	vor.u32 v36, v32  }
0xa5: {  	v14 =	vmul.f32 v15, v31;
	v8 =	vmul.f32 v8, v31;
	v15 =	vadd.s32 $0x268, v0;
	[tilespmem:$0x1FA20] =	vst v27  }
0xa6: {  	v27 =	vadd.s32 s28, v27;
	[tilespmem:$0x1FA50] =	vst v41;
	v33 =	vadd.s32 s28, v41;
	v41 =	vor.u32 $0x16, v43  }
0xa7: {  	v35 =	vld.idx.msk [tilespmem:v35+s16+$0x0], $0xffff;
	v6 =	vadd.f32 v17, v6;
	[tilespmem:$0x1F9C0] =	vst v15;
	v15 =	vadd.s32 s28, v15;
	v17 =	vadd.s32 $0x278, v0  }
0xa8: {  	v27 =	vand.u32 $0x1FFE0, v27;
	v33 =	vand.u32 $0x1FFE0, v33;
	v9 =	vmul.f32 v29, v31  }
0xa9: {  	v4 =	vadd.f32 v14, v4;
	v14 =	vmul.f32 v19, v13;
	v15 =	vand.u32 $0x1FFE0, v15  }
0xaa: {  	[tilespmem:$0x1F9D0] =	vst v17;
	v17 =	vadd.s32 s28, v17;
	v6 =	vadd.f32 v8, v6;
	v8 =	vmul.f32 v20, v13  }
0xab: {  	v19 =	vadd.s32 $0x27A, v0;
	v29 =	vadd.s32 $0x2BC, v0;
	v27 =	vor.u32 v36, v27  }
0xac: {  	v2 =	vadd.f32 v9, v2;
	v9 =	vmul.f32 v35, v13;
	v4 =	vadd.f32 v8, v4  }
0xad: {  	v6 =	vadd.f32 v11, v6;
	v8 =	vadd.s32 $0x236, v0;
	v11 =	vadd.s32 $0x248, v0  }
0xae: {  	v2 =	vadd.f32 v9, v2;
	v9 =	vmul.f32 v25, v21;
	[tilespmem:$0x1F980] =	vst v8;
	v8 =	vadd.s32 s28, v8  }
0xaf: {  	v15 =	vor.u32 v24, v15;
	[tilespmem:$0x1F9A0] =	vst v11;
	v11 =	vadd.s32 s28, v11;
	v8 =	vand.u32 $0x1FFE0, v8  }
0xb0: {  	v2 =	vadd.f32 v9, v2;
	v9 =	vadd.s32 $0x246, v0;
	v8 =	vor.u32 v18, v8  }
0xb1: {  	v17 =	vand.u32 $0x1FFE0, v17;
	v11 =	vand.u32 $0x1FFC0, v11;
	[tilespmem:$0x1F990] =	vst v9;
	v9 =	vadd.s32 s28, v9  }
0xb2: {  	[tilespmem:$0x1F9E0] =	vst v19;
	v19 =	vadd.s32 s28, v19;
	v11 =	vor.u32 v24, v11;
	v9 =	vand.u32 $0x1FFC0, v9  }
0xb3: {  	v20 =	vadd.s32 $0x28A, v0;
	v13 =	vadd.s32 $0x258, v0;
	v23 =	vld.idx.msk [tilespmem:v23+s14+$0x0], $0xffff;
	v9 =	vor.u32 v16, v9  }
0xb4: {  	v3 =	vadd.f32 v14, v3;
	v14 =	vor.u32 $0xC, v43;
	[tilespmem:$0x1F9B0] =	vst v13;
	v13 =	vadd.s32 s28, v13;
	v27 =	vld.idx.msk [tilespmem:v27+s16+$0x0], $0xffff  }
0xb5: {  	[tilespmem:$0x1FA30] =	vst v29;
	v29 =	vadd.s32 s28, v29;
	v17 =	vor.u32 v22, v17;
	v13 =	vand.u32 $0x1FFE0, v13;
	v8 =	vld.idx.msk [tilespmem:v8+s16+$0x0], $0xffff  }
0xb6: {  	v19 =	vand.u32 $0x1FFE0, v19;
	[tilespmem:$0x1F9F0] =	vst v20;
	v20 =	vadd.s32 s28, v20;
	v13 =	vor.u32 v22, v13;
	v15 =	vld.idx.msk [tilespmem:v15+s16+$0x0], $0xffff  }
0xb7: {  	v29 =	vand.u32 $0x1FFE0, v29;
	v19 =	vor.u32 v30, v19;
	v25 =	vadd.s32 $0x29A, v0;
	v11 =	vld.idx.msk [tilespmem:v11+s16+$0x0], $0xffff  }
0xb8: {  	v20 =	vand.u32 $0x1FFC0, v20;
	v29 =	vor.u32 v34, v29;
	[tilespmem:$0x1FA00] =	vst v25;
	v25 =	vadd.s32 s28, v25;
	v9 =	vld.idx.msk [tilespmem:v9+s16+$0x0], $0xffff  }
0xb9: {  	v31 =	vor.u32 $0xE, v43;
	v20 =	vor.u32 v28, v20;
	v25 =	vand.u32 $0x1FFE0, v25;
	v14 =	vld.idx.msk [tilespmem:v14+s14+$0x0], $0xffff  }
0xba: {  	v35 =	vadd.s32 s28, v44;
	v25 =	vor.u32 v30, v25;
	v17 =	vld.idx.msk [tilespmem:v17+s16+$0x0], $0xffff;
	v8 =	vmul.f32 v8, v21  }
0xbb: {  	[tilespmem:$0x1FA60] =	vst v44;
	v33 =	vor.u32 v34, v33;
	v44 =	vadd.s32 $0x46C, v0;
	v35 =	vand.u32 $0x1FFE0, v35;
	v13 =	vld.idx.msk [tilespmem:v13+s16+$0x0], $0xffff  }
0xbc: {  	v35 =	vor.u32 v42, v35;
	v19 =	vld.idx.msk [tilespmem:v19+s16+$0x0], $0xffff;
	v3 =	vadd.f32 v8, v3;
	v8 =	vmul.f32 v11, v21  }
0xbd: {  	v11 =	vld.idx.msk [tilespmem:v29+s16+$0x0], $0xffff;
	v29 =	vadd.s32 $0x372, v0;
	v9 =	vmul.f32 v9, v21;
	v21 =	vor.u32 v40, v37  }
0xbe: {  	v20 =	vld.idx.msk [tilespmem:v20+s16+$0x0], $0xffff;
	[tilespmem:$0x1FB10] =	vst v29;
	v29 =	vadd.s32 s28, v29;
	v37 =	vadd.s32 s28, v50;
	v6 =	vadd.f32 v8, v6  }
0xbf: {  	v25 =	vld.idx.msk [tilespmem:v25+s16+$0x0], $0xffff;
	v8 =	vmul.f32 v17, v14;
	v29 =	vand.u32 $0x1FFE0, v29;
	v37 =	vand.u32 $0x1FFE0, v37  }
0xc0: {  	v26 =	vld.idx.msk [tilespmem:v26+s16+$0x0], $0xffff;
	v4 =	vadd.f32 v9, v4;
	v9 =	vmul.f32 v13, v14;
	v13 =	vmul.f32 v15, v14  }
0xc1: {  	v31 =	vld.idx.msk [tilespmem:v31+s14+$0x0], $0xffff;
	v14 =	vmul.f32 v19, v14;
	v19 =	vmul.f32 v27, v23;
	v27 =	vadd.s32 $0x362, v0  }
0xc2: {  	v15 =	vld.idx.msk [tilespmem:v32+s16+$0x0], $0xffff;
	v29 =	vor.u32 v5, v29;
	v32 =	vadd.s32 s28, v47;
	v2 =	vadd.f32 v9, v2  }
0xc3: {  	v3 =	vadd.f32 v13, v3;
	v9 =	vmul.f32 v20, v23;
	v4 =	vadd.f32 v8, v4  }
0xc4: {  	v17 =	vld.idx.msk [tilespmem:v33+s16+$0x0], $0xffff;
	v6 =	vadd.f32 v14, v6;
	v8 =	vmul.f32 v25, v23;
	v25 =	vadd.s32 $0x352, v0  }
0xc5: {  	v20 =	vld.idx.msk [tilespmem:v21+s16+$0x0], $0xffff;
	v21 =	vor.u32 $0x340, v0;
	[tilespmem:$0x1FAF0] =	vst v25;
	v25 =	vadd.s32 s28, v25;
	v2 =	vadd.f32 v9, v2  }
0xc6: {  	v13 =	vld.idx.msk [tilespmem:v35+s16+$0x0], $0xffff;
	v9 =	vmul.f32 v26, v23;
	v3 =	vadd.f32 v8, v3;
	v8 =	vmul.f32 v11, v31  }
0xc7: {  	v6 =	vadd.f32 v19, v6;
	v19 =	vor.u32 $0x10, v43;
	[tilespmem:$0x1FAD0] =	vst v21;
	v21 =	vadd.s32 s28, v21  }
0xc8: {  	v14 =	vld.idx.msk [tilespmem:v46+s14+$0x0], $0xffff;
	v25 =	vand.u32 $0x1FFE0, v25;
	v26 =	vor.u32 $0x11, v43;
	v11 =	vmul.f32 v15, v31  }
0xc9: {  	v15 =	vor.u32 $0x310, v0;
	v4 =	vadd.f32 v9, v4;
	v9 =	vmul.f32 v17, v31  }
0xca: {  	v2 =	vadd.f32 v8, v2;
	[tilespmem:$0x1FAA0] =	vst v15;
	v15 =	vadd.s32 s28, v15;
	v17 =	vor.u32 $0x320, v0  }
0xcb: {  	v3 =	vadd.f32 v11, v3;
	v8 =	vmul.f32 v13, v31;
	v11 =	vadd.s32 $0x2FE, v0  }
0xcc: {  	v13 =	vadd.s32 $0x30E, v0;
	v15 =	vand.u32 $0x1FFC0, v15;
	[tilespmem:$0x1FAB0] =	vst v17;
	v17 =	vadd.s32 s28, v17  }
0xcd: {  	v31 =	vadd.s32 $0x374, v0;
	v4 =	vadd.f32 v9, v4;
	v9 =	vmul.f32 v20, v14  }
0xce: {  	[tilespmem:$0x1FA80] =	vst v11;
	v11 =	vadd.s32 s28, v11;
	v15 =	vor.u32 v1, v15;
	v17 =	vand.u32 $0x1FFE0, v17  }
0xcf: {  	[tilespmem:$0x1FA90] =	vst v13;
	v13 =	vadd.s32 s28, v13;
	v11 =	vand.u32 $0x1FFE0, v11;
	v17 =	vor.u32 v0, v17  }
0xd0: {  	[tilespmem:$0x1FB20] =	vst v31;
	v31 =	vadd.s32 s28, v31;
	v13 =	vand.u32 $0x1FFC0, v13;
	v19 =	vld.idx.msk [tilespmem:v19+s14+$0x0], $0xffff;
	v11 =	vor.u32 v42, v11  }
0xd1: {  	v20 =	vor.u32 $0x330, v0;
	v31 =	vand.u32 $0x1FFE0, v31;
	v26 =	vld.idx.msk [tilespmem:v26+s14+$0x0], $0xffff;
	v13 =	vor.u32 v40, v13  }
0xd2: {  	[tilespmem:$0x1FAC0] =	vst v20;
	v20 =	vadd.s32 s28, v20;
	v6 =	vadd.f32 v8, v6;
	v8 =	vld.idx.msk [tilespmem:v29+s16+$0x0], $0xffff;
	v31 =	vor.u32 v10, v31  }
0xd3: {  	v23 =	vadd.s32 $0x342, v0;
	v25 =	vor.u32 v5, v25;
	v20 =	vand.u32 $0x1FFE0, v20;
	v15 =	vld.idx.msk [tilespmem:v15+s16+$0x0], $0xffff  }
0xd4: {  	v21 =	vand.u32 $0x1FFC0, v21;
	[tilespmem:$0x1FAE0] =	vst v23;
	v23 =	vadd.s32 s28, v23;
	v20 =	vor.u32 v1, v20;
	v17 =	vld.idx.msk [tilespmem:v17+s16+$0x0], $0xffff  }
0xd5: {  	[tilespmem:$0x1FB00] =	vst v27;
	v27 =	vadd.s32 s28, v27;
	v21 =	vor.u32 v0, v21;
	v23 =	vand.u32 $0x1FFC0, v23;
	v11 =	vld.idx.msk [tilespmem:v11+s16+$0x0], $0xffff  }
0xd6: {  	v32 =	vand.u32 $0x1FFC0, v32;
	v27 =	vand.u32 $0x1FFE0, v27;
	v23 =	vor.u32 v7, v23;
	v13 =	vld.idx.msk [tilespmem:v13+s16+$0x0], $0xffff  }
0xd7: {  	v35 =	vadd.s32 s28, v49;
	v27 =	vor.u32 v7, v27;
	v2 =	vadd.f32 v9, v2;
	v9 =	vld.idx.msk [tilespmem:v31+s16+$0x0], $0xffff  }
0xd8: {  	v32 =	vor.u32 v12, v32;
	v35 =	vand.u32 $0x1FFE0, v35;
	v29 =	vor.u32 v12, v37;
	v25 =	vld.idx.msk [tilespmem:v25+s16+$0x0], $0xffff  }
0xd9: {  	v35 =	vor.u32 v10, v35;
	v37 =	vadd.s32 s28, v53;
	v31 =	vor.u32 v16, v52;
	v20 =	vld.idx.msk [tilespmem:v20+s16+$0x0], $0xffff  }
0xda: {  	v37 =	vand.u32 $0x1FFE0, v37;
	v21 =	vld.idx.msk [tilespmem:v21+s16+$0x0], $0xffff;
	v8 =	vmul.f32 v8, v26;
	v11 =	vmul.f32 v11, v14  }
0xdb: {  	v38 =	vor.u32 v18, v37;
	v23 =	vld.idx.msk [tilespmem:v23+s16+$0x0], $0xffff;
	v13 =	vmul.f32 v13, v14;
	v14 =	vmul.f32 v15, v14  }
0xdc: {  	v27 =	vld.idx.msk [tilespmem:v27+s16+$0x0], $0xffff;
	v9 =	vmul.f32 v9, v26;
	v3 =	vadd.f32 v11, v3;
	v11 =	vmul.f32 v17, v19  }
0xdd: {  	v4 =	vadd.f32 v13, v4;
	v6 =	vadd.f32 v14, v6;
	v14 =	vld.idx.msk [tilespmem:v29+s16+$0x0], $0xffff;
	v29 =	vadd.s32 $0x43C, v0  }
0xde: {  	v13 =	vmul.f32 v20, v19;
	v20 =	vld.idx.msk [tilespmem:v31+s16+$0x0], $0xffff;
	v31 =	vadd.s32 $0x44C, v0;
	[tilespmem:$0x1FC20] =	vst v29;
	v29 =	vadd.s32 s28, v29  }
0xdf: {  	[tilespmem:$0x1FC30] =	vst v31;
	v31 =	vadd.s32 s28, v31;
	v2 =	vadd.f32 v11, v2;
	v11 =	vmul.f32 v21, v19  }
0xe0: {  	v19 =	vmul.f32 v23, v19;
	v3 =	vadd.f32 v13, v3;
	v13 =	vmul.f32 v25, v26  }
0xe1: {  	v21 =	vmul.f32 v27, v26;
	v23 =	vadd.s32 $0x41A, v0;
	v25 =	vadd.s32 $0x42A, v0  }
0xe2: {  	v33 =	vld.idx.msk [tilespmem:v48+s14+$0x0], $0xffff;
	v26 =	vor.u32 $0x15, v43;
	v27 =	vadd.s32 $0x43A, v0;
	v29 =	vand.u32 $0x1FFE0, v29;
	[tilespmem:$0x1FBF0] =	vst v23  }
0xe3: {  	v15 =	vld.idx.msk [tilespmem:v32+s16+$0x0], $0xffff;
	v31 =	vand.u32 $0x1FFC0, v31;
	v23 =	vadd.s32 s28, v23;
	[tilespmem:$0x1FC00] =	vst v25;
	v25 =	vadd.s32 s28, v25  }
0xe4: {  	v17 =	vld.idx.msk [tilespmem:v35+s16+$0x0], $0xffff;
	v29 =	vor.u32 v34, v29;
	v31 =	vor.u32 v36, v31;
	v4 =	vadd.f32 v11, v4  }
0xe5: {  	v6 =	vadd.f32 v19, v6;
	v2 =	vadd.f32 v13, v2;
	v19 =	vadd.s32 $0x3F8, v0  }
0xe6: {  	v3 =	vadd.f32 v21, v3;
	v21 =	vadd.s32 $0x40A, v0;
	v23 =	vand.u32 $0x1FFE0, v23;
	[tilespmem:$0x1FBC0] =	vst v19  }
0xe7: {  	v25 =	vand.u32 $0x1FFE0, v25;
	v19 =	vadd.s32 s28, v19;
	[tilespmem:$0x1FBE0] =	vst v21;
	v21 =	vadd.s32 s28, v21  }
0xe8: {  	v11 =	vld.idx.msk [tilespmem:v54+s14+$0x0], $0xffff;
	v23 =	vor.u32 v30, v23;
	v25 =	vor.u32 v28, v25;
	v4 =	vadd.f32 v8, v4  }
0xe9: {  	v13 =	vld.idx.msk [tilespmem:v38+s16+$0x0], $0xffff;
	v8 =	vmul.f32 v15, v33;
	v15 =	vmul.f32 v17, v33;
	v6 =	vadd.f32 v9, v6  }
0xea: {  	v9 =	vmul.f32 v14, v33;
	v14 =	vmul.f32 v20, v33;
	v17 =	vadd.s32 $0x3E8, v0  }
0xeb: {  	v20 =	vadd.s32 $0x408, v0;
	v19 =	vand.u32 $0x1FFE0, v19;
	v2 =	vadd.f32 v8, v2  }
0xec: {  	v19 =	vor.u32 v22, v19;
	v3 =	vadd.f32 v15, v3;
	v4 =	vadd.f32 v9, v4  }
0xed: {  	v32 =	vld.idx.msk [tilespmem:v41+s14+$0x0], $0xffff;
	v6 =	vadd.f32 v14, v6;
	v9 =	vadd.s32 $0x3C6, v0;
	v14 =	vadd.s32 $0x3D8, v0  }
0xee: {  	v26 =	vld.idx.msk [tilespmem:v26+s14+$0x0], $0xffff;
	v8 =	vmul.f32 v13, v11;
	[tilespmem:$0x1FB80] =	vst v9;
	v9 =	vadd.s32 s28, v9;
	v13 =	vadd.s32 $0x3D6, v0  }
0xef: {  	v15 =	vor.u32 $0x14, v43;
	v31 =	vld.idx.msk [tilespmem:v31+s16+$0x0], $0xffff;
	v9 =	vand.u32 $0x1FFC0, v9;
	[tilespmem:$0x1FB90] =	vst v13;
	v13 =	vadd.s32 s28, v13  }
0xf0: {  	[tilespmem:$0x1FBA0] =	vst v14;
	v14 =	vadd.s32 s28, v14;
	v23 =	vld.idx.msk [tilespmem:v23+s16+$0x0], $0xffff;
	v9 =	vor.u32 v16, v9;
	v13 =	vand.u32 $0x1FFE0, v13  }
0xf1: {  	[tilespmem:$0x1FBB0] =	vst v17;
	v17 =	vadd.s32 s28, v17;
	v14 =	vand.u32 $0x1FFE0, v14;
	v25 =	vld.idx.msk [tilespmem:v25+s16+$0x0], $0xffff;
	v13 =	vor.u32 v18, v13  }
0xf2: {  	v17 =	vand.u32 $0x1FFE0, v17;
	v14 =	vor.u32 v22, v14;
	v2 =	vadd.f32 v8, v2;
	v8 =	vld.idx.msk [tilespmem:v29+s16+$0x0], $0xffff  }
0xf3: {  	v21 =	vand.u32 $0x1FFC0, v21;
	[tilespmem:$0x1FBD0] =	vst v20;
	v20 =	vadd.s32 s28, v20;
	v17 =	vor.u32 v24, v17;
	v19 =	vld.idx.msk [tilespmem:v19+s16+$0x0], $0xffff  }
0xf4: {  	[tilespmem:$0x1FC10] =	vst v27;
	v27 =	vadd.s32 s28, v27;
	v21 =	vor.u32 v28, v21;
	v20 =	vand.u32 $0x1FFC0, v20;
	v15 =	vld.idx.msk [tilespmem:v15+s14+$0x0], $0xffff  }
0xf5: {  	v27 =	vand.u32 $0x1FFE0, v27;
	v33 =	vadd.s32 s28, v39;
	v20 =	vor.u32 v24, v20;
	v9 =	vld.idx.msk [tilespmem:v9+s16+$0x0], $0xffff  }
0xf6: {  	v35 =	vadd.s32 s28, v44;
	v27 =	vor.u32 v30, v27;
	v33 =	vand.u32 $0x1FFE0, v33;
	v13 =	vld.idx.msk [tilespmem:v13+s16+$0x0], $0xffff  }
0xf7: {  	v37 =	vadd.s32 s28, v45;
	v35 =	vand.u32 $0x1FFE0, v35;
	v33 =	vor.u32 v34, v33;
	v14 =	vld.idx.msk [tilespmem:v14+s16+$0x0], $0xffff  }
0xf8: {  	v46 =	vadd.s32 $0x47E, v0;
	v37 =	vand.u32 $0x1FFE0, v37;
	v35 =	vor.u32 v36, v35;
	v17 =	vld.idx.msk [tilespmem:v17+s16+$0x0], $0xffff  }
0xf9: {  	[tilespmem:$0x1FB30] =	vst v47;
	v47 =	vadd.s32 s28, v46;
	v29 =	vor.u32 v40, v37;
	v21 =	vld.idx.msk [tilespmem:v21+s16+$0x0], $0xffff  }
0xfa: {  	v48 =	vor.u32 $0x17, v43;
	v37 =	vand.u32 $0x1FFE0, v47;
	v20 =	vld.idx.msk [tilespmem:v20+s16+$0x0], $0xffff;
	v9 =	vmul.f32 v9, v11  }
0xfb: {  	[tilespmem:$0x1FB40] =	vst v49;
	v49 =	vadd.s32 $0x48E, v0;
	v27 =	vld.idx.msk [tilespmem:v27+s16+$0x0], $0xffff;
	v37 =	vor.u32 v42, v37;
	v13 =	vmul.f32 v13, v11  }
0xfc: {  	v3 =	vadd.f32 v9, v3;
	v9 =	vmul.f32 v14, v11;
	v11 =	vld.idx.msk [tilespmem:v33+s16+$0x0], $0xffff;
	v14 =	vadd.s32 s28, v49  }
0xfd: {  	v4 =	vadd.f32 v13, v4;
	v13 =	vmul.f32 v17, v15;
	v17 =	vld.idx.msk [tilespmem:v35+s16+$0x0], $0xffff;
	v14 =	vand.u32 $0x1FFC0, v14  }
0xfe: {  	v6 =	vadd.f32 v9, v6;
	v9 =	vmul.f32 v19, v15;
	v19 =	vld.idx.msk [tilespmem:v29+s16+$0x0], $0xffff;
	v14 =	vor.u32 v40, v14  }
0xff: {  	v2 =	vadd.f32 v13, v2;
	v13 =	vmul.f32 v20, v15;
	v15 =	vmul.f32 v21, v15;
	v21 =	vld.idx.msk [tilespmem:v48+s14+$0x0], $0xffff  }
0x100: {  	v8 =	vmul.f32 v8, v26;
	v3 =	vadd.f32 v9, v3;
	v9 =	vmul.f32 v23, v26;
	v23 =	vld.idx.msk [tilespmem:v37+s16+$0x0], $0xffff  }
0x101: {  	v20 =	vmul.f32 v25, v26;
	v4 =	vadd.f32 v13, v4;
	v13 =	vmul.f32 v27, v26  }
0x102: {  	v6 =	vadd.f32 v15, v6;
	v11 =	vmul.f32 v11, v32;
	v2 =	vadd.f32 v9, v2  }
0x103: {  	v3 =	vadd.f32 v20, v3;
	v9 =	vmul.f32 v31, v32;
	v4 =	vadd.f32 v13, v4  }
0x104: {  	v13 =	vld.idx.msk [tilespmem:v14+s16+$0x0], $0xffff;
	v6 =	vadd.f32 v8, v6;
	v8 =	vmul.f32 v17, v32;
	v14 =	vmul.f32 v19, v32  }
0x105: {  	v2 =	vadd.f32 v9, v2;
	v20 =	vadd.f32 v11, v3;
	v3 =	vmul.f32 v23, v21  }
0x106: {  	[tilespmem:$0x1FC70] =	vst v46;
	v46 =	vor.u32 $0x1A, v43;
	v23 =	vadd.f32 v8, v4;
	v25 =	vadd.f32 v14, v6  }
0x107: {  	v4 =	vadd.s32 $0x49E, v0;
	v14 =	vor.u32 $0x18, v43;
	v26 =	vadd.f32 v3, v2  }
0x108: {  	[tilespmem:$0x1FC90] =	vst v4;
	v2 =	vadd.s32 s28, v4;
	v3 =	vor.u32 $0x4A0, v0;
	v4 =	vor.u32 $0x4C0, v0  }
0x109: {  	v27 =	vmul.f32 v13, v21;
	v2 =	vand.u32 $0x1FFE0, v2;
	[tilespmem:$0x1FCA0] =	vst v3;
	v3 =	vadd.s32 s28, v3  }
0x10a: {  	v8 =	vor.u32 v42, v2;
	v2 =	vand.u32 $0x1FFE0, v3;
	v3 =	vor.u32 $0x4B0, v0  }
0x10b: {  	[tilespmem:$0x1FCC0] =	vst v4;
	v4 =	vadd.s32 s28, v4;
	v9 =	vor.u32 v0, v2;
	v2 =	vadd.s32 s28, v3  }
0x10c: {  	[tilespmem:$0x1FCB0] =	vst v3;
	v33 =	vld.idx.msk [tilespmem:v14+s14+$0x0], $0xffff;
	v14 =	vor.u32 $0x19, v43;
	v27 =	vadd.f32 v27, v20;
	v3 =	vand.u32 $0x1FFE0, v2  }
0x10d: {  	[tilespmem:$0x1FB70] =	vst v53;
	v2 =	vor.u32 $0x4D0, v0;
	v11 =	vor.u32 v1, v3;
	v3 =	vand.u32 $0x1FFC0, v4  }
0x10e: {  	[tilespmem:$0x1FCD0] =	vst v2;
	v4 =	vadd.s32 s28, v2;
	v2 =	vadd.s32 $0x4D2, v0;
	v13 =	vor.u32 v0, v3  }
0x10f: {  	v3 =	vand.u32 $0x1FFC0, v4;
	[tilespmem:$0x1FCE0] =	vst v2;
	v17 =	vadd.s32 s28, v2;
	v2 =	vadd.s32 $0x4F2, v0  }
0x110: {  	[tilespmem:$0x1FB50] =	vst v50;
	v15 =	vor.u32 v1, v3;
	v3 =	vadd.s32 $0x4E2, v0;
	v29 =	vld.idx.msk [tilespmem:v8+s16+$0x0], $0xffff;
	v8 =	vand.u32 $0x1FFE0, v17  }
0x111: {  	[tilespmem:$0x1FCF0] =	vst v3;
	v19 =	vadd.s32 s28, v3;
	v50 =	vor.u32 v5, v8;
	v3 =	vadd.s32 $0x514, v0  }
0x112: {  	[tilespmem:$0x1FD00] =	vst v2;
	v17 =	vand.u32 $0x1FFE0, v19;
	v19 =	vadd.s32 s28, v2;
	v2 =	vadd.s32 $0x502, v0  }
0x113: {  	[tilespmem:$0x1FB60] =	vst v51;
	v31 =	vld.idx.msk [tilespmem:v9+s16+$0x0], $0xffff;
	v53 =	vadd.s32 s28, v3;
	v17 =	vor.u32 v7, v17;
	v8 =	vand.u32 $0x1FFE0, v19  }
0x114: {  	v35 =	vld.idx.msk [tilespmem:v11+s16+$0x0], $0xffff;
	[tilespmem:$0x1FD10] =	vst v2;
	v51 =	vadd.s32 s28, v2;
	v2 =	vadd.s32 $0x504, v0;
	v19 =	vor.u32 v5, v8  }
0x115: {  	v38 =	vld.idx.msk [tilespmem:v13+s16+$0x0], $0xffff;
	v13 =	vand.u32 $0x1FFC0, v51;
	[tilespmem:$0x1FD20] =	vst v2;
	v52 =	vadd.s32 s28, v2;
	v2 =	vadd.s32 $0x524, v0  }
0x116: {  	[tilespmem:$0x1FC60] =	vst v45;
	v41 =	vld.idx.msk [tilespmem:v15+s16+$0x0], $0xffff;
	v54 =	vor.u32 v7, v13;
	v13 =	vand.u32 $0x1FFC0, v52;
	v15 =	vand.u32 $0x1FFE0, v53  }
0x117: {  	[tilespmem:$0x1FC40] =	vst v39;
	v53 =	vor.u32 $0x1B, v43;
	v29 =	vmul.f32 v29, v21;
	v37 =	vor.u32 v12, v13  }
0x118: {  	v46 =	vld.idx.msk [tilespmem:v46+s14+$0x0], $0xffff;
	[tilespmem:$0x1FD40] =	vst v2;
	v39 =	vor.u32 v10, v15;
	v15 =	vadd.s32 s28, v2;
	v2 =	vadd.s32 $0x534, v0  }
0x119: {  	v32 =	vld.idx.msk [tilespmem:v50+s16+$0x0], $0xffff;
	v21 =	vmul.f32 v31, v21;
	[tilespmem:$0x1FD50] =	vst v2;
	v52 =	vadd.s32 s28, v2;
	v2 =	vadd.s32 $0x536, v0  }
0x11a: {  	[tilespmem:$0x1FC50] =	vst v44;
	v23 =	vadd.f32 v29, v23;
	v47 =	vld.idx.msk [tilespmem:v17+s16+$0x0], $0xffff;
	v17 =	vand.u32 $0x1FFE0, v15;
	v35 =	vmul.f32 v35, v33  }
0x11b: {  	[tilespmem:$0x1FC80] =	vst v49;
	v49 =	vld.idx.msk [tilespmem:v19+s16+$0x0], $0xffff;
	v50 =	vor.u32 v12, v17;
	v17 =	vand.u32 $0x1FFE0, v52;
	v19 =	vadd.s32 s28, v2  }
0x11c: {  	v45 =	vld.idx.msk [tilespmem:v14+s14+$0x0], $0xffff;
	[tilespmem:$0x1FD60] =	vst v2;
	v2 =	vadd.s32 $0x546, v0;
	v48 =	vor.u32 v10, v17;
	v19 =	vand.u32 $0x1FFE0, v19  }
0x11d: {  	v44 =	vld.idx.msk [tilespmem:v54+s16+$0x0], $0xffff;
	[tilespmem:$0x1FD70] =	vst v2;
	v52 =	vadd.s32 s28, v2;
	v2 =	vadd.s32 $0x556, v0;
	v51 =	vor.u32 v18, v19  }
0x11e: {  	v37 =	vld.idx.msk [tilespmem:v37+s16+$0x0], $0xffff;
	v52 =	vand.u32 $0x1FFC0, v52;
	[tilespmem:$0x1FD80] =	vst v2;
	v54 =	vadd.s32 s28, v2;
	v2 =	vadd.s32 $0x566, v0  }
0x11f: {  	v39 =	vld.idx.msk [tilespmem:v39+s16+$0x0], $0xffff;
	v52 =	vor.u32 v16, v52;
	v54 =	vand.u32 $0x1FFE0, v54;
	v31 =	vadd.s32 s28, v2  }
0x120: {  	v38 =	vmul.f32 v38, v33;
	v54 =	vor.u32 v18, v54;
	v31 =	vand.u32 $0x1FFE0, v31;
	v50 =	vld.idx.msk [tilespmem:v50+s16+$0x0], $0xffff  }
0x121: {  	v21 =	vadd.f32 v21, v25;
	v25 =	vmul.f32 v41, v33;
	v31 =	vor.u32 v16, v31;
	v29 =	vld.idx.msk [tilespmem:v48+s16+$0x0], $0xffff  }
0x122: {  	v8 =	vor.u32 $0x1F, v43;
	v26 =	vadd.f32 v35, v26;
	v27 =	vadd.f32 v38, v27;
	v48 =	vld.idx.msk [tilespmem:v51+s16+$0x0], $0xffff  }
0x123: {  	v32 =	vmul.f32 v32, v33;
	v38 =	vor.u32 $0x1C, v43;
	v23 =	vadd.f32 v25, v23;
	v51 =	vld.idx.msk [tilespmem:v53+s14+$0x0], $0xffff  }
0x124: {  	[tilespmem:$0x1FD90] =	vst v2;
	v2 =	vadd.s32 $0x568, v0;
	v25 =	vmul.f32 v47, v45;
	v41 =	vmul.f32 v49, v45;
	v53 =	vld.idx.msk [tilespmem:v52+s16+$0x0], $0xffff  }
0x125: {  	v21 =	vadd.f32 v32, v21;
	v49 =	vmul.f32 v44, v45;
	v37 =	vmul.f32 v37, v45;
	v47 =	vld.idx.msk [tilespmem:v54+s16+$0x0], $0xffff  }
0x126: {  	v25 =	vadd.f32 v25, v26;
	v26 =	vadd.f32 v41, v27;
	v27 =	vmul.f32 v39, v46;
	v31 =	vld.idx.msk [tilespmem:v31+s16+$0x0], $0xffff  }
0x127: {  	v23 =	vadd.f32 v49, v23;
	v21 =	vadd.f32 v37, v21;
	v50 =	vmul.f32 v50, v46  }
0x128: {  	v25 =	vadd.f32 v27, v25;
	v27 =	vmul.f32 v29, v46;
	v29 =	vmul.f32 v48, v46  }
0x129: {  	v32 =	vadd.s32 $0x5CA, v0;
	v26 =	vadd.f32 v50, v26;
	v52 =	vmul.f32 v53, v51  }
0x12a: {  	v46 =	vadd.f32 v27, v23;
	v53 =	vmul.f32 v47, v51;
	v47 =	vadd.f32 v29, v21  }
0x12b: {  	v48 =	vadd.f32 v52, v25;
	v50 =	vmul.f32 v31, v51;
	v25 =	vadd.s32 s28, v2  }
0x12c: {  	[tilespmem:$0x1FDA0] =	vst v2;
	v2 =	vadd.s32 $0x578, v0;
	v49 =	vadd.f32 v53, v26;
	v26 =	vand.u32 $0x1FFE0, v25  }
0x12d: {  	[tilespmem:$0x1FDB0] =	vst v2;
	v27 =	vadd.s32 s28, v2;
	v2 =	vadd.s32 $0x588, v0;
	v54 =	vor.u32 v24, v26  }
0x12e: {  	v26 =	vand.u32 $0x1FFE0, v27;
	[tilespmem:$0x1FDC0] =	vst v2;
	v27 =	vadd.s32 s28, v2;
	v2 =	vadd.s32 $0x598, v0  }
0x12f: {  	v53 =	vld.idx.msk [tilespmem:v38+s14+$0x0], $0xffff;
	v38 =	vor.u32 $0x1D, v43;
	v35 =	vor.u32 v22, v26;
	v29 =	vadd.s32 s28, v2  }
0x130: {  	v27 =	vand.u32 $0x1FFC0, v27;
	[tilespmem:$0x1FDD0] =	vst v2;
	v2 =	vadd.s32 $0x59A, v0;
	v29 =	vand.u32 $0x1FFE0, v29  }
0x131: {  	v31 =	vadd.s32 s28, v2;
	v39 =	vor.u32 v22, v29;
	v29 =	vadd.s32 $0x5AA, v0  }
0x132: {  	v37 =	vor.u32 v24, v27;
	v31 =	vand.u32 $0x1FFE0, v31;
	v44 =	vadd.s32 s28, v29  }
0x133: {  	v41 =	vor.u32 v30, v31;
	v31 =	vadd.s32 $0x5BA, v0;
	v44 =	vand.u32 $0x1FFE0, v44  }
0x134: {  	v26 =	vmovc v62;
	v62 =	vor.u32 $0x1E, v43;
	v45 =	vadd.s32 s28, v31;
	v44 =	vor.u32 v28, v44  }
0x135: {  	v19 =	vmovc v55;
	v33 =	vand.u32 $0x1FFE0, v45;
	v45 =	vadd.s32 s28, v32;
	v55 =	vld.idx.msk [tilespmem:v35+s16+$0x0], $0xffff;
	v35 =	vadd.s32 $0x5DC, v0  }
0x136: {  	v20 =	vmovc v56;
	v52 =	vld.idx.msk [tilespmem:v54+s16+$0x0], $0xffff;
	v54 =	vor.u32 v30, v33;
	v45 =	vand.u32 $0x1FFC0, v45;
	v33 =	vadd.s32 $0x5CC, v0  }
0x137: {  	v15 =	vmovc v57;
	v17 =	vmovc v58;
	v56 =	vld.idx.msk [tilespmem:v37+s16+$0x0], $0xffff;
	v58 =	vadd.s32 s28, v35;
	v37 =	vadd.s32 $0x5EC, v0;
	v57 =	vadd.s32 s28, v33  }
0x138: {  	v23 =	vmovc v60;
	v21 =	vmovc v59;
	v45 =	vor.u32 v28, v45;
	v59 =	vld.idx.msk [tilespmem:v39+s16+$0x0], $0xffff;
	v39 =	vand.u32 $0x1FFC0, v57;
	v57 =	vand.u32 $0x1FFE0, v58  }
0x139: {  	v25 =	vmovc v61;
	v58 =	vadd.s32 s28, v37;
	v60 =	vld.idx.msk [tilespmem:v41+s16+$0x0], $0xffff;
	v61 =	vor.u32 v36, v39;
	v57 =	vor.u32 v34, v57  }
0x13a: {  	v41 =	vand.u32 $0x1FFE0, v58;
	v58 =	vld.idx.msk [tilespmem:v38+s14+$0x0], $0xffff;
	v38 =	vadd.s32 $0x5FC, v0;
	v39 =	vadd.s32 $0x5FE, v0  }
0x13b: {  	[tilespmem:$0x1FDE0] =	vst v2;
	v27 =	vmovc v63;
	v63 =	vld.idx.msk [tilespmem:v44+s16+$0x0], $0xffff;
	v2 =	vor.u32 v36, v41;
	v41 =	vadd.s32 s28, v38;
	v44 =	vadd.s32 s28, v39  }
0x13c: {  	[tilespmem:$0x1FD30] =	vst v3;
	v8 =	vld.idx.msk [tilespmem:v8+s14+$0x0], $0xffff;
	v3 =	vand.u32 $0x1FFE0, v41;
	v44 =	vand.u32 $0x1FFE0, v44;
	v41 =	vadd.s32 $0x60E, v0  }
0x13d: {  	v62 =	vld.idx.msk [tilespmem:v62+s14+$0x0], $0xffff;
	v6 =	vor.u32 v42, v44;
	v44 =	vadd.s32 s28, v41  }
0x13e: {  	v43 =	vadd.s32 $0x61E, v0;
	v54 =	vld.idx.msk [tilespmem:v54+s16+$0x0], $0xffff;
	v3 =	vor.u32 v34, v3;
	v44 =	vand.u32 $0x1FFC0, v44  }
0x13f: {  	v4 =	vld.idx.msk [tilespmem:v45+s16+$0x0], $0xffff;
	v45 =	vadd.s32 s28, v43;
	v9 =	vor.u32 v40, v44;
	v44 =	vadd.s32 $0x62E, v0  }
0x140: {  	v11 =	vand.u32 $0x1FFE0, v45;
	v45 =	vor.u32 $0x630, v0;
	v61 =	vld.idx.msk [tilespmem:v61+s16+$0x0], $0xffff;
	v13 =	vadd.s32 s28, v44  }
0x141: {  	v57 =	vld.idx.msk [tilespmem:v57+s16+$0x0], $0xffff;
	v11 =	vor.u32 v42, v11;
	v14 =	vadd.s32 s28, v45;
	v13 =	vand.u32 $0x1FFE0, v13  }
0x142: {  	v51 =	vmul.f32 v52, v51;
	v2 =	vld.idx.msk [tilespmem:v2+s16+$0x0], $0xffff;
	v14 =	vand.u32 $0x1FFE0, v14;
	v13 =	vor.u32 v40, v13  }
0x143: {  	v52 =	vmul.f32 v55, v53;
	v55 =	vmul.f32 v56, v53;
	v14 =	vor.u32 v1, v14;
	v3 =	vld.idx.msk [tilespmem:v3+s16+$0x0], $0xffff  }
0x144: {  	v46 =	vadd.f32 v50, v46;
	v47 =	vadd.f32 v51, v47;
	v50 =	vmul.f32 v59, v53;
	v6 =	vld.idx.msk [tilespmem:v6+s16+$0x0], $0xffff  }
0x145: {  	v48 =	vadd.f32 v52, v48;
	v49 =	vadd.f32 v55, v49;
	v51 =	vmul.f32 v60, v53;
	v9 =	vld.idx.msk [tilespmem:v9+s16+$0x0], $0xffff  }
0x146: {  	v46 =	vadd.f32 v50, v46;
	v50 =	vmul.f32 v63, v58;
	v52 =	vmul.f32 v54, v58;
	v11 =	vld.idx.msk [tilespmem:v11+s16+$0x0], $0xffff  }
0x147: {  	v47 =	vadd.f32 v51, v47;
	v4 =	vmul.f32 v4, v58;
	v51 =	vmul.f32 v61, v58;
	v13 =	vld.idx.msk [tilespmem:v13+s16+$0x0], $0xffff  }
0x148: {  	v48 =	vadd.f32 v50, v48;
	v49 =	vadd.f32 v52, v49;
	v50 =	vmul.f32 v57, v62;
	v14 =	vld.idx.msk [tilespmem:v14+s16+$0x0], $0xffff  }
0x149: {  	v53 =	vld [tilespmem:$0x1FFE0];
	v4 =	vadd.f32 v4, v46;
	v2 =	vmul.f32 v2, v62;
	v46 =	vadd.f32 v51, v47  }
0x14a: {  	v54 =	vld [tilespmem:$0x1FFF0];
	v47 =	vadd.f32 v50, v48;
	v3 =	vmul.f32 v3, v62;
	v9 =	vmul.f32 v9, v8  }
0x14b: {  	v52 =	vld [tilespmem:$0x1FFD0];
	v2 =	vadd.f32 v2, v49;
	v6 =	vmul.f32 v6, v62;
	v11 =	vmul.f32 v11, v8  }
0x14c: {  	p0 =	sne.s32 s31, $0x1F;
	v51 =	vld [tilespmem:$0x1FFC0];
	v3 =	vadd.f32 v3, v4;
	v4 =	vadd.f32 v9, v47;
	v9 =	vmul.f32 v13, v8  }
.Ltmp0:
0x14d: {  	v50 =	vld [tilespmem:$0x1FFB0];
	v6 =	vadd.f32 v6, v46;
	v2 =	vadd.f32 v11, v2;
	v8 =	vmul.f32 v14, v8;
	(pc) =	sbr.rel @p0 .LBB2_3-.Ltmp0, $4  }
0x14e: {  	s1 =	sand.u32 $0x7FE, s30;
	v48 =	vld [tilespmem:$0x1FF90];
	[tilespmem:s29+$0xFFFFFFDE] =	vst v4;
	v3 =	vadd.f32 v9, v3  }
0x14f: {  	v49 =	vld [tilespmem:$0x1FFA0];
	v4 =	vadd.f32 v8, v6;
	[tilespmem:s1+$0x1A490] =	vst v2  }
0x150: {  	s31 =	sadd.s32 $0x1, s31;
	v56 =	vmovc v20;
	v59 =	vmov v21;
	v60 =	vmov v23;
	v55 =	vmov v19;
	v47 =	vld [tilespmem:$0x1FF80];
	[tilespmem:s1+$0x1A4A0] =	vst v3  }
0x151: {  	s30 =	sadd.s32 $0x32, s30;
	v63 =	vmovc v27;
	s28 =	sadd.s32 $0x640, s28;
	v61 =	vmovc v25;
	v58 =	vmov v17;
	v57 =	vmov v15;
	v62 =	vmov v26;
	v14 =	vld [tilespmem:$0x1FF70];
	[tilespmem:s29+$0x0] =	vst v4;
	s29 =	sadd.s32 $0x32, s29  }
0x152: {  	s1 =	sadd.s32 s7, s26  }
0x153: {  	s1 =	smul.u32 $0x32, s1;
	_ =	sdelay $0x1  }
0x154: {  	s1 =	sshrl.u32 s1, $0x3  }
0x155: {  	p0 =	seq.s32 s24, $0x7;
	s1 =	sadd.s32 s2, s1  }
0x156: {  	[hbm4b:s1+s4] =	stream.linear.scatter [tilespmem:s20], [sflag:$0x3], $0x640, $0x38;
	[tilespmem:$0x1B100] =	vst v63  }
0x157: {  	s1 =	sadd.s32 @!p0 s26, s10  }
0x158: {  	s26 =	smul.u32 @!p0 $0x32, s1  }
0x159: {  	_ =	swait.ge [sflag:s13], $0x640  }
0x15a: {  	[sflag:s13] =	ssyncset.done $0x0;
	s26 =	sshrl.u32 @!p0 s26, $0x3  }
0x15b: {  	s28 =	simm.s32 @!p0 $0x0;
	[sflag:s13] =	ssyncadd.s32 $0xFFFFF9C0;
	s26 =	sadd.s32 @!p0 s0, s26  }
0x15c: {  	[tilespmem:s28], [sflag:$0x3] =	stream.linear.gather @!p0 [hbm4b:s26+s28], $0x640, $0x38;
	[tilespmem:$0x1B100] =	vst v63  }
0x15d: {  	s26 =	simm.s32 @!p0 $0x3  }
0x15e: {  	s1 =	sshll.u32 @!p0 s1, $0x2;
	_ =	swait.ge @!p0 [sflag:s26], $0x640  }
0x15f: {  	s1 =	sand.u32 @!p0 $0x1FFFFF00, s1;
	[sflag:s26] =	ssyncset.done @!p0 $0x0  }
0x160: {  	s29 =	simm.s32 @!p0 $0xC80;
	s1 =	sadd.s32 @!p0 s5, s1;
	[sflag:s26] =	ssyncadd.s32 @!p0 $0xFFFFF9C0  }
0x161: {  	[tilespmem:s29], [sflag:$0x3] =	stream.linear.gather @!p0 [hbm4b:s1+s28], $0x400, $0x38;
	[tilespmem:$0x1B100] =	vst v63  }
0x162: {  	_ =	swait.ge @!p0 [sflag:s26], $0x400  }
0x163: {  	[sflag:s26] =	ssyncset.done @!p0 $0x0  }
0x164: {  	s1 =	simm.s32 @!p0 $0x640;
	[sflag:s26] =	ssyncadd.s32 @!p0 $0xFFFFFC00;
	s26 =	simm.s32 @!p0 $0x1480  }
0x165: {  	[tilespmem:s26], [sflag:$0x1] =	stream.indirect.gather @!p0 [hbm4b:s6+s1], $0x20, s28, s1, $0xb8;
	[tilespmem:$0x1B100] =	vst v63  }
0x166: {  	_ =	swait.ge [sflag:s21], $0xC800  }
0x167: {  	s30 =	simm.s32 $0x0;
	s29 =	simm.s32 $0x0;
	[sflag:s21] =	ssyncset.done $0x0  }
0x168: {  	s26 =	simm.s32 $0x1AAE2;
	s28 =	simm.s32 $0x0;
	[sflag:s21] =	ssyncadd.s32 $0xFFFF3800  }
.LBB2_5:
0x169: {  	v2 =	vor.u32 s28, v0  }
0x16a: {  	s1 =	sshll.u32 s30, $0x5;
	v3 =	vor.u32 s28, v1  }
0x16b: {  	v46 =	vmov s1  }
0x16c: {  	v11 =	vor.u32 $0x1, v46  }
0x16d: {  	v4 =	vor.u32 s28, v14  }
0x16e: {  	v6 =	vor.u32 s28, v47;
	v8 =	vadd.s32 s28, v48;
	v13 =	vadd.s32 s28, v49;
	v2 =	vld.idx.msk [tilespmem:v2+s18+$0x0], $0xffff  }
0x16f: {  	v48 =	vadd.s32 s28, v52;
	v52 =	vor.u32 $0x2, v46;
	v8 =	vand.u32 $0x1FFE0, v8;
	v3 =	vld.idx.msk [tilespmem:v3+s18+$0x0], $0xffff  }
0x170: {  	v14 =	vadd.s32 s28, v50;
	v13 =	vand.u32 $0x1FFC0, v13;
	v9 =	vld.idx.msk [tilespmem:v46+s17+$0x0], $0xffff;
	v8 =	vor.u32 v5, v8  }
0x171: {  	v51 =	vadd.s32 s28, v51;
	v14 =	vand.u32 $0x1FFE0, v14;
	v13 =	vor.u32 v7, v13;
	v11 =	vld.idx.msk [tilespmem:v11+s17+$0x0], $0xffff  }
0x172: {  	v47 =	vand.u32 $0x1FFE0, v51;
	v14 =	vor.u32 v5, v14;
	v4 =	vld.idx.msk [tilespmem:v4+s18+$0x0], $0xffff  }
0x173: {  	v48 =	vand.u32 $0x1FFE0, v48;
	v47 =	vor.u32 v10, v47;
	v6 =	vld.idx.msk [tilespmem:v6+s18+$0x0], $0xffff  }
0x174: {  	v48 =	vor.u32 v12, v48;
	v49 =	vld.idx.msk [tilespmem:v52+s17+$0x0], $0xffff  }
0x175: {  	v53 =	vadd.s32 s28, v53;
	v8 =	vld.idx.msk [tilespmem:v8+s18+$0x0], $0xffff  }
0x176: {  	v54 =	vadd.s32 s28, v54;
	v50 =	vand.u32 $0x1FFE0, v53;
	v13 =	vld.idx.msk [tilespmem:v13+s18+$0x0], $0xffff  }
0x177: {  	v53 =	vadd.s32 s28, v58;
	v51 =	vor.u32 $0x4, v46;
	v14 =	vld.idx.msk [tilespmem:v14+s18+$0x0], $0xffff;
	v2 =	vmul.f32 v2, v9  }
0x178: {  	v58 =	vadd.s32 s28, v62;
	v50 =	vor.u32 v10, v50;
	v47 =	vld.idx.msk [tilespmem:v47+s18+$0x0], $0xffff;
	v3 =	vmul.f32 v3, v9  }
0x179: {  	v52 =	vadd.s32 s28, v57;
	v57 =	vadd.s32 s28, v61;
	v48 =	vld.idx.msk [tilespmem:v48+s18+$0x0], $0xffff;
	v2 =	vadd.f32 $0.0e+00, v2  }
0x17a: {  	v3 =	vadd.f32 $0.0e+00, v3;
	v4 =	vmul.f32 v4, v9;
	v6 =	vmul.f32 v6, v9  }
0x17b: {  	v9 =	vand.u32 $0x1FFC0, v54;
	v54 =	vadd.s32 s28, v59;
	v59 =	vadd.s32 s28, v63  }
0x17c: {  	v9 =	vor.u32 v12, v9;
	v4 =	vadd.f32 $0.0e+00, v4;
	v8 =	vmul.f32 v8, v11  }
0x17d: {  	v6 =	vadd.f32 $0.0e+00, v6;
	v13 =	vmul.f32 v13, v11;
	v14 =	vmul.f32 v14, v11  }
0x17e: {  	v50 =	vld.idx.msk [tilespmem:v50+s18+$0x0], $0xffff;
	v2 =	vadd.f32 v8, v2;
	v8 =	vmul.f32 v47, v11;
	v11 =	vmul.f32 v48, v49  }
0x17f: {  	v3 =	vadd.f32 v13, v3;
	v4 =	vadd.f32 v14, v4;
	v13 =	vadd.s32 s28, v55  }
0x180: {  	v63 =	vld [tilespmem:$0x1FE10];
	v14 =	vor.u32 $0x3, v46;
	v47 =	vand.u32 $0x1FFE0, v52;
	v48 =	vand.u32 $0x1FFE0, v53  }
0x181: {  	v62 =	vld [tilespmem:$0x1FE00];
	v55 =	vand.u32 $0x1FFE0, v54;
	v54 =	vor.u32 $0x5, v46;
	v47 =	vor.u32 v16, v47  }
0x182: {  	v61 =	vld [tilespmem:$0x1FDF0];
	v6 =	vadd.f32 v8, v6;
	v2 =	vadd.f32 v11, v2;
	v8 =	vand.u32 $0x1FFC0, v13  }
0x183: {  	v51 =	vld.idx.msk [tilespmem:v51+s17+$0x0], $0xffff;
	v11 =	vmul.f32 v50, v49;
	v13 =	vadd.s32 s28, v56;
	v56 =	vadd.s32 s28, v60  }
0x184: {  	v9 =	vld.idx.msk [tilespmem:v9+s18+$0x0], $0xffff;
	v8 =	vor.u32 v16, v8;
	v13 =	vand.u32 $0x1FFE0, v13;
	v50 =	vand.u32 $0x1FFC0, v56  }
0x185: {  	v56 =	vadd.s32 s28, v63;
	v63 =	vld [tilespmem:$0x1FE40];
	v13 =	vor.u32 v18, v13;
	v3 =	vadd.f32 v11, v3  }
0x186: {  	v11 =	vor.u32 v18, v48;
	v48 =	vor.u32 v22, v55;
	v55 =	vadd.s32 s28, v62;
	v62 =	vld [tilespmem:$0x1FE30]  }
0x187: {  	v14 =	vld.idx.msk [tilespmem:v14+s17+$0x0], $0xffff  }
0x188: {  	v52 =	vand.u32 $0x1FFE0, v57;
	v54 =	vld.idx.msk [tilespmem:v54+s17+$0x0], $0xffff  }
0x189: {  	v52 =	vor.u32 v22, v52;
	v47 =	vld.idx.msk [tilespmem:v47+s18+$0x0], $0xffff  }
0x18a: {  	v50 =	vor.u32 v24, v50;
	v55 =	vand.u32 $0x1FFC0, v55;
	v9 =	vmul.f32 v9, v49;
	v8 =	vld.idx.msk [tilespmem:v8+s18+$0x0], $0xffff  }
0x18b: {  	v55 =	vor.u32 v28, v55;
	v13 =	vld.idx.msk [tilespmem:v13+s18+$0x0], $0xffff  }
0x18c: {  	v53 =	vand.u32 $0x1FFE0, v58;
	v4 =	vadd.f32 v9, v4;
	v9 =	vld.idx.msk [tilespmem:v11+s18+$0x0], $0xffff  }
0x18d: {  	v58 =	vor.u32 $0x6, v46;
	v11 =	vor.u32 v24, v53;
	v48 =	vld.idx.msk [tilespmem:v48+s18+$0x0], $0xffff;
	v53 =	vadd.s32 s28, v61  }
0x18e: {  	v60 =	vand.u32 $0x1FFE0, v59;
	v52 =	vld.idx.msk [tilespmem:v52+s18+$0x0], $0xffff;
	v59 =	vadd.s32 s28, v63;
	v53 =	vand.u32 $0x1FFE0, v53  }
0x18f: {  	v50 =	vld.idx.msk [tilespmem:v50+s18+$0x0], $0xffff;
	v59 =	vand.u32 $0x1FFE0, v59;
	v53 =	vor.u32 v30, v53  }
0x190: {  	v59 =	vor.u32 v34, v59;
	v55 =	vld.idx.msk [tilespmem:v55+s18+$0x0], $0xffff;
	v47 =	vmul.f32 v47, v14  }
0x191: {  	v8 =	vmul.f32 v8, v49;
	v49 =	vor.u32 v28, v60;
	v60 =	vld [tilespmem:$0x1FE20];
	v13 =	vmul.f32 v13, v14  }
0x192: {  	v9 =	vmul.f32 v9, v14;
	v14 =	vmul.f32 v48, v14;
	v48 =	vld.idx.msk [tilespmem:v58+s17+$0x0], $0xffff  }
0x193: {  	v6 =	vadd.f32 v8, v6;
	v8 =	vld.idx.msk [tilespmem:v11+s18+$0x0], $0xffff  }
0x194: {  	v53 =	vld.idx.msk [tilespmem:v53+s18+$0x0], $0xffff  }
0x195: {  	v4 =	vadd.f32 v9, v4;
	v9 =	vld.idx.msk [tilespmem:v59+s18+$0x0], $0xffff  }
0x196: {  	v58 =	vor.u32 $0x7, v46;
	v59 =	vld [tilespmem:$0x1FED0]  }
0x197: {  	v52 =	vmul.f32 v52, v51;
	v3 =	vadd.f32 v47, v3;
	v6 =	vadd.f32 v14, v6;
	v14 =	vld [tilespmem:$0x1FE80]  }
0x198: {  	v56 =	vand.u32 $0x1FFE0, v56;
	v50 =	vmul.f32 v50, v51;
	v49 =	vld.idx.msk [tilespmem:v49+s18+$0x0], $0xffff  }
0x199: {  	v11 =	vor.u32 v30, v56;
	v3 =	vadd.f32 v52, v3;
	v57 =	vadd.s32 s28, v60;
	v60 =	vld [tilespmem:$0x1FE50]  }
0x19a: {  	v2 =	vadd.f32 v13, v2;
	v61 =	vand.u32 $0x1FFE0, v57;
	v57 =	vadd.s32 s28, v62;
	v62 =	vld [tilespmem:$0x1FE70]  }
0x19b: {  	v52 =	vld.idx.msk [tilespmem:v58+s17+$0x0], $0xffff;
	v56 =	vor.u32 v34, v61;
	v57 =	vand.u32 $0x1FFE0, v57;
	v8 =	vmul.f32 v8, v51  }
0x19c: {  	v2 =	vadd.f32 v50, v2;
	v61 =	vld [tilespmem:$0x1FE60];
	v57 =	vor.u32 v36, v57;
	v63 =	vmul.f32 v53, v54  }
0x19d: {  	v58 =	vld [tilespmem:$0x1FEC0];
	v4 =	vadd.f32 v8, v4  }
0x19e: {  	v11 =	vld.idx.msk [tilespmem:v11+s18+$0x0], $0xffff;
	v60 =	vadd.s32 s28, v60;
	v2 =	vadd.f32 v63, v2;
	v63 =	vor.u32 $0x9, v46  }
0x19f: {  	v8 =	vmul.f32 v55, v54;
	v55 =	vld [tilespmem:$0x1FE90];
	v60 =	vand.u32 $0x1FFC0, v60;
	v62 =	vadd.s32 s28, v62  }
0x1a0: {  	v14 =	vadd.s32 s28, v14;
	v60 =	vor.u32 v36, v60;
	v56 =	vld.idx.msk [tilespmem:v56+s18+$0x0], $0xffff;
	v62 =	vand.u32 $0x1FFE0, v62  }
0x1a1: {  	v14 =	vand.u32 $0x1FFE0, v14;
	v61 =	vadd.s32 s28, v61;
	v13 =	vld.idx.msk [tilespmem:v57+s18+$0x0], $0xffff;
	v47 =	vor.u32 v42, v62  }
0x1a2: {  	v14 =	vor.u32 v40, v14;
	v61 =	vand.u32 $0x1FFC0, v61;
	v57 =	vld [tilespmem:$0x1FF00]  }
0x1a3: {  	v49 =	vmul.f32 v49, v51;
	v61 =	vor.u32 v40, v61;
	v50 =	vld.idx.msk [tilespmem:v63+s17+$0x0], $0xffff  }
0x1a4: {  	v11 =	vmul.f32 v11, v54;
	v63 =	vld [tilespmem:$0x1FF50]  }
0x1a5: {  	v3 =	vadd.f32 v8, v3;
	v6 =	vadd.f32 v49, v6;
	v60 =	vld.idx.msk [tilespmem:v60+s18+$0x0], $0xffff;
	v8 =	vmul.f32 v56, v54  }
0x1a6: {  	v49 =	vadd.s32 s28, v55;
	v4 =	vadd.f32 v11, v4;
	v47 =	vld.idx.msk [tilespmem:v47+s18+$0x0], $0xffff  }
0x1a7: {  	v11 =	vmul.f32 v13, v48;
	v13 =	vld.idx.msk [tilespmem:v14+s18+$0x0], $0xffff;
	v6 =	vadd.f32 v8, v6;
	v8 =	vmul.f32 v9, v48  }
0x1a8: {  	v49 =	vand.u32 $0x1FFE0, v49;
	v62 =	vld.idx.msk [tilespmem:v61+s18+$0x0], $0xffff  }
0x1a9: {  	v14 =	vor.u32 v42, v49;
	v3 =	vadd.f32 v8, v3;
	v8 =	vld [tilespmem:$0x1FEA0]  }
0x1aa: {  	v51 =	vadd.s32 s28, v57;
	v56 =	vadd.s32 s28, v63;
	v63 =	vld [tilespmem:$0x1F980];
	v9 =	vmul.f32 v60, v48  }
0x1ab: {  	v51 =	vand.u32 $0x1FFE0, v51;
	v2 =	vadd.f32 v11, v2;
	v60 =	vld [tilespmem:$0x1FEE0];
	v47 =	vmul.f32 v47, v52  }
0x1ac: {  	v51 =	vor.u32 v5, v51;
	v4 =	vadd.f32 v9, v4;
	v9 =	vmul.f32 v13, v52;
	v13 =	vld [tilespmem:$0x1FEB0]  }
0x1ad: {  	v11 =	vmul.f32 v62, v48;
	v48 =	vadd.s32 s28, v59;
	v62 =	vld [tilespmem:$0x1FEF0];
	v2 =	vadd.f32 v47, v2  }
0x1ae: {  	v59 =	vld [tilespmem:$0x1FF20];
	v47 =	vadd.s32 s28, v58;
	v48 =	vand.u32 $0x1FFE0, v48;
	v8 =	vadd.s32 s28, v8  }
0x1af: {  	v6 =	vadd.f32 v11, v6;
	v11 =	vld.idx.msk [tilespmem:v14+s18+$0x0], $0xffff;
	v14 =	vor.u32 $0x8, v46;
	v47 =	vand.u32 $0x1FFE0, v47  }
0x1b0: {  	v58 =	vld [tilespmem:$0x1FF10];
	v3 =	vadd.f32 v9, v3;
	v9 =	vor.u32 v1, v48;
	v49 =	vadd.s32 s28, v60  }
0x1b1: {  	v51 =	vld.idx.msk [tilespmem:v51+s18+$0x0], $0xffff;
	v8 =	vand.u32 $0x1FFC0, v8;
	v47 =	vor.u32 v0, v47;
	v61 =	vand.u32 $0x1FFE0, v49  }
0x1b2: {  	v8 =	vor.u32 v0, v8;
	v48 =	vor.u32 v5, v61;
	v61 =	vld [tilespmem:$0x1FF30]  }
0x1b3: {  	v49 =	vadd.s32 s28, v62;
	v62 =	vld [tilespmem:$0x1FF40]  }
0x1b4: {  	v13 =	vadd.s32 s28, v13;
	v54 =	vadd.s32 s28, v59;
	v14 =	vld.idx.msk [tilespmem:v14+s17+$0x0], $0xffff  }
0x1b5: {  	v13 =	vand.u32 $0x1FFC0, v13;
	v60 =	vand.u32 $0x1FFE0, v54;
	v54 =	vor.u32 $0xA, v46;
	v9 =	vld.idx.msk [tilespmem:v9+s18+$0x0], $0xffff  }
0x1b6: {  	v49 =	vand.u32 $0x1FFC0, v49;
	v13 =	vor.u32 v1, v13;
	v47 =	vld.idx.msk [tilespmem:v47+s18+$0x0], $0xffff  }
0x1b7: {  	v59 =	vadd.s32 s28, v63;
	v49 =	vor.u32 v7, v49;
	v8 =	vld.idx.msk [tilespmem:v8+s18+$0x0], $0xffff  }
0x1b8: {  	v53 =	vadd.s32 s28, v58;
	v59 =	vand.u32 $0x1FFE0, v59;
	v11 =	vmul.f32 v11, v52;
	v48 =	vld.idx.msk [tilespmem:v48+s18+$0x0], $0xffff  }
0x1b9: {  	v53 =	vand.u32 $0x1FFE0, v53;
	v59 =	vor.u32 v18, v59;
	v55 =	vadd.s32 s28, v62;
	v62 =	vld [tilespmem:$0x1F970]  }
0x1ba: {  	v4 =	vadd.f32 v11, v4;
	v11 =	vor.u32 v7, v53;
	v53 =	vadd.s32 s28, v61;
	v54 =	vld.idx.msk [tilespmem:v54+s17+$0x0], $0xffff  }
0x1bb: {  	v53 =	vand.u32 $0x1FFE0, v53;
	v13 =	vld.idx.msk [tilespmem:v13+s18+$0x0], $0xffff  }
0x1bc: {  	v55 =	vand.u32 $0x1FFC0, v55;
	v49 =	vld.idx.msk [tilespmem:v49+s18+$0x0], $0xffff;
	v53 =	vor.u32 v10, v53;
	v9 =	vmul.f32 v9, v14  }
0x1bd: {  	v55 =	vor.u32 v12, v55;
	v8 =	vmul.f32 v8, v52;
	v52 =	vor.u32 v12, v60;
	v60 =	vld [tilespmem:$0x1FF60]  }
0x1be: {  	v58 =	vor.u32 $0xB, v46;
	v4 =	vadd.f32 v9, v4;
	v9 =	vld.idx.msk [tilespmem:v59+s18+$0x0], $0xffff  }
0x1bf: {  	v59 =	vld [tilespmem:$0x1FA10]  }
0x1c0: {  	v6 =	vadd.f32 v8, v6;
	v8 =	vld.idx.msk [tilespmem:v11+s18+$0x0], $0xffff  }
0x1c1: {  	v53 =	vld.idx.msk [tilespmem:v53+s18+$0x0], $0xffff  }
0x1c2: {  	v47 =	vmul.f32 v47, v14;
	v55 =	vld.idx.msk [tilespmem:v55+s18+$0x0], $0xffff  }
0x1c3: {  	v56 =	vand.u32 $0x1FFE0, v56;
	v13 =	vmul.f32 v13, v14;
	v14 =	vmul.f32 v48, v14;
	v48 =	vld.idx.msk [tilespmem:v58+s17+$0x0], $0xffff  }
0x1c4: {  	v11 =	vor.u32 v10, v56;
	v52 =	vld.idx.msk [tilespmem:v52+s18+$0x0], $0xffff  }
0x1c5: {  	v51 =	vmul.f32 v51, v50;
	v58 =	vor.u32 $0xC, v46;
	v57 =	vadd.s32 s28, v60;
	v60 =	vld [tilespmem:$0x1F990]  }
0x1c6: {  	v3 =	vadd.f32 v47, v3;
	v49 =	vmul.f32 v49, v50;
	v6 =	vadd.f32 v14, v6;
	v14 =	vld [tilespmem:$0x1F9C0]  }
0x1c7: {  	v2 =	vadd.f32 v13, v2;
	v61 =	vand.u32 $0x1FFE0, v57;
	v57 =	vadd.s32 s28, v62;
	v62 =	vld [tilespmem:$0x1F9B0]  }
0x1c8: {  	v56 =	vor.u32 v18, v61;
	v57 =	vand.u32 $0x1FFE0, v57;
	v61 =	vld [tilespmem:$0x1F9A0];
	v8 =	vmul.f32 v8, v50  }
0x1c9: {  	v11 =	vld.idx.msk [tilespmem:v11+s18+$0x0], $0xffff;
	v2 =	vadd.f32 v49, v2;
	v57 =	vor.u32 v16, v57;
	v63 =	vmul.f32 v53, v54  }
0x1ca: {  	v3 =	vadd.f32 v51, v3;
	v51 =	vld.idx.msk [tilespmem:v58+s17+$0x0], $0xffff;
	v4 =	vadd.f32 v8, v4;
	v8 =	vmul.f32 v55, v54  }
0x1cb: {  	v58 =	vld [tilespmem:$0x1FA00];
	v60 =	vadd.s32 s28, v60;
	v2 =	vadd.f32 v63, v2;
	v63 =	vor.u32 $0xE, v46  }
0x1cc: {  	v55 =	vld [tilespmem:$0x1F9D0];
	v14 =	vadd.s32 s28, v14;
	v60 =	vand.u32 $0x1FFC0, v60;
	v62 =	vadd.s32 s28, v62  }
0x1cd: {  	v50 =	vmul.f32 v52, v50;
	v60 =	vor.u32 v16, v60;
	v56 =	vld.idx.msk [tilespmem:v56+s18+$0x0], $0xffff;
	v62 =	vand.u32 $0x1FFE0, v62  }
0x1ce: {  	v14 =	vand.u32 $0x1FFE0, v14;
	v61 =	vadd.s32 s28, v61;
	v13 =	vld.idx.msk [tilespmem:v57+s18+$0x0], $0xffff;
	v47 =	vor.u32 v22, v62  }
0x1cf: {  	v14 =	vor.u32 v24, v14;
	v61 =	vand.u32 $0x1FFC0, v61;
	v57 =	vld [tilespmem:$0x1FA40]  }
0x1d0: {  	v6 =	vadd.f32 v50, v6;
	v61 =	vor.u32 v24, v61;
	v50 =	vld.idx.msk [tilespmem:v63+s17+$0x0], $0xffff  }
0x1d1: {  	v11 =	vmul.f32 v11, v54;
	v63 =	vld [tilespmem:$0x1FA90]  }
0x1d2: {  	v3 =	vadd.f32 v8, v3;
	v60 =	vld.idx.msk [tilespmem:v60+s18+$0x0], $0xffff;
	v8 =	vmul.f32 v56, v54  }
0x1d3: {  	v49 =	vadd.s32 s28, v55;
	v4 =	vadd.f32 v11, v4;
	v47 =	vld.idx.msk [tilespmem:v47+s18+$0x0], $0xffff  }
0x1d4: {  	v11 =	vmul.f32 v13, v48;
	v13 =	vld.idx.msk [tilespmem:v14+s18+$0x0], $0xffff;
	v6 =	vadd.f32 v8, v6;
	v8 =	vmul.f32 v9, v48  }
0x1d5: {  	v49 =	vand.u32 $0x1FFE0, v49;
	v62 =	vld.idx.msk [tilespmem:v61+s18+$0x0], $0xffff  }
0x1d6: {  	v14 =	vor.u32 v22, v49;
	v3 =	vadd.f32 v8, v3;
	v8 =	vld [tilespmem:$0x1F9E0]  }
0x1d7: {  	v52 =	vadd.s32 s28, v57;
	v56 =	vadd.s32 s28, v63;
	v63 =	vld [tilespmem:$0x1FAC0];
	v9 =	vmul.f32 v60, v48  }
0x1d8: {  	v52 =	vand.u32 $0x1FFC0, v52;
	v2 =	vadd.f32 v11, v2;
	v60 =	vld [tilespmem:$0x1FA20];
	v47 =	vmul.f32 v47, v51  }
0x1d9: {  	v52 =	vor.u32 v36, v52;
	v4 =	vadd.f32 v9, v4;
	v9 =	vmul.f32 v13, v51;
	v13 =	vld [tilespmem:$0x1F9F0]  }
0x1da: {  	v11 =	vmul.f32 v62, v48;
	v48 =	vadd.s32 s28, v59;
	v62 =	vld [tilespmem:$0x1FA30];
	v2 =	vadd.f32 v47, v2  }
0x1db: {  	v59 =	vld [tilespmem:$0x1FA60];
	v47 =	vadd.s32 s28, v58;
	v48 =	vand.u32 $0x1FFE0, v48;
	v8 =	vadd.s32 s28, v8  }
0x1dc: {  	v6 =	vadd.f32 v11, v6;
	v11 =	vld.idx.msk [tilespmem:v14+s18+$0x0], $0xffff;
	v14 =	vor.u32 $0xD, v46;
	v47 =	vand.u32 $0x1FFE0, v47  }
0x1dd: {  	v58 =	vld [tilespmem:$0x1FA50];
	v3 =	vadd.f32 v9, v3;
	v9 =	vor.u32 v28, v48;
	v49 =	vadd.s32 s28, v60  }
0x1de: {  	v52 =	vld.idx.msk [tilespmem:v52+s18+$0x0], $0xffff;
	v8 =	vand.u32 $0x1FFE0, v8;
	v47 =	vor.u32 v30, v47;
	v61 =	vand.u32 $0x1FFE0, v49  }
0x1df: {  	v8 =	vor.u32 v30, v8;
	v48 =	vor.u32 v36, v61;
	v61 =	vld [tilespmem:$0x1FA70]  }
0x1e0: {  	v49 =	vadd.s32 s28, v62;
	v62 =	vld [tilespmem:$0x1FA80]  }
0x1e1: {  	v13 =	vadd.s32 s28, v13;
	v54 =	vadd.s32 s28, v59;
	v14 =	vld.idx.msk [tilespmem:v14+s17+$0x0], $0xffff  }
0x1e2: {  	v13 =	vand.u32 $0x1FFC0, v13;
	v60 =	vand.u32 $0x1FFE0, v54;
	v54 =	vor.u32 $0xF, v46;
	v9 =	vld.idx.msk [tilespmem:v9+s18+$0x0], $0xffff  }
0x1e3: {  	v49 =	vand.u32 $0x1FFE0, v49;
	v13 =	vor.u32 v28, v13;
	v47 =	vld.idx.msk [tilespmem:v47+s18+$0x0], $0xffff  }
0x1e4: {  	v59 =	vadd.s32 s28, v63;
	v49 =	vor.u32 v34, v49;
	v8 =	vld.idx.msk [tilespmem:v8+s18+$0x0], $0xffff  }
0x1e5: {  	v53 =	vadd.s32 s28, v58;
	v59 =	vand.u32 $0x1FFE0, v59;
	v11 =	vmul.f32 v11, v51;
	v48 =	vld.idx.msk [tilespmem:v48+s18+$0x0], $0xffff  }
0x1e6: {  	v53 =	vand.u32 $0x1FFE0, v53;
	v59 =	vor.u32 v1, v59;
	v55 =	vadd.s32 s28, v62;
	v62 =	vld [tilespmem:$0x1FAB0]  }
0x1e7: {  	v4 =	vadd.f32 v11, v4;
	v11 =	vor.u32 v34, v53;
	v53 =	vadd.s32 s28, v61;
	v54 =	vld.idx.msk [tilespmem:v54+s17+$0x0], $0xffff  }
0x1e8: {  	v53 =	vand.u32 $0x1FFE0, v53;
	v13 =	vld.idx.msk [tilespmem:v13+s18+$0x0], $0xffff  }
0x1e9: {  	v55 =	vand.u32 $0x1FFE0, v55;
	v49 =	vld.idx.msk [tilespmem:v49+s18+$0x0], $0xffff;
	v53 =	vor.u32 v40, v53;
	v9 =	vmul.f32 v9, v14  }
0x1ea: {  	v55 =	vor.u32 v42, v55;
	v8 =	vmul.f32 v8, v51;
	v51 =	vor.u32 v42, v60;
	v60 =	vld [tilespmem:$0x1FAA0]  }
0x1eb: {  	v58 =	vor.u32 $0x10, v46;
	v4 =	vadd.f32 v9, v4;
	v9 =	vld.idx.msk [tilespmem:v59+s18+$0x0], $0xffff  }
0x1ec: {  	v59 =	vld [tilespmem:$0x1FB50]  }
0x1ed: {  	v6 =	vadd.f32 v8, v6;
	v8 =	vld.idx.msk [tilespmem:v11+s18+$0x0], $0xffff  }
0x1ee: {  	v53 =	vld.idx.msk [tilespmem:v53+s18+$0x0], $0xffff  }
0x1ef: {  	v47 =	vmul.f32 v47, v14;
	v55 =	vld.idx.msk [tilespmem:v55+s18+$0x0], $0xffff  }
0x1f0: {  	v56 =	vand.u32 $0x1FFC0, v56;
	v13 =	vmul.f32 v13, v14;
	v14 =	vmul.f32 v48, v14;
	v48 =	vld.idx.msk [tilespmem:v58+s17+$0x0], $0xffff  }
0x1f1: {  	v11 =	vor.u32 v40, v56;
	v51 =	vld.idx.msk [tilespmem:v51+s18+$0x0], $0xffff  }
0x1f2: {  	v52 =	vmul.f32 v52, v50;
	v58 =	vor.u32 $0x11, v46;
	v57 =	vadd.s32 s28, v60;
	v60 =	vld [tilespmem:$0x1FAD0]  }
0x1f3: {  	v3 =	vadd.f32 v47, v3;
	v49 =	vmul.f32 v49, v50;
	v6 =	vadd.f32 v14, v6;
	v14 =	vld [tilespmem:$0x1FB00]  }
0x1f4: {  	v2 =	vadd.f32 v13, v2;
	v61 =	vand.u32 $0x1FFC0, v57;
	v57 =	vadd.s32 s28, v62;
	v62 =	vld [tilespmem:$0x1FAF0]  }
0x1f5: {  	v56 =	vor.u32 v1, v61;
	v57 =	vand.u32 $0x1FFE0, v57;
	v61 =	vld [tilespmem:$0x1FAE0];
	v8 =	vmul.f32 v8, v50  }
0x1f6: {  	v11 =	vld.idx.msk [tilespmem:v11+s18+$0x0], $0xffff;
	v2 =	vadd.f32 v49, v2;
	v57 =	vor.u32 v0, v57;
	v63 =	vmul.f32 v53, v54  }
0x1f7: {  	v3 =	vadd.f32 v52, v3;
	v52 =	vld.idx.msk [tilespmem:v58+s17+$0x0], $0xffff;
	v4 =	vadd.f32 v8, v4;
	v8 =	vmul.f32 v55, v54  }
0x1f8: {  	v58 =	vld [tilespmem:$0x1FB40];
	v60 =	vadd.s32 s28, v60;
	v2 =	vadd.f32 v63, v2;
	v63 =	vor.u32 $0x13, v46  }
0x1f9: {  	v55 =	vld [tilespmem:$0x1FB10];
	v14 =	vadd.s32 s28, v14;
	v60 =	vand.u32 $0x1FFC0, v60;
	v62 =	vadd.s32 s28, v62  }
0x1fa: {  	v50 =	vmul.f32 v51, v50;
	v60 =	vor.u32 v0, v60;
	v56 =	vld.idx.msk [tilespmem:v56+s18+$0x0], $0xffff;
	v62 =	vand.u32 $0x1FFE0, v62  }
0x1fb: {  	v14 =	vand.u32 $0x1FFE0, v14;
	v61 =	vadd.s32 s28, v61;
	v13 =	vld.idx.msk [tilespmem:v57+s18+$0x0], $0xffff;
	v47 =	vor.u32 v5, v62  }
0x1fc: {  	v14 =	vor.u32 v7, v14;
	v61 =	vand.u32 $0x1FFC0, v61;
	v57 =	vld [tilespmem:$0x1FB80]  }
0x1fd: {  	v6 =	vadd.f32 v50, v6;
	v61 =	vor.u32 v7, v61;
	v50 =	vld.idx.msk [tilespmem:v63+s17+$0x0], $0xffff  }
0x1fe: {  	v11 =	vmul.f32 v11, v54;
	v63 =	vld [tilespmem:$0x1FBD0]  }
0x1ff: {  	v3 =	vadd.f32 v8, v3;
	v60 =	vld.idx.msk [tilespmem:v60+s18+$0x0], $0xffff;
	v8 =	vmul.f32 v56, v54  }
0x200: {  	v49 =	vadd.s32 s28, v55;
	v4 =	vadd.f32 v11, v4;
	v47 =	vld.idx.msk [tilespmem:v47+s18+$0x0], $0xffff  }
0x201: {  	v11 =	vmul.f32 v13, v48;
	v13 =	vld.idx.msk [tilespmem:v14+s18+$0x0], $0xffff;
	v6 =	vadd.f32 v8, v6;
	v8 =	vmul.f32 v9, v48  }
0x202: {  	v49 =	vand.u32 $0x1FFE0, v49;
	v62 =	vld.idx.msk [tilespmem:v61+s18+$0x0], $0xffff  }
0x203: {  	v14 =	vor.u32 v5, v49;
	v3 =	vadd.f32 v8, v3;
	v8 =	vld [tilespmem:$0x1FB20]  }
0x204: {  	v51 =	vadd.s32 s28, v57;
	v56 =	vadd.s32 s28, v63;
	v63 =	vld [tilespmem:$0x1FC00];
	v9 =	vmul.f32 v60, v48  }
0x205: {  	v51 =	vand.u32 $0x1FFC0, v51;
	v2 =	vadd.f32 v11, v2;
	v60 =	vld [tilespmem:$0x1FB60];
	v47 =	vmul.f32 v47, v52  }
0x206: {  	v51 =	vor.u32 v16, v51;
	v4 =	vadd.f32 v9, v4;
	v9 =	vmul.f32 v13, v52;
	v13 =	vld [tilespmem:$0x1FB30]  }
0x207: {  	v11 =	vmul.f32 v62, v48;
	v48 =	vadd.s32 s28, v59;
	v62 =	vld [tilespmem:$0x1FB70];
	v2 =	vadd.f32 v47, v2  }
0x208: {  	v59 =	vld [tilespmem:$0x1FBA0];
	v47 =	vadd.s32 s28, v58;
	v48 =	vand.u32 $0x1FFE0, v48;
	v8 =	vadd.s32 s28, v8  }
0x209: {  	v6 =	vadd.f32 v11, v6;
	v11 =	vld.idx.msk [tilespmem:v14+s18+$0x0], $0xffff;
	v14 =	vor.u32 $0x12, v46;
	v47 =	vand.u32 $0x1FFE0, v47  }
0x20a: {  	v58 =	vld [tilespmem:$0x1FB90];
	v3 =	vadd.f32 v9, v3;
	v9 =	vor.u32 v12, v48;
	v49 =	vadd.s32 s28, v60  }
0x20b: {  	v51 =	vld.idx.msk [tilespmem:v51+s18+$0x0], $0xffff;
	v8 =	vand.u32 $0x1FFE0, v8;
	v47 =	vor.u32 v10, v47;
	v61 =	vand.u32 $0x1FFE0, v49  }
0x20c: {  	v8 =	vor.u32 v10, v8;
	v48 =	vor.u32 v16, v61;
	v61 =	vld [tilespmem:$0x1FBB0]  }
0x20d: {  	v49 =	vadd.s32 s28, v62;
	v62 =	vld [tilespmem:$0x1FBC0]  }
0x20e: {  	v13 =	vadd.s32 s28, v13;
	v54 =	vadd.s32 s28, v59;
	v14 =	vld.idx.msk [tilespmem:v14+s17+$0x0], $0xffff  }
0x20f: {  	v13 =	vand.u32 $0x1FFC0, v13;
	v60 =	vand.u32 $0x1FFE0, v54;
	v54 =	vor.u32 $0x14, v46;
	v9 =	vld.idx.msk [tilespmem:v9+s18+$0x0], $0xffff  }
0x210: {  	v49 =	vand.u32 $0x1FFE0, v49;
	v13 =	vor.u32 v12, v13;
	v47 =	vld.idx.msk [tilespmem:v47+s18+$0x0], $0xffff  }
0x211: {  	v59 =	vadd.s32 s28, v63;
	v49 =	vor.u32 v18, v49;
	v8 =	vld.idx.msk [tilespmem:v8+s18+$0x0], $0xffff  }
0x212: {  	v53 =	vadd.s32 s28, v58;
	v59 =	vand.u32 $0x1FFE0, v59;
	v11 =	vmul.f32 v11, v52;
	v48 =	vld.idx.msk [tilespmem:v48+s18+$0x0], $0xffff  }
0x213: {  	v53 =	vand.u32 $0x1FFE0, v53;
	v59 =	vor.u32 v28, v59;
	v55 =	vadd.s32 s28, v62;
	v62 =	vld [tilespmem:$0x1FBF0]  }
0x214: {  	v4 =	vadd.f32 v11, v4;
	v11 =	vor.u32 v18, v53;
	v53 =	vadd.s32 s28, v61;
	v54 =	vld.idx.msk [tilespmem:v54+s17+$0x0], $0xffff  }
0x215: {  	v53 =	vand.u32 $0x1FFE0, v53;
	v13 =	vld.idx.msk [tilespmem:v13+s18+$0x0], $0xffff  }
0x216: {  	v55 =	vand.u32 $0x1FFE0, v55;
	v49 =	vld.idx.msk [tilespmem:v49+s18+$0x0], $0xffff;
	v53 =	vor.u32 v24, v53;
	v9 =	vmul.f32 v9, v14  }
0x217: {  	v55 =	vor.u32 v22, v55;
	v8 =	vmul.f32 v8, v52;
	v52 =	vor.u32 v22, v60;
	v60 =	vld [tilespmem:$0x1FBE0]  }
0x218: {  	v58 =	vor.u32 $0x15, v46;
	v4 =	vadd.f32 v9, v4;
	v9 =	vld.idx.msk [tilespmem:v59+s18+$0x0], $0xffff  }
0x219: {  	v59 =	vld [tilespmem:$0x1FC90]  }
0x21a: {  	v6 =	vadd.f32 v8, v6;
	v8 =	vld.idx.msk [tilespmem:v11+s18+$0x0], $0xffff  }
0x21b: {  	v53 =	vld.idx.msk [tilespmem:v53+s18+$0x0], $0xffff  }
0x21c: {  	v56 =	vand.u32 $0x1FFC0, v56;
	v47 =	vmul.f32 v47, v14;
	v55 =	vld.idx.msk [tilespmem:v55+s18+$0x0], $0xffff  }
0x21d: {  	v13 =	vmul.f32 v13, v14;
	v14 =	vmul.f32 v48, v14;
	v48 =	vld.idx.msk [tilespmem:v58+s17+$0x0], $0xffff;
	v57 =	vadd.s32 s28, v60  }
0x21e: {  	v11 =	vor.u32 v24, v56;
	v60 =	vld [tilespmem:$0x1FC10];
	v61 =	vand.u32 $0x1FFC0, v57  }
0x21f: {  	v51 =	vmul.f32 v51, v50;
	v57 =	vadd.s32 s28, v62;
	v62 =	vld [tilespmem:$0x1FC30];
	v56 =	vor.u32 v28, v61  }
0x220: {  	v3 =	vadd.f32 v47, v3;
	v58 =	vor.u32 $0x16, v46;
	v6 =	vadd.f32 v14, v6;
	v14 =	vld [tilespmem:$0x1FC40]  }
0x221: {  	v49 =	vmul.f32 v49, v50;
	v52 =	vld.idx.msk [tilespmem:v52+s18+$0x0], $0xffff;
	v2 =	vadd.f32 v13, v2;
	v57 =	vand.u32 $0x1FFE0, v57  }
0x222: {  	v61 =	vld [tilespmem:$0x1FC20];
	v8 =	vmul.f32 v8, v50;
	v57 =	vor.u32 v30, v57  }
0x223: {  	v3 =	vadd.f32 v51, v3;
	v11 =	vld.idx.msk [tilespmem:v11+s18+$0x0], $0xffff;
	v2 =	vadd.f32 v49, v2;
	v60 =	vadd.s32 s28, v60  }
0x224: {  	v4 =	vadd.f32 v8, v4;
	v60 =	vand.u32 $0x1FFE0, v60;
	v62 =	vadd.s32 s28, v62;
	v56 =	vld.idx.msk [tilespmem:v56+s18+$0x0], $0xffff  }
0x225: {  	v51 =	vld.idx.msk [tilespmem:v58+s17+$0x0], $0xffff;
	v14 =	vadd.s32 s28, v14;
	v60 =	vor.u32 v30, v60;
	v62 =	vand.u32 $0x1FFC0, v62  }
0x226: {  	v58 =	vld [tilespmem:$0x1FC80];
	v8 =	vmul.f32 v55, v54;
	v14 =	vand.u32 $0x1FFE0, v14;
	v47 =	vor.u32 v36, v62  }
0x227: {  	v50 =	vmul.f32 v52, v50;
	v61 =	vadd.s32 s28, v61;
	v14 =	vor.u32 v34, v14;
	v13 =	vld.idx.msk [tilespmem:v57+s18+$0x0], $0xffff  }
0x228: {  	v63 =	vmul.f32 v53, v54;
	v55 =	vld [tilespmem:$0x1FC50];
	v3 =	vadd.f32 v8, v3;
	v61 =	vand.u32 $0x1FFE0, v61  }
0x229: {  	v6 =	vadd.f32 v50, v6;
	v57 =	vld [tilespmem:$0x1FCC0];
	v61 =	vor.u32 v34, v61;
	v8 =	vmul.f32 v56, v54  }
0x22a: {  	v2 =	vadd.f32 v63, v2;
	v63 =	vor.u32 $0x18, v46;
	v11 =	vmul.f32 v11, v54;
	v60 =	vld.idx.msk [tilespmem:v60+s18+$0x0], $0xffff  }
0x22b: {  	v47 =	vld.idx.msk [tilespmem:v47+s18+$0x0], $0xffff;
	v6 =	vadd.f32 v8, v6;
	v8 =	vmul.f32 v9, v48  }
0x22c: {  	v4 =	vadd.f32 v11, v4;
	v11 =	vmul.f32 v13, v48;
	v13 =	vld.idx.msk [tilespmem:v14+s18+$0x0], $0xffff  }
0x22d: {  	v3 =	vadd.f32 v8, v3;
	v8 =	vld [tilespmem:$0x1FC60]  }
0x22e: {  	v49 =	vadd.s32 s28, v55;
	v62 =	vld.idx.msk [tilespmem:v61+s18+$0x0], $0xffff  }
0x22f: {  	v49 =	vand.u32 $0x1FFE0, v49;
	v50 =	vld.idx.msk [tilespmem:v63+s17+$0x0], $0xffff;
	v52 =	vadd.s32 s28, v57  }
0x230: {  	v63 =	vld [tilespmem:$0x1FD10];
	v14 =	vor.u32 v36, v49;
	v52 =	vand.u32 $0x1FFC0, v52;
	v9 =	vmul.f32 v60, v48  }
0x231: {  	v2 =	vadd.f32 v11, v2;
	v52 =	vor.u32 v0, v52;
	v60 =	vld [tilespmem:$0x1FCA0];
	v47 =	vmul.f32 v47, v51  }
0x232: {  	v4 =	vadd.f32 v9, v4;
	v9 =	vmul.f32 v13, v51;
	v13 =	vld [tilespmem:$0x1FC70];
	v8 =	vadd.s32 s28, v8  }
0x233: {  	v11 =	vmul.f32 v62, v48;
	v62 =	vld [tilespmem:$0x1FCB0];
	v8 =	vand.u32 $0x1FFE0, v8  }
0x234: {  	v48 =	vadd.s32 s28, v59;
	v59 =	vld [tilespmem:$0x1FCE0];
	v2 =	vadd.f32 v47, v2;
	v8 =	vor.u32 v40, v8  }
0x235: {  	v47 =	vadd.s32 s28, v58;
	v48 =	vand.u32 $0x1FFE0, v48;
	v58 =	vld [tilespmem:$0x1FCD0];
	v6 =	vadd.f32 v11, v6  }
0x236: {  	v11 =	vld.idx.msk [tilespmem:v14+s18+$0x0], $0xffff;
	v14 =	vor.u32 $0x17, v46;
	v47 =	vand.u32 $0x1FFC0, v47;
	v49 =	vadd.s32 s28, v60  }
0x237: {  	v52 =	vld.idx.msk [tilespmem:v52+s18+$0x0], $0xffff;
	v3 =	vadd.f32 v9, v3;
	v9 =	vor.u32 v42, v48;
	v61 =	vand.u32 $0x1FFE0, v49  }
0x238: {  	v47 =	vor.u32 v40, v47;
	v48 =	vor.u32 v0, v61;
	v61 =	vld [tilespmem:$0x1FCF0]  }
0x239: {  	v8 =	vld.idx.msk [tilespmem:v8+s18+$0x0], $0xffff  }
0x23a: {  	v49 =	vadd.s32 s28, v62;
	v62 =	vld [tilespmem:$0x1FD00]  }
0x23b: {  	v13 =	vadd.s32 s28, v13;
	v54 =	vadd.s32 s28, v59;
	v14 =	vld.idx.msk [tilespmem:v14+s17+$0x0], $0xffff  }
0x23c: {  	v13 =	vand.u32 $0x1FFE0, v13;
	v60 =	vand.u32 $0x1FFE0, v54;
	v54 =	vor.u32 $0x19, v46;
	v9 =	vld.idx.msk [tilespmem:v9+s18+$0x0], $0xffff  }
0x23d: {  	v49 =	vand.u32 $0x1FFE0, v49;
	v53 =	vadd.s32 s28, v58;
	v13 =	vor.u32 v42, v13;
	v47 =	vld.idx.msk [tilespmem:v47+s18+$0x0], $0xffff  }
0x23e: {  	v11 =	vmul.f32 v11, v51;
	v8 =	vmul.f32 v8, v51;
	v51 =	vor.u32 v5, v60;
	v60 =	vld [tilespmem:$0x1FD20]  }
0x23f: {  	v49 =	vor.u32 v1, v49;
	v53 =	vand.u32 $0x1FFC0, v53;
	v48 =	vld.idx.msk [tilespmem:v48+s18+$0x0], $0xffff  }
0x240: {  	v4 =	vadd.f32 v11, v4;
	v11 =	vor.u32 v1, v53;
	v53 =	vadd.s32 s28, v61;
	v61 =	vld [tilespmem:$0x1FD30]  }
0x241: {  	v56 =	vadd.s32 s28, v63;
	v59 =	vor.u32 $0x1A, v46;
	v53 =	vand.u32 $0x1FFE0, v53;
	v54 =	vld.idx.msk [tilespmem:v54+s17+$0x0], $0xffff  }
0x242: {  	v56 =	vand.u32 $0x1FFC0, v56;
	v13 =	vld.idx.msk [tilespmem:v13+s18+$0x0], $0xffff;
	v53 =	vor.u32 v7, v53  }
0x243: {  	v56 =	vor.u32 v7, v56;
	v57 =	vadd.s32 s28, v60;
	v60 =	vld [tilespmem:$0x1FD40]  }
0x244: {  	v55 =	vadd.s32 s28, v62;
	v49 =	vld.idx.msk [tilespmem:v49+s18+$0x0], $0xffff;
	v9 =	vmul.f32 v9, v14  }
0x245: {  	v55 =	vand.u32 $0x1FFE0, v55;
	v11 =	vld.idx.msk [tilespmem:v11+s18+$0x0], $0xffff  }
0x246: {  	v55 =	vor.u32 v5, v55;
	v4 =	vadd.f32 v9, v4;
	v9 =	vld.idx.msk [tilespmem:v59+s17+$0x0], $0xffff  }
0x247: {  	v47 =	vmul.f32 v47, v14;
	v58 =	vadd.s32 s28, v61;
	v6 =	vadd.f32 v8, v6;
	v8 =	vld.idx.msk [tilespmem:v53+s18+$0x0], $0xffff  }
0x248: {  	v13 =	vmul.f32 v13, v14;
	v14 =	vmul.f32 v48, v14;
	v48 =	vld.idx.msk [tilespmem:v56+s18+$0x0], $0xffff;
	v60 =	vadd.s32 s28, v60  }
0x249: {  	v58 =	vand.u32 $0x1FFE0, v58;
	v57 =	vand.u32 $0x1FFC0, v57;
	v63 =	vand.u32 $0x1FFE0, v60;
	v60 =	vld [tilespmem:$0x1FD50]  }
0x24a: {  	v62 =	vor.u32 v10, v58;
	v58 =	vld [tilespmem:$0x1FD70];
	v57 =	vor.u32 v12, v57  }
0x24b: {  	v3 =	vadd.f32 v47, v3;
	v56 =	vld [tilespmem:$0x1FDC0]  }
0x24c: {  	v49 =	vmul.f32 v49, v50;
	v2 =	vadd.f32 v13, v2;
	v47 =	vor.u32 v12, v63;
	v63 =	vld [tilespmem:$0x1FD60]  }
0x24d: {  	v52 =	vmul.f32 v52, v50;
	v13 =	vld.idx.msk [tilespmem:v55+s18+$0x0], $0xffff  }
0x24e: {  	v51 =	vld.idx.msk [tilespmem:v51+s18+$0x0], $0xffff;
	v2 =	vadd.f32 v49, v2;
	v8 =	vmul.f32 v8, v54;
	v55 =	vadd.s32 s28, v60  }
0x24f: {  	v3 =	vadd.f32 v52, v3;
	v61 =	vld.idx.msk [tilespmem:v57+s18+$0x0], $0xffff;
	v55 =	vand.u32 $0x1FFE0, v55  }
0x250: {  	v6 =	vadd.f32 v14, v6;
	v62 =	vld.idx.msk [tilespmem:v62+s18+$0x0], $0xffff;
	v2 =	vadd.f32 v8, v2;
	v14 =	vor.u32 v10, v55  }
0x251: {  	v8 =	vmul.f32 v48, v54;
	v48 =	vadd.s32 s28, v58;
	v58 =	vld [tilespmem:$0x1FDE0];
	v52 =	vadd.s32 s28, v63  }
0x252: {  	v11 =	vmul.f32 v11, v50;
	v13 =	vmul.f32 v13, v54;
	v47 =	vld.idx.msk [tilespmem:v47+s18+$0x0], $0xffff;
	v57 =	vand.u32 $0x1FFE0, v52  }
0x253: {  	v59 =	vor.u32 $0x1B, v46;
	v50 =	vmul.f32 v51, v50;
	v60 =	vld [tilespmem:$0x1FD90];
	v51 =	vor.u32 v18, v57  }
0x254: {  	v4 =	vadd.f32 v11, v4;
	v3 =	vadd.f32 v13, v3;
	v13 =	vmul.f32 v61, v54;
	v61 =	vld [tilespmem:$0x1FDA0]  }
0x255: {  	v53 =	vor.u32 $0x1D, v46;
	v48 =	vand.u32 $0x1FFC0, v48;
	v11 =	vld.idx.msk [tilespmem:v14+s18+$0x0], $0xffff;
	v14 =	vmul.f32 v62, v9  }
0x256: {  	v6 =	vadd.f32 v50, v6;
	v4 =	vadd.f32 v8, v4;
	v63 =	vor.u32 $0x1C, v46  }
0x257: {  	v50 =	vadd.s32 s28, v56;
	v47 =	vmul.f32 v47, v9;
	v2 =	vadd.f32 v14, v2;
	v14 =	vld [tilespmem:$0x1FD80]  }
0x258: {  	v50 =	vand.u32 $0x1FFC0, v50;
	v6 =	vadd.f32 v13, v6;
	v13 =	vor.u32 v16, v48;
	v8 =	vld.idx.msk [tilespmem:v51+s18+$0x0], $0xffff  }
0x259: {  	v50 =	vor.u32 v24, v50;
	v57 =	vld [tilespmem:$0x1FDD0];
	v3 =	vadd.f32 v47, v3;
	v47 =	vadd.s32 s28, v60  }
0x25a: {  	v52 =	vadd.s32 s28, v58;
	v48 =	vadd.s32 s28, v61;
	v47 =	vand.u32 $0x1FFE0, v47  }
0x25b: {  	v49 =	vld.idx.msk [tilespmem:v63+s17+$0x0], $0xffff;
	v61 =	vadd.s32 s28, v31;
	v63 =	vadd.s32 s28, v33;
	v47 =	vor.u32 v16, v47  }
0x25c: {  	v48 =	vand.u32 $0x1FFE0, v48;
	v62 =	vld [tilespmem:$0x1FDB0];
	v11 =	vmul.f32 v11, v9;
	v14 =	vadd.s32 s28, v14  }
0x25d: {  	v54 =	vand.u32 $0x1FFE0, v61;
	v8 =	vmul.f32 v8, v9;
	v9 =	vld.idx.msk [tilespmem:v13+s18+$0x0], $0xffff;
	v14 =	vand.u32 $0x1FFE0, v14  }
0x25e: {  	v51 =	vadd.s32 s28, v57;
	v4 =	vadd.f32 v11, v4;
	v11 =	vld.idx.msk [tilespmem:v59+s17+$0x0], $0xffff;
	v14 =	vor.u32 v18, v14  }
0x25f: {  	v61 =	vadd.s32 s28, v37;
	v54 =	vor.u32 v30, v54;
	v51 =	vand.u32 $0x1FFE0, v51  }
0x260: {  	v60 =	vadd.s32 s28, v29;
	v6 =	vadd.f32 v8, v6;
	v8 =	vld.idx.msk [tilespmem:v47+s18+$0x0], $0xffff;
	v47 =	vor.u32 v22, v51  }
0x261: {  	v53 =	vld.idx.msk [tilespmem:v53+s17+$0x0], $0xffff;
	v57 =	vor.u32 $0x1E, v46;
	v58 =	vand.u32 $0x1FFE0, v61;
	v61 =	vadd.s32 s28, v43  }
0x262: {  	v50 =	vld.idx.msk [tilespmem:v50+s18+$0x0], $0xffff;
	v58 =	vor.u32 v36, v58;
	v13 =	vor.u32 v24, v48;
	v48 =	vadd.s32 s28, v62  }
0x263: {  	v62 =	vadd.s32 s28, v32;
	v48 =	vand.u32 $0x1FFE0, v48;
	v9 =	vmul.f32 v9, v11;
	v14 =	vld.idx.msk [tilespmem:v14+s18+$0x0], $0xffff  }
0x264: {  	v54 =	vld.idx.msk [tilespmem:v54+s18+$0x0], $0xffff;
	v59 =	vand.u32 $0x1FFE0, v52;
	v55 =	vand.u32 $0x1FFC0, v62;
	v48 =	vor.u32 v22, v48  }
0x265: {  	v52 =	vand.u32 $0x1FFE0, v60;
	v2 =	vadd.f32 v9, v2;
	v9 =	vld.idx.msk [tilespmem:v47+s18+$0x0], $0xffff;
	v47 =	vor.u32 v28, v55  }
0x266: {  	v57 =	vld.idx.msk [tilespmem:v57+s17+$0x0], $0xffff;
	v60 =	vadd.s32 s28, v35;
	v62 =	vadd.s32 s28, v38;
	v51 =	vor.u32 v30, v59  }
0x267: {  	v58 =	vld.idx.msk [tilespmem:v58+s18+$0x0], $0xffff;
	v52 =	vor.u32 v28, v52;
	v59 =	vand.u32 $0x1FFC0, v63;
	v56 =	vand.u32 $0x1FFE0, v60  }
0x268: {  	v60 =	vadd.s32 s28, v39;
	v56 =	vor.u32 v34, v56;
	v13 =	vld.idx.msk [tilespmem:v13+s18+$0x0], $0xffff;
	v14 =	vmul.f32 v14, v11  }
0x269: {  	v63 =	vand.u32 $0x1FFE0, v60;
	v48 =	vld.idx.msk [tilespmem:v48+s18+$0x0], $0xffff;
	v55 =	vor.u32 v36, v59;
	v59 =	vand.u32 $0x1FFE0, v62  }
0x26a: {  	v60 =	vadd.s32 s28, v41;
	v3 =	vadd.f32 v14, v3;
	v14 =	vld.idx.msk [tilespmem:v47+s18+$0x0], $0xffff;
	v47 =	vor.u32 v34, v59  }
0x26b: {  	v46 =	vor.u32 $0x1F, v46;
	v61 =	vand.u32 $0x1FFE0, v61;
	v60 =	vand.u32 $0x1FFC0, v60;
	v51 =	vld.idx.msk [tilespmem:v51+s18+$0x0], $0xffff  }
0x26c: {  	v60 =	vor.u32 v40, v60;
	v52 =	vld.idx.msk [tilespmem:v52+s18+$0x0], $0xffff;
	v8 =	vmul.f32 v8, v11;
	v62 =	vadd.s32 s28, v44  }
0x26d: {  	v61 =	vor.u32 v42, v61;
	v56 =	vld.idx.msk [tilespmem:v56+s18+$0x0], $0xffff;
	v62 =	vand.u32 $0x1FFE0, v62  }
0x26e: {  	v4 =	vadd.f32 v8, v4;
	v55 =	vld.idx.msk [tilespmem:v55+s18+$0x0], $0xffff;
	v59 =	vor.u32 v42, v63;
	v63 =	vadd.s32 s28, v45  }
0x26f: {  	v11 =	vmul.f32 v13, v11;
	v13 =	vld.idx.msk [tilespmem:v47+s18+$0x0], $0xffff;
	v47 =	vor.u32 v40, v62;
	v62 =	vand.u32 $0x1FFE0, v63  }
0x270: {  	v48 =	vmul.f32 v48, v49;
	v8 =	vmul.f32 v9, v49;
	v9 =	vld.idx.msk [tilespmem:v46+s17+$0x0], $0xffff;
	v62 =	vor.u32 v1, v62  }
0x271: {  	v50 =	vmul.f32 v50, v49;
	v46 =	vld.idx.msk [tilespmem:v60+s18+$0x0], $0xffff;
	v6 =	vadd.f32 v11, v6;
	v11 =	vmul.f32 v51, v49  }
0x272: {  	v2 =	vadd.f32 v48, v2;
	v4 =	vadd.f32 v8, v4;
	v8 =	vmul.f32 v52, v53;
	v49 =	vld.idx.msk [tilespmem:v61+s18+$0x0], $0xffff  }
0x273: {  	v48 =	vmul.f32 v54, v53;
	v3 =	vadd.f32 v50, v3;
	v6 =	vadd.f32 v11, v6;
	v59 =	vld.idx.msk [tilespmem:v59+s18+$0x0], $0xffff  }
0x274: {  	v2 =	vadd.f32 v8, v2;
	v8 =	vmul.f32 v56, v57;
	v11 =	vmul.f32 v14, v53;
	v47 =	vld.idx.msk [tilespmem:v47+s18+$0x0], $0xffff  }
0x275: {  	v3 =	vadd.f32 v48, v3;
	v14 =	vmul.f32 v55, v53;
	v48 =	vld.idx.msk [tilespmem:v62+s18+$0x0], $0xffff  }
0x276: {  	v54 =	vld [tilespmem:$0x1FFF0];
	v2 =	vadd.f32 v8, v2;
	v4 =	vadd.f32 v11, v4;
	v11 =	vmul.f32 v58, v57  }
0x277: {  	v51 =	vld [tilespmem:$0x1FFC0];
	v6 =	vadd.f32 v14, v6;
	v8 =	vmul.f32 v13, v57;
	v13 =	vmul.f32 v46, v9  }
0x278: {  	v52 =	vld [tilespmem:$0x1FFD0];
	v14 =	vmul.f32 v49, v9;
	v3 =	vadd.f32 v11, v3;
	v11 =	vmul.f32 v59, v57  }
0x279: {  	p0 =	sne.s32 s30, $0x1F;
	v50 =	vld [tilespmem:$0x1FFB0];
	v4 =	vadd.f32 v8, v4;
	v2 =	vadd.f32 v13, v2;
	v8 =	vmul.f32 v47, v9  }
.Ltmp1:
0x27a: {  	v53 =	vld [tilespmem:$0x1FFE0];
	v3 =	vadd.f32 v14, v3;
	v6 =	vadd.f32 v11, v6;
	v9 =	vmul.f32 v48, v9;
	(pc) =	sbr.rel @p0 .LBB2_5-.Ltmp1, $4  }
0x27b: {  	s31 =	sand.u32 $0x7FE, s29;
	v49 =	vld [tilespmem:$0x1FFA0];
	[tilespmem:s26+$0xFFFFFFDE] =	vst v2;
	v4 =	vadd.f32 v8, v4  }
0x27c: {  	v14 =	vld [tilespmem:$0x1FF70];
	[tilespmem:s31+$0x1AAD0] =	vst v3;
	v2 =	vadd.f32 v9, v6  }
0x27d: {  	s29 =	sadd.s32 $0x32, s29;
	v60 =	vmovc v23;
	v61 =	vmov v25;
	v56 =	vmov v20;
	v63 =	vmov v27;
	v48 =	vld [tilespmem:$0x1FF90];
	[tilespmem:s31+$0x1AAE0] =	vst v4  }
0x27e: {  	s30 =	sadd.s32 $0x1, s30;
	s28 =	sadd.s32 $0x640, s28;
	v55 =	vmovc v19;
	v58 =	vmovc v17;
	v59 =	vmov v21;
	v57 =	vmov v15;
	v62 =	vmov v26;
	v47 =	vld [tilespmem:$0x1FF80];
	[tilespmem:s26+$0x0] =	vst v2;
	s26 =	sadd.s32 $0x32, s26  }
0x27f: {  	s24 =	sadd.s32 $0x1, s24  }
0x280: {  	p0 =	sne.s32 s24, $0x8  }
.Ltmp2:
0x281: {  	s1 =	sadd.s32 s2, s25;
	(pc) =	sbr.rel @p0 .LBB2_2-.Ltmp2, $4  }
0x282: {  	[hbm4b:s1+s4] =	stream.linear.scatter [tilespmem:s22], [sflag:$0x3], $0x640, $0x38;
	[tilespmem:$0x1B100] =	vst v63  }
0x283: {  	_ =	swait.ge [sflag:s13], $0x640  }
0x284: {  	[sflag:s13] =	ssyncset.done $0x0  }
0x285: {  	[sflag:s13] =	ssyncadd.s32 $0xFFFFF9C0  }
0x286: {  	s23 =	sadd.s32 $0x1, s23  }
0x287: {  	p0 =	sne.s32 s23, s11  }
.Ltmp3:
0x288: {  	_ = 	snop;
	(pc) =	sbr.rel @p0 .LBB2_1-.Ltmp3, $1  }
0x289: {  	_ =	sdelay $0x3  }
0x28a: {  	_ =	sfence.sel $0x180000  }
0x28b: {  	[bflag:$0x0] =	sbarrier.arrive $0xFFFF  }
0x28c: {  	_ =	strace $0x90000047  }
0x28d: {  	[bflag:$0x2] =	sbarrier.arrive $0xFFFF  }
0x28e: {  	p0 =	sne.s32 s3, $0x0;
	s0 =	rddreg [dreg:$0x3]  }
0x28f: {  	s0 =	sadd.s32 @!p0 $0x100000, s0  }
0x290: {  	[sflag:s0] =	ssyncadd.tile.s32 @!p0 $0x1;
	_ =	shalt  }
.Lfunc_end2:
_tile_overlayer_lowered:
.L_overlay_start_2:
0x291: {  	(tag) =	ssettag $0x2  }
0x292: {  	s0 =	rddreg [dreg:$0x0];
	s2 =	stileid.u32  }
0x293: {  	s1 =	rddreg [dreg:$0x1];
	p0 =	sne.s32 s2, $0x0  }
0x294: {  	s3 =	rddreg [dreg:$0x2];
	[bflag:$0x3] =	sbarrier.arrive $0xFFFF;
	s2 =	simm.s32 @!p0 $0x1C03  }
0x295: {  	[timem:s3], [sflag:s2] =	dma.local @!p0 [hbm:s0], s1  }
0x296: {  	s0 =	simm.s32 @!p0 $0x3  }
0x297: {  	_ =	swait.ge @!p0 [sflag:s0], s1  }
0x298: {  	s1 =	ssub.s32 @!p0 $0x0, s1;
	[sflag:s0] =	ssyncset.done @!p0 $0x0  }
0x299: {  	[sflag:s0] =	ssyncadd.s32 @!p0 s1  }
0x29a: {  	[bflag:$0x3] =	sbarrier.arrive $0xFFFF  }
0x29b: {  	_ =	shalt  }

</sc_bundles>
